<compile_context>
chip_gen: v7x
topology: tpu7x:2x2x1
jax: 0.10.2.dev20260603
libtpu: 0.0.44.dev20260713+nightly
codegen_flags: <defaults>
</compile_context>

<pallas_src>
import jax
import jax.numpy as jnp
from jax import lax
from jax.experimental import pallas as pl
from jax.experimental.pallas import tpu as pltpu
from jax.experimental.pallas import tpu_sc as plsc

B, T, NC, DC = 1024, 50, 26, 16
V, D = 1000000, 64
DOUT = D + DC
NPAIR = B * T
NWORKER = 32
PAIRS_PER_W = NPAIR // NWORKER
GROUP_PAIRS = 16
GROUPS = PAIRS_PER_W // GROUP_PAIRS
IDX_BLK = 104
BLKS_PER_GROUP = GROUP_PAIRS * NC // IDX_BLK
TOTAL_BLKS = NPAIR * NC // IDX_BLK
BLKS_PER_W = TOTAL_BLKS // NWORKER
LANES = 16
ROWS_PER_GROUP = GROUP_PAIRS * NC


def _sc_body(idx_hbm, cont_hbm, table_hbm, out_hbm,
             idx_v, cont_v, rows0, rows1, out0, out1,
             gsem0, gsem1, osem0, osem1):
    wid = lax.axis_index("s") * 2 + lax.axis_index("c")
    rows = (rows0, rows1)
    outs = (out0, out1)
    gsems = (gsem0, gsem1)
    osems = (osem0, osem1)

    pltpu.sync_copy(idx_hbm.at[pl.ds(wid * BLKS_PER_W, BLKS_PER_W)], idx_v)
    pltpu.sync_copy(cont_hbm.at[pl.ds(wid * PAIRS_PER_W, PAIRS_PER_W)], cont_v)

    def fire_gathers(g, buf):
        for j in range(BLKS_PER_GROUP):
            pltpu.async_copy(
                table_hbm.at[idx_v.at[g * BLKS_PER_GROUP + j]],
                rows[buf].at[pl.ds(j * IDX_BLK, IDX_BLK)],
                gsems[buf])

    def drain_gathers(g, buf):
        for j in range(BLKS_PER_GROUP):
            pltpu.make_async_copy(
                table_hbm.at[idx_v.at[g * BLKS_PER_GROUP + j]],
                rows[buf].at[pl.ds(j * IDX_BLK, IDX_BLK)],
                gsems[buf]).wait()

    fire_gathers(0, 0)

    def outer(g2, carry):
        for b in range(2):
            g = g2 * 2 + b
            nb = 1 - b

            @pl.when(g + 1 < GROUPS)
            def _():
                fire_gathers(g + 1, nb)

            drain_gathers(g, b)

            @pl.when(g >= 2)
            def _():
                pltpu.make_async_copy(
                    outs[b], out_hbm.at[pl.ds(0, GROUP_PAIRS)],
                    osems[b]).wait()

            def pair(p, c2):
                base = p * NC
                for c in range(D // LANES):
                    acc = rows[b][base, pl.ds(c * LANES, LANES)]
                    for r in range(1, NC):
                        acc = acc + rows[b][base + r, pl.ds(c * LANES, LANES)]
                    outs[b][p, pl.ds(c * LANES, LANES)] = acc
                outs[b][p, pl.ds(D, LANES)] = cont_v[g * GROUP_PAIRS + p, :]
                return c2

            lax.fori_loop(0, GROUP_PAIRS, pair, 0, unroll=2)

            pltpu.async_copy(
                outs[b],
                out_hbm.at[pl.ds(wid * PAIRS_PER_W + g * GROUP_PAIRS,
                                 GROUP_PAIRS)],
                osems[b])
        return carry

    lax.fori_loop(0, GROUPS // 2, outer, 0)

    for b in range(2):
        pltpu.make_async_copy(
            outs[b], out_hbm.at[pl.ds(0, GROUP_PAIRS)], osems[b]).wait()


@jax.jit
def _emb_sum_concat(idx_blocks, cont2d, embed_weight):
    fn = pl.kernel(
        _sc_body,
        out_type=jax.ShapeDtypeStruct((NPAIR, DOUT), jnp.float32),
        mesh=plsc.VectorSubcoreMesh(core_axis_name="c", subcore_axis_name="s"),
        compiler_params=pltpu.CompilerParams(use_tc_tiling_on_sc=False),
        scratch_types=[
            pltpu.VMEM((BLKS_PER_W, IDX_BLK), jnp.int32),
            pltpu.VMEM((PAIRS_PER_W, DC), jnp.float32),
            pltpu.VMEM((ROWS_PER_GROUP, D), jnp.float32),
            pltpu.VMEM((ROWS_PER_GROUP, D), jnp.float32),
            pltpu.VMEM((GROUP_PAIRS, DOUT), jnp.float32),
            pltpu.VMEM((GROUP_PAIRS, DOUT), jnp.float32),
            pltpu.SemaphoreType.DMA,
            pltpu.SemaphoreType.DMA,
            pltpu.SemaphoreType.DMA,
            pltpu.SemaphoreType.DMA,
        ],
    )
    return fn(idx_blocks, cont2d, embed_weight)


def kernel(ContTensor, CatTensor, LabelTensor, DoseTensor, TimeDiffTensor,
           VTensor, VancoElTensor, PtList, LengList, embed_weight):
    idx_blocks = CatTensor.astype(jnp.int32).reshape(TOTAL_BLKS, IDX_BLK)
    cont2d = ContTensor.reshape(NPAIR, DC)
    out2d = _emb_sum_concat(idx_blocks, cont2d, embed_weight)
    outEmb = out2d.reshape(B, T, DOUT)
    return (outEmb, LabelTensor, LengList, DoseTensor, TimeDiffTensor,
            VTensor, VancoElTensor, PtList)

# --- scband reference (transcript-rebuilt; emitter-appended) ---
"""Pipeline reference for scband-ehrembeddings-11287174053958 (READ-ONLY COPY).

The authoritative reference and input builder live on the scoring server;
editing this copy changes nothing except your own understanding.
"""

import jax, jax.numpy as jnp
import numpy as np

B, T, NC, DC = 1024, 50, 26, 16
V, D = 1000000, 64

def setup_inputs(seed: int = 0) -> dict:
    key = jax.random.key(seed)
    ks = jax.random.split(key, 10)
    return {
        "ContTensor": jax.random.normal(ks[0], (B, T, DC), dtype=jnp.float32),
        "CatTensor": jax.random.randint(ks[1], (B, T, NC), 0, V),
        "LabelTensor": jax.random.normal(ks[2], (B, T), dtype=jnp.float32),
        "DoseTensor": jax.random.uniform(ks[3], (B, T), dtype=jnp.float32),
        "TimeDiffTensor": jax.random.uniform(ks[4], (B, T), dtype=jnp.float32),
        "VTensor": jax.random.normal(ks[5], (B, T), dtype=jnp.float32),
        "VancoElTensor": jax.random.uniform(ks[6], (B, T), dtype=jnp.float32),
        "PtList": jax.random.randint(ks[7], (B,), 0, 100000),
        "LengList": jax.random.randint(ks[8], (B,), 1, T + 1),
        "embed_weight": jax.random.normal(ks[9], (V, D), dtype=jnp.float32) * 0.02,
    }

def reference(ContTensor, CatTensor, LabelTensor, DoseTensor, TimeDiffTensor, VTensor, VancoElTensor, PtList, LengList, embed_weight):
    # catEmb = self.embed(CatTensor): [B, T, NC, D]
    catEmb = jnp.take(embed_weight, CatTensor, axis=0)
    # sum over code dimension (dim=2): [B, T, D]
    outEmb = jnp.sum(catEmb, axis=2)
    # concat continuous features along feature axis: [B, T, D + DC]
    outEmb = jnp.concatenate((outEmb, ContTensor), axis=2)
    return (outEmb, LabelTensor, LengList, DoseTensor, TimeDiffTensor, VTensor, VancoElTensor, PtList)

if __name__ == "__main__":
    import jax
    _d = setup_inputs()
    print(jax.jit(kernel)(*tuple(_d.values())))

</pallas_src>

<mosaic_0001>
#map = affine_map<(d0, d1) -> (0, 0)>
module attributes {stable_mosaic.version = 14 : i64} {
  func.func @_sc_body(%arg0: i32, %arg1: i32, %arg2: memref<12800x104xi32, #tpu.memory_space<hbm>>, %arg3: memref<51200x16xf32, #tpu.memory_space<hbm>>, %arg4: memref<1000000x64xf32, #tpu.memory_space<hbm>>, %arg5: memref<51200x80xf32, #tpu.memory_space<hbm>>, %arg6: memref<400x104xi32, #tpu.memory_space<vmem>>, %arg7: memref<1600x16xf32, #tpu.memory_space<vmem>>, %arg8: memref<416x64xf32, #tpu.memory_space<vmem>>, %arg9: memref<416x64xf32, #tpu.memory_space<vmem>>, %arg10: memref<16x80xf32, #tpu.memory_space<vmem>>, %arg11: memref<16x80xf32, #tpu.memory_space<vmem>>, %arg12: memref<!tpu.dma_semaphore, #tpu.memory_space<semaphore_mem>>, %arg13: memref<!tpu.dma_semaphore, #tpu.memory_space<semaphore_mem>>, %arg14: memref<!tpu.dma_semaphore, #tpu.memory_space<semaphore_mem>>, %arg15: memref<!tpu.dma_semaphore, #tpu.memory_space<semaphore_mem>>) attributes {dimension_semantics = [#tpu.dimension_semantics<core_parallel>, #tpu.dimension_semantics<subcore_parallel>], iteration_bounds = array<i64: 2, 16>, scalar_prefetch = 0 : i64, scratch_operands = 10 : i64, tpu.core_type = #tpu.core_type<sc_vector_subcore>, window_params = [{transform_indices = #map}, {transform_indices = #map}, {transform_indices = #map}, {transform_indices = #map}]} {
    %mul3A = arith.constant 2 : i32
    %mul3A_0 = arith.muli %arg1, %mul3A : i32
    %add3A = arith.addi %mul3A_0, %arg0 : i32
    %mul3A_1 = arith.constant 400 : i32
    %mul3A_2 = arith.muli %add3A, %mul3A_1 : i32
    "tpu.region"() ({
      %run_scoped3A = tpu.sem_alloc : memref<!tpu.dma_semaphore, #tpu.memory_space<semaphore_mem>>
      %dma_start3A_60 = arith.constant 0 : i32
      %dma_start3A_61 = tpu.memref_slice %arg2[%mul3A_2, %dma_start3A_60] : memref<12800x104xi32, #tpu.memory_space<hbm>> -> memref<400x104xi32, #tpu.memory_space<hbm>>
      %dma_start3A_62 = arith.constant 0 : i32
      %dma_start3A_63 = tpu.memref_slice %arg2[%mul3A_2, %dma_start3A_62] : memref<12800x104xi32, #tpu.memory_space<hbm>> -> memref<400x104xi32, #tpu.memory_space<hbm>>
      tpu.enqueue_dma source(%dma_start3A_63 : memref<400x104xi32, #tpu.memory_space<hbm>>) target(%arg6 : memref<400x104xi32, #tpu.memory_space<vmem>>) target_semaphore(%run_scoped3A : memref<!tpu.dma_semaphore, #tpu.memory_space<semaphore_mem>>)
      %dma_wait3A_64 = arith.constant 0 : i32
      %dma_wait3A_65 = tpu.memref_slice %arg2[%mul3A_2, %dma_wait3A_64] : memref<12800x104xi32, #tpu.memory_space<hbm>> -> memref<400x104xi32, #tpu.memory_space<hbm>>
      %dma_wait3A_66 = arith.constant 0 : i32
      %dma_wait3A_67 = tpu.memref_slice %arg2[%mul3A_2, %dma_wait3A_66] : memref<12800x104xi32, #tpu.memory_space<hbm>> -> memref<400x104xi32, #tpu.memory_space<hbm>>
      tpu.wait_dma2 semaphore(%run_scoped3A : memref<!tpu.dma_semaphore, #tpu.memory_space<semaphore_mem>>) src(%dma_wait3A_67 : memref<400x104xi32, #tpu.memory_space<hbm>>) dst(%arg6 : memref<400x104xi32, #tpu.memory_space<vmem>>)
      tpu.yield
    }) : () -> ()
    %mul3A_3 = arith.constant 1600 : i32
    %mul3A_4 = arith.muli %add3A, %mul3A_3 : i32
    "tpu.region"() ({
      %run_scoped3A = tpu.sem_alloc : memref<!tpu.dma_semaphore, #tpu.memory_space<semaphore_mem>>
      %dma_start3A_60 = arith.constant 0 : i32
      %dma_start3A_61 = tpu.memref_slice %arg3[%mul3A_4, %dma_start3A_60] : memref<51200x16xf32, #tpu.memory_space<hbm>> -> memref<1600x16xf32, #tpu.memory_space<hbm>>
      %dma_start3A_62 = arith.constant 0 : i32
      %dma_start3A_63 = tpu.memref_slice %arg3[%mul3A_4, %dma_start3A_62] : memref<51200x16xf32, #tpu.memory_space<hbm>> -> memref<1600x16xf32, #tpu.memory_space<hbm>>
      tpu.enqueue_dma source(%dma_start3A_63 : memref<1600x16xf32, #tpu.memory_space<hbm>>) target(%arg7 : memref<1600x16xf32, #tpu.memory_space<vmem>>) target_semaphore(%run_scoped3A : memref<!tpu.dma_semaphore, #tpu.memory_space<semaphore_mem>>)
      %dma_wait3A_64 = arith.constant 0 : i32
      %dma_wait3A_65 = tpu.memref_slice %arg3[%mul3A_4, %dma_wait3A_64] : memref<51200x16xf32, #tpu.memory_space<hbm>> -> memref<1600x16xf32, #tpu.memory_space<hbm>>
      %dma_wait3A_66 = arith.constant 0 : i32
      %dma_wait3A_67 = tpu.memref_slice %arg3[%mul3A_4, %dma_wait3A_66] : memref<51200x16xf32, #tpu.memory_space<hbm>> -> memref<1600x16xf32, #tpu.memory_space<hbm>>
      tpu.wait_dma2 semaphore(%run_scoped3A : memref<!tpu.dma_semaphore, #tpu.memory_space<semaphore_mem>>) src(%dma_wait3A_67 : memref<1600x16xf32, #tpu.memory_space<hbm>>) dst(%arg7 : memref<1600x16xf32, #tpu.memory_space<vmem>>)
      tpu.yield
    }) : () -> ()
    %dma_start3A = arith.constant 0 : i32
    %dma_start3A_5 = arith.constant 0 : i32
    %dma_start3A_6 = arith.constant 0 : i32
    %dma_start3A_7 = tpu.memref_slice %arg8[%dma_start3A_5, %dma_start3A_6] : memref<416x64xf32, #tpu.memory_space<vmem>> -> memref<104x64xf32, #tpu.memory_space<vmem>>
    %dma_start3A_8 = arith.constant 0 : i32
    %dma_start3A_9 = tpu.memref_slice %arg6[%dma_start3A, %dma_start3A_8] : memref<400x104xi32, #tpu.memory_space<vmem>> -> memref<1x104xi32, #tpu.memory_space<vmem>>
    %dma_start3A_10 = tpu.memref_squeeze %dma_start3A_9 : memref<1x104xi32, #tpu.memory_space<vmem>> -> memref<104xi32, #tpu.memory_space<vmem>>
    %dma_start3A_11 = arith.constant 0 : i32
    %dma_start3A_12 = arith.constant 0 : i32
    %dma_start3A_13 = tpu.memref_slice %arg4[%dma_start3A_11, %dma_start3A_12] : memref<1000000x64xf32, #tpu.memory_space<hbm>> -> memref<1000000x64xf32, #tpu.memory_space<hbm>>
    tpu.enqueue_indirect_dma source(%dma_start3A_13 : memref<1000000x64xf32, #tpu.memory_space<hbm>>) target(%dma_start3A_7 : memref<104x64xf32, #tpu.memory_space<vmem>>) offsets(%dma_start3A_10 : memref<104xi32, #tpu.memory_space<vmem>>) semaphore(%arg12 : memref<!tpu.dma_semaphore, #tpu.memory_space<semaphore_mem>>)
    %dma_start3A_14 = arith.constant 1 : i32
    %dma_start3A_15 = arith.constant 104 : i32
    %dma_start3A_16 = arith.constant 0 : i32
    %dma_start3A_17 = tpu.memref_slice %arg8[%dma_start3A_15, %dma_start3A_16] : memref<416x64xf32, #tpu.memory_space<vmem>> -> memref<104x64xf32, #tpu.memory_space<vmem>>
    %dma_start3A_18 = arith.constant 0 : i32
    %dma_start3A_19 = tpu.memref_slice %arg6[%dma_start3A_14, %dma_start3A_18] : memref<400x104xi32, #tpu.memory_space<vmem>> -> memref<1x104xi32, #tpu.memory_space<vmem>>
    %dma_start3A_20 = tpu.memref_squeeze %dma_start3A_19 : memref<1x104xi32, #tpu.memory_space<vmem>> -> memref<104xi32, #tpu.memory_space<vmem>>
    %dma_start3A_21 = arith.constant 0 : i32
    %dma_start3A_22 = arith.constant 0 : i32
    %dma_start3A_23 = tpu.memref_slice %arg4[%dma_start3A_21, %dma_start3A_22] : memref<1000000x64xf32, #tpu.memory_space<hbm>> -> memref<1000000x64xf32, #tpu.memory_space<hbm>>
    tpu.enqueue_indirect_dma source(%dma_start3A_23 : memref<1000000x64xf32, #tpu.memory_space<hbm>>) target(%dma_start3A_17 : memref<104x64xf32, #tpu.memory_space<vmem>>) offsets(%dma_start3A_20 : memref<104xi32, #tpu.memory_space<vmem>>) semaphore(%arg12 : memref<!tpu.dma_semaphore, #tpu.memory_space<semaphore_mem>>)
    %dma_start3A_24 = arith.constant 2 : i32
    %dma_start3A_25 = arith.constant 208 : i32
    %dma_start3A_26 = arith.constant 0 : i32
    %dma_start3A_27 = tpu.memref_slice %arg8[%dma_start3A_25, %dma_start3A_26] : memref<416x64xf32, #tpu.memory_space<vmem>> -> memref<104x64xf32, #tpu.memory_space<vmem>>
    %dma_start3A_28 = arith.constant 0 : i32
    %dma_start3A_29 = tpu.memref_slice %arg6[%dma_start3A_24, %dma_start3A_28] : memref<400x104xi32, #tpu.memory_space<vmem>> -> memref<1x104xi32, #tpu.memory_space<vmem>>
    %dma_start3A_30 = tpu.memref_squeeze %dma_start3A_29 : memref<1x104xi32, #tpu.memory_space<vmem>> -> memref<104xi32, #tpu.memory_space<vmem>>
    %dma_start3A_31 = arith.constant 0 : i32
    %dma_start3A_32 = arith.constant 0 : i32
    %dma_start3A_33 = tpu.memref_slice %arg4[%dma_start3A_31, %dma_start3A_32] : memref<1000000x64xf32, #tpu.memory_space<hbm>> -> memref<1000000x64xf32, #tpu.memory_space<hbm>>
    tpu.enqueue_indirect_dma source(%dma_start3A_33 : memref<1000000x64xf32, #tpu.memory_space<hbm>>) target(%dma_start3A_27 : memref<104x64xf32, #tpu.memory_space<vmem>>) offsets(%dma_start3A_30 : memref<104xi32, #tpu.memory_space<vmem>>) semaphore(%arg12 : memref<!tpu.dma_semaphore, #tpu.memory_space<semaphore_mem>>)
    %dma_start3A_34 = arith.constant 3 : i32
    %dma_start3A_35 = arith.constant 312 : i32
    %dma_start3A_36 = arith.constant 0 : i32
    %dma_start3A_37 = tpu.memref_slice %arg8[%dma_start3A_35, %dma_start3A_36] : memref<416x64xf32, #tpu.memory_space<vmem>> -> memref<104x64xf32, #tpu.memory_space<vmem>>
    %dma_start3A_38 = arith.constant 0 : i32
    %dma_start3A_39 = tpu.memref_slice %arg6[%dma_start3A_34, %dma_start3A_38] : memref<400x104xi32, #tpu.memory_space<vmem>> -> memref<1x104xi32, #tpu.memory_space<vmem>>
    %dma_start3A_40 = tpu.memref_squeeze %dma_start3A_39 : memref<1x104xi32, #tpu.memory_space<vmem>> -> memref<104xi32, #tpu.memory_space<vmem>>
    %dma_start3A_41 = arith.constant 0 : i32
    %dma_start3A_42 = arith.constant 0 : i32
    %dma_start3A_43 = tpu.memref_slice %arg4[%dma_start3A_41, %dma_start3A_42] : memref<1000000x64xf32, #tpu.memory_space<hbm>> -> memref<1000000x64xf32, #tpu.memory_space<hbm>>
    tpu.enqueue_indirect_dma source(%dma_start3A_43 : memref<1000000x64xf32, #tpu.memory_space<hbm>>) target(%dma_start3A_37 : memref<104x64xf32, #tpu.memory_space<vmem>>) offsets(%dma_start3A_40 : memref<104xi32, #tpu.memory_space<vmem>>) semaphore(%arg12 : memref<!tpu.dma_semaphore, #tpu.memory_space<semaphore_mem>>)
    %scan3A = arith.constant 0 : i32
    %scan3A_44 = arith.constant 0 : i32
    %scan3A_45 = arith.constant 50 : i32
    %scan3A_46 = arith.addi %scan3A_44, %scan3A_45 : i32
    %scan3A_47 = arith.constant 1 : i32
    scf.for %scan3A_60 = %scan3A_44 to %scan3A_46 step %scan3A_47  : i32 {
      %mul3A_61 = arith.constant 2 : i32
      %mul3A_62 = arith.muli %scan3A_60, %mul3A_61 : i32
      %add3A_63 = arith.constant 0 : i32
      %add3A_64 = arith.addi %mul3A_62, %add3A_63 : i32
      %add3A_65 = arith.constant 1 : i32
      %add3A_66 = arith.addi %add3A_64, %add3A_65 : i32
      %lt3A = arith.constant 100 : i32
      %lt3A_67 = arith.cmpi slt, %add3A_66, %lt3A : i32
      %convert_element_type3A = arith.extui %lt3A_67 : i1 to i32
      %cond3A = arith.constant 0 : i32
      %cond3A_68 = arith.cmpi ne, %convert_element_type3A, %cond3A : i32
      scf.if %cond3A_68 {
        %add3A_223 = arith.constant 1 : i32
        %add3A_224 = arith.addi %add3A_64, %add3A_223 : i32
        %mul3A_225 = arith.constant 4 : i32
        %mul3A_226 = arith.muli %add3A_224, %mul3A_225 : i32
        %add3A_227 = arith.constant 0 : i32
        %add3A_228 = arith.addi %mul3A_226, %add3A_227 : i32
        %dma_start3A_229 = arith.constant 0 : i32
        %dma_start3A_230 = arith.constant 0 : i32
        %dma_start3A_231 = tpu.memref_slice %arg9[%dma_start3A_229, %dma_start3A_230] : memref<416x64xf32, #tpu.memory_space<vmem>> -> memref<104x64xf32, #tpu.memory_space<vmem>>
        %dma_start3A_232 = arith.constant 0 : i32
        %dma_start3A_233 = tpu.memref_slice %arg6[%add3A_228, %dma_start3A_232] : memref<400x104xi32, #tpu.memory_space<vmem>> -> memref<1x104xi32, #tpu.memory_space<vmem>>
        %dma_start3A_234 = tpu.memref_squeeze %dma_start3A_233 : memref<1x104xi32, #tpu.memory_space<vmem>> -> memref<104xi32, #tpu.memory_space<vmem>>
        %dma_start3A_235 = arith.constant 0 : i32
        %dma_start3A_236 = arith.constant 0 : i32
        %dma_start3A_237 = tpu.memref_slice %arg4[%dma_start3A_235, %dma_start3A_236] : memref<1000000x64xf32, #tpu.memory_space<hbm>> -> memref<1000000x64xf32, #tpu.memory_space<hbm>>
        tpu.enqueue_indirect_dma source(%dma_start3A_237 : memref<1000000x64xf32, #tpu.memory_space<hbm>>) target(%dma_start3A_231 : memref<104x64xf32, #tpu.memory_space<vmem>>) offsets(%dma_start3A_234 : memref<104xi32, #tpu.memory_space<vmem>>) semaphore(%arg13 : memref<!tpu.dma_semaphore, #tpu.memory_space<semaphore_mem>>)
        %mul3A_238 = arith.constant 4 : i32
        %mul3A_239 = arith.muli %add3A_224, %mul3A_238 : i32
        %add3A_240 = arith.constant 1 : i32
        %add3A_241 = arith.addi %mul3A_239, %add3A_240 : i32
        %dma_start3A_242 = arith.constant 104 : i32
        %dma_start3A_243 = arith.constant 0 : i32
        %dma_start3A_244 = tpu.memref_slice %arg9[%dma_start3A_242, %dma_start3A_243] : memref<416x64xf32, #tpu.memory_space<vmem>> -> memref<104x64xf32, #tpu.memory_space<vmem>>
        %dma_start3A_245 = arith.constant 0 : i32
        %dma_start3A_246 = tpu.memref_slice %arg6[%add3A_241, %dma_start3A_245] : memref<400x104xi32, #tpu.memory_space<vmem>> -> memref<1x104xi32, #tpu.memory_space<vmem>>
        %dma_start3A_247 = tpu.memref_squeeze %dma_start3A_246 : memref<1x104xi32, #tpu.memory_space<vmem>> -> memref<104xi32, #tpu.memory_space<vmem>>
        %dma_start3A_248 = arith.constant 0 : i32
        %dma_start3A_249 = arith.constant 0 : i32
        %dma_start3A_250 = tpu.memref_slice %arg4[%dma_start3A_248, %dma_start3A_249] : memref<1000000x64xf32, #tpu.memory_space<hbm>> -> memref<1000000x64xf32, #tpu.memory_space<hbm>>
        tpu.enqueue_indirect_dma source(%dma_start3A_250 : memref<1000000x64xf32, #tpu.memory_space<hbm>>) target(%dma_start3A_244 : memref<104x64xf32, #tpu.memory_space<vmem>>) offsets(%dma_start3A_247 : memref<104xi32, #tpu.memory_space<vmem>>) semaphore(%arg13 : memref<!tpu.dma_semaphore, #tpu.memory_space<semaphore_mem>>)
        %mul3A_251 = arith.constant 4 : i32
        %mul3A_252 = arith.muli %add3A_224, %mul3A_251 : i32
        %add3A_253 = arith.constant 2 : i32
        %add3A_254 = arith.addi %mul3A_252, %add3A_253 : i32
        %dma_start3A_255 = arith.constant 208 : i32
        %dma_start3A_256 = arith.constant 0 : i32
        %dma_start3A_257 = tpu.memref_slice %arg9[%dma_start3A_255, %dma_start3A_256] : memref<416x64xf32, #tpu.memory_space<vmem>> -> memref<104x64xf32, #tpu.memory_space<vmem>>
        %dma_start3A_258 = arith.constant 0 : i32
        %dma_start3A_259 = tpu.memref_slice %arg6[%add3A_254, %dma_start3A_258] : memref<400x104xi32, #tpu.memory_space<vmem>> -> memref<1x104xi32, #tpu.memory_space<vmem>>
        %dma_start3A_260 = tpu.memref_squeeze %dma_start3A_259 : memref<1x104xi32, #tpu.memory_space<vmem>> -> memref<104xi32, #tpu.memory_space<vmem>>
        %dma_start3A_261 = arith.constant 0 : i32
        %dma_start3A_262 = arith.constant 0 : i32
        %dma_start3A_263 = tpu.memref_slice %arg4[%dma_start3A_261, %dma_start3A_262] : memref<1000000x64xf32, #tpu.memory_space<hbm>> -> memref<1000000x64xf32, #tpu.memory_space<hbm>>
        tpu.enqueue_indirect_dma source(%dma_start3A_263 : memref<1000000x64xf32, #tpu.memory_space<hbm>>) target(%dma_start3A_257 : memref<104x64xf32, #tpu.memory_space<vmem>>) offsets(%dma_start3A_260 : memref<104xi32, #tpu.memory_space<vmem>>) semaphore(%arg13 : memref<!tpu.dma_semaphore, #tpu.memory_space<semaphore_mem>>)
        %mul3A_264 = arith.constant 4 : i32
        %mul3A_265 = arith.muli %add3A_224, %mul3A_264 : i32
        %add3A_266 = arith.constant 3 : i32
        %add3A_267 = arith.addi %mul3A_265, %add3A_266 : i32
        %dma_start3A_268 = arith.constant 312 : i32
        %dma_start3A_269 = arith.constant 0 : i32
        %dma_start3A_270 = tpu.memref_slice %arg9[%dma_start3A_268, %dma_start3A_269] : memref<416x64xf32, #tpu.memory_space<vmem>> -> memref<104x64xf32, #tpu.memory_space<vmem>>
        %dma_start3A_271 = arith.constant 0 : i32
        %dma_start3A_272 = tpu.memref_slice %arg6[%add3A_267, %dma_start3A_271] : memref<400x104xi32, #tpu.memory_space<vmem>> -> memref<1x104xi32, #tpu.memory_space<vmem>>
        %dma_start3A_273 = tpu.memref_squeeze %dma_start3A_272 : memref<1x104xi32, #tpu.memory_space<vmem>> -> memref<104xi32, #tpu.memory_space<vmem>>
        %dma_start3A_274 = arith.constant 0 : i32
        %dma_start3A_275 = arith.constant 0 : i32
        %dma_start3A_276 = tpu.memref_slice %arg4[%dma_start3A_274, %dma_start3A_275] : memref<1000000x64xf32, #tpu.memory_space<hbm>> -> memref<1000000x64xf32, #tpu.memory_space<hbm>>
        tpu.enqueue_indirect_dma source(%dma_start3A_276 : memref<1000000x64xf32, #tpu.memory_space<hbm>>) target(%dma_start3A_270 : memref<104x64xf32, #tpu.memory_space<vmem>>) offsets(%dma_start3A_273 : memref<104xi32, #tpu.memory_space<vmem>>) semaphore(%arg13 : memref<!tpu.dma_semaphore, #tpu.memory_space<semaphore_mem>>)
      } else {
      }
      %mul3A_69 = arith.constant 4 : i32
      %mul3A_70 = arith.muli %add3A_64, %mul3A_69 : i32
      %add3A_71 = arith.constant 0 : i32
      %add3A_72 = arith.addi %mul3A_70, %add3A_71 : i32
      %dma_wait3A_73 = arith.constant 0 : i32
      %dma_wait3A_74 = arith.constant 0 : i32
      %dma_wait3A_75 = tpu.memref_slice %arg8[%dma_wait3A_73, %dma_wait3A_74] : memref<416x64xf32, #tpu.memory_space<vmem>> -> memref<104x64xf32, #tpu.memory_space<vmem>>
      %dma_wait3A_76 = arith.constant 0 : i32
      %dma_wait3A_77 = tpu.memref_slice %arg6[%add3A_72, %dma_wait3A_76] : memref<400x104xi32, #tpu.memory_space<vmem>> -> memref<1x104xi32, #tpu.memory_space<vmem>>
      %dma_wait3A_78 = tpu.memref_squeeze %dma_wait3A_77 : memref<1x104xi32, #tpu.memory_space<vmem>> -> memref<104xi32, #tpu.memory_space<vmem>>
      %dma_wait3A_79 = arith.constant 0 : i32
      %dma_wait3A_80 = arith.constant 0 : i32
      %dma_wait3A_81 = tpu.memref_slice %arg4[%dma_wait3A_79, %dma_wait3A_80] : memref<1000000x64xf32, #tpu.memory_space<hbm>> -> memref<1000000x64xf32, #tpu.memory_space<hbm>>
      tpu.wait_indirect_dma semaphore(%arg12 : memref<!tpu.dma_semaphore, #tpu.memory_space<semaphore_mem>>) src(%dma_wait3A_81 : memref<1000000x64xf32, #tpu.memory_space<hbm>>) dst(%dma_wait3A_75 : memref<104x64xf32, #tpu.memory_space<vmem>>)
      %mul3A_82 = arith.constant 4 : i32
      %mul3A_83 = arith.muli %add3A_64, %mul3A_82 : i32
      %add3A_84 = arith.constant 1 : i32
      %add3A_85 = arith.addi %mul3A_83, %add3A_84 : i32
      %dma_wait3A_86 = arith.constant 104 : i32
      %dma_wait3A_87 = arith.constant 0 : i32
      %dma_wait3A_88 = tpu.memref_slice %arg8[%dma_wait3A_86, %dma_wait3A_87] : memref<416x64xf32, #tpu.memory_space<vmem>> -> memref<104x64xf32, #tpu.memory_space<vmem>>
      %dma_wait3A_89 = arith.constant 0 : i32
      %dma_wait3A_90 = tpu.memref_slice %arg6[%add3A_85, %dma_wait3A_89] : memref<400x104xi32, #tpu.memory_space<vmem>> -> memref<1x104xi32, #tpu.memory_space<vmem>>
      %dma_wait3A_91 = tpu.memref_squeeze %dma_wait3A_90 : memref<1x104xi32, #tpu.memory_space<vmem>> -> memref<104xi32, #tpu.memory_space<vmem>>
      %dma_wait3A_92 = arith.constant 0 : i32
      %dma_wait3A_93 = arith.constant 0 : i32
      %dma_wait3A_94 = tpu.memref_slice %arg4[%dma_wait3A_92, %dma_wait3A_93] : memref<1000000x64xf32, #tpu.memory_space<hbm>> -> memref<1000000x64xf32, #tpu.memory_space<hbm>>
      tpu.wait_indirect_dma semaphore(%arg12 : memref<!tpu.dma_semaphore, #tpu.memory_space<semaphore_mem>>) src(%dma_wait3A_94 : memref<1000000x64xf32, #tpu.memory_space<hbm>>) dst(%dma_wait3A_88 : memref<104x64xf32, #tpu.memory_space<vmem>>)
      %mul3A_95 = arith.constant 4 : i32
      %mul3A_96 = arith.muli %add3A_64, %mul3A_95 : i32
      %add3A_97 = arith.constant 2 : i32
      %add3A_98 = arith.addi %mul3A_96, %add3A_97 : i32
      %dma_wait3A_99 = arith.constant 208 : i32
      %dma_wait3A_100 = arith.constant 0 : i32
      %dma_wait3A_101 = tpu.memref_slice %arg8[%dma_wait3A_99, %dma_wait3A_100] : memref<416x64xf32, #tpu.memory_space<vmem>> -> memref<104x64xf32, #tpu.memory_space<vmem>>
      %dma_wait3A_102 = arith.constant 0 : i32
      %dma_wait3A_103 = tpu.memref_slice %arg6[%add3A_98, %dma_wait3A_102] : memref<400x104xi32, #tpu.memory_space<vmem>> -> memref<1x104xi32, #tpu.memory_space<vmem>>
      %dma_wait3A_104 = tpu.memref_squeeze %dma_wait3A_103 : memref<1x104xi32, #tpu.memory_space<vmem>> -> memref<104xi32, #tpu.memory_space<vmem>>
      %dma_wait3A_105 = arith.constant 0 : i32
      %dma_wait3A_106 = arith.constant 0 : i32
      %dma_wait3A_107 = tpu.memref_slice %arg4[%dma_wait3A_105, %dma_wait3A_106] : memref<1000000x64xf32, #tpu.memory_space<hbm>> -> memref<1000000x64xf32, #tpu.memory_space<hbm>>
      tpu.wait_indirect_dma semaphore(%arg12 : memref<!tpu.dma_semaphore, #tpu.memory_space<semaphore_mem>>) src(%dma_wait3A_107 : memref<1000000x64xf32, #tpu.memory_space<hbm>>) dst(%dma_wait3A_101 : memref<104x64xf32, #tpu.memory_space<vmem>>)
      %mul3A_108 = arith.constant 4 : i32
      %mul3A_109 = arith.muli %add3A_64, %mul3A_108 : i32
      %add3A_110 = arith.constant 3 : i32
      %add3A_111 = arith.addi %mul3A_109, %add3A_110 : i32
      %dma_wait3A_112 = arith.constant 312 : i32
      %dma_wait3A_113 = arith.constant 0 : i32
      %dma_wait3A_114 = tpu.memref_slice %arg8[%dma_wait3A_112, %dma_wait3A_113] : memref<416x64xf32, #tpu.memory_space<vmem>> -> memref<104x64xf32, #tpu.memory_space<vmem>>
      %dma_wait3A_115 = arith.constant 0 : i32
      %dma_wait3A_116 = tpu.memref_slice %arg6[%add3A_111, %dma_wait3A_115] : memref<400x104xi32, #tpu.memory_space<vmem>> -> memref<1x104xi32, #tpu.memory_space<vmem>>
      %dma_wait3A_117 = tpu.memref_squeeze %dma_wait3A_116 : memref<1x104xi32, #tpu.memory_space<vmem>> -> memref<104xi32, #tpu.memory_space<vmem>>
      %dma_wait3A_118 = arith.constant 0 : i32
      %dma_wait3A_119 = arith.constant 0 : i32
      %dma_wait3A_120 = tpu.memref_slice %arg4[%dma_wait3A_118, %dma_wait3A_119] : memref<1000000x64xf32, #tpu.memory_space<hbm>> -> memref<1000000x64xf32, #tpu.memory_space<hbm>>
      tpu.wait_indirect_dma semaphore(%arg12 : memref<!tpu.dma_semaphore, #tpu.memory_space<semaphore_mem>>) src(%dma_wait3A_120 : memref<1000000x64xf32, #tpu.memory_space<hbm>>) dst(%dma_wait3A_114 : memref<104x64xf32, #tpu.memory_space<vmem>>)
      %ge3A = arith.constant 2 : i32
      %ge3A_121 = arith.cmpi sge, %add3A_64, %ge3A : i32
      %convert_element_type3A_122 = arith.extui %ge3A_121 : i1 to i32
      %cond3A_123 = arith.constant 0 : i32
      %cond3A_124 = arith.cmpi ne, %convert_element_type3A_122, %cond3A_123 : i32
      scf.if %cond3A_124 {
        %dma_wait3A_223 = arith.constant 0 : i32
        %dma_wait3A_224 = arith.constant 0 : i32
        %dma_wait3A_225 = tpu.memref_slice %arg5[%dma_wait3A_223, %dma_wait3A_224] : memref<51200x80xf32, #tpu.memory_space<hbm>> -> memref<16x80xf32, #tpu.memory_space<hbm>>
        %dma_wait3A_226 = arith.constant 0 : i32
        %dma_wait3A_227 = arith.constant 0 : i32
        %dma_wait3A_228 = tpu.memref_slice %arg5[%dma_wait3A_226, %dma_wait3A_227] : memref<51200x80xf32, #tpu.memory_space<hbm>> -> memref<16x80xf32, #tpu.memory_space<hbm>>
        tpu.wait_dma2 semaphore(%arg14 : memref<!tpu.dma_semaphore, #tpu.memory_space<semaphore_mem>>) src(%arg10 : memref<16x80xf32, #tpu.memory_space<vmem>>) dst(%dma_wait3A_228 : memref<16x80xf32, #tpu.memory_space<hbm>>)
      } else {
      }
      %scan3A_125 = arith.constant 0 : i32
      %scan3A_126 = arith.constant 0 : i32
      %scan3A_127 = arith.constant 16 : i32
      %scan3A_128 = arith.addi %scan3A_126, %scan3A_127 : i32
      %scan3A_129 = arith.constant 2 : i32
      scf.for %scan3A_223 = %scan3A_126 to %scan3A_128 step %scan3A_129  : i32 {
        %mul3A_224 = arith.constant 26 : i32
        %mul3A_225 = arith.muli %scan3A_223, %mul3A_224 : i32
        %get3A = arith.index_cast %mul3A_225 : i32 to index
        %get3A_226 = arith.constant 0 : index
        %get3A_227 = tpu.vector_load %arg8[%get3A, %get3A_226] {strides = array<i32>} : memref<416x64xf32, #tpu.memory_space<vmem>>, vector<1x16xf32>,
        %get3A_228 = vector.shape_cast %get3A_227 : vector<1x16xf32> to vector<16xf32>
        %add3A_229 = arith.constant 1 : i32
        %add3A_230 = arith.addi %mul3A_225, %add3A_229 : i32
        %get3A_231 = arith.index_cast %add3A_230 : i32 to index
        %get3A_232 = arith.constant 0 : index
        %get3A_233 = tpu.vector_load %arg8[%get3A_231, %get3A_232] {strides = array<i32>} : memref<416x64xf32, #tpu.memory_space<vmem>>, vector<1x16xf32>,
        %get3A_234 = vector.shape_cast %get3A_233 : vector<1x16xf32> to vector<16xf32>
        %add3A_235 = arith.addf %get3A_228, %get3A_234 : vector<16xf32>
        %add3A_236 = arith.constant 2 : i32
        %add3A_237 = arith.addi %mul3A_225, %add3A_236 : i32
        %get3A_238 = arith.index_cast %add3A_237 : i32 to index
        %get3A_239 = arith.constant 0 : index
        %get3A_240 = tpu.vector_load %arg8[%get3A_238, %get3A_239] {strides = array<i32>} : memref<416x64xf32, #tpu.memory_space<vmem>>, vector<1x16xf32>,
        %get3A_241 = vector.shape_cast %get3A_240 : vector<1x16xf32> to vector<16xf32>
        %add3A_242 = arith.addf %add3A_235, %get3A_241 : vector<16xf32>
        %add3A_243 = arith.constant 3 : i32
        %add3A_244 = arith.addi %mul3A_225, %add3A_243 : i32
        %get3A_245 = arith.index_cast %add3A_244 : i32 to index
        %get3A_246 = arith.constant 0 : index
        %get3A_247 = tpu.vector_load %arg8[%get3A_245, %get3A_246] {strides = array<i32>} : memref<416x64xf32, #tpu.memory_space<vmem>>, vector<1x16xf32>,
        %get3A_248 = vector.shape_cast %get3A_247 : vector<1x16xf32> to vector<16xf32>
        %add3A_249 = arith.addf %add3A_242, %get3A_248 : vector<16xf32>
        %add3A_250 = arith.constant 4 : i32
        %add3A_251 = arith.addi %mul3A_225, %add3A_250 : i32
        %get3A_252 = arith.index_cast %add3A_251 : i32 to index
        %get3A_253 = arith.constant 0 : index
        %get3A_254 = tpu.vector_load %arg8[%get3A_252, %get3A_253] {strides = array<i32>} : memref<416x64xf32, #tpu.memory_space<vmem>>, vector<1x16xf32>,
        %get3A_255 = vector.shape_cast %get3A_254 : vector<1x16xf32> to vector<16xf32>
        %add3A_256 = arith.addf %add3A_249, %get3A_255 : vector<16xf32>
        %add3A_257 = arith.constant 5 : i32
        %add3A_258 = arith.addi %mul3A_225, %add3A_257 : i32
        %get3A_259 = arith.index_cast %add3A_258 : i32 to index
        %get3A_260 = arith.constant 0 : index
        %get3A_261 = tpu.vector_load %arg8[%get3A_259, %get3A_260] {strides = array<i32>} : memref<416x64xf32, #tpu.memory_space<vmem>>, vector<1x16xf32>,
        %get3A_262 = vector.shape_cast %get3A_261 : vector<1x16xf32> to vector<16xf32>
        %add3A_263 = arith.addf %add3A_256, %get3A_262 : vector<16xf32>
        %add3A_264 = arith.constant 6 : i32
        %add3A_265 = arith.addi %mul3A_225, %add3A_264 : i32
        %get3A_266 = arith.index_cast %add3A_265 : i32 to index
        %get3A_267 = arith.constant 0 : index
        %get3A_268 = tpu.vector_load %arg8[%get3A_266, %get3A_267] {strides = array<i32>} : memref<416x64xf32, #tpu.memory_space<vmem>>, vector<1x16xf32>,
        %get3A_269 = vector.shape_cast %get3A_268 : vector<1x16xf32> to vector<16xf32>
        %add3A_270 = arith.addf %add3A_263, %get3A_269 : vector<16xf32>
        %add3A_271 = arith.constant 7 : i32
        %add3A_272 = arith.addi %mul3A_225, %add3A_271 : i32
        %get3A_273 = arith.index_cast %add3A_272 : i32 to index
        %get3A_274 = arith.constant 0 : index
        %get3A_275 = tpu.vector_load %arg8[%get3A_273, %get3A_274] {strides = array<i32>} : memref<416x64xf32, #tpu.memory_space<vmem>>, vector<1x16xf32>,
        %get3A_276 = vector.shape_cast %get3A_275 : vector<1x16xf32> to vector<16xf32>
        %add3A_277 = arith.addf %add3A_270, %get3A_276 : vector<16xf32>
        %add3A_278 = arith.constant 8 : i32
        %add3A_279 = arith.addi %mul3A_225, %add3A_278 : i32
        %get3A_280 = arith.index_cast %add3A_279 : i32 to index
        %get3A_281 = arith.constant 0 : index
        %get3A_282 = tpu.vector_load %arg8[%get3A_280, %get3A_281] {strides = array<i32>} : memref<416x64xf32, #tpu.memory_space<vmem>>, vector<1x16xf32>,
        %get3A_283 = vector.shape_cast %get3A_282 : vector<1x16xf32> to vector<16xf32>
        %add3A_284 = arith.addf %add3A_277, %get3A_283 : vector<16xf32>
        %add3A_285 = arith.constant 9 : i32
        %add3A_286 = arith.addi %mul3A_225, %add3A_285 : i32
        %get3A_287 = arith.index_cast %add3A_286 : i32 to index
        %get3A_288 = arith.constant 0 : index
        %get3A_289 = tpu.vector_load %arg8[%get3A_287, %get3A_288] {strides = array<i32>} : memref<416x64xf32, #tpu.memory_space<vmem>>, vector<1x16xf32>,
        %get3A_290 = vector.shape_cast %get3A_289 : vector<1x16xf32> to vector<16xf32>
        %add3A_291 = arith.addf %add3A_284, %get3A_290 : vector<16xf32>
        %add3A_292 = arith.constant 10 : i32
        %add3A_293 = arith.addi %mul3A_225, %add3A_292 : i32
        %get3A_294 = arith.index_cast %add3A_293 : i32 to index
        %get3A_295 = arith.constant 0 : index
        %get3A_296 = tpu.vector_load %arg8[%get3A_294, %get3A_295] {strides = array<i32>} : memref<416x64xf32, #tpu.memory_space<vmem>>, vector<1x16xf32>,
        %get3A_297 = vector.shape_cast %get3A_296 : vector<1x16xf32> to vector<16xf32>
        %add3A_298 = arith.addf %add3A_291, %get3A_297 : vector<16xf32>
        %add3A_299 = arith.constant 11 : i32
        %add3A_300 = arith.addi %mul3A_225, %add3A_299 : i32
        %get3A_301 = arith.index_cast %add3A_300 : i32 to index
        %get3A_302 = arith.constant 0 : index
        %get3A_303 = tpu.vector_load %arg8[%get3A_301, %get3A_302] {strides = array<i32>} : memref<416x64xf32, #tpu.memory_space<vmem>>, vector<1x16xf32>,
        %get3A_304 = vector.shape_cast %get3A_303 : vector<1x16xf32> to vector<16xf32>
        %add3A_305 = arith.addf %add3A_298, %get3A_304 : vector<16xf32>
        %add3A_306 = arith.constant 12 : i32
        %add3A_307 = arith.addi %mul3A_225, %add3A_306 : i32
        %get3A_308 = arith.index_cast %add3A_307 : i32 to index
        %get3A_309 = arith.constant 0 : index
        %get3A_310 = tpu.vector_load %arg8[%get3A_308, %get3A_309] {strides = array<i32>} : memref<416x64xf32, #tpu.memory_space<vmem>>, vector<1x16xf32>,
        %get3A_311 = vector.shape_cast %get3A_310 : vector<1x16xf32> to vector<16xf32>
        %add3A_312 = arith.addf %add3A_305, %get3A_311 : vector<16xf32>
        %add3A_313 = arith.constant 13 : i32
        %add3A_314 = arith.addi %mul3A_225, %add3A_313 : i32
        %get3A_315 = arith.index_cast %add3A_314 : i32 to index
        %get3A_316 = arith.constant 0 : index
        %get3A_317 = tpu.vector_load %arg8[%get3A_315, %get3A_316] {strides = array<i32>} : memref<416x64xf32, #tpu.memory_space<vmem>>, vector<1x16xf32>,
        %get3A_318 = vector.shape_cast %get3A_317 : vector<1x16xf32> to vector<16xf32>
        %add3A_319 = arith.addf %add3A_312, %get3A_318 : vector<16xf32>
        %add3A_320 = arith.constant 14 : i32
        %add3A_321 = arith.addi %mul3A_225, %add3A_320 : i32
        %get3A_322 = arith.index_cast %add3A_321 : i32 to index
        %get3A_323 = arith.constant 0 : index
        %get3A_324 = tpu.vector_load %arg8[%get3A_322, %get3A_323] {strides = array<i32>} : memref<416x64xf32, #tpu.memory_space<vmem>>, vector<1x16xf32>,
        %get3A_325 = vector.shape_cast %get3A_324 : vector<1x16xf32> to vector<16xf32>
        %add3A_326 = arith.addf %add3A_319, %get3A_325 : vector<16xf32>
        %add3A_327 = arith.constant 15 : i32
        %add3A_328 = arith.addi %mul3A_225, %add3A_327 : i32
        %get3A_329 = arith.index_cast %add3A_328 : i32 to index
        %get3A_330 = arith.constant 0 : index
        %get3A_331 = tpu.vector_load %arg8[%get3A_329, %get3A_330] {strides = array<i32>} : memref<416x64xf32, #tpu.memory_space<vmem>>, vector<1x16xf32>,
        %get3A_332 = vector.shape_cast %get3A_331 : vector<1x16xf32> to vector<16xf32>
        %add3A_333 = arith.addf %add3A_326, %get3A_332 : vector<16xf32>
        %add3A_334 = arith.constant 16 : i32
        %add3A_335 = arith.addi %mul3A_225, %add3A_334 : i32
        %get3A_336 = arith.index_cast %add3A_335 : i32 to index
        %get3A_337 = arith.constant 0 : index
        %get3A_338 = tpu.vector_load %arg8[%get3A_336, %get3A_337] {strides = array<i32>} : memref<416x64xf32, #tpu.memory_space<vmem>>, vector<1x16xf32>,
        %get3A_339 = vector.shape_cast %get3A_338 : vector<1x16xf32> to vector<16xf32>
        %add3A_340 = arith.addf %add3A_333, %get3A_339 : vector<16xf32>
        %add3A_341 = arith.constant 17 : i32
        %add3A_342 = arith.addi %mul3A_225, %add3A_341 : i32
        %get3A_343 = arith.index_cast %add3A_342 : i32 to index
        %get3A_344 = arith.constant 0 : index
        %get3A_345 = tpu.vector_load %arg8[%get3A_343, %get3A_344] {strides = array<i32>} : memref<416x64xf32, #tpu.memory_space<vmem>>, vector<1x16xf32>,
        %get3A_346 = vector.shape_cast %get3A_345 : vector<1x16xf32> to vector<16xf32>
        %add3A_347 = arith.addf %add3A_340, %get3A_346 : vector<16xf32>
        %add3A_348 = arith.constant 18 : i32
        %add3A_349 = arith.addi %mul3A_225, %add3A_348 : i32
        %get3A_350 = arith.index_cast %add3A_349 : i32 to index
        %get3A_351 = arith.constant 0 : index
        %get3A_352 = tpu.vector_load %arg8[%get3A_350, %get3A_351] {strides = array<i32>} : memref<416x64xf32, #tpu.memory_space<vmem>>, vector<1x16xf32>,
        %get3A_353 = vector.shape_cast %get3A_352 : vector<1x16xf32> to vector<16xf32>
        %add3A_354 = arith.addf %add3A_347, %get3A_353 : vector<16xf32>
        %add3A_355 = arith.constant 19 : i32
        %add3A_356 = arith.addi %mul3A_225, %add3A_355 : i32
        %get3A_357 = arith.index_cast %add3A_356 : i32 to index
        %get3A_358 = arith.constant 0 : index
        %get3A_359 = tpu.vector_load %arg8[%get3A_357, %get3A_358] {strides = array<i32>} : memref<416x64xf32, #tpu.memory_space<vmem>>, vector<1x16xf32>,
        %get3A_360 = vector.shape_cast %get3A_359 : vector<1x16xf32> to vector<16xf32>
        %add3A_361 = arith.addf %add3A_354, %get3A_360 : vector<16xf32>
        %add3A_362 = arith.constant 20 : i32
        %add3A_363 = arith.addi %mul3A_225, %add3A_362 : i32
        %get3A_364 = arith.index_cast %add3A_363 : i32 to index
        %get3A_365 = arith.constant 0 : index
        %get3A_366 = tpu.vector_load %arg8[%get3A_364, %get3A_365] {strides = array<i32>} : memref<416x64xf32, #tpu.memory_space<vmem>>, vector<1x16xf32>,
        %get3A_367 = vector.shape_cast %get3A_366 : vector<1x16xf32> to vector<16xf32>
        %add3A_368 = arith.addf %add3A_361, %get3A_367 : vector<16xf32>
        %add3A_369 = arith.constant 21 : i32
        %add3A_370 = arith.addi %mul3A_225, %add3A_369 : i32
        %get3A_371 = arith.index_cast %add3A_370 : i32 to index
        %get3A_372 = arith.constant 0 : index
        %get3A_373 = tpu.vector_load %arg8[%get3A_371, %get3A_372] {strides = array<i32>} : memref<416x64xf32, #tpu.memory_space<vmem>>, vector<1x16xf32>,
        %get3A_374 = vector.shape_cast %get3A_373 : vector<1x16xf32> to vector<16xf32>
        %add3A_375 = arith.addf %add3A_368, %get3A_374 : vector<16xf32>
        %add3A_376 = arith.constant 22 : i32
        %add3A_377 = arith.addi %mul3A_225, %add3A_376 : i32
        %get3A_378 = arith.index_cast %add3A_377 : i32 to index
        %get3A_379 = arith.constant 0 : index
        %get3A_380 = tpu.vector_load %arg8[%get3A_378, %get3A_379] {strides = array<i32>} : memref<416x64xf32, #tpu.memory_space<vmem>>, vector<1x16xf32>,
        %get3A_381 = vector.shape_cast %get3A_380 : vector<1x16xf32> to vector<16xf32>
        %add3A_382 = arith.addf %add3A_375, %get3A_381 : vector<16xf32>
        %add3A_383 = arith.constant 23 : i32
        %add3A_384 = arith.addi %mul3A_225, %add3A_383 : i32
        %get3A_385 = arith.index_cast %add3A_384 : i32 to index
        %get3A_386 = arith.constant 0 : index
        %get3A_387 = tpu.vector_load %arg8[%get3A_385, %get3A_386] {strides = array<i32>} : memref<416x64xf32, #tpu.memory_space<vmem>>, vector<1x16xf32>,
        %get3A_388 = vector.shape_cast %get3A_387 : vector<1x16xf32> to vector<16xf32>
        %add3A_389 = arith.addf %add3A_382, %get3A_388 : vector<16xf32>
        %add3A_390 = arith.constant 24 : i32
        %add3A_391 = arith.addi %mul3A_225, %add3A_390 : i32
        %get3A_392 = arith.index_cast %add3A_391 : i32 to index
        %get3A_393 = arith.constant 0 : index
        %get3A_394 = tpu.vector_load %arg8[%get3A_392, %get3A_393] {strides = array<i32>} : memref<416x64xf32, #tpu.memory_space<vmem>>, vector<1x16xf32>,
        %get3A_395 = vector.shape_cast %get3A_394 : vector<1x16xf32> to vector<16xf32>
        %add3A_396 = arith.addf %add3A_389, %get3A_395 : vector<16xf32>
        %add3A_397 = arith.constant 25 : i32
        %add3A_398 = arith.addi %mul3A_225, %add3A_397 : i32
        %get3A_399 = arith.index_cast %add3A_398 : i32 to index
        %get3A_400 = arith.constant 0 : index
        %get3A_401 = tpu.vector_load %arg8[%get3A_399, %get3A_400] {strides = array<i32>} : memref<416x64xf32, #tpu.memory_space<vmem>>, vector<1x16xf32>,
        %get3A_402 = vector.shape_cast %get3A_401 : vector<1x16xf32> to vector<16xf32>
        %add3A_403 = arith.addf %add3A_396, %get3A_402 : vector<16xf32>
        %swap3A = arith.index_cast %scan3A_223 : i32 to index
        %swap3A_404 = arith.constant 0 : index
        %swap3A_405 = tpu.vector_load %arg10[%swap3A, %swap3A_404] {strides = array<i32>} : memref<16x80xf32, #tpu.memory_space<vmem>>, vector<1x16xf32>,
        %swap3A_406 = vector.shape_cast %swap3A_405 : vector<1x16xf32> to vector<16xf32>
        %swap3A_407 = vector.shape_cast %add3A_403 : vector<16xf32> to vector<1x16xf32>
        tpu.vector_store %arg10[%swap3A, %swap3A_404], %swap3A_407 {strides = array<i32>} : memref<16x80xf32, #tpu.memory_space<vmem>>, vector<1x16xf32>,
        %get3A_408 = arith.index_cast %mul3A_225 : i32 to index
        %get3A_409 = arith.constant 16 : index
        %get3A_410 = tpu.vector_load %arg8[%get3A_408, %get3A_409] {strides = array<i32>} : memref<416x64xf32, #tpu.memory_space<vmem>>, vector<1x16xf32>,
        %get3A_411 = vector.shape_cast %get3A_410 : vector<1x16xf32> to vector<16xf32>
        %add3A_412 = arith.constant 1 : i32
        %add3A_413 = arith.addi %mul3A_225, %add3A_412 : i32
        %get3A_414 = arith.index_cast %add3A_413 : i32 to index
        %get3A_415 = arith.constant 16 : index
        %get3A_416 = tpu.vector_load %arg8[%get3A_414, %get3A_415] {strides = array<i32>} : memref<416x64xf32, #tpu.memory_space<vmem>>, vector<1x16xf32>,
        %get3A_417 = vector.shape_cast %get3A_416 : vector<1x16xf32> to vector<16xf32>
        %add3A_418 = arith.addf %get3A_411, %get3A_417 : vector<16xf32>
        %add3A_419 = arith.constant 2 : i32
        %add3A_420 = arith.addi %mul3A_225, %add3A_419 : i32
        %get3A_421 = arith.index_cast %add3A_420 : i32 to index
        %get3A_422 = arith.constant 16 : index
        %get3A_423 = tpu.vector_load %arg8[%get3A_421, %get3A_422] {strides = array<i32>} : memref<416x64xf32, #tpu.memory_space<vmem>>, vector<1x16xf32>,
        %get3A_424 = vector.shape_cast %get3A_423 : vector<1x16xf32> to vector<16xf32>
        %add3A_425 = arith.addf %add3A_418, %get3A_424 : vector<16xf32>
        %add3A_426 = arith.constant 3 : i32
        %add3A_427 = arith.addi %mul3A_225, %add3A_426 : i32
        %get3A_428 = arith.index_cast %add3A_427 : i32 to index
        %get3A_429 = arith.constant 16 : index
        %get3A_430 = tpu.vector_load %arg8[%get3A_428, %get3A_429] {strides = array<i32>} : memref<416x64xf32, #tpu.memory_space<vmem>>, vector<1x16xf32>,
        %get3A_431 = vector.shape_cast %get3A_430 : vector<1x16xf32> to vector<16xf32>
        %add3A_432 = arith.addf %add3A_425, %get3A_431 : vector<16xf32>
        %add3A_433 = arith.constant 4 : i32
        %add3A_434 = arith.addi %mul3A_225, %add3A_433 : i32
        %get3A_435 = arith.index_cast %add3A_434 : i32 to index
        %get3A_436 = arith.constant 16 : index
        %get3A_437 = tpu.vector_load %arg8[%get3A_435, %get3A_436] {strides = array<i32>} : memref<416x64xf32, #tpu.memory_space<vmem>>, vector<1x16xf32>,
        %get3A_438 = vector.shape_cast %get3A_437 : vector<1x16xf32> to vector<16xf32>
        %add3A_439 = arith.addf %add3A_432, %get3A_438 : vector<16xf32>
        %add3A_440 = arith.constant 5 : i32
        %add3A_441 = arith.addi %mul3A_225, %add3A_440 : i32
        %get3A_442 = arith.index_cast %add3A_441 : i32 to index
        %get3A_443 = arith.constant 16 : index
        %get3A_444 = tpu.vector_load %arg8[%get3A_442, %get3A_443] {strides = array<i32>} : memref<416x64xf32, #tpu.memory_space<vmem>>, vector<1x16xf32>,
        %get3A_445 = vector.shape_cast %get3A_444 : vector<1x16xf32> to vector<16xf32>
        %add3A_446 = arith.addf %add3A_439, %get3A_445 : vector<16xf32>
        %add3A_447 = arith.constant 6 : i32
        %add3A_448 = arith.addi %mul3A_225, %add3A_447 : i32
        %get3A_449 = arith.index_cast %add3A_448 : i32 to index
        %get3A_450 = arith.constant 16 : index
        %get3A_451 = tpu.vector_load %arg8[%get3A_449, %get3A_450] {strides = array<i32>} : memref<416x64xf32, #tpu.memory_space<vmem>>, vector<1x16xf32>,
        %get3A_452 = vector.shape_cast %get3A_451 : vector<1x16xf32> to vector<16xf32>
        %add3A_453 = arith.addf %add3A_446, %get3A_452 : vector<16xf32>
        %add3A_454 = arith.constant 7 : i32
        %add3A_455 = arith.addi %mul3A_225, %add3A_454 : i32
        %get3A_456 = arith.index_cast %add3A_455 : i32 to index
        %get3A_457 = arith.constant 16 : index
        %get3A_458 = tpu.vector_load %arg8[%get3A_456, %get3A_457] {strides = array<i32>} : memref<416x64xf32, #tpu.memory_space<vmem>>, vector<1x16xf32>,
        %get3A_459 = vector.shape_cast %get3A_458 : vector<1x16xf32> to vector<16xf32>
        %add3A_460 = arith.addf %add3A_453, %get3A_459 : vector<16xf32>
        %add3A_461 = arith.constant 8 : i32
        %add3A_462 = arith.addi %mul3A_225, %add3A_461 : i32
        %get3A_463 = arith.index_cast %add3A_462 : i32 to index
        %get3A_464 = arith.constant 16 : index
        %get3A_465 = tpu.vector_load %arg8[%get3A_463, %get3A_464] {strides = array<i32>} : memref<416x64xf32, #tpu.memory_space<vmem>>, vector<1x16xf32>,
        %get3A_466 = vector.shape_cast %get3A_465 : vector<1x16xf32> to vector<16xf32>
        %add3A_467 = arith.addf %add3A_460, %get3A_466 : vector<16xf32>
        %add3A_468 = arith.constant 9 : i32
        %add3A_469 = arith.addi %mul3A_225, %add3A_468 : i32
        %get3A_470 = arith.index_cast %add3A_469 : i32 to index
        %get3A_471 = arith.constant 16 : index
        %get3A_472 = tpu.vector_load %arg8[%get3A_470, %get3A_471] {strides = array<i32>} : memref<416x64xf32, #tpu.memory_space<vmem>>, vector<1x16xf32>,
        %get3A_473 = vector.shape_cast %get3A_472 : vector<1x16xf32> to vector<16xf32>
        %add3A_474 = arith.addf %add3A_467, %get3A_473 : vector<16xf32>
        %add3A_475 = arith.constant 10 : i32
        %add3A_476 = arith.addi %mul3A_225, %add3A_475 : i32
        %get3A_477 = arith.index_cast %add3A_476 : i32 to index
        %get3A_478 = arith.constant 16 : index
        %get3A_479 = tpu.vector_load %arg8[%get3A_477, %get3A_478] {strides = array<i32>} : memref<416x64xf32, #tpu.memory_space<vmem>>, vector<1x16xf32>,
        %get3A_480 = vector.shape_cast %get3A_479 : vector<1x16xf32> to vector<16xf32>
        %add3A_481 = arith.addf %add3A_474, %get3A_480 : vector<16xf32>
        %add3A_482 = arith.constant 11 : i32
        %add3A_483 = arith.addi %mul3A_225, %add3A_482 : i32
        %get3A_484 = arith.index_cast %add3A_483 : i32 to index
        %get3A_485 = arith.constant 16 : index
        %get3A_486 = tpu.vector_load %arg8[%get3A_484, %get3A_485] {strides = array<i32>} : memref<416x64xf32, #tpu.memory_space<vmem>>, vector<1x16xf32>,
        %get3A_487 = vector.shape_cast %get3A_486 : vector<1x16xf32> to vector<16xf32>
        %add3A_488 = arith.addf %add3A_481, %get3A_487 : vector<16xf32>
        %add3A_489 = arith.constant 12 : i32
        %add3A_490 = arith.addi %mul3A_225, %add3A_489 : i32
        %get3A_491 = arith.index_cast %add3A_490 : i32 to index
        %get3A_492 = arith.constant 16 : index
        %get3A_493 = tpu.vector_load %arg8[%get3A_491, %get3A_492] {strides = array<i32>} : memref<416x64xf32, #tpu.memory_space<vmem>>, vector<1x16xf32>,
        %get3A_494 = vector.shape_cast %get3A_493 : vector<1x16xf32> to vector<16xf32>
        %add3A_495 = arith.addf %add3A_488, %get3A_494 : vector<16xf32>
        %add3A_496 = arith.constant 13 : i32
        %add3A_497 = arith.addi %mul3A_225, %add3A_496 : i32
        %get3A_498 = arith.index_cast %add3A_497 : i32 to index
        %get3A_499 = arith.constant 16 : index
        %get3A_500 = tpu.vector_load %arg8[%get3A_498, %get3A_499] {strides = array<i32>} : memref<416x64xf32, #tpu.memory_space<vmem>>, vector<1x16xf32>,
        %get3A_501 = vector.shape_cast %get3A_500 : vector<1x16xf32> to vector<16xf32>
        %add3A_502 = arith.addf %add3A_495, %get3A_501 : vector<16xf32>
        %add3A_503 = arith.constant 14 : i32
        %add3A_504 = arith.addi %mul3A_225, %add3A_503 : i32
        %get3A_505 = arith.index_cast %add3A_504 : i32 to index
        %get3A_506 = arith.constant 16 : index
        %get3A_507 = tpu.vector_load %arg8[%get3A_505, %get3A_506] {strides = array<i32>} : memref<416x64xf32, #tpu.memory_space<vmem>>, vector<1x16xf32>,
        %get3A_508 = vector.shape_cast %get3A_507 : vector<1x16xf32> to vector<16xf32>
        %add3A_509 = arith.addf %add3A_502, %get3A_508 : vector<16xf32>
        %add3A_510 = arith.constant 15 : i32
        %add3A_511 = arith.addi %mul3A_225, %add3A_510 : i32
        %get3A_512 = arith.index_cast %add3A_511 : i32 to index
        %get3A_513 = arith.constant 16 : index
        %get3A_514 = tpu.vector_load %arg8[%get3A_512, %get3A_513] {strides = array<i32>} : memref<416x64xf32, #tpu.memory_space<vmem>>, vector<1x16xf32>,
        %get3A_515 = vector.shape_cast %get3A_514 : vector<1x16xf32> to vector<16xf32>
        %add3A_516 = arith.addf %add3A_509, %get3A_515 : vector<16xf32>
        %add3A_517 = arith.constant 16 : i32
        %add3A_518 = arith.addi %mul3A_225, %add3A_517 : i32
        %get3A_519 = arith.index_cast %add3A_518 : i32 to index
        %get3A_520 = arith.constant 16 : index
        %get3A_521 = tpu.vector_load %arg8[%get3A_519, %get3A_520] {strides = array<i32>} : memref<416x64xf32, #tpu.memory_space<vmem>>, vector<1x16xf32>,
        %get3A_522 = vector.shape_cast %get3A_521 : vector<1x16xf32> to vector<16xf32>
        %add3A_523 = arith.addf %add3A_516, %get3A_522 : vector<16xf32>
        %add3A_524 = arith.constant 17 : i32
        %add3A_525 = arith.addi %mul3A_225, %add3A_524 : i32
        %get3A_526 = arith.index_cast %add3A_525 : i32 to index
        %get3A_527 = arith.constant 16 : index
        %get3A_528 = tpu.vector_load %arg8[%get3A_526, %get3A_527] {strides = array<i32>} : memref<416x64xf32, #tpu.memory_space<vmem>>, vector<1x16xf32>,
        %get3A_529 = vector.shape_cast %get3A_528 : vector<1x16xf32> to vector<16xf32>
        %add3A_530 = arith.addf %add3A_523, %get3A_529 : vector<16xf32>
        %add3A_531 = arith.constant 18 : i32
        %add3A_532 = arith.addi %mul3A_225, %add3A_531 : i32
        %get3A_533 = arith.index_cast %add3A_532 : i32 to index
        %get3A_534 = arith.constant 16 : index
        %get3A_535 = tpu.vector_load %arg8[%get3A_533, %get3A_534] {strides = array<i32>} : memref<416x64xf32, #tpu.memory_space<vmem>>, vector<1x16xf32>,
        %get3A_536 = vector.shape_cast %get3A_535 : vector<1x16xf32> to vector<16xf32>
        %add3A_537 = arith.addf %add3A_530, %get3A_536 : vector<16xf32>
        %add3A_538 = arith.constant 19 : i32
        %add3A_539 = arith.addi %mul3A_225, %add3A_538 : i32
        %get3A_540 = arith.index_cast %add3A_539 : i32 to index
        %get3A_541 = arith.constant 16 : index
        %get3A_542 = tpu.vector_load %arg8[%get3A_540, %get3A_541] {strides = array<i32>} : memref<416x64xf32, #tpu.memory_space<vmem>>, vector<1x16xf32>,
        %get3A_543 = vector.shape_cast %get3A_542 : vector<1x16xf32> to vector<16xf32>
        %add3A_544 = arith.addf %add3A_537, %get3A_543 : vector<16xf32>
        %add3A_545 = arith.constant 20 : i32
        %add3A_546 = arith.addi %mul3A_225, %add3A_545 : i32
        %get3A_547 = arith.index_cast %add3A_546 : i32 to index
        %get3A_548 = arith.constant 16 : index
        %get3A_549 = tpu.vector_load %arg8[%get3A_547, %get3A_548] {strides = array<i32>} : memref<416x64xf32, #tpu.memory_space<vmem>>, vector<1x16xf32>,
        %get3A_550 = vector.shape_cast %get3A_549 : vector<1x16xf32> to vector<16xf32>
        %add3A_551 = arith.addf %add3A_544, %get3A_550 : vector<16xf32>
        %add3A_552 = arith.constant 21 : i32
        %add3A_553 = arith.addi %mul3A_225, %add3A_552 : i32
        %get3A_554 = arith.index_cast %add3A_553 : i32 to index
        %get3A_555 = arith.constant 16 : index
        %get3A_556 = tpu.vector_load %arg8[%get3A_554, %get3A_555] {strides = array<i32>} : memref<416x64xf32, #tpu.memory_space<vmem>>, vector<1x16xf32>,
        %get3A_557 = vector.shape_cast %get3A_556 : vector<1x16xf32> to vector<16xf32>
        %add3A_558 = arith.addf %add3A_551, %get3A_557 : vector<16xf32>
        %add3A_559 = arith.constant 22 : i32
        %add3A_560 = arith.addi %mul3A_225, %add3A_559 : i32
        %get3A_561 = arith.index_cast %add3A_560 : i32 to index
        %get3A_562 = arith.constant 16 : index
        %get3A_563 = tpu.vector_load %arg8[%get3A_561, %get3A_562] {strides = array<i32>} : memref<416x64xf32, #tpu.memory_space<vmem>>, vector<1x16xf32>,
        %get3A_564 = vector.shape_cast %get3A_563 : vector<1x16xf32> to vector<16xf32>
        %add3A_565 = arith.addf %add3A_558, %get3A_564 : vector<16xf32>
        %add3A_566 = arith.constant 23 : i32
        %add3A_567 = arith.addi %mul3A_225, %add3A_566 : i32
        %get3A_568 = arith.index_cast %add3A_567 : i32 to index
        %get3A_569 = arith.constant 16 : index
        %get3A_570 = tpu.vector_load %arg8[%get3A_568, %get3A_569] {strides = array<i32>} : memref<416x64xf32, #tpu.memory_space<vmem>>, vector<1x16xf32>,
        %get3A_571 = vector.shape_cast %get3A_570 : vector<1x16xf32> to vector<16xf32>
        %add3A_572 = arith.addf %add3A_565, %get3A_571 : vector<16xf32>
        %add3A_573 = arith.constant 24 : i32
        %add3A_574 = arith.addi %mul3A_225, %add3A_573 : i32
        %get3A_575 = arith.index_cast %add3A_574 : i32 to index
        %get3A_576 = arith.constant 16 : index
        %get3A_577 = tpu.vector_load %arg8[%get3A_575, %get3A_576] {strides = array<i32>} : memref<416x64xf32, #tpu.memory_space<vmem>>, vector<1x16xf32>,
        %get3A_578 = vector.shape_cast %get3A_577 : vector<1x16xf32> to vector<16xf32>
        %add3A_579 = arith.addf %add3A_572, %get3A_578 : vector<16xf32>
        %add3A_580 = arith.constant 25 : i32
        %add3A_581 = arith.addi %mul3A_225, %add3A_580 : i32
        %get3A_582 = arith.index_cast %add3A_581 : i32 to index
        %get3A_583 = arith.constant 16 : index
        %get3A_584 = tpu.vector_load %arg8[%get3A_582, %get3A_583] {strides = array<i32>} : memref<416x64xf32, #tpu.memory_space<vmem>>, vector<1x16xf32>,
        %get3A_585 = vector.shape_cast %get3A_584 : vector<1x16xf32> to vector<16xf32>
        %add3A_586 = arith.addf %add3A_579, %get3A_585 : vector<16xf32>
        %swap3A_587 = arith.index_cast %scan3A_223 : i32 to index
        %swap3A_588 = arith.constant 16 : index
        %swap3A_589 = tpu.vector_load %arg10[%swap3A_587, %swap3A_588] {strides = array<i32>} : memref<16x80xf32, #tpu.memory_space<vmem>>, vector<1x16xf32>,
        %swap3A_590 = vector.shape_cast %swap3A_589 : vector<1x16xf32> to vector<16xf32>
        %swap3A_591 = vector.shape_cast %add3A_586 : vector<16xf32> to vector<1x16xf32>
        tpu.vector_store %arg10[%swap3A_587, %swap3A_588], %swap3A_591 {strides = array<i32>} : memref<16x80xf32, #tpu.memory_space<vmem>>, vector<1x16xf32>,
        %get3A_592 = arith.index_cast %mul3A_225 : i32 to index
        %get3A_593 = arith.constant 32 : index
        %get3A_594 = tpu.vector_load %arg8[%get3A_592, %get3A_593] {strides = array<i32>} : memref<416x64xf32, #tpu.memory_space<vmem>>, vector<1x16xf32>,
        %get3A_595 = vector.shape_cast %get3A_594 : vector<1x16xf32> to vector<16xf32>
        %add3A_596 = arith.constant 1 : i32
        %add3A_597 = arith.addi %mul3A_225, %add3A_596 : i32
        %get3A_598 = arith.index_cast %add3A_597 : i32 to index
        %get3A_599 = arith.constant 32 : index
        %get3A_600 = tpu.vector_load %arg8[%get3A_598, %get3A_599] {strides = array<i32>} : memref<416x64xf32, #tpu.memory_space<vmem>>, vector<1x16xf32>,
        %get3A_601 = vector.shape_cast %get3A_600 : vector<1x16xf32> to vector<16xf32>
        %add3A_602 = arith.addf %get3A_595, %get3A_601 : vector<16xf32>
        %add3A_603 = arith.constant 2 : i32
        %add3A_604 = arith.addi %mul3A_225, %add3A_603 : i32
        %get3A_605 = arith.index_cast %add3A_604 : i32 to index
        %get3A_606 = arith.constant 32 : index
        %get3A_607 = tpu.vector_load %arg8[%get3A_605, %get3A_606] {strides = array<i32>} : memref<416x64xf32, #tpu.memory_space<vmem>>, vector<1x16xf32>,
        %get3A_608 = vector.shape_cast %get3A_607 : vector<1x16xf32> to vector<16xf32>
        %add3A_609 = arith.addf %add3A_602, %get3A_608 : vector<16xf32>
        %add3A_610 = arith.constant 3 : i32
        %add3A_611 = arith.addi %mul3A_225, %add3A_610 : i32
        %get3A_612 = arith.index_cast %add3A_611 : i32 to index
        %get3A_613 = arith.constant 32 : index
        %get3A_614 = tpu.vector_load %arg8[%get3A_612, %get3A_613] {strides = array<i32>} : memref<416x64xf32, #tpu.memory_space<vmem>>, vector<1x16xf32>,
        %get3A_615 = vector.shape_cast %get3A_614 : vector<1x16xf32> to vector<16xf32>
        %add3A_616 = arith.addf %add3A_609, %get3A_615 : vector<16xf32>
        %add3A_617 = arith.constant 4 : i32
        %add3A_618 = arith.addi %mul3A_225, %add3A_617 : i32
        %get3A_619 = arith.index_cast %add3A_618 : i32 to index
        %get3A_620 = arith.constant 32 : index
        %get3A_621 = tpu.vector_load %arg8[%get3A_619, %get3A_620] {strides = array<i32>} : memref<416x64xf32, #tpu.memory_space<vmem>>, vector<1x16xf32>,
        %get3A_622 = vector.shape_cast %get3A_621 : vector<1x16xf32> to vector<16xf32>
        %add3A_623 = arith.addf %add3A_616, %get3A_622 : vector<16xf32>
        %add3A_624 = arith.constant 5 : i32
        %add3A_625 = arith.addi %mul3A_225, %add3A_624 : i32
        %get3A_626 = arith.index_cast %add3A_625 : i32 to index
        %get3A_627 = arith.constant 32 : index
        %get3A_628 = tpu.vector_load %arg8[%get3A_626, %get3A_627] {strides = array<i32>} : memref<416x64xf32, #tpu.memory_space<vmem>>, vector<1x16xf32>,
        %get3A_629 = vector.shape_cast %get3A_628 : vector<1x16xf32> to vector<16xf32>
        %add3A_630 = arith.addf %add3A_623, %get3A_629 : vector<16xf32>
        %add3A_631 = arith.constant 6 : i32
        %add3A_632 = arith.addi %mul3A_225, %add3A_631 : i32
        %get3A_633 = arith.index_cast %add3A_632 : i32 to index
        %get3A_634 = arith.constant 32 : index
        %get3A_635 = tpu.vector_load %arg8[%get3A_633, %get3A_634] {strides = array<i32>} : memref<416x64xf32, #tpu.memory_space<vmem>>, vector<1x16xf32>,
        %get3A_636 = vector.shape_cast %get3A_635 : vector<1x16xf32> to vector<16xf32>
        %add3A_637 = arith.addf %add3A_630, %get3A_636 : vector<16xf32>
        %add3A_638 = arith.constant 7 : i32
        %add3A_639 = arith.addi %mul3A_225, %add3A_638 : i32
        %get3A_640 = arith.index_cast %add3A_639 : i32 to index
        %get3A_641 = arith.constant 32 : index
        %get3A_642 = tpu.vector_load %arg8[%get3A_640, %get3A_641] {strides = array<i32>} : memref<416x64xf32, #tpu.memory_space<vmem>>, vector<1x16xf32>,
        %get3A_643 = vector.shape_cast %get3A_642 : vector<1x16xf32> to vector<16xf32>
        %add3A_644 = arith.addf %add3A_637, %get3A_643 : vector<16xf32>
        %add3A_645 = arith.constant 8 : i32
        %add3A_646 = arith.addi %mul3A_225, %add3A_645 : i32
        %get3A_647 = arith.index_cast %add3A_646 : i32 to index
        %get3A_648 = arith.constant 32 : index
        %get3A_649 = tpu.vector_load %arg8[%get3A_647, %get3A_648] {strides = array<i32>} : memref<416x64xf32, #tpu.memory_space<vmem>>, vector<1x16xf32>,
        %get3A_650 = vector.shape_cast %get3A_649 : vector<1x16xf32> to vector<16xf32>
        %add3A_651 = arith.addf %add3A_644, %get3A_650 : vector<16xf32>
        %add3A_652 = arith.constant 9 : i32
        %add3A_653 = arith.addi %mul3A_225, %add3A_652 : i32
        %get3A_654 = arith.index_cast %add3A_653 : i32 to index
        %get3A_655 = arith.constant 32 : index
        %get3A_656 = tpu.vector_load %arg8[%get3A_654, %get3A_655] {strides = array<i32>} : memref<416x64xf32, #tpu.memory_space<vmem>>, vector<1x16xf32>,
        %get3A_657 = vector.shape_cast %get3A_656 : vector<1x16xf32> to vector<16xf32>
        %add3A_658 = arith.addf %add3A_651, %get3A_657 : vector<16xf32>
        %add3A_659 = arith.constant 10 : i32
        %add3A_660 = arith.addi %mul3A_225, %add3A_659 : i32
        %get3A_661 = arith.index_cast %add3A_660 : i32 to index
        %get3A_662 = arith.constant 32 : index
        %get3A_663 = tpu.vector_load %arg8[%get3A_661, %get3A_662] {strides = array<i32>} : memref<416x64xf32, #tpu.memory_space<vmem>>, vector<1x16xf32>,
        %get3A_664 = vector.shape_cast %get3A_663 : vector<1x16xf32> to vector<16xf32>
        %add3A_665 = arith.addf %add3A_658, %get3A_664 : vector<16xf32>
        %add3A_666 = arith.constant 11 : i32
        %add3A_667 = arith.addi %mul3A_225, %add3A_666 : i32
        %get3A_668 = arith.index_cast %add3A_667 : i32 to index
        %get3A_669 = arith.constant 32 : index
        %get3A_670 = tpu.vector_load %arg8[%get3A_668, %get3A_669] {strides = array<i32>} : memref<416x64xf32, #tpu.memory_space<vmem>>, vector<1x16xf32>,
        %get3A_671 = vector.shape_cast %get3A_670 : vector<1x16xf32> to vector<16xf32>
        %add3A_672 = arith.addf %add3A_665, %get3A_671 : vector<16xf32>
        %add3A_673 = arith.constant 12 : i32
        %add3A_674 = arith.addi %mul3A_225, %add3A_673 : i32
        %get3A_675 = arith.index_cast %add3A_674 : i32 to index
        %get3A_676 = arith.constant 32 : index
        %get3A_677 = tpu.vector_load %arg8[%get3A_675, %get3A_676] {strides = array<i32>} : memref<416x64xf32, #tpu.memory_space<vmem>>, vector<1x16xf32>,
        %get3A_678 = vector.shape_cast %get3A_677 : vector<1x16xf32> to vector<16xf32>
        %add3A_679 = arith.addf %add3A_672, %get3A_678 : vector<16xf32>
        %add3A_680 = arith.constant 13 : i32
        %add3A_681 = arith.addi %mul3A_225, %add3A_680 : i32
        %get3A_682 = arith.index_cast %add3A_681 : i32 to index
        %get3A_683 = arith.constant 32 : index
        %get3A_684 = tpu.vector_load %arg8[%get3A_682, %get3A_683] {strides = array<i32>} : memref<416x64xf32, #tpu.memory_space<vmem>>, vector<1x16xf32>,
        %get3A_685 = vector.shape_cast %get3A_684 : vector<1x16xf32> to vector<16xf32>
        %add3A_686 = arith.addf %add3A_679, %get3A_685 : vector<16xf32>
        %add3A_687 = arith.constant 14 : i32
        %add3A_688 = arith.addi %mul3A_225, %add3A_687 : i32
        %get3A_689 = arith.index_cast %add3A_688 : i32 to index
        %get3A_690 = arith.constant 32 : index
        %get3A_691 = tpu.vector_load %arg8[%get3A_689, %get3A_690] {strides = array<i32>} : memref<416x64xf32, #tpu.memory_space<vmem>>, vector<1x16xf32>,
        %get3A_692 = vector.shape_cast %get3A_691 : vector<1x16xf32> to vector<16xf32>
        %add3A_693 = arith.addf %add3A_686, %get3A_692 : vector<16xf32>
        %add3A_694 = arith.constant 15 : i32
        %add3A_695 = arith.addi %mul3A_225, %add3A_694 : i32
        %get3A_696 = arith.index_cast %add3A_695 : i32 to index
        %get3A_697 = arith.constant 32 : index
        %get3A_698 = tpu.vector_load %arg8[%get3A_696, %get3A_697] {strides = array<i32>} : memref<416x64xf32, #tpu.memory_space<vmem>>, vector<1x16xf32>,
        %get3A_699 = vector.shape_cast %get3A_698 : vector<1x16xf32> to vector<16xf32>
        %add3A_700 = arith.addf %add3A_693, %get3A_699 : vector<16xf32>
        %add3A_701 = arith.constant 16 : i32
        %add3A_702 = arith.addi %mul3A_225, %add3A_701 : i32
        %get3A_703 = arith.index_cast %add3A_702 : i32 to index
        %get3A_704 = arith.constant 32 : index
        %get3A_705 = tpu.vector_load %arg8[%get3A_703, %get3A_704] {strides = array<i32>} : memref<416x64xf32, #tpu.memory_space<vmem>>, vector<1x16xf32>,
        %get3A_706 = vector.shape_cast %get3A_705 : vector<1x16xf32> to vector<16xf32>
        %add3A_707 = arith.addf %add3A_700, %get3A_706 : vector<16xf32>
        %add3A_708 = arith.constant 17 : i32
        %add3A_709 = arith.addi %mul3A_225, %add3A_708 : i32
        %get3A_710 = arith.index_cast %add3A_709 : i32 to index
        %get3A_711 = arith.constant 32 : index
        %get3A_712 = tpu.vector_load %arg8[%get3A_710, %get3A_711] {strides = array<i32>} : memref<416x64xf32, #tpu.memory_space<vmem>>, vector<1x16xf32>,
        %get3A_713 = vector.shape_cast %get3A_712 : vector<1x16xf32> to vector<16xf32>
        %add3A_714 = arith.addf %add3A_707, %get3A_713 : vector<16xf32>
        %add3A_715 = arith.constant 18 : i32
        %add3A_716 = arith.addi %mul3A_225, %add3A_715 : i32
        %get3A_717 = arith.index_cast %add3A_716 : i32 to index
        %get3A_718 = arith.constant 32 : index
        %get3A_719 = tpu.vector_load %arg8[%get3A_717, %get3A_718] {strides = array<i32>} : memref<416x64xf32, #tpu.memory_space<vmem>>, vector<1x16xf32>,
        %get3A_720 = vector.shape_cast %get3A_719 : vector<1x16xf32> to vector<16xf32>
        %add3A_721 = arith.addf %add3A_714, %get3A_720 : vector<16xf32>
        %add3A_722 = arith.constant 19 : i32
        %add3A_723 = arith.addi %mul3A_225, %add3A_722 : i32
        %get3A_724 = arith.index_cast %add3A_723 : i32 to index
        %get3A_725 = arith.constant 32 : index
        %get3A_726 = tpu.vector_load %arg8[%get3A_724, %get3A_725] {strides = array<i32>} : memref<416x64xf32, #tpu.memory_space<vmem>>, vector<1x16xf32>,
        %get3A_727 = vector.shape_cast %get3A_726 : vector<1x16xf32> to vector<16xf32>
        %add3A_728 = arith.addf %add3A_721, %get3A_727 : vector<16xf32>
        %add3A_729 = arith.constant 20 : i32
        %add3A_730 = arith.addi %mul3A_225, %add3A_729 : i32
        %get3A_731 = arith.index_cast %add3A_730 : i32 to index
        %get3A_732 = arith.constant 32 : index
        %get3A_733 = tpu.vector_load %arg8[%get3A_731, %get3A_732] {strides = array<i32>} : memref<416x64xf32, #tpu.memory_space<vmem>>, vector<1x16xf32>,
        %get3A_734 = vector.shape_cast %get3A_733 : vector<1x16xf32> to vector<16xf32>
        %add3A_735 = arith.addf %add3A_728, %get3A_734 : vector<16xf32>
        %add3A_736 = arith.constant 21 : i32
        %add3A_737 = arith.addi %mul3A_225, %add3A_736 : i32
        %get3A_738 = arith.index_cast %add3A_737 : i32 to index
        %get3A_739 = arith.constant 32 : index
        %get3A_740 = tpu.vector_load %arg8[%get3A_738, %get3A_739] {strides = array<i32>} : memref<416x64xf32, #tpu.memory_space<vmem>>, vector<1x16xf32>,
        %get3A_741 = vector.shape_cast %get3A_740 : vector<1x16xf32> to vector<16xf32>
        %add3A_742 = arith.addf %add3A_735, %get3A_741 : vector<16xf32>
        %add3A_743 = arith.constant 22 : i32
        %add3A_744 = arith.addi %mul3A_225, %add3A_743 : i32
        %get3A_745 = arith.index_cast %add3A_744 : i32 to index
        %get3A_746 = arith.constant 32 : index
        %get3A_747 = tpu.vector_load %arg8[%get3A_745, %get3A_746] {strides = array<i32>} : memref<416x64xf32, #tpu.memory_space<vmem>>, vector<1x16xf32>,
        %get3A_748 = vector.shape_cast %get3A_747 : vector<1x16xf32> to vector<16xf32>
        %add3A_749 = arith.addf %add3A_742, %get3A_748 : vector<16xf32>
        %add3A_750 = arith.constant 23 : i32
        %add3A_751 = arith.addi %mul3A_225, %add3A_750 : i32
        %get3A_752 = arith.index_cast %add3A_751 : i32 to index
        %get3A_753 = arith.constant 32 : index
        %get3A_754 = tpu.vector_load %arg8[%get3A_752, %get3A_753] {strides = array<i32>} : memref<416x64xf32, #tpu.memory_space<vmem>>, vector<1x16xf32>,
        %get3A_755 = vector.shape_cast %get3A_754 : vector<1x16xf32> to vector<16xf32>
        %add3A_756 = arith.addf %add3A_749, %get3A_755 : vector<16xf32>
        %add3A_757 = arith.constant 24 : i32
        %add3A_758 = arith.addi %mul3A_225, %add3A_757 : i32
        %get3A_759 = arith.index_cast %add3A_758 : i32 to index
        %get3A_760 = arith.constant 32 : index
        %get3A_761 = tpu.vector_load %arg8[%get3A_759, %get3A_760] {strides = array<i32>} : memref<416x64xf32, #tpu.memory_space<vmem>>, vector<1x16xf32>,
        %get3A_762 = vector.shape_cast %get3A_761 : vector<1x16xf32> to vector<16xf32>
        %add3A_763 = arith.addf %add3A_756, %get3A_762 : vector<16xf32>
        %add3A_764 = arith.constant 25 : i32
        %add3A_765 = arith.addi %mul3A_225, %add3A_764 : i32
        %get3A_766 = arith.index_cast %add3A_765 : i32 to index
        %get3A_767 = arith.constant 32 : index
        %get3A_768 = tpu.vector_load %arg8[%get3A_766, %get3A_767] {strides = array<i32>} : memref<416x64xf32, #tpu.memory_space<vmem>>, vector<1x16xf32>,
        %get3A_769 = vector.shape_cast %get3A_768 : vector<1x16xf32> to vector<16xf32>
        %add3A_770 = arith.addf %add3A_763, %get3A_769 : vector<16xf32>
        %swap3A_771 = arith.index_cast %scan3A_223 : i32 to index
        %swap3A_772 = arith.constant 32 : index
        %swap3A_773 = tpu.vector_load %arg10[%swap3A_771, %swap3A_772] {strides = array<i32>} : memref<16x80xf32, #tpu.memory_space<vmem>>, vector<1x16xf32>,
        %swap3A_774 = vector.shape_cast %swap3A_773 : vector<1x16xf32> to vector<16xf32>
        %swap3A_775 = vector.shape_cast %add3A_770 : vector<16xf32> to vector<1x16xf32>
        tpu.vector_store %arg10[%swap3A_771, %swap3A_772], %swap3A_775 {strides = array<i32>} : memref<16x80xf32, #tpu.memory_space<vmem>>, vector<1x16xf32>,
        %get3A_776 = arith.index_cast %mul3A_225 : i32 to index
        %get3A_777 = arith.constant 48 : index
        %get3A_778 = tpu.vector_load %arg8[%get3A_776, %get3A_777] {strides = array<i32>} : memref<416x64xf32, #tpu.memory_space<vmem>>, vector<1x16xf32>,
        %get3A_779 = vector.shape_cast %get3A_778 : vector<1x16xf32> to vector<16xf32>
        %add3A_780 = arith.constant 1 : i32
        %add3A_781 = arith.addi %mul3A_225, %add3A_780 : i32
        %get3A_782 = arith.index_cast %add3A_781 : i32 to index
        %get3A_783 = arith.constant 48 : index
        %get3A_784 = tpu.vector_load %arg8[%get3A_782, %get3A_783] {strides = array<i32>} : memref<416x64xf32, #tpu.memory_space<vmem>>, vector<1x16xf32>,
        %get3A_785 = vector.shape_cast %get3A_784 : vector<1x16xf32> to vector<16xf32>
        %add3A_786 = arith.addf %get3A_779, %get3A_785 : vector<16xf32>
        %add3A_787 = arith.constant 2 : i32
        %add3A_788 = arith.addi %mul3A_225, %add3A_787 : i32
        %get3A_789 = arith.index_cast %add3A_788 : i32 to index
        %get3A_790 = arith.constant 48 : index
        %get3A_791 = tpu.vector_load %arg8[%get3A_789, %get3A_790] {strides = array<i32>} : memref<416x64xf32, #tpu.memory_space<vmem>>, vector<1x16xf32>,
        %get3A_792 = vector.shape_cast %get3A_791 : vector<1x16xf32> to vector<16xf32>
        %add3A_793 = arith.addf %add3A_786, %get3A_792 : vector<16xf32>
        %add3A_794 = arith.constant 3 : i32
        %add3A_795 = arith.addi %mul3A_225, %add3A_794 : i32
        %get3A_796 = arith.index_cast %add3A_795 : i32 to index
        %get3A_797 = arith.constant 48 : index
        %get3A_798 = tpu.vector_load %arg8[%get3A_796, %get3A_797] {strides = array<i32>} : memref<416x64xf32, #tpu.memory_space<vmem>>, vector<1x16xf32>,
        %get3A_799 = vector.shape_cast %get3A_798 : vector<1x16xf32> to vector<16xf32>
        %add3A_800 = arith.addf %add3A_793, %get3A_799 : vector<16xf32>
        %add3A_801 = arith.constant 4 : i32
        %add3A_802 = arith.addi %mul3A_225, %add3A_801 : i32
        %get3A_803 = arith.index_cast %add3A_802 : i32 to index
        %get3A_804 = arith.constant 48 : index
        %get3A_805 = tpu.vector_load %arg8[%get3A_803, %get3A_804] {strides = array<i32>} : memref<416x64xf32, #tpu.memory_space<vmem>>, vector<1x16xf32>,
        %get3A_806 = vector.shape_cast %get3A_805 : vector<1x16xf32> to vector<16xf32>
        %add3A_807 = arith.addf %add3A_800, %get3A_806 : vector<16xf32>
        %add3A_808 = arith.constant 5 : i32
        %add3A_809 = arith.addi %mul3A_225, %add3A_808 : i32
        %get3A_810 = arith.index_cast %add3A_809 : i32 to index
        %get3A_811 = arith.constant 48 : index
        %get3A_812 = tpu.vector_load %arg8[%get3A_810, %get3A_811] {strides = array<i32>} : memref<416x64xf32, #tpu.memory_space<vmem>>, vector<1x16xf32>,
        %get3A_813 = vector.shape_cast %get3A_812 : vector<1x16xf32> to vector<16xf32>
        %add3A_814 = arith.addf %add3A_807, %get3A_813 : vector<16xf32>
        %add3A_815 = arith.constant 6 : i32
        %add3A_816 = arith.addi %mul3A_225, %add3A_815 : i32
        %get3A_817 = arith.index_cast %add3A_816 : i32 to index
        %get3A_818 = arith.constant 48 : index
        %get3A_819 = tpu.vector_load %arg8[%get3A_817, %get3A_818] {strides = array<i32>} : memref<416x64xf32, #tpu.memory_space<vmem>>, vector<1x16xf32>,
        %get3A_820 = vector.shape_cast %get3A_819 : vector<1x16xf32> to vector<16xf32>
        %add3A_821 = arith.addf %add3A_814, %get3A_820 : vector<16xf32>
        %add3A_822 = arith.constant 7 : i32
        %add3A_823 = arith.addi %mul3A_225, %add3A_822 : i32
        %get3A_824 = arith.index_cast %add3A_823 : i32 to index
        %get3A_825 = arith.constant 48 : index
        %get3A_826 = tpu.vector_load %arg8[%get3A_824, %get3A_825] {strides = array<i32>} : memref<416x64xf32, #tpu.memory_space<vmem>>, vector<1x16xf32>,
        %get3A_827 = vector.shape_cast %get3A_826 : vector<1x16xf32> to vector<16xf32>
        %add3A_828 = arith.addf %add3A_821, %get3A_827 : vector<16xf32>
        %add3A_829 = arith.constant 8 : i32
        %add3A_830 = arith.addi %mul3A_225, %add3A_829 : i32
        %get3A_831 = arith.index_cast %add3A_830 : i32 to index
        %get3A_832 = arith.constant 48 : index
        %get3A_833 = tpu.vector_load %arg8[%get3A_831, %get3A_832] {strides = array<i32>} : memref<416x64xf32, #tpu.memory_space<vmem>>, vector<1x16xf32>,
        %get3A_834 = vector.shape_cast %get3A_833 : vector<1x16xf32> to vector<16xf32>
        %add3A_835 = arith.addf %add3A_828, %get3A_834 : vector<16xf32>
        %add3A_836 = arith.constant 9 : i32
        %add3A_837 = arith.addi %mul3A_225, %add3A_836 : i32
        %get3A_838 = arith.index_cast %add3A_837 : i32 to index
        %get3A_839 = arith.constant 48 : index
        %get3A_840 = tpu.vector_load %arg8[%get3A_838, %get3A_839] {strides = array<i32>} : memref<416x64xf32, #tpu.memory_space<vmem>>, vector<1x16xf32>,
        %get3A_841 = vector.shape_cast %get3A_840 : vector<1x16xf32> to vector<16xf32>
        %add3A_842 = arith.addf %add3A_835, %get3A_841 : vector<16xf32>
        %add3A_843 = arith.constant 10 : i32
        %add3A_844 = arith.addi %mul3A_225, %add3A_843 : i32
        %get3A_845 = arith.index_cast %add3A_844 : i32 to index
        %get3A_846 = arith.constant 48 : index
        %get3A_847 = tpu.vector_load %arg8[%get3A_845, %get3A_846] {strides = array<i32>} : memref<416x64xf32, #tpu.memory_space<vmem>>, vector<1x16xf32>,
        %get3A_848 = vector.shape_cast %get3A_847 : vector<1x16xf32> to vector<16xf32>
        %add3A_849 = arith.addf %add3A_842, %get3A_848 : vector<16xf32>
        %add3A_850 = arith.constant 11 : i32
        %add3A_851 = arith.addi %mul3A_225, %add3A_850 : i32
        %get3A_852 = arith.index_cast %add3A_851 : i32 to index
        %get3A_853 = arith.constant 48 : index
        %get3A_854 = tpu.vector_load %arg8[%get3A_852, %get3A_853] {strides = array<i32>} : memref<416x64xf32, #tpu.memory_space<vmem>>, vector<1x16xf32>,
        %get3A_855 = vector.shape_cast %get3A_854 : vector<1x16xf32> to vector<16xf32>
        %add3A_856 = arith.addf %add3A_849, %get3A_855 : vector<16xf32>
        %add3A_857 = arith.constant 12 : i32
        %add3A_858 = arith.addi %mul3A_225, %add3A_857 : i32
        %get3A_859 = arith.index_cast %add3A_858 : i32 to index
        %get3A_860 = arith.constant 48 : index
        %get3A_861 = tpu.vector_load %arg8[%get3A_859, %get3A_860] {strides = array<i32>} : memref<416x64xf32, #tpu.memory_space<vmem>>, vector<1x16xf32>,
        %get3A_862 = vector.shape_cast %get3A_861 : vector<1x16xf32> to vector<16xf32>
        %add3A_863 = arith.addf %add3A_856, %get3A_862 : vector<16xf32>
        %add3A_864 = arith.constant 13 : i32
        %add3A_865 = arith.addi %mul3A_225, %add3A_864 : i32
        %get3A_866 = arith.index_cast %add3A_865 : i32 to index
        %get3A_867 = arith.constant 48 : index
        %get3A_868 = tpu.vector_load %arg8[%get3A_866, %get3A_867] {strides = array<i32>} : memref<416x64xf32, #tpu.memory_space<vmem>>, vector<1x16xf32>,
        %get3A_869 = vector.shape_cast %get3A_868 : vector<1x16xf32> to vector<16xf32>
        %add3A_870 = arith.addf %add3A_863, %get3A_869 : vector<16xf32>
        %add3A_871 = arith.constant 14 : i32
        %add3A_872 = arith.addi %mul3A_225, %add3A_871 : i32
        %get3A_873 = arith.index_cast %add3A_872 : i32 to index
        %get3A_874 = arith.constant 48 : index
        %get3A_875 = tpu.vector_load %arg8[%get3A_873, %get3A_874] {strides = array<i32>} : memref<416x64xf32, #tpu.memory_space<vmem>>, vector<1x16xf32>,
        %get3A_876 = vector.shape_cast %get3A_875 : vector<1x16xf32> to vector<16xf32>
        %add3A_877 = arith.addf %add3A_870, %get3A_876 : vector<16xf32>
        %add3A_878 = arith.constant 15 : i32
        %add3A_879 = arith.addi %mul3A_225, %add3A_878 : i32
        %get3A_880 = arith.index_cast %add3A_879 : i32 to index
        %get3A_881 = arith.constant 48 : index
        %get3A_882 = tpu.vector_load %arg8[%get3A_880, %get3A_881] {strides = array<i32>} : memref<416x64xf32, #tpu.memory_space<vmem>>, vector<1x16xf32>,
        %get3A_883 = vector.shape_cast %get3A_882 : vector<1x16xf32> to vector<16xf32>
        %add3A_884 = arith.addf %add3A_877, %get3A_883 : vector<16xf32>
        %add3A_885 = arith.constant 16 : i32
        %add3A_886 = arith.addi %mul3A_225, %add3A_885 : i32
        %get3A_887 = arith.index_cast %add3A_886 : i32 to index
        %get3A_888 = arith.constant 48 : index
        %get3A_889 = tpu.vector_load %arg8[%get3A_887, %get3A_888] {strides = array<i32>} : memref<416x64xf32, #tpu.memory_space<vmem>>, vector<1x16xf32>,
        %get3A_890 = vector.shape_cast %get3A_889 : vector<1x16xf32> to vector<16xf32>
        %add3A_891 = arith.addf %add3A_884, %get3A_890 : vector<16xf32>
        %add3A_892 = arith.constant 17 : i32
        %add3A_893 = arith.addi %mul3A_225, %add3A_892 : i32
        %get3A_894 = arith.index_cast %add3A_893 : i32 to index
        %get3A_895 = arith.constant 48 : index
        %get3A_896 = tpu.vector_load %arg8[%get3A_894, %get3A_895] {strides = array<i32>} : memref<416x64xf32, #tpu.memory_space<vmem>>, vector<1x16xf32>,
        %get3A_897 = vector.shape_cast %get3A_896 : vector<1x16xf32> to vector<16xf32>
        %add3A_898 = arith.addf %add3A_891, %get3A_897 : vector<16xf32>
        %add3A_899 = arith.constant 18 : i32
        %add3A_900 = arith.addi %mul3A_225, %add3A_899 : i32
        %get3A_901 = arith.index_cast %add3A_900 : i32 to index
        %get3A_902 = arith.constant 48 : index
        %get3A_903 = tpu.vector_load %arg8[%get3A_901, %get3A_902] {strides = array<i32>} : memref<416x64xf32, #tpu.memory_space<vmem>>, vector<1x16xf32>,
        %get3A_904 = vector.shape_cast %get3A_903 : vector<1x16xf32> to vector<16xf32>
        %add3A_905 = arith.addf %add3A_898, %get3A_904 : vector<16xf32>
        %add3A_906 = arith.constant 19 : i32
        %add3A_907 = arith.addi %mul3A_225, %add3A_906 : i32
        %get3A_908 = arith.index_cast %add3A_907 : i32 to index
        %get3A_909 = arith.constant 48 : index
        %get3A_910 = tpu.vector_load %arg8[%get3A_908, %get3A_909] {strides = array<i32>} : memref<416x64xf32, #tpu.memory_space<vmem>>, vector<1x16xf32>,
        %get3A_911 = vector.shape_cast %get3A_910 : vector<1x16xf32> to vector<16xf32>
        %add3A_912 = arith.addf %add3A_905, %get3A_911 : vector<16xf32>
        %add3A_913 = arith.constant 20 : i32
        %add3A_914 = arith.addi %mul3A_225, %add3A_913 : i32
        %get3A_915 = arith.index_cast %add3A_914 : i32 to index
        %get3A_916 = arith.constant 48 : index
        %get3A_917 = tpu.vector_load %arg8[%get3A_915, %get3A_916] {strides = array<i32>} : memref<416x64xf32, #tpu.memory_space<vmem>>, vector<1x16xf32>,
        %get3A_918 = vector.shape_cast %get3A_917 : vector<1x16xf32> to vector<16xf32>
        %add3A_919 = arith.addf %add3A_912, %get3A_918 : vector<16xf32>
        %add3A_920 = arith.constant 21 : i32
        %add3A_921 = arith.addi %mul3A_225, %add3A_920 : i32
        %get3A_922 = arith.index_cast %add3A_921 : i32 to index
        %get3A_923 = arith.constant 48 : index
        %get3A_924 = tpu.vector_load %arg8[%get3A_922, %get3A_923] {strides = array<i32>} : memref<416x64xf32, #tpu.memory_space<vmem>>, vector<1x16xf32>,
        %get3A_925 = vector.shape_cast %get3A_924 : vector<1x16xf32> to vector<16xf32>
        %add3A_926 = arith.addf %add3A_919, %get3A_925 : vector<16xf32>
        %add3A_927 = arith.constant 22 : i32
        %add3A_928 = arith.addi %mul3A_225, %add3A_927 : i32
        %get3A_929 = arith.index_cast %add3A_928 : i32 to index
        %get3A_930 = arith.constant 48 : index
        %get3A_931 = tpu.vector_load %arg8[%get3A_929, %get3A_930] {strides = array<i32>} : memref<416x64xf32, #tpu.memory_space<vmem>>, vector<1x16xf32>,
        %get3A_932 = vector.shape_cast %get3A_931 : vector<1x16xf32> to vector<16xf32>
        %add3A_933 = arith.addf %add3A_926, %get3A_932 : vector<16xf32>
        %add3A_934 = arith.constant 23 : i32
        %add3A_935 = arith.addi %mul3A_225, %add3A_934 : i32
        %get3A_936 = arith.index_cast %add3A_935 : i32 to index
        %get3A_937 = arith.constant 48 : index
        %get3A_938 = tpu.vector_load %arg8[%get3A_936, %get3A_937] {strides = array<i32>} : memref<416x64xf32, #tpu.memory_space<vmem>>, vector<1x16xf32>,
        %get3A_939 = vector.shape_cast %get3A_938 : vector<1x16xf32> to vector<16xf32>
        %add3A_940 = arith.addf %add3A_933, %get3A_939 : vector<16xf32>
        %add3A_941 = arith.constant 24 : i32
        %add3A_942 = arith.addi %mul3A_225, %add3A_941 : i32
        %get3A_943 = arith.index_cast %add3A_942 : i32 to index
        %get3A_944 = arith.constant 48 : index
        %get3A_945 = tpu.vector_load %arg8[%get3A_943, %get3A_944] {strides = array<i32>} : memref<416x64xf32, #tpu.memory_space<vmem>>, vector<1x16xf32>,
        %get3A_946 = vector.shape_cast %get3A_945 : vector<1x16xf32> to vector<16xf32>
        %add3A_947 = arith.addf %add3A_940, %get3A_946 : vector<16xf32>
        %add3A_948 = arith.constant 25 : i32
        %add3A_949 = arith.addi %mul3A_225, %add3A_948 : i32
        %get3A_950 = arith.index_cast %add3A_949 : i32 to index
        %get3A_951 = arith.constant 48 : index
        %get3A_952 = tpu.vector_load %arg8[%get3A_950, %get3A_951] {strides = array<i32>} : memref<416x64xf32, #tpu.memory_space<vmem>>, vector<1x16xf32>,
        %get3A_953 = vector.shape_cast %get3A_952 : vector<1x16xf32> to vector<16xf32>
        %add3A_954 = arith.addf %add3A_947, %get3A_953 : vector<16xf32>
        %swap3A_955 = arith.index_cast %scan3A_223 : i32 to index
        %swap3A_956 = arith.constant 48 : index
        %swap3A_957 = tpu.vector_load %arg10[%swap3A_955, %swap3A_956] {strides = array<i32>} : memref<16x80xf32, #tpu.memory_space<vmem>>, vector<1x16xf32>,
        %swap3A_958 = vector.shape_cast %swap3A_957 : vector<1x16xf32> to vector<16xf32>
        %swap3A_959 = vector.shape_cast %add3A_954 : vector<16xf32> to vector<1x16xf32>
        tpu.vector_store %arg10[%swap3A_955, %swap3A_956], %swap3A_959 {strides = array<i32>} : memref<16x80xf32, #tpu.memory_space<vmem>>, vector<1x16xf32>,
        %mul3A_960 = arith.constant 16 : i32
        %mul3A_961 = arith.muli %add3A_64, %mul3A_960 : i32
        %add3A_962 = arith.addi %mul3A_961, %scan3A_223 : i32
        %get3A_963 = arith.index_cast %add3A_962 : i32 to index
        %get3A_964 = arith.constant 0 : index
        %get3A_965 = tpu.vector_load %arg7[%get3A_963, %get3A_964] {strides = array<i32>} : memref<1600x16xf32, #tpu.memory_space<vmem>>, vector<1x16xf32>,
        %get3A_966 = vector.shape_cast %get3A_965 : vector<1x16xf32> to vector<16xf32>
        %swap3A_967 = arith.index_cast %scan3A_223 : i32 to index
        %swap3A_968 = arith.constant 64 : index
        %swap3A_969 = tpu.vector_load %arg10[%swap3A_967, %swap3A_968] {strides = array<i32>} : memref<16x80xf32, #tpu.memory_space<vmem>>, vector<1x16xf32>,
        %swap3A_970 = vector.shape_cast %swap3A_969 : vector<1x16xf32> to vector<16xf32>
        %swap3A_971 = vector.shape_cast %get3A_966 : vector<16xf32> to vector<1x16xf32>
        tpu.vector_store %arg10[%swap3A_967, %swap3A_968], %swap3A_971 {strides = array<i32>} : memref<16x80xf32, #tpu.memory_space<vmem>>, vector<1x16xf32>,
        %scan3A_972 = arith.constant 1 : i32
        %scan3A_973 = arith.addi %scan3A_223, %scan3A_972 : i32
        %mul3A_974 = arith.constant 26 : i32
        %mul3A_975 = arith.muli %scan3A_973, %mul3A_974 : i32
        %get3A_976 = arith.index_cast %mul3A_975 : i32 to index
        %get3A_977 = arith.constant 0 : index
        %get3A_978 = tpu.vector_load %arg8[%get3A_976, %get3A_977] {strides = array<i32>} : memref<416x64xf32, #tpu.memory_space<vmem>>, vector<1x16xf32>,
        %get3A_979 = vector.shape_cast %get3A_978 : vector<1x16xf32> to vector<16xf32>
        %add3A_980 = arith.constant 1 : i32
        %add3A_981 = arith.addi %mul3A_975, %add3A_980 : i32
        %get3A_982 = arith.index_cast %add3A_981 : i32 to index
        %get3A_983 = arith.constant 0 : index
        %get3A_984 = tpu.vector_load %arg8[%get3A_982, %get3A_983] {strides = array<i32>} : memref<416x64xf32, #tpu.memory_space<vmem>>, vector<1x16xf32>,
        %get3A_985 = vector.shape_cast %get3A_984 : vector<1x16xf32> to vector<16xf32>
        %add3A_986 = arith.addf %get3A_979, %get3A_985 : vector<16xf32>
        %add3A_987 = arith.constant 2 : i32
        %add3A_988 = arith.addi %mul3A_975, %add3A_987 : i32
        %get3A_989 = arith.index_cast %add3A_988 : i32 to index
        %get3A_990 = arith.constant 0 : index
        %get3A_991 = tpu.vector_load %arg8[%get3A_989, %get3A_990] {strides = array<i32>} : memref<416x64xf32, #tpu.memory_space<vmem>>, vector<1x16xf32>,
        %get3A_992 = vector.shape_cast %get3A_991 : vector<1x16xf32> to vector<16xf32>
        %add3A_993 = arith.addf %add3A_986, %get3A_992 : vector<16xf32>
        %add3A_994 = arith.constant 3 : i32
        %add3A_995 = arith.addi %mul3A_975, %add3A_994 : i32
        %get3A_996 = arith.index_cast %add3A_995 : i32 to index
        %get3A_997 = arith.constant 0 : index
        %get3A_998 = tpu.vector_load %arg8[%get3A_996, %get3A_997] {strides = array<i32>} : memref<416x64xf32, #tpu.memory_space<vmem>>, vector<1x16xf32>,
        %get3A_999 = vector.shape_cast %get3A_998 : vector<1x16xf32> to vector<16xf32>
        %add3A_1000 = arith.addf %add3A_993, %get3A_999 : vector<16xf32>
        %add3A_1001 = arith.constant 4 : i32
        %add3A_1002 = arith.addi %mul3A_975, %add3A_1001 : i32
        %get3A_1003 = arith.index_cast %add3A_1002 : i32 to index
        %get3A_1004 = arith.constant 0 : index
        %get3A_1005 = tpu.vector_load %arg8[%get3A_1003, %get3A_1004] {strides = array<i32>} : memref<416x64xf32, #tpu.memory_space<vmem>>, vector<1x16xf32>,
        %get3A_1006 = vector.shape_cast %get3A_1005 : vector<1x16xf32> to vector<16xf32>
        %add3A_1007 = arith.addf %add3A_1000, %get3A_1006 : vector<16xf32>
        %add3A_1008 = arith.constant 5 : i32
        %add3A_1009 = arith.addi %mul3A_975, %add3A_1008 : i32
        %get3A_1010 = arith.index_cast %add3A_1009 : i32 to index
        %get3A_1011 = arith.constant 0 : index
        %get3A_1012 = tpu.vector_load %arg8[%get3A_1010, %get3A_1011] {strides = array<i32>} : memref<416x64xf32, #tpu.memory_space<vmem>>, vector<1x16xf32>,
        %get3A_1013 = vector.shape_cast %get3A_1012 : vector<1x16xf32> to vector<16xf32>
        %add3A_1014 = arith.addf %add3A_1007, %get3A_1013 : vector<16xf32>
        %add3A_1015 = arith.constant 6 : i32
        %add3A_1016 = arith.addi %mul3A_975, %add3A_1015 : i32
        %get3A_1017 = arith.index_cast %add3A_1016 : i32 to index
        %get3A_1018 = arith.constant 0 : index
        %get3A_1019 = tpu.vector_load %arg8[%get3A_1017, %get3A_1018] {strides = array<i32>} : memref<416x64xf32, #tpu.memory_space<vmem>>, vector<1x16xf32>,
        %get3A_1020 = vector.shape_cast %get3A_1019 : vector<1x16xf32> to vector<16xf32>
        %add3A_1021 = arith.addf %add3A_1014, %get3A_1020 : vector<16xf32>
        %add3A_1022 = arith.constant 7 : i32
        %add3A_1023 = arith.addi %mul3A_975, %add3A_1022 : i32
        %get3A_1024 = arith.index_cast %add3A_1023 : i32 to index
        %get3A_1025 = arith.constant 0 : index
        %get3A_1026 = tpu.vector_load %arg8[%get3A_1024, %get3A_1025] {strides = array<i32>} : memref<416x64xf32, #tpu.memory_space<vmem>>, vector<1x16xf32>,
        %get3A_1027 = vector.shape_cast %get3A_1026 : vector<1x16xf32> to vector<16xf32>
        %add3A_1028 = arith.addf %add3A_1021, %get3A_1027 : vector<16xf32>
        %add3A_1029 = arith.constant 8 : i32
        %add3A_1030 = arith.addi %mul3A_975, %add3A_1029 : i32
        %get3A_1031 = arith.index_cast %add3A_1030 : i32 to index
        %get3A_1032 = arith.constant 0 : index
        %get3A_1033 = tpu.vector_load %arg8[%get3A_1031, %get3A_1032] {strides = array<i32>} : memref<416x64xf32, #tpu.memory_space<vmem>>, vector<1x16xf32>,
        %get3A_1034 = vector.shape_cast %get3A_1033 : vector<1x16xf32> to vector<16xf32>
        %add3A_1035 = arith.addf %add3A_1028, %get3A_1034 : vector<16xf32>
        %add3A_1036 = arith.constant 9 : i32
        %add3A_1037 = arith.addi %mul3A_975, %add3A_1036 : i32
        %get3A_1038 = arith.index_cast %add3A_1037 : i32 to index
        %get3A_1039 = arith.constant 0 : index
        %get3A_1040 = tpu.vector_load %arg8[%get3A_1038, %get3A_1039] {strides = array<i32>} : memref<416x64xf32, #tpu.memory_space<vmem>>, vector<1x16xf32>,
        %get3A_1041 = vector.shape_cast %get3A_1040 : vector<1x16xf32> to vector<16xf32>
        %add3A_1042 = arith.addf %add3A_1035, %get3A_1041 : vector<16xf32>
        %add3A_1043 = arith.constant 10 : i32
        %add3A_1044 = arith.addi %mul3A_975, %add3A_1043 : i32
        %get3A_1045 = arith.index_cast %add3A_1044 : i32 to index
        %get3A_1046 = arith.constant 0 : index
        %get3A_1047 = tpu.vector_load %arg8[%get3A_1045, %get3A_1046] {strides = array<i32>} : memref<416x64xf32, #tpu.memory_space<vmem>>, vector<1x16xf32>,
        %get3A_1048 = vector.shape_cast %get3A_1047 : vector<1x16xf32> to vector<16xf32>
        %add3A_1049 = arith.addf %add3A_1042, %get3A_1048 : vector<16xf32>
        %add3A_1050 = arith.constant 11 : i32
        %add3A_1051 = arith.addi %mul3A_975, %add3A_1050 : i32
        %get3A_1052 = arith.index_cast %add3A_1051 : i32 to index
        %get3A_1053 = arith.constant 0 : index
        %get3A_1054 = tpu.vector_load %arg8[%get3A_1052, %get3A_1053] {strides = array<i32>} : memref<416x64xf32, #tpu.memory_space<vmem>>, vector<1x16xf32>,
        %get3A_1055 = vector.shape_cast %get3A_1054 : vector<1x16xf32> to vector<16xf32>
        %add3A_1056 = arith.addf %add3A_1049, %get3A_1055 : vector<16xf32>
        %add3A_1057 = arith.constant 12 : i32
        %add3A_1058 = arith.addi %mul3A_975, %add3A_1057 : i32
        %get3A_1059 = arith.index_cast %add3A_1058 : i32 to index
        %get3A_1060 = arith.constant 0 : index
        %get3A_1061 = tpu.vector_load %arg8[%get3A_1059, %get3A_1060] {strides = array<i32>} : memref<416x64xf32, #tpu.memory_space<vmem>>, vector<1x16xf32>,
        %get3A_1062 = vector.shape_cast %get3A_1061 : vector<1x16xf32> to vector<16xf32>
        %add3A_1063 = arith.addf %add3A_1056, %get3A_1062 : vector<16xf32>
        %add3A_1064 = arith.constant 13 : i32
        %add3A_1065 = arith.addi %mul3A_975, %add3A_1064 : i32
        %get3A_1066 = arith.index_cast %add3A_1065 : i32 to index
        %get3A_1067 = arith.constant 0 : index
        %get3A_1068 = tpu.vector_load %arg8[%get3A_1066, %get3A_1067] {strides = array<i32>} : memref<416x64xf32, #tpu.memory_space<vmem>>, vector<1x16xf32>,
        %get3A_1069 = vector.shape_cast %get3A_1068 : vector<1x16xf32> to vector<16xf32>
        %add3A_1070 = arith.addf %add3A_1063, %get3A_1069 : vector<16xf32>
        %add3A_1071 = arith.constant 14 : i32
        %add3A_1072 = arith.addi %mul3A_975, %add3A_1071 : i32
        %get3A_1073 = arith.index_cast %add3A_1072 : i32 to index
        %get3A_1074 = arith.constant 0 : index
        %get3A_1075 = tpu.vector_load %arg8[%get3A_1073, %get3A_1074] {strides = array<i32>} : memref<416x64xf32, #tpu.memory_space<vmem>>, vector<1x16xf32>,
        %get3A_1076 = vector.shape_cast %get3A_1075 : vector<1x16xf32> to vector<16xf32>
        %add3A_1077 = arith.addf %add3A_1070, %get3A_1076 : vector<16xf32>
        %add3A_1078 = arith.constant 15 : i32
        %add3A_1079 = arith.addi %mul3A_975, %add3A_1078 : i32
        %get3A_1080 = arith.index_cast %add3A_1079 : i32 to index
        %get3A_1081 = arith.constant 0 : index
        %get3A_1082 = tpu.vector_load %arg8[%get3A_1080, %get3A_1081] {strides = array<i32>} : memref<416x64xf32, #tpu.memory_space<vmem>>, vector<1x16xf32>,
        %get3A_1083 = vector.shape_cast %get3A_1082 : vector<1x16xf32> to vector<16xf32>
        %add3A_1084 = arith.addf %add3A_1077, %get3A_1083 : vector<16xf32>
        %add3A_1085 = arith.constant 16 : i32
        %add3A_1086 = arith.addi %mul3A_975, %add3A_1085 : i32
        %get3A_1087 = arith.index_cast %add3A_1086 : i32 to index
        %get3A_1088 = arith.constant 0 : index
        %get3A_1089 = tpu.vector_load %arg8[%get3A_1087, %get3A_1088] {strides = array<i32>} : memref<416x64xf32, #tpu.memory_space<vmem>>, vector<1x16xf32>,
        %get3A_1090 = vector.shape_cast %get3A_1089 : vector<1x16xf32> to vector<16xf32>
        %add3A_1091 = arith.addf %add3A_1084, %get3A_1090 : vector<16xf32>
        %add3A_1092 = arith.constant 17 : i32
        %add3A_1093 = arith.addi %mul3A_975, %add3A_1092 : i32
        %get3A_1094 = arith.index_cast %add3A_1093 : i32 to index
        %get3A_1095 = arith.constant 0 : index
        %get3A_1096 = tpu.vector_load %arg8[%get3A_1094, %get3A_1095] {strides = array<i32>} : memref<416x64xf32, #tpu.memory_space<vmem>>, vector<1x16xf32>,
        %get3A_1097 = vector.shape_cast %get3A_1096 : vector<1x16xf32> to vector<16xf32>
        %add3A_1098 = arith.addf %add3A_1091, %get3A_1097 : vector<16xf32>
        %add3A_1099 = arith.constant 18 : i32
        %add3A_1100 = arith.addi %mul3A_975, %add3A_1099 : i32
        %get3A_1101 = arith.index_cast %add3A_1100 : i32 to index
        %get3A_1102 = arith.constant 0 : index
        %get3A_1103 = tpu.vector_load %arg8[%get3A_1101, %get3A_1102] {strides = array<i32>} : memref<416x64xf32, #tpu.memory_space<vmem>>, vector<1x16xf32>,
        %get3A_1104 = vector.shape_cast %get3A_1103 : vector<1x16xf32> to vector<16xf32>
        %add3A_1105 = arith.addf %add3A_1098, %get3A_1104 : vector<16xf32>
        %add3A_1106 = arith.constant 19 : i32
        %add3A_1107 = arith.addi %mul3A_975, %add3A_1106 : i32
        %get3A_1108 = arith.index_cast %add3A_1107 : i32 to index
        %get3A_1109 = arith.constant 0 : index
        %get3A_1110 = tpu.vector_load %arg8[%get3A_1108, %get3A_1109] {strides = array<i32>} : memref<416x64xf32, #tpu.memory_space<vmem>>, vector<1x16xf32>,
        %get3A_1111 = vector.shape_cast %get3A_1110 : vector<1x16xf32> to vector<16xf32>
        %add3A_1112 = arith.addf %add3A_1105, %get3A_1111 : vector<16xf32>
        %add3A_1113 = arith.constant 20 : i32
        %add3A_1114 = arith.addi %mul3A_975, %add3A_1113 : i32
        %get3A_1115 = arith.index_cast %add3A_1114 : i32 to index
        %get3A_1116 = arith.constant 0 : index
        %get3A_1117 = tpu.vector_load %arg8[%get3A_1115, %get3A_1116] {strides = array<i32>} : memref<416x64xf32, #tpu.memory_space<vmem>>, vector<1x16xf32>,
        %get3A_1118 = vector.shape_cast %get3A_1117 : vector<1x16xf32> to vector<16xf32>
        %add3A_1119 = arith.addf %add3A_1112, %get3A_1118 : vector<16xf32>
        %add3A_1120 = arith.constant 21 : i32
        %add3A_1121 = arith.addi %mul3A_975, %add3A_1120 : i32
        %get3A_1122 = arith.index_cast %add3A_1121 : i32 to index
        %get3A_1123 = arith.constant 0 : index
        %get3A_1124 = tpu.vector_load %arg8[%get3A_1122, %get3A_1123] {strides = array<i32>} : memref<416x64xf32, #tpu.memory_space<vmem>>, vector<1x16xf32>,
        %get3A_1125 = vector.shape_cast %get3A_1124 : vector<1x16xf32> to vector<16xf32>
        %add3A_1126 = arith.addf %add3A_1119, %get3A_1125 : vector<16xf32>
        %add3A_1127 = arith.constant 22 : i32
        %add3A_1128 = arith.addi %mul3A_975, %add3A_1127 : i32
        %get3A_1129 = arith.index_cast %add3A_1128 : i32 to index
        %get3A_1130 = arith.constant 0 : index
        %get3A_1131 = tpu.vector_load %arg8[%get3A_1129, %get3A_1130] {strides = array<i32>} : memref<416x64xf32, #tpu.memory_space<vmem>>, vector<1x16xf32>,
        %get3A_1132 = vector.shape_cast %get3A_1131 : vector<1x16xf32> to vector<16xf32>
        %add3A_1133 = arith.addf %add3A_1126, %get3A_1132 : vector<16xf32>
        %add3A_1134 = arith.constant 23 : i32
        %add3A_1135 = arith.addi %mul3A_975, %add3A_1134 : i32
        %get3A_1136 = arith.index_cast %add3A_1135 : i32 to index
        %get3A_1137 = arith.constant 0 : index
        %get3A_1138 = tpu.vector_load %arg8[%get3A_1136, %get3A_1137] {strides = array<i32>} : memref<416x64xf32, #tpu.memory_space<vmem>>, vector<1x16xf32>,
        %get3A_1139 = vector.shape_cast %get3A_1138 : vector<1x16xf32> to vector<16xf32>
        %add3A_1140 = arith.addf %add3A_1133, %get3A_1139 : vector<16xf32>
        %add3A_1141 = arith.constant 24 : i32
        %add3A_1142 = arith.addi %mul3A_975, %add3A_1141 : i32
        %get3A_1143 = arith.index_cast %add3A_1142 : i32 to index
        %get3A_1144 = arith.constant 0 : index
        %get3A_1145 = tpu.vector_load %arg8[%get3A_1143, %get3A_1144] {strides = array<i32>} : memref<416x64xf32, #tpu.memory_space<vmem>>, vector<1x16xf32>,
        %get3A_1146 = vector.shape_cast %get3A_1145 : vector<1x16xf32> to vector<16xf32>
        %add3A_1147 = arith.addf %add3A_1140, %get3A_1146 : vector<16xf32>
        %add3A_1148 = arith.constant 25 : i32
        %add3A_1149 = arith.addi %mul3A_975, %add3A_1148 : i32
        %get3A_1150 = arith.index_cast %add3A_1149 : i32 to index
        %get3A_1151 = arith.constant 0 : index
        %get3A_1152 = tpu.vector_load %arg8[%get3A_1150, %get3A_1151] {strides = array<i32>} : memref<416x64xf32, #tpu.memory_space<vmem>>, vector<1x16xf32>,
        %get3A_1153 = vector.shape_cast %get3A_1152 : vector<1x16xf32> to vector<16xf32>
        %add3A_1154 = arith.addf %add3A_1147, %get3A_1153 : vector<16xf32>
        %swap3A_1155 = arith.index_cast %scan3A_973 : i32 to index
        %swap3A_1156 = arith.constant 0 : index
        %swap3A_1157 = tpu.vector_load %arg10[%swap3A_1155, %swap3A_1156] {strides = array<i32>} : memref<16x80xf32, #tpu.memory_space<vmem>>, vector<1x16xf32>,
        %swap3A_1158 = vector.shape_cast %swap3A_1157 : vector<1x16xf32> to vector<16xf32>
        %swap3A_1159 = vector.shape_cast %add3A_1154 : vector<16xf32> to vector<1x16xf32>
        tpu.vector_store %arg10[%swap3A_1155, %swap3A_1156], %swap3A_1159 {strides = array<i32>} : memref<16x80xf32, #tpu.memory_space<vmem>>, vector<1x16xf32>,
        %get3A_1160 = arith.index_cast %mul3A_975 : i32 to index
        %get3A_1161 = arith.constant 16 : index
        %get3A_1162 = tpu.vector_load %arg8[%get3A_1160, %get3A_1161] {strides = array<i32>} : memref<416x64xf32, #tpu.memory_space<vmem>>, vector<1x16xf32>,
        %get3A_1163 = vector.shape_cast %get3A_1162 : vector<1x16xf32> to vector<16xf32>
        %add3A_1164 = arith.constant 1 : i32
        %add3A_1165 = arith.addi %mul3A_975, %add3A_1164 : i32
        %get3A_1166 = arith.index_cast %add3A_1165 : i32 to index
        %get3A_1167 = arith.constant 16 : index
        %get3A_1168 = tpu.vector_load %arg8[%get3A_1166, %get3A_1167] {strides = array<i32>} : memref<416x64xf32, #tpu.memory_space<vmem>>, vector<1x16xf32>,
        %get3A_1169 = vector.shape_cast %get3A_1168 : vector<1x16xf32> to vector<16xf32>
        %add3A_1170 = arith.addf %get3A_1163, %get3A_1169 : vector<16xf32>
        %add3A_1171 = arith.constant 2 : i32
        %add3A_1172 = arith.addi %mul3A_975, %add3A_1171 : i32
        %get3A_1173 = arith.index_cast %add3A_1172 : i32 to index
        %get3A_1174 = arith.constant 16 : index
        %get3A_1175 = tpu.vector_load %arg8[%get3A_1173, %get3A_1174] {strides = array<i32>} : memref<416x64xf32, #tpu.memory_space<vmem>>, vector<1x16xf32>,
        %get3A_1176 = vector.shape_cast %get3A_1175 : vector<1x16xf32> to vector<16xf32>
        %add3A_1177 = arith.addf %add3A_1170, %get3A_1176 : vector<16xf32>
        %add3A_1178 = arith.constant 3 : i32
        %add3A_1179 = arith.addi %mul3A_975, %add3A_1178 : i32
        %get3A_1180 = arith.index_cast %add3A_1179 : i32 to index
        %get3A_1181 = arith.constant 16 : index
        %get3A_1182 = tpu.vector_load %arg8[%get3A_1180, %get3A_1181] {strides = array<i32>} : memref<416x64xf32, #tpu.memory_space<vmem>>, vector<1x16xf32>,
        %get3A_1183 = vector.shape_cast %get3A_1182 : vector<1x16xf32> to vector<16xf32>
        %add3A_1184 = arith.addf %add3A_1177, %get3A_1183 : vector<16xf32>
        %add3A_1185 = arith.constant 4 : i32
        %add3A_1186 = arith.addi %mul3A_975, %add3A_1185 : i32
        %get3A_1187 = arith.index_cast %add3A_1186 : i32 to index
        %get3A_1188 = arith.constant 16 : index
        %get3A_1189 = tpu.vector_load %arg8[%get3A_1187, %get3A_1188] {strides = array<i32>} : memref<416x64xf32, #tpu.memory_space<vmem>>, vector<1x16xf32>,
        %get3A_1190 = vector.shape_cast %get3A_1189 : vector<1x16xf32> to vector<16xf32>
        %add3A_1191 = arith.addf %add3A_1184, %get3A_1190 : vector<16xf32>
        %add3A_1192 = arith.constant 5 : i32
        %add3A_1193 = arith.addi %mul3A_975, %add3A_1192 : i32
        %get3A_1194 = arith.index_cast %add3A_1193 : i32 to index
        %get3A_1195 = arith.constant 16 : index
        %get3A_1196 = tpu.vector_load %arg8[%get3A_1194, %get3A_1195] {strides = array<i32>} : memref<416x64xf32, #tpu.memory_space<vmem>>, vector<1x16xf32>,
        %get3A_1197 = vector.shape_cast %get3A_1196 : vector<1x16xf32> to vector<16xf32>
        %add3A_1198 = arith.addf %add3A_1191, %get3A_1197 : vector<16xf32>
        %add3A_1199 = arith.constant 6 : i32
        %add3A_1200 = arith.addi %mul3A_975, %add3A_1199 : i32
        %get3A_1201 = arith.index_cast %add3A_1200 : i32 to index
        %get3A_1202 = arith.constant 16 : index
        %get3A_1203 = tpu.vector_load %arg8[%get3A_1201, %get3A_1202] {strides = array<i32>} : memref<416x64xf32, #tpu.memory_space<vmem>>, vector<1x16xf32>,
        %get3A_1204 = vector.shape_cast %get3A_1203 : vector<1x16xf32> to vector<16xf32>
        %add3A_1205 = arith.addf %add3A_1198, %get3A_1204 : vector<16xf32>
        %add3A_1206 = arith.constant 7 : i32
        %add3A_1207 = arith.addi %mul3A_975, %add3A_1206 : i32
        %get3A_1208 = arith.index_cast %add3A_1207 : i32 to index
        %get3A_1209 = arith.constant 16 : index
        %get3A_1210 = tpu.vector_load %arg8[%get3A_1208, %get3A_1209] {strides = array<i32>} : memref<416x64xf32, #tpu.memory_space<vmem>>, vector<1x16xf32>,
        %get3A_1211 = vector.shape_cast %get3A_1210 : vector<1x16xf32> to vector<16xf32>
        %add3A_1212 = arith.addf %add3A_1205, %get3A_1211 : vector<16xf32>
        %add3A_1213 = arith.constant 8 : i32
        %add3A_1214 = arith.addi %mul3A_975, %add3A_1213 : i32
        %get3A_1215 = arith.index_cast %add3A_1214 : i32 to index
        %get3A_1216 = arith.constant 16 : index
        %get3A_1217 = tpu.vector_load %arg8[%get3A_1215, %get3A_1216] {strides = array<i32>} : memref<416x64xf32, #tpu.memory_space<vmem>>, vector<1x16xf32>,
        %get3A_1218 = vector.shape_cast %get3A_1217 : vector<1x16xf32> to vector<16xf32>
        %add3A_1219 = arith.addf %add3A_1212, %get3A_1218 : vector<16xf32>
        %add3A_1220 = arith.constant 9 : i32
        %add3A_1221 = arith.addi %mul3A_975, %add3A_1220 : i32
        %get3A_1222 = arith.index_cast %add3A_1221 : i32 to index
        %get3A_1223 = arith.constant 16 : index
        %get3A_1224 = tpu.vector_load %arg8[%get3A_1222, %get3A_1223] {strides = array<i32>} : memref<416x64xf32, #tpu.memory_space<vmem>>, vector<1x16xf32>,
        %get3A_1225 = vector.shape_cast %get3A_1224 : vector<1x16xf32> to vector<16xf32>
        %add3A_1226 = arith.addf %add3A_1219, %get3A_1225 : vector<16xf32>
        %add3A_1227 = arith.constant 10 : i32
        %add3A_1228 = arith.addi %mul3A_975, %add3A_1227 : i32
        %get3A_1229 = arith.index_cast %add3A_1228 : i32 to index
        %get3A_1230 = arith.constant 16 : index
        %get3A_1231 = tpu.vector_load %arg8[%get3A_1229, %get3A_1230] {strides = array<i32>} : memref<416x64xf32, #tpu.memory_space<vmem>>, vector<1x16xf32>,
        %get3A_1232 = vector.shape_cast %get3A_1231 : vector<1x16xf32> to vector<16xf32>
        %add3A_1233 = arith.addf %add3A_1226, %get3A_1232 : vector<16xf32>
        %add3A_1234 = arith.constant 11 : i32
        %add3A_1235 = arith.addi %mul3A_975, %add3A_1234 : i32
        %get3A_1236 = arith.index_cast %add3A_1235 : i32 to index
        %get3A_1237 = arith.constant 16 : index
        %get3A_1238 = tpu.vector_load %arg8[%get3A_1236, %get3A_1237] {strides = array<i32>} : memref<416x64xf32, #tpu.memory_space<vmem>>, vector<1x16xf32>,
        %get3A_1239 = vector.shape_cast %get3A_1238 : vector<1x16xf32> to vector<16xf32>
        %add3A_1240 = arith.addf %add3A_1233, %get3A_1239 : vector<16xf32>
        %add3A_1241 = arith.constant 12 : i32
        %add3A_1242 = arith.addi %mul3A_975, %add3A_1241 : i32
        %get3A_1243 = arith.index_cast %add3A_1242 : i32 to index
        %get3A_1244 = arith.constant 16 : index
        %get3A_1245 = tpu.vector_load %arg8[%get3A_1243, %get3A_1244] {strides = array<i32>} : memref<416x64xf32, #tpu.memory_space<vmem>>, vector<1x16xf32>,
        %get3A_1246 = vector.shape_cast %get3A_1245 : vector<1x16xf32> to vector<16xf32>
        %add3A_1247 = arith.addf %add3A_1240, %get3A_1246 : vector<16xf32>
        %add3A_1248 = arith.constant 13 : i32
        %add3A_1249 = arith.addi %mul3A_975, %add3A_1248 : i32
        %get3A_1250 = arith.index_cast %add3A_1249 : i32 to index
        %get3A_1251 = arith.constant 16 : index
        %get3A_1252 = tpu.vector_load %arg8[%get3A_1250, %get3A_1251] {strides = array<i32>} : memref<416x64xf32, #tpu.memory_space<vmem>>, vector<1x16xf32>,
        %get3A_1253 = vector.shape_cast %get3A_1252 : vector<1x16xf32> to vector<16xf32>
        %add3A_1254 = arith.addf %add3A_1247, %get3A_1253 : vector<16xf32>
        %add3A_1255 = arith.constant 14 : i32
        %add3A_1256 = arith.addi %mul3A_975, %add3A_1255 : i32
        %get3A_1257 = arith.index_cast %add3A_1256 : i32 to index
        %get3A_1258 = arith.constant 16 : index
        %get3A_1259 = tpu.vector_load %arg8[%get3A_1257, %get3A_1258] {strides = array<i32>} : memref<416x64xf32, #tpu.memory_space<vmem>>, vector<1x16xf32>,
        %get3A_1260 = vector.shape_cast %get3A_1259 : vector<1x16xf32> to vector<16xf32>
        %add3A_1261 = arith.addf %add3A_1254, %get3A_1260 : vector<16xf32>
        %add3A_1262 = arith.constant 15 : i32
        %add3A_1263 = arith.addi %mul3A_975, %add3A_1262 : i32
        %get3A_1264 = arith.index_cast %add3A_1263 : i32 to index
        %get3A_1265 = arith.constant 16 : index
        %get3A_1266 = tpu.vector_load %arg8[%get3A_1264, %get3A_1265] {strides = array<i32>} : memref<416x64xf32, #tpu.memory_space<vmem>>, vector<1x16xf32>,
        %get3A_1267 = vector.shape_cast %get3A_1266 : vector<1x16xf32> to vector<16xf32>
        %add3A_1268 = arith.addf %add3A_1261, %get3A_1267 : vector<16xf32>
        %add3A_1269 = arith.constant 16 : i32
        %add3A_1270 = arith.addi %mul3A_975, %add3A_1269 : i32
        %get3A_1271 = arith.index_cast %add3A_1270 : i32 to index
        %get3A_1272 = arith.constant 16 : index
        %get3A_1273 = tpu.vector_load %arg8[%get3A_1271, %get3A_1272] {strides = array<i32>} : memref<416x64xf32, #tpu.memory_space<vmem>>, vector<1x16xf32>,
        %get3A_1274 = vector.shape_cast %get3A_1273 : vector<1x16xf32> to vector<16xf32>
        %add3A_1275 = arith.addf %add3A_1268, %get3A_1274 : vector<16xf32>
        %add3A_1276 = arith.constant 17 : i32
        %add3A_1277 = arith.addi %mul3A_975, %add3A_1276 : i32
        %get3A_1278 = arith.index_cast %add3A_1277 : i32 to index
        %get3A_1279 = arith.constant 16 : index
        %get3A_1280 = tpu.vector_load %arg8[%get3A_1278, %get3A_1279] {strides = array<i32>} : memref<416x64xf32, #tpu.memory_space<vmem>>, vector<1x16xf32>,
        %get3A_1281 = vector.shape_cast %get3A_1280 : vector<1x16xf32> to vector<16xf32>
        %add3A_1282 = arith.addf %add3A_1275, %get3A_1281 : vector<16xf32>
        %add3A_1283 = arith.constant 18 : i32
        %add3A_1284 = arith.addi %mul3A_975, %add3A_1283 : i32
        %get3A_1285 = arith.index_cast %add3A_1284 : i32 to index
        %get3A_1286 = arith.constant 16 : index
        %get3A_1287 = tpu.vector_load %arg8[%get3A_1285, %get3A_1286] {strides = array<i32>} : memref<416x64xf32, #tpu.memory_space<vmem>>, vector<1x16xf32>,
        %get3A_1288 = vector.shape_cast %get3A_1287 : vector<1x16xf32> to vector<16xf32>
        %add3A_1289 = arith.addf %add3A_1282, %get3A_1288 : vector<16xf32>
        %add3A_1290 = arith.constant 19 : i32
        %add3A_1291 = arith.addi %mul3A_975, %add3A_1290 : i32
        %get3A_1292 = arith.index_cast %add3A_1291 : i32 to index
        %get3A_1293 = arith.constant 16 : index
        %get3A_1294 = tpu.vector_load %arg8[%get3A_1292, %get3A_1293] {strides = array<i32>} : memref<416x64xf32, #tpu.memory_space<vmem>>, vector<1x16xf32>,
        %get3A_1295 = vector.shape_cast %get3A_1294 : vector<1x16xf32> to vector<16xf32>
        %add3A_1296 = arith.addf %add3A_1289, %get3A_1295 : vector<16xf32>
        %add3A_1297 = arith.constant 20 : i32
        %add3A_1298 = arith.addi %mul3A_975, %add3A_1297 : i32
        %get3A_1299 = arith.index_cast %add3A_1298 : i32 to index
        %get3A_1300 = arith.constant 16 : index
        %get3A_1301 = tpu.vector_load %arg8[%get3A_1299, %get3A_1300] {strides = array<i32>} : memref<416x64xf32, #tpu.memory_space<vmem>>, vector<1x16xf32>,
        %get3A_1302 = vector.shape_cast %get3A_1301 : vector<1x16xf32> to vector<16xf32>
        %add3A_1303 = arith.addf %add3A_1296, %get3A_1302 : vector<16xf32>
        %add3A_1304 = arith.constant 21 : i32
        %add3A_1305 = arith.addi %mul3A_975, %add3A_1304 : i32
        %get3A_1306 = arith.index_cast %add3A_1305 : i32 to index
        %get3A_1307 = arith.constant 16 : index
        %get3A_1308 = tpu.vector_load %arg8[%get3A_1306, %get3A_1307] {strides = array<i32>} : memref<416x64xf32, #tpu.memory_space<vmem>>, vector<1x16xf32>,
        %get3A_1309 = vector.shape_cast %get3A_1308 : vector<1x16xf32> to vector<16xf32>
        %add3A_1310 = arith.addf %add3A_1303, %get3A_1309 : vector<16xf32>
        %add3A_1311 = arith.constant 22 : i32
        %add3A_1312 = arith.addi %mul3A_975, %add3A_1311 : i32
        %get3A_1313 = arith.index_cast %add3A_1312 : i32 to index
        %get3A_1314 = arith.constant 16 : index
        %get3A_1315 = tpu.vector_load %arg8[%get3A_1313, %get3A_1314] {strides = array<i32>} : memref<416x64xf32, #tpu.memory_space<vmem>>, vector<1x16xf32>,
        %get3A_1316 = vector.shape_cast %get3A_1315 : vector<1x16xf32> to vector<16xf32>
        %add3A_1317 = arith.addf %add3A_1310, %get3A_1316 : vector<16xf32>
        %add3A_1318 = arith.constant 23 : i32
        %add3A_1319 = arith.addi %mul3A_975, %add3A_1318 : i32
        %get3A_1320 = arith.index_cast %add3A_1319 : i32 to index
        %get3A_1321 = arith.constant 16 : index
        %get3A_1322 = tpu.vector_load %arg8[%get3A_1320, %get3A_1321] {strides = array<i32>} : memref<416x64xf32, #tpu.memory_space<vmem>>, vector<1x16xf32>,
        %get3A_1323 = vector.shape_cast %get3A_1322 : vector<1x16xf32> to vector<16xf32>
        %add3A_1324 = arith.addf %add3A_1317, %get3A_1323 : vector<16xf32>
        %add3A_1325 = arith.constant 24 : i32
        %add3A_1326 = arith.addi %mul3A_975, %add3A_1325 : i32
        %get3A_1327 = arith.index_cast %add3A_1326 : i32 to index
        %get3A_1328 = arith.constant 16 : index
        %get3A_1329 = tpu.vector_load %arg8[%get3A_1327, %get3A_1328] {strides = array<i32>} : memref<416x64xf32, #tpu.memory_space<vmem>>, vector<1x16xf32>,
        %get3A_1330 = vector.shape_cast %get3A_1329 : vector<1x16xf32> to vector<16xf32>
        %add3A_1331 = arith.addf %add3A_1324, %get3A_1330 : vector<16xf32>
        %add3A_1332 = arith.constant 25 : i32
        %add3A_1333 = arith.addi %mul3A_975, %add3A_1332 : i32
        %get3A_1334 = arith.index_cast %add3A_1333 : i32 to index
        %get3A_1335 = arith.constant 16 : index
        %get3A_1336 = tpu.vector_load %arg8[%get3A_1334, %get3A_1335] {strides = array<i32>} : memref<416x64xf32, #tpu.memory_space<vmem>>, vector<1x16xf32>,
        %get3A_1337 = vector.shape_cast %get3A_1336 : vector<1x16xf32> to vector<16xf32>
        %add3A_1338 = arith.addf %add3A_1331, %get3A_1337 : vector<16xf32>
        %swap3A_1339 = arith.index_cast %scan3A_973 : i32 to index
        %swap3A_1340 = arith.constant 16 : index
        %swap3A_1341 = tpu.vector_load %arg10[%swap3A_1339, %swap3A_1340] {strides = array<i32>} : memref<16x80xf32, #tpu.memory_space<vmem>>, vector<1x16xf32>,
        %swap3A_1342 = vector.shape_cast %swap3A_1341 : vector<1x16xf32> to vector<16xf32>
        %swap3A_1343 = vector.shape_cast %add3A_1338 : vector<16xf32> to vector<1x16xf32>
        tpu.vector_store %arg10[%swap3A_1339, %swap3A_1340], %swap3A_1343 {strides = array<i32>} : memref<16x80xf32, #tpu.memory_space<vmem>>, vector<1x16xf32>,
        %get3A_1344 = arith.index_cast %mul3A_975 : i32 to index
        %get3A_1345 = arith.constant 32 : index
        %get3A_1346 = tpu.vector_load %arg8[%get3A_1344, %get3A_1345] {strides = array<i32>} : memref<416x64xf32, #tpu.memory_space<vmem>>, vector<1x16xf32>,
        %get3A_1347 = vector.shape_cast %get3A_1346 : vector<1x16xf32> to vector<16xf32>
        %add3A_1348 = arith.constant 1 : i32
        %add3A_1349 = arith.addi %mul3A_975, %add3A_1348 : i32
        %get3A_1350 = arith.index_cast %add3A_1349 : i32 to index
        %get3A_1351 = arith.constant 32 : index
        %get3A_1352 = tpu.vector_load %arg8[%get3A_1350, %get3A_1351] {strides = array<i32>} : memref<416x64xf32, #tpu.memory_space<vmem>>, vector<1x16xf32>,
        %get3A_1353 = vector.shape_cast %get3A_1352 : vector<1x16xf32> to vector<16xf32>
        %add3A_1354 = arith.addf %get3A_1347, %get3A_1353 : vector<16xf32>
        %add3A_1355 = arith.constant 2 : i32
        %add3A_1356 = arith.addi %mul3A_975, %add3A_1355 : i32
        %get3A_1357 = arith.index_cast %add3A_1356 : i32 to index
        %get3A_1358 = arith.constant 32 : index
        %get3A_1359 = tpu.vector_load %arg8[%get3A_1357, %get3A_1358] {strides = array<i32>} : memref<416x64xf32, #tpu.memory_space<vmem>>, vector<1x16xf32>,
        %get3A_1360 = vector.shape_cast %get3A_1359 : vector<1x16xf32> to vector<16xf32>
        %add3A_1361 = arith.addf %add3A_1354, %get3A_1360 : vector<16xf32>
        %add3A_1362 = arith.constant 3 : i32
        %add3A_1363 = arith.addi %mul3A_975, %add3A_1362 : i32
        %get3A_1364 = arith.index_cast %add3A_1363 : i32 to index
        %get3A_1365 = arith.constant 32 : index
        %get3A_1366 = tpu.vector_load %arg8[%get3A_1364, %get3A_1365] {strides = array<i32>} : memref<416x64xf32, #tpu.memory_space<vmem>>, vector<1x16xf32>,
        %get3A_1367 = vector.shape_cast %get3A_1366 : vector<1x16xf32> to vector<16xf32>
        %add3A_1368 = arith.addf %add3A_1361, %get3A_1367 : vector<16xf32>
        %add3A_1369 = arith.constant 4 : i32
        %add3A_1370 = arith.addi %mul3A_975, %add3A_1369 : i32
        %get3A_1371 = arith.index_cast %add3A_1370 : i32 to index
        %get3A_1372 = arith.constant 32 : index
        %get3A_1373 = tpu.vector_load %arg8[%get3A_1371, %get3A_1372] {strides = array<i32>} : memref<416x64xf32, #tpu.memory_space<vmem>>, vector<1x16xf32>,
        %get3A_1374 = vector.shape_cast %get3A_1373 : vector<1x16xf32> to vector<16xf32>
        %add3A_1375 = arith.addf %add3A_1368, %get3A_1374 : vector<16xf32>
        %add3A_1376 = arith.constant 5 : i32
        %add3A_1377 = arith.addi %mul3A_975, %add3A_1376 : i32
        %get3A_1378 = arith.index_cast %add3A_1377 : i32 to index
        %get3A_1379 = arith.constant 32 : index
        %get3A_1380 = tpu.vector_load %arg8[%get3A_1378, %get3A_1379] {strides = array<i32>} : memref<416x64xf32, #tpu.memory_space<vmem>>, vector<1x16xf32>,
        %get3A_1381 = vector.shape_cast %get3A_1380 : vector<1x16xf32> to vector<16xf32>
        %add3A_1382 = arith.addf %add3A_1375, %get3A_1381 : vector<16xf32>
        %add3A_1383 = arith.constant 6 : i32
        %add3A_1384 = arith.addi %mul3A_975, %add3A_1383 : i32
        %get3A_1385 = arith.index_cast %add3A_1384 : i32 to index
        %get3A_1386 = arith.constant 32 : index
        %get3A_1387 = tpu.vector_load %arg8[%get3A_1385, %get3A_1386] {strides = array<i32>} : memref<416x64xf32, #tpu.memory_space<vmem>>, vector<1x16xf32>,
        %get3A_1388 = vector.shape_cast %get3A_1387 : vector<1x16xf32> to vector<16xf32>
        %add3A_1389 = arith.addf %add3A_1382, %get3A_1388 : vector<16xf32>
        %add3A_1390 = arith.constant 7 : i32
        %add3A_1391 = arith.addi %mul3A_975, %add3A_1390 : i32
        %get3A_1392 = arith.index_cast %add3A_1391 : i32 to index
        %get3A_1393 = arith.constant 32 : index
        %get3A_1394 = tpu.vector_load %arg8[%get3A_1392, %get3A_1393] {strides = array<i32>} : memref<416x64xf32, #tpu.memory_space<vmem>>, vector<1x16xf32>,
        %get3A_1395 = vector.shape_cast %get3A_1394 : vector<1x16xf32> to vector<16xf32>
        %add3A_1396 = arith.addf %add3A_1389, %get3A_1395 : vector<16xf32>
        %add3A_1397 = arith.constant 8 : i32
        %add3A_1398 = arith.addi %mul3A_975, %add3A_1397 : i32
        %get3A_1399 = arith.index_cast %add3A_1398 : i32 to index
        %get3A_1400 = arith.constant 32 : index
        %get3A_1401 = tpu.vector_load %arg8[%get3A_1399, %get3A_1400] {strides = array<i32>} : memref<416x64xf32, #tpu.memory_space<vmem>>, vector<1x16xf32>,
        %get3A_1402 = vector.shape_cast %get3A_1401 : vector<1x16xf32> to vector<16xf32>
        %add3A_1403 = arith.addf %add3A_1396, %get3A_1402 : vector<16xf32>
        %add3A_1404 = arith.constant 9 : i32
        %add3A_1405 = arith.addi %mul3A_975, %add3A_1404 : i32
        %get3A_1406 = arith.index_cast %add3A_1405 : i32 to index
        %get3A_1407 = arith.constant 32 : index
        %get3A_1408 = tpu.vector_load %arg8[%get3A_1406, %get3A_1407] {strides = array<i32>} : memref<416x64xf32, #tpu.memory_space<vmem>>, vector<1x16xf32>,
        %get3A_1409 = vector.shape_cast %get3A_1408 : vector<1x16xf32> to vector<16xf32>
        %add3A_1410 = arith.addf %add3A_1403, %get3A_1409 : vector<16xf32>
        %add3A_1411 = arith.constant 10 : i32
        %add3A_1412 = arith.addi %mul3A_975, %add3A_1411 : i32
        %get3A_1413 = arith.index_cast %add3A_1412 : i32 to index
        %get3A_1414 = arith.constant 32 : index
        %get3A_1415 = tpu.vector_load %arg8[%get3A_1413, %get3A_1414] {strides = array<i32>} : memref<416x64xf32, #tpu.memory_space<vmem>>, vector<1x16xf32>,
        %get3A_1416 = vector.shape_cast %get3A_1415 : vector<1x16xf32> to vector<16xf32>
        %add3A_1417 = arith.addf %add3A_1410, %get3A_1416 : vector<16xf32>
        %add3A_1418 = arith.constant 11 : i32
        %add3A_1419 = arith.addi %mul3A_975, %add3A_1418 : i32
        %get3A_1420 = arith.index_cast %add3A_1419 : i32 to index
        %get3A_1421 = arith.constant 32 : index
        %get3A_1422 = tpu.vector_load %arg8[%get3A_1420, %get3A_1421] {strides = array<i32>} : memref<416x64xf32, #tpu.memory_space<vmem>>, vector<1x16xf32>,
        %get3A_1423 = vector.shape_cast %get3A_1422 : vector<1x16xf32> to vector<16xf32>
        %add3A_1424 = arith.addf %add3A_1417, %get3A_1423 : vector<16xf32>
        %add3A_1425 = arith.constant 12 : i32
        %add3A_1426 = arith.addi %mul3A_975, %add3A_1425 : i32
        %get3A_1427 = arith.index_cast %add3A_1426 : i32 to index
        %get3A_1428 = arith.constant 32 : index
        %get3A_1429 = tpu.vector_load %arg8[%get3A_1427, %get3A_1428] {strides = array<i32>} : memref<416x64xf32, #tpu.memory_space<vmem>>, vector<1x16xf32>,
        %get3A_1430 = vector.shape_cast %get3A_1429 : vector<1x16xf32> to vector<16xf32>
        %add3A_1431 = arith.addf %add3A_1424, %get3A_1430 : vector<16xf32>
        %add3A_1432 = arith.constant 13 : i32
        %add3A_1433 = arith.addi %mul3A_975, %add3A_1432 : i32
        %get3A_1434 = arith.index_cast %add3A_1433 : i32 to index
        %get3A_1435 = arith.constant 32 : index
        %get3A_1436 = tpu.vector_load %arg8[%get3A_1434, %get3A_1435] {strides = array<i32>} : memref<416x64xf32, #tpu.memory_space<vmem>>, vector<1x16xf32>,
        %get3A_1437 = vector.shape_cast %get3A_1436 : vector<1x16xf32> to vector<16xf32>
        %add3A_1438 = arith.addf %add3A_1431, %get3A_1437 : vector<16xf32>
        %add3A_1439 = arith.constant 14 : i32
        %add3A_1440 = arith.addi %mul3A_975, %add3A_1439 : i32
        %get3A_1441 = arith.index_cast %add3A_1440 : i32 to index
        %get3A_1442 = arith.constant 32 : index
        %get3A_1443 = tpu.vector_load %arg8[%get3A_1441, %get3A_1442] {strides = array<i32>} : memref<416x64xf32, #tpu.memory_space<vmem>>, vector<1x16xf32>,
        %get3A_1444 = vector.shape_cast %get3A_1443 : vector<1x16xf32> to vector<16xf32>
        %add3A_1445 = arith.addf %add3A_1438, %get3A_1444 : vector<16xf32>
        %add3A_1446 = arith.constant 15 : i32
        %add3A_1447 = arith.addi %mul3A_975, %add3A_1446 : i32
        %get3A_1448 = arith.index_cast %add3A_1447 : i32 to index
        %get3A_1449 = arith.constant 32 : index
        %get3A_1450 = tpu.vector_load %arg8[%get3A_1448, %get3A_1449] {strides = array<i32>} : memref<416x64xf32, #tpu.memory_space<vmem>>, vector<1x16xf32>,
        %get3A_1451 = vector.shape_cast %get3A_1450 : vector<1x16xf32> to vector<16xf32>
        %add3A_1452 = arith.addf %add3A_1445, %get3A_1451 : vector<16xf32>
        %add3A_1453 = arith.constant 16 : i32
        %add3A_1454 = arith.addi %mul3A_975, %add3A_1453 : i32
        %get3A_1455 = arith.index_cast %add3A_1454 : i32 to index
        %get3A_1456 = arith.constant 32 : index
        %get3A_1457 = tpu.vector_load %arg8[%get3A_1455, %get3A_1456] {strides = array<i32>} : memref<416x64xf32, #tpu.memory_space<vmem>>, vector<1x16xf32>,
        %get3A_1458 = vector.shape_cast %get3A_1457 : vector<1x16xf32> to vector<16xf32>
        %add3A_1459 = arith.addf %add3A_1452, %get3A_1458 : vector<16xf32>
        %add3A_1460 = arith.constant 17 : i32
        %add3A_1461 = arith.addi %mul3A_975, %add3A_1460 : i32
        %get3A_1462 = arith.index_cast %add3A_1461 : i32 to index
        %get3A_1463 = arith.constant 32 : index
        %get3A_1464 = tpu.vector_load %arg8[%get3A_1462, %get3A_1463] {strides = array<i32>} : memref<416x64xf32, #tpu.memory_space<vmem>>, vector<1x16xf32>,
        %get3A_1465 = vector.shape_cast %get3A_1464 : vector<1x16xf32> to vector<16xf32>
        %add3A_1466 = arith.addf %add3A_1459, %get3A_1465 : vector<16xf32>
        %add3A_1467 = arith.constant 18 : i32
        %add3A_1468 = arith.addi %mul3A_975, %add3A_1467 : i32
        %get3A_1469 = arith.index_cast %add3A_1468 : i32 to index
        %get3A_1470 = arith.constant 32 : index
        %get3A_1471 = tpu.vector_load %arg8[%get3A_1469, %get3A_1470] {strides = array<i32>} : memref<416x64xf32, #tpu.memory_space<vmem>>, vector<1x16xf32>,
        %get3A_1472 = vector.shape_cast %get3A_1471 : vector<1x16xf32> to vector<16xf32>
        %add3A_1473 = arith.addf %add3A_1466, %get3A_1472 : vector<16xf32>
        %add3A_1474 = arith.constant 19 : i32
        %add3A_1475 = arith.addi %mul3A_975, %add3A_1474 : i32
        %get3A_1476 = arith.index_cast %add3A_1475 : i32 to index
        %get3A_1477 = arith.constant 32 : index
        %get3A_1478 = tpu.vector_load %arg8[%get3A_1476, %get3A_1477] {strides = array<i32>} : memref<416x64xf32, #tpu.memory_space<vmem>>, vector<1x16xf32>,
        %get3A_1479 = vector.shape_cast %get3A_1478 : vector<1x16xf32> to vector<16xf32>
        %add3A_1480 = arith.addf %add3A_1473, %get3A_1479 : vector<16xf32>
        %add3A_1481 = arith.constant 20 : i32
        %add3A_1482 = arith.addi %mul3A_975, %add3A_1481 : i32
        %get3A_1483 = arith.index_cast %add3A_1482 : i32 to index
        %get3A_1484 = arith.constant 32 : index
        %get3A_1485 = tpu.vector_load %arg8[%get3A_1483, %get3A_1484] {strides = array<i32>} : memref<416x64xf32, #tpu.memory_space<vmem>>, vector<1x16xf32>,
        %get3A_1486 = vector.shape_cast %get3A_1485 : vector<1x16xf32> to vector<16xf32>
        %add3A_1487 = arith.addf %add3A_1480, %get3A_1486 : vector<16xf32>
        %add3A_1488 = arith.constant 21 : i32
        %add3A_1489 = arith.addi %mul3A_975, %add3A_1488 : i32
        %get3A_1490 = arith.index_cast %add3A_1489 : i32 to index
        %get3A_1491 = arith.constant 32 : index
        %get3A_1492 = tpu.vector_load %arg8[%get3A_1490, %get3A_1491] {strides = array<i32>} : memref<416x64xf32, #tpu.memory_space<vmem>>, vector<1x16xf32>,
        %get3A_1493 = vector.shape_cast %get3A_1492 : vector<1x16xf32> to vector<16xf32>
        %add3A_1494 = arith.addf %add3A_1487, %get3A_1493 : vector<16xf32>
        %add3A_1495 = arith.constant 22 : i32
        %add3A_1496 = arith.addi %mul3A_975, %add3A_1495 : i32
        %get3A_1497 = arith.index_cast %add3A_1496 : i32 to index
        %get3A_1498 = arith.constant 32 : index
        %get3A_1499 = tpu.vector_load %arg8[%get3A_1497, %get3A_1498] {strides = array<i32>} : memref<416x64xf32, #tpu.memory_space<vmem>>, vector<1x16xf32>,
        %get3A_1500 = vector.shape_cast %get3A_1499 : vector<1x16xf32> to vector<16xf32>
        %add3A_1501 = arith.addf %add3A_1494, %get3A_1500 : vector<16xf32>
        %add3A_1502 = arith.constant 23 : i32
        %add3A_1503 = arith.addi %mul3A_975, %add3A_1502 : i32
        %get3A_1504 = arith.index_cast %add3A_1503 : i32 to index
        %get3A_1505 = arith.constant 32 : index
        %get3A_1506 = tpu.vector_load %arg8[%get3A_1504, %get3A_1505] {strides = array<i32>} : memref<416x64xf32, #tpu.memory_space<vmem>>, vector<1x16xf32>,
        %get3A_1507 = vector.shape_cast %get3A_1506 : vector<1x16xf32> to vector<16xf32>
        %add3A_1508 = arith.addf %add3A_1501, %get3A_1507 : vector<16xf32>
        %add3A_1509 = arith.constant 24 : i32
        %add3A_1510 = arith.addi %mul3A_975, %add3A_1509 : i32
        %get3A_1511 = arith.index_cast %add3A_1510 : i32 to index
        %get3A_1512 = arith.constant 32 : index
        %get3A_1513 = tpu.vector_load %arg8[%get3A_1511, %get3A_1512] {strides = array<i32>} : memref<416x64xf32, #tpu.memory_space<vmem>>, vector<1x16xf32>,
        %get3A_1514 = vector.shape_cast %get3A_1513 : vector<1x16xf32> to vector<16xf32>
        %add3A_1515 = arith.addf %add3A_1508, %get3A_1514 : vector<16xf32>
        %add3A_1516 = arith.constant 25 : i32
        %add3A_1517 = arith.addi %mul3A_975, %add3A_1516 : i32
        %get3A_1518 = arith.index_cast %add3A_1517 : i32 to index
        %get3A_1519 = arith.constant 32 : index
        %get3A_1520 = tpu.vector_load %arg8[%get3A_1518, %get3A_1519] {strides = array<i32>} : memref<416x64xf32, #tpu.memory_space<vmem>>, vector<1x16xf32>,
        %get3A_1521 = vector.shape_cast %get3A_1520 : vector<1x16xf32> to vector<16xf32>
        %add3A_1522 = arith.addf %add3A_1515, %get3A_1521 : vector<16xf32>
        %swap3A_1523 = arith.index_cast %scan3A_973 : i32 to index
        %swap3A_1524 = arith.constant 32 : index
        %swap3A_1525 = tpu.vector_load %arg10[%swap3A_1523, %swap3A_1524] {strides = array<i32>} : memref<16x80xf32, #tpu.memory_space<vmem>>, vector<1x16xf32>,
        %swap3A_1526 = vector.shape_cast %swap3A_1525 : vector<1x16xf32> to vector<16xf32>
        %swap3A_1527 = vector.shape_cast %add3A_1522 : vector<16xf32> to vector<1x16xf32>
        tpu.vector_store %arg10[%swap3A_1523, %swap3A_1524], %swap3A_1527 {strides = array<i32>} : memref<16x80xf32, #tpu.memory_space<vmem>>, vector<1x16xf32>,
        %get3A_1528 = arith.index_cast %mul3A_975 : i32 to index
        %get3A_1529 = arith.constant 48 : index
        %get3A_1530 = tpu.vector_load %arg8[%get3A_1528, %get3A_1529] {strides = array<i32>} : memref<416x64xf32, #tpu.memory_space<vmem>>, vector<1x16xf32>,
        %get3A_1531 = vector.shape_cast %get3A_1530 : vector<1x16xf32> to vector<16xf32>
        %add3A_1532 = arith.constant 1 : i32
        %add3A_1533 = arith.addi %mul3A_975, %add3A_1532 : i32
        %get3A_1534 = arith.index_cast %add3A_1533 : i32 to index
        %get3A_1535 = arith.constant 48 : index
        %get3A_1536 = tpu.vector_load %arg8[%get3A_1534, %get3A_1535] {strides = array<i32>} : memref<416x64xf32, #tpu.memory_space<vmem>>, vector<1x16xf32>,
        %get3A_1537 = vector.shape_cast %get3A_1536 : vector<1x16xf32> to vector<16xf32>
        %add3A_1538 = arith.addf %get3A_1531, %get3A_1537 : vector<16xf32>
        %add3A_1539 = arith.constant 2 : i32
        %add3A_1540 = arith.addi %mul3A_975, %add3A_1539 : i32
        %get3A_1541 = arith.index_cast %add3A_1540 : i32 to index
        %get3A_1542 = arith.constant 48 : index
        %get3A_1543 = tpu.vector_load %arg8[%get3A_1541, %get3A_1542] {strides = array<i32>} : memref<416x64xf32, #tpu.memory_space<vmem>>, vector<1x16xf32>,
        %get3A_1544 = vector.shape_cast %get3A_1543 : vector<1x16xf32> to vector<16xf32>
        %add3A_1545 = arith.addf %add3A_1538, %get3A_1544 : vector<16xf32>
        %add3A_1546 = arith.constant 3 : i32
        %add3A_1547 = arith.addi %mul3A_975, %add3A_1546 : i32
        %get3A_1548 = arith.index_cast %add3A_1547 : i32 to index
        %get3A_1549 = arith.constant 48 : index
        %get3A_1550 = tpu.vector_load %arg8[%get3A_1548, %get3A_1549] {strides = array<i32>} : memref<416x64xf32, #tpu.memory_space<vmem>>, vector<1x16xf32>,
        %get3A_1551 = vector.shape_cast %get3A_1550 : vector<1x16xf32> to vector<16xf32>
        %add3A_1552 = arith.addf %add3A_1545, %get3A_1551 : vector<16xf32>
        %add3A_1553 = arith.constant 4 : i32
        %add3A_1554 = arith.addi %mul3A_975, %add3A_1553 : i32
        %get3A_1555 = arith.index_cast %add3A_1554 : i32 to index
        %get3A_1556 = arith.constant 48 : index
        %get3A_1557 = tpu.vector_load %arg8[%get3A_1555, %get3A_1556] {strides = array<i32>} : memref<416x64xf32, #tpu.memory_space<vmem>>, vector<1x16xf32>,
        %get3A_1558 = vector.shape_cast %get3A_1557 : vector<1x16xf32> to vector<16xf32>
        %add3A_1559 = arith.addf %add3A_1552, %get3A_1558 : vector<16xf32>
        %add3A_1560 = arith.constant 5 : i32
        %add3A_1561 = arith.addi %mul3A_975, %add3A_1560 : i32
        %get3A_1562 = arith.index_cast %add3A_1561 : i32 to index
        %get3A_1563 = arith.constant 48 : index
        %get3A_1564 = tpu.vector_load %arg8[%get3A_1562, %get3A_1563] {strides = array<i32>} : memref<416x64xf32, #tpu.memory_space<vmem>>, vector<1x16xf32>,
        %get3A_1565 = vector.shape_cast %get3A_1564 : vector<1x16xf32> to vector<16xf32>
        %add3A_1566 = arith.addf %add3A_1559, %get3A_1565 : vector<16xf32>
        %add3A_1567 = arith.constant 6 : i32
        %add3A_1568 = arith.addi %mul3A_975, %add3A_1567 : i32
        %get3A_1569 = arith.index_cast %add3A_1568 : i32 to index
        %get3A_1570 = arith.constant 48 : index
        %get3A_1571 = tpu.vector_load %arg8[%get3A_1569, %get3A_1570] {strides = array<i32>} : memref<416x64xf32, #tpu.memory_space<vmem>>, vector<1x16xf32>,
        %get3A_1572 = vector.shape_cast %get3A_1571 : vector<1x16xf32> to vector<16xf32>
        %add3A_1573 = arith.addf %add3A_1566, %get3A_1572 : vector<16xf32>
        %add3A_1574 = arith.constant 7 : i32
        %add3A_1575 = arith.addi %mul3A_975, %add3A_1574 : i32
        %get3A_1576 = arith.index_cast %add3A_1575 : i32 to index
        %get3A_1577 = arith.constant 48 : index
        %get3A_1578 = tpu.vector_load %arg8[%get3A_1576, %get3A_1577] {strides = array<i32>} : memref<416x64xf32, #tpu.memory_space<vmem>>, vector<1x16xf32>,
        %get3A_1579 = vector.shape_cast %get3A_1578 : vector<1x16xf32> to vector<16xf32>
        %add3A_1580 = arith.addf %add3A_1573, %get3A_1579 : vector<16xf32>
        %add3A_1581 = arith.constant 8 : i32
        %add3A_1582 = arith.addi %mul3A_975, %add3A_1581 : i32
        %get3A_1583 = arith.index_cast %add3A_1582 : i32 to index
        %get3A_1584 = arith.constant 48 : index
        %get3A_1585 = tpu.vector_load %arg8[%get3A_1583, %get3A_1584] {strides = array<i32>} : memref<416x64xf32, #tpu.memory_space<vmem>>, vector<1x16xf32>,
        %get3A_1586 = vector.shape_cast %get3A_1585 : vector<1x16xf32> to vector<16xf32>
        %add3A_1587 = arith.addf %add3A_1580, %get3A_1586 : vector<16xf32>
        %add3A_1588 = arith.constant 9 : i32
        %add3A_1589 = arith.addi %mul3A_975, %add3A_1588 : i32
        %get3A_1590 = arith.index_cast %add3A_1589 : i32 to index
        %get3A_1591 = arith.constant 48 : index
        %get3A_1592 = tpu.vector_load %arg8[%get3A_1590, %get3A_1591] {strides = array<i32>} : memref<416x64xf32, #tpu.memory_space<vmem>>, vector<1x16xf32>,
        %get3A_1593 = vector.shape_cast %get3A_1592 : vector<1x16xf32> to vector<16xf32>
        %add3A_1594 = arith.addf %add3A_1587, %get3A_1593 : vector<16xf32>
        %add3A_1595 = arith.constant 10 : i32
        %add3A_1596 = arith.addi %mul3A_975, %add3A_1595 : i32
        %get3A_1597 = arith.index_cast %add3A_1596 : i32 to index
        %get3A_1598 = arith.constant 48 : index
        %get3A_1599 = tpu.vector_load %arg8[%get3A_1597, %get3A_1598] {strides = array<i32>} : memref<416x64xf32, #tpu.memory_space<vmem>>, vector<1x16xf32>,
        %get3A_1600 = vector.shape_cast %get3A_1599 : vector<1x16xf32> to vector<16xf32>
        %add3A_1601 = arith.addf %add3A_1594, %get3A_1600 : vector<16xf32>
        %add3A_1602 = arith.constant 11 : i32
        %add3A_1603 = arith.addi %mul3A_975, %add3A_1602 : i32
        %get3A_1604 = arith.index_cast %add3A_1603 : i32 to index
        %get3A_1605 = arith.constant 48 : index
        %get3A_1606 = tpu.vector_load %arg8[%get3A_1604, %get3A_1605] {strides = array<i32>} : memref<416x64xf32, #tpu.memory_space<vmem>>, vector<1x16xf32>,
        %get3A_1607 = vector.shape_cast %get3A_1606 : vector<1x16xf32> to vector<16xf32>
        %add3A_1608 = arith.addf %add3A_1601, %get3A_1607 : vector<16xf32>
        %add3A_1609 = arith.constant 12 : i32
        %add3A_1610 = arith.addi %mul3A_975, %add3A_1609 : i32
        %get3A_1611 = arith.index_cast %add3A_1610 : i32 to index
        %get3A_1612 = arith.constant 48 : index
        %get3A_1613 = tpu.vector_load %arg8[%get3A_1611, %get3A_1612] {strides = array<i32>} : memref<416x64xf32, #tpu.memory_space<vmem>>, vector<1x16xf32>,
        %get3A_1614 = vector.shape_cast %get3A_1613 : vector<1x16xf32> to vector<16xf32>
        %add3A_1615 = arith.addf %add3A_1608, %get3A_1614 : vector<16xf32>
        %add3A_1616 = arith.constant 13 : i32
        %add3A_1617 = arith.addi %mul3A_975, %add3A_1616 : i32
        %get3A_1618 = arith.index_cast %add3A_1617 : i32 to index
        %get3A_1619 = arith.constant 48 : index
        %get3A_1620 = tpu.vector_load %arg8[%get3A_1618, %get3A_1619] {strides = array<i32>} : memref<416x64xf32, #tpu.memory_space<vmem>>, vector<1x16xf32>,
        %get3A_1621 = vector.shape_cast %get3A_1620 : vector<1x16xf32> to vector<16xf32>
        %add3A_1622 = arith.addf %add3A_1615, %get3A_1621 : vector<16xf32>
        %add3A_1623 = arith.constant 14 : i32
        %add3A_1624 = arith.addi %mul3A_975, %add3A_1623 : i32
        %get3A_1625 = arith.index_cast %add3A_1624 : i32 to index
        %get3A_1626 = arith.constant 48 : index
        %get3A_1627 = tpu.vector_load %arg8[%get3A_1625, %get3A_1626] {strides = array<i32>} : memref<416x64xf32, #tpu.memory_space<vmem>>, vector<1x16xf32>,
        %get3A_1628 = vector.shape_cast %get3A_1627 : vector<1x16xf32> to vector<16xf32>
        %add3A_1629 = arith.addf %add3A_1622, %get3A_1628 : vector<16xf32>
        %add3A_1630 = arith.constant 15 : i32
        %add3A_1631 = arith.addi %mul3A_975, %add3A_1630 : i32
        %get3A_1632 = arith.index_cast %add3A_1631 : i32 to index
        %get3A_1633 = arith.constant 48 : index
        %get3A_1634 = tpu.vector_load %arg8[%get3A_1632, %get3A_1633] {strides = array<i32>} : memref<416x64xf32, #tpu.memory_space<vmem>>, vector<1x16xf32>,
        %get3A_1635 = vector.shape_cast %get3A_1634 : vector<1x16xf32> to vector<16xf32>
        %add3A_1636 = arith.addf %add3A_1629, %get3A_1635 : vector<16xf32>
        %add3A_1637 = arith.constant 16 : i32
        %add3A_1638 = arith.addi %mul3A_975, %add3A_1637 : i32
        %get3A_1639 = arith.index_cast %add3A_1638 : i32 to index
        %get3A_1640 = arith.constant 48 : index
        %get3A_1641 = tpu.vector_load %arg8[%get3A_1639, %get3A_1640] {strides = array<i32>} : memref<416x64xf32, #tpu.memory_space<vmem>>, vector<1x16xf32>,
        %get3A_1642 = vector.shape_cast %get3A_1641 : vector<1x16xf32> to vector<16xf32>
        %add3A_1643 = arith.addf %add3A_1636, %get3A_1642 : vector<16xf32>
        %add3A_1644 = arith.constant 17 : i32
        %add3A_1645 = arith.addi %mul3A_975, %add3A_1644 : i32
        %get3A_1646 = arith.index_cast %add3A_1645 : i32 to index
        %get3A_1647 = arith.constant 48 : index
        %get3A_1648 = tpu.vector_load %arg8[%get3A_1646, %get3A_1647] {strides = array<i32>} : memref<416x64xf32, #tpu.memory_space<vmem>>, vector<1x16xf32>,
        %get3A_1649 = vector.shape_cast %get3A_1648 : vector<1x16xf32> to vector<16xf32>
        %add3A_1650 = arith.addf %add3A_1643, %get3A_1649 : vector<16xf32>
        %add3A_1651 = arith.constant 18 : i32
        %add3A_1652 = arith.addi %mul3A_975, %add3A_1651 : i32
        %get3A_1653 = arith.index_cast %add3A_1652 : i32 to index
        %get3A_1654 = arith.constant 48 : index
        %get3A_1655 = tpu.vector_load %arg8[%get3A_1653, %get3A_1654] {strides = array<i32>} : memref<416x64xf32, #tpu.memory_space<vmem>>, vector<1x16xf32>,
        %get3A_1656 = vector.shape_cast %get3A_1655 : vector<1x16xf32> to vector<16xf32>
        %add3A_1657 = arith.addf %add3A_1650, %get3A_1656 : vector<16xf32>
        %add3A_1658 = arith.constant 19 : i32
        %add3A_1659 = arith.addi %mul3A_975, %add3A_1658 : i32
        %get3A_1660 = arith.index_cast %add3A_1659 : i32 to index
        %get3A_1661 = arith.constant 48 : index
        %get3A_1662 = tpu.vector_load %arg8[%get3A_1660, %get3A_1661] {strides = array<i32>} : memref<416x64xf32, #tpu.memory_space<vmem>>, vector<1x16xf32>,
        %get3A_1663 = vector.shape_cast %get3A_1662 : vector<1x16xf32> to vector<16xf32>
        %add3A_1664 = arith.addf %add3A_1657, %get3A_1663 : vector<16xf32>
        %add3A_1665 = arith.constant 20 : i32
        %add3A_1666 = arith.addi %mul3A_975, %add3A_1665 : i32
        %get3A_1667 = arith.index_cast %add3A_1666 : i32 to index
        %get3A_1668 = arith.constant 48 : index
        %get3A_1669 = tpu.vector_load %arg8[%get3A_1667, %get3A_1668] {strides = array<i32>} : memref<416x64xf32, #tpu.memory_space<vmem>>, vector<1x16xf32>,
        %get3A_1670 = vector.shape_cast %get3A_1669 : vector<1x16xf32> to vector<16xf32>
        %add3A_1671 = arith.addf %add3A_1664, %get3A_1670 : vector<16xf32>
        %add3A_1672 = arith.constant 21 : i32
        %add3A_1673 = arith.addi %mul3A_975, %add3A_1672 : i32
        %get3A_1674 = arith.index_cast %add3A_1673 : i32 to index
        %get3A_1675 = arith.constant 48 : index
        %get3A_1676 = tpu.vector_load %arg8[%get3A_1674, %get3A_1675] {strides = array<i32>} : memref<416x64xf32, #tpu.memory_space<vmem>>, vector<1x16xf32>,
        %get3A_1677 = vector.shape_cast %get3A_1676 : vector<1x16xf32> to vector<16xf32>
        %add3A_1678 = arith.addf %add3A_1671, %get3A_1677 : vector<16xf32>
        %add3A_1679 = arith.constant 22 : i32
        %add3A_1680 = arith.addi %mul3A_975, %add3A_1679 : i32
        %get3A_1681 = arith.index_cast %add3A_1680 : i32 to index
        %get3A_1682 = arith.constant 48 : index
        %get3A_1683 = tpu.vector_load %arg8[%get3A_1681, %get3A_1682] {strides = array<i32>} : memref<416x64xf32, #tpu.memory_space<vmem>>, vector<1x16xf32>,
        %get3A_1684 = vector.shape_cast %get3A_1683 : vector<1x16xf32> to vector<16xf32>
        %add3A_1685 = arith.addf %add3A_1678, %get3A_1684 : vector<16xf32>
        %add3A_1686 = arith.constant 23 : i32
        %add3A_1687 = arith.addi %mul3A_975, %add3A_1686 : i32
        %get3A_1688 = arith.index_cast %add3A_1687 : i32 to index
        %get3A_1689 = arith.constant 48 : index
        %get3A_1690 = tpu.vector_load %arg8[%get3A_1688, %get3A_1689] {strides = array<i32>} : memref<416x64xf32, #tpu.memory_space<vmem>>, vector<1x16xf32>,
        %get3A_1691 = vector.shape_cast %get3A_1690 : vector<1x16xf32> to vector<16xf32>
        %add3A_1692 = arith.addf %add3A_1685, %get3A_1691 : vector<16xf32>
        %add3A_1693 = arith.constant 24 : i32
        %add3A_1694 = arith.addi %mul3A_975, %add3A_1693 : i32
        %get3A_1695 = arith.index_cast %add3A_1694 : i32 to index
        %get3A_1696 = arith.constant 48 : index
        %get3A_1697 = tpu.vector_load %arg8[%get3A_1695, %get3A_1696] {strides = array<i32>} : memref<416x64xf32, #tpu.memory_space<vmem>>, vector<1x16xf32>,
        %get3A_1698 = vector.shape_cast %get3A_1697 : vector<1x16xf32> to vector<16xf32>
        %add3A_1699 = arith.addf %add3A_1692, %get3A_1698 : vector<16xf32>
        %add3A_1700 = arith.constant 25 : i32
        %add3A_1701 = arith.addi %mul3A_975, %add3A_1700 : i32
        %get3A_1702 = arith.index_cast %add3A_1701 : i32 to index
        %get3A_1703 = arith.constant 48 : index
        %get3A_1704 = tpu.vector_load %arg8[%get3A_1702, %get3A_1703] {strides = array<i32>} : memref<416x64xf32, #tpu.memory_space<vmem>>, vector<1x16xf32>,
        %get3A_1705 = vector.shape_cast %get3A_1704 : vector<1x16xf32> to vector<16xf32>
        %add3A_1706 = arith.addf %add3A_1699, %get3A_1705 : vector<16xf32>
        %swap3A_1707 = arith.index_cast %scan3A_973 : i32 to index
        %swap3A_1708 = arith.constant 48 : index
        %swap3A_1709 = tpu.vector_load %arg10[%swap3A_1707, %swap3A_1708] {strides = array<i32>} : memref<16x80xf32, #tpu.memory_space<vmem>>, vector<1x16xf32>,
        %swap3A_1710 = vector.shape_cast %swap3A_1709 : vector<1x16xf32> to vector<16xf32>
        %swap3A_1711 = vector.shape_cast %add3A_1706 : vector<16xf32> to vector<1x16xf32>
        tpu.vector_store %arg10[%swap3A_1707, %swap3A_1708], %swap3A_1711 {strides = array<i32>} : memref<16x80xf32, #tpu.memory_space<vmem>>, vector<1x16xf32>,
        %mul3A_1712 = arith.constant 16 : i32
        %mul3A_1713 = arith.muli %add3A_64, %mul3A_1712 : i32
        %add3A_1714 = arith.addi %mul3A_1713, %scan3A_973 : i32
        %get3A_1715 = arith.index_cast %add3A_1714 : i32 to index
        %get3A_1716 = arith.constant 0 : index
        %get3A_1717 = tpu.vector_load %arg7[%get3A_1715, %get3A_1716] {strides = array<i32>} : memref<1600x16xf32, #tpu.memory_space<vmem>>, vector<1x16xf32>,
        %get3A_1718 = vector.shape_cast %get3A_1717 : vector<1x16xf32> to vector<16xf32>
        %swap3A_1719 = arith.index_cast %scan3A_973 : i32 to index
        %swap3A_1720 = arith.constant 64 : index
        %swap3A_1721 = tpu.vector_load %arg10[%swap3A_1719, %swap3A_1720] {strides = array<i32>} : memref<16x80xf32, #tpu.memory_space<vmem>>, vector<1x16xf32>,
        %swap3A_1722 = vector.shape_cast %swap3A_1721 : vector<1x16xf32> to vector<16xf32>
        %swap3A_1723 = vector.shape_cast %get3A_1718 : vector<16xf32> to vector<1x16xf32>
        tpu.vector_store %arg10[%swap3A_1719, %swap3A_1720], %swap3A_1723 {strides = array<i32>} : memref<16x80xf32, #tpu.memory_space<vmem>>, vector<1x16xf32>,
      }
      %scan3A_130 = arith.constant 16 : i32
      %mul3A_131 = arith.constant 1600 : i32
      %mul3A_132 = arith.muli %add3A, %mul3A_131 : i32
      %mul3A_133 = arith.constant 16 : i32
      %mul3A_134 = arith.muli %add3A_64, %mul3A_133 : i32
      %add3A_135 = arith.addi %mul3A_132, %mul3A_134 : i32
      %dma_start3A_136 = arith.constant 0 : i32
      %dma_start3A_137 = tpu.memref_slice %arg5[%add3A_135, %dma_start3A_136] : memref<51200x80xf32, #tpu.memory_space<hbm>> -> memref<16x80xf32, #tpu.memory_space<hbm>>
      %dma_start3A_138 = arith.constant 0 : i32
      %dma_start3A_139 = tpu.memref_slice %arg5[%add3A_135, %dma_start3A_138] : memref<51200x80xf32, #tpu.memory_space<hbm>> -> memref<16x80xf32, #tpu.memory_space<hbm>>
      tpu.enqueue_dma source(%arg10 : memref<16x80xf32, #tpu.memory_space<vmem>>) target(%dma_start3A_139 : memref<16x80xf32, #tpu.memory_space<hbm>>) target_semaphore(%arg14 : memref<!tpu.dma_semaphore, #tpu.memory_space<semaphore_mem>>)
      %mul3A_140 = arith.constant 2 : i32
      %mul3A_141 = arith.muli %scan3A_60, %mul3A_140 : i32
      %add3A_142 = arith.constant 1 : i32
      %add3A_143 = arith.addi %mul3A_141, %add3A_142 : i32
      %add3A_144 = arith.constant 1 : i32
      %add3A_145 = arith.addi %add3A_143, %add3A_144 : i32
      %lt3A_146 = arith.constant 100 : i32
      %lt3A_147 = arith.cmpi slt, %add3A_145, %lt3A_146 : i32
      %convert_element_type3A_148 = arith.extui %lt3A_147 : i1 to i32
      %cond3A_149 = arith.constant 0 : i32
      %cond3A_150 = arith.cmpi ne, %convert_element_type3A_148, %cond3A_149 : i32
      scf.if %cond3A_150 {
        %add3A_223 = arith.constant 1 : i32
        %add3A_224 = arith.addi %add3A_143, %add3A_223 : i32
        %mul3A_225 = arith.constant 4 : i32
        %mul3A_226 = arith.muli %add3A_224, %mul3A_225 : i32
        %add3A_227 = arith.constant 0 : i32
        %add3A_228 = arith.addi %mul3A_226, %add3A_227 : i32
        %dma_start3A_229 = arith.constant 0 : i32
        %dma_start3A_230 = arith.constant 0 : i32
        %dma_start3A_231 = tpu.memref_slice %arg8[%dma_start3A_229, %dma_start3A_230] : memref<416x64xf32, #tpu.memory_space<vmem>> -> memref<104x64xf32, #tpu.memory_space<vmem>>
        %dma_start3A_232 = arith.constant 0 : i32
        %dma_start3A_233 = tpu.memref_slice %arg6[%add3A_228, %dma_start3A_232] : memref<400x104xi32, #tpu.memory_space<vmem>> -> memref<1x104xi32, #tpu.memory_space<vmem>>
        %dma_start3A_234 = tpu.memref_squeeze %dma_start3A_233 : memref<1x104xi32, #tpu.memory_space<vmem>> -> memref<104xi32, #tpu.memory_space<vmem>>
        %dma_start3A_235 = arith.constant 0 : i32
        %dma_start3A_236 = arith.constant 0 : i32
        %dma_start3A_237 = tpu.memref_slice %arg4[%dma_start3A_235, %dma_start3A_236] : memref<1000000x64xf32, #tpu.memory_space<hbm>> -> memref<1000000x64xf32, #tpu.memory_space<hbm>>
        tpu.enqueue_indirect_dma source(%dma_start3A_237 : memref<1000000x64xf32, #tpu.memory_space<hbm>>) target(%dma_start3A_231 : memref<104x64xf32, #tpu.memory_space<vmem>>) offsets(%dma_start3A_234 : memref<104xi32, #tpu.memory_space<vmem>>) semaphore(%arg12 : memref<!tpu.dma_semaphore, #tpu.memory_space<semaphore_mem>>)
        %mul3A_238 = arith.constant 4 : i32
        %mul3A_239 = arith.muli %add3A_224, %mul3A_238 : i32
        %add3A_240 = arith.constant 1 : i32
        %add3A_241 = arith.addi %mul3A_239, %add3A_240 : i32
        %dma_start3A_242 = arith.constant 104 : i32
        %dma_start3A_243 = arith.constant 0 : i32
        %dma_start3A_244 = tpu.memref_slice %arg8[%dma_start3A_242, %dma_start3A_243] : memref<416x64xf32, #tpu.memory_space<vmem>> -> memref<104x64xf32, #tpu.memory_space<vmem>>
        %dma_start3A_245 = arith.constant 0 : i32
        %dma_start3A_246 = tpu.memref_slice %arg6[%add3A_241, %dma_start3A_245] : memref<400x104xi32, #tpu.memory_space<vmem>> -> memref<1x104xi32, #tpu.memory_space<vmem>>
        %dma_start3A_247 = tpu.memref_squeeze %dma_start3A_246 : memref<1x104xi32, #tpu.memory_space<vmem>> -> memref<104xi32, #tpu.memory_space<vmem>>
        %dma_start3A_248 = arith.constant 0 : i32
        %dma_start3A_249 = arith.constant 0 : i32
        %dma_start3A_250 = tpu.memref_slice %arg4[%dma_start3A_248, %dma_start3A_249] : memref<1000000x64xf32, #tpu.memory_space<hbm>> -> memref<1000000x64xf32, #tpu.memory_space<hbm>>
        tpu.enqueue_indirect_dma source(%dma_start3A_250 : memref<1000000x64xf32, #tpu.memory_space<hbm>>) target(%dma_start3A_244 : memref<104x64xf32, #tpu.memory_space<vmem>>) offsets(%dma_start3A_247 : memref<104xi32, #tpu.memory_space<vmem>>) semaphore(%arg12 : memref<!tpu.dma_semaphore, #tpu.memory_space<semaphore_mem>>)
        %mul3A_251 = arith.constant 4 : i32
        %mul3A_252 = arith.muli %add3A_224, %mul3A_251 : i32
        %add3A_253 = arith.constant 2 : i32
        %add3A_254 = arith.addi %mul3A_252, %add3A_253 : i32
        %dma_start3A_255 = arith.constant 208 : i32
        %dma_start3A_256 = arith.constant 0 : i32
        %dma_start3A_257 = tpu.memref_slice %arg8[%dma_start3A_255, %dma_start3A_256] : memref<416x64xf32, #tpu.memory_space<vmem>> -> memref<104x64xf32, #tpu.memory_space<vmem>>
        %dma_start3A_258 = arith.constant 0 : i32
        %dma_start3A_259 = tpu.memref_slice %arg6[%add3A_254, %dma_start3A_258] : memref<400x104xi32, #tpu.memory_space<vmem>> -> memref<1x104xi32, #tpu.memory_space<vmem>>
        %dma_start3A_260 = tpu.memref_squeeze %dma_start3A_259 : memref<1x104xi32, #tpu.memory_space<vmem>> -> memref<104xi32, #tpu.memory_space<vmem>>
        %dma_start3A_261 = arith.constant 0 : i32
        %dma_start3A_262 = arith.constant 0 : i32
        %dma_start3A_263 = tpu.memref_slice %arg4[%dma_start3A_261, %dma_start3A_262] : memref<1000000x64xf32, #tpu.memory_space<hbm>> -> memref<1000000x64xf32, #tpu.memory_space<hbm>>
        tpu.enqueue_indirect_dma source(%dma_start3A_263 : memref<1000000x64xf32, #tpu.memory_space<hbm>>) target(%dma_start3A_257 : memref<104x64xf32, #tpu.memory_space<vmem>>) offsets(%dma_start3A_260 : memref<104xi32, #tpu.memory_space<vmem>>) semaphore(%arg12 : memref<!tpu.dma_semaphore, #tpu.memory_space<semaphore_mem>>)
        %mul3A_264 = arith.constant 4 : i32
        %mul3A_265 = arith.muli %add3A_224, %mul3A_264 : i32
        %add3A_266 = arith.constant 3 : i32
        %add3A_267 = arith.addi %mul3A_265, %add3A_266 : i32
        %dma_start3A_268 = arith.constant 312 : i32
        %dma_start3A_269 = arith.constant 0 : i32
        %dma_start3A_270 = tpu.memref_slice %arg8[%dma_start3A_268, %dma_start3A_269] : memref<416x64xf32, #tpu.memory_space<vmem>> -> memref<104x64xf32, #tpu.memory_space<vmem>>
        %dma_start3A_271 = arith.constant 0 : i32
        %dma_start3A_272 = tpu.memref_slice %arg6[%add3A_267, %dma_start3A_271] : memref<400x104xi32, #tpu.memory_space<vmem>> -> memref<1x104xi32, #tpu.memory_space<vmem>>
        %dma_start3A_273 = tpu.memref_squeeze %dma_start3A_272 : memref<1x104xi32, #tpu.memory_space<vmem>> -> memref<104xi32, #tpu.memory_space<vmem>>
        %dma_start3A_274 = arith.constant 0 : i32
        %dma_start3A_275 = arith.constant 0 : i32
        %dma_start3A_276 = tpu.memref_slice %arg4[%dma_start3A_274, %dma_start3A_275] : memref<1000000x64xf32, #tpu.memory_space<hbm>> -> memref<1000000x64xf32, #tpu.memory_space<hbm>>
        tpu.enqueue_indirect_dma source(%dma_start3A_276 : memref<1000000x64xf32, #tpu.memory_space<hbm>>) target(%dma_start3A_270 : memref<104x64xf32, #tpu.memory_space<vmem>>) offsets(%dma_start3A_273 : memref<104xi32, #tpu.memory_space<vmem>>) semaphore(%arg12 : memref<!tpu.dma_semaphore, #tpu.memory_space<semaphore_mem>>)
      } else {
      }
      %mul3A_151 = arith.constant 4 : i32
      %mul3A_152 = arith.muli %add3A_143, %mul3A_151 : i32
      %add3A_153 = arith.constant 0 : i32
      %add3A_154 = arith.addi %mul3A_152, %add3A_153 : i32
      %dma_wait3A_155 = arith.constant 0 : i32
      %dma_wait3A_156 = arith.constant 0 : i32
      %dma_wait3A_157 = tpu.memref_slice %arg9[%dma_wait3A_155, %dma_wait3A_156] : memref<416x64xf32, #tpu.memory_space<vmem>> -> memref<104x64xf32, #tpu.memory_space<vmem>>
      %dma_wait3A_158 = arith.constant 0 : i32
      %dma_wait3A_159 = tpu.memref_slice %arg6[%add3A_154, %dma_wait3A_158] : memref<400x104xi32, #tpu.memory_space<vmem>> -> memref<1x104xi32, #tpu.memory_space<vmem>>
      %dma_wait3A_160 = tpu.memref_squeeze %dma_wait3A_159 : memref<1x104xi32, #tpu.memory_space<vmem>> -> memref<104xi32, #tpu.memory_space<vmem>>
      %dma_wait3A_161 = arith.constant 0 : i32
      %dma_wait3A_162 = arith.constant 0 : i32
      %dma_wait3A_163 = tpu.memref_slice %arg4[%dma_wait3A_161, %dma_wait3A_162] : memref<1000000x64xf32, #tpu.memory_space<hbm>> -> memref<1000000x64xf32, #tpu.memory_space<hbm>>
      tpu.wait_indirect_dma semaphore(%arg13 : memref<!tpu.dma_semaphore, #tpu.memory_space<semaphore_mem>>) src(%dma_wait3A_163 : memref<1000000x64xf32, #tpu.memory_space<hbm>>) dst(%dma_wait3A_157 : memref<104x64xf32, #tpu.memory_space<vmem>>)
      %mul3A_164 = arith.constant 4 : i32
      %mul3A_165 = arith.muli %add3A_143, %mul3A_164 : i32
      %add3A_166 = arith.constant 1 : i32
      %add3A_167 = arith.addi %mul3A_165, %add3A_166 : i32
      %dma_wait3A_168 = arith.constant 104 : i32
      %dma_wait3A_169 = arith.constant 0 : i32
      %dma_wait3A_170 = tpu.memref_slice %arg9[%dma_wait3A_168, %dma_wait3A_169] : memref<416x64xf32, #tpu.memory_space<vmem>> -> memref<104x64xf32, #tpu.memory_space<vmem>>
      %dma_wait3A_171 = arith.constant 0 : i32
      %dma_wait3A_172 = tpu.memref_slice %arg6[%add3A_167, %dma_wait3A_171] : memref<400x104xi32, #tpu.memory_space<vmem>> -> memref<1x104xi32, #tpu.memory_space<vmem>>
      %dma_wait3A_173 = tpu.memref_squeeze %dma_wait3A_172 : memref<1x104xi32, #tpu.memory_space<vmem>> -> memref<104xi32, #tpu.memory_space<vmem>>
      %dma_wait3A_174 = arith.constant 0 : i32
      %dma_wait3A_175 = arith.constant 0 : i32
      %dma_wait3A_176 = tpu.memref_slice %arg4[%dma_wait3A_174, %dma_wait3A_175] : memref<1000000x64xf32, #tpu.memory_space<hbm>> -> memref<1000000x64xf32, #tpu.memory_space<hbm>>
      tpu.wait_indirect_dma semaphore(%arg13 : memref<!tpu.dma_semaphore, #tpu.memory_space<semaphore_mem>>) src(%dma_wait3A_176 : memref<1000000x64xf32, #tpu.memory_space<hbm>>) dst(%dma_wait3A_170 : memref<104x64xf32, #tpu.memory_space<vmem>>)
      %mul3A_177 = arith.constant 4 : i32
      %mul3A_178 = arith.muli %add3A_143, %mul3A_177 : i32
      %add3A_179 = arith.constant 2 : i32
      %add3A_180 = arith.addi %mul3A_178, %add3A_179 : i32
      %dma_wait3A_181 = arith.constant 208 : i32
      %dma_wait3A_182 = arith.constant 0 : i32
      %dma_wait3A_183 = tpu.memref_slice %arg9[%dma_wait3A_181, %dma_wait3A_182] : memref<416x64xf32, #tpu.memory_space<vmem>> -> memref<104x64xf32, #tpu.memory_space<vmem>>
      %dma_wait3A_184 = arith.constant 0 : i32
      %dma_wait3A_185 = tpu.memref_slice %arg6[%add3A_180, %dma_wait3A_184] : memref<400x104xi32, #tpu.memory_space<vmem>> -> memref<1x104xi32, #tpu.memory_space<vmem>>
      %dma_wait3A_186 = tpu.memref_squeeze %dma_wait3A_185 : memref<1x104xi32, #tpu.memory_space<vmem>> -> memref<104xi32, #tpu.memory_space<vmem>>
      %dma_wait3A_187 = arith.constant 0 : i32
      %dma_wait3A_188 = arith.constant 0 : i32
      %dma_wait3A_189 = tpu.memref_slice %arg4[%dma_wait3A_187, %dma_wait3A_188] : memref<1000000x64xf32, #tpu.memory_space<hbm>> -> memref<1000000x64xf32, #tpu.memory_space<hbm>>
      tpu.wait_indirect_dma semaphore(%arg13 : memref<!tpu.dma_semaphore, #tpu.memory_space<semaphore_mem>>) src(%dma_wait3A_189 : memref<1000000x64xf32, #tpu.memory_space<hbm>>) dst(%dma_wait3A_183 : memref<104x64xf32, #tpu.memory_space<vmem>>)
      %mul3A_190 = arith.constant 4 : i32
      %mul3A_191 = arith.muli %add3A_143, %mul3A_190 : i32
      %add3A_192 = arith.constant 3 : i32
      %add3A_193 = arith.addi %mul3A_191, %add3A_192 : i32
      %dma_wait3A_194 = arith.constant 312 : i32
      %dma_wait3A_195 = arith.constant 0 : i32
      %dma_wait3A_196 = tpu.memref_slice %arg9[%dma_wait3A_194, %dma_wait3A_195] : memref<416x64xf32, #tpu.memory_space<vmem>> -> memref<104x64xf32, #tpu.memory_space<vmem>>
      %dma_wait3A_197 = arith.constant 0 : i32
      %dma_wait3A_198 = tpu.memref_slice %arg6[%add3A_193, %dma_wait3A_197] : memref<400x104xi32, #tpu.memory_space<vmem>> -> memref<1x104xi32, #tpu.memory_space<vmem>>
      %dma_wait3A_199 = tpu.memref_squeeze %dma_wait3A_198 : memref<1x104xi32, #tpu.memory_space<vmem>> -> memref<104xi32, #tpu.memory_space<vmem>>
      %dma_wait3A_200 = arith.constant 0 : i32
      %dma_wait3A_201 = arith.constant 0 : i32
      %dma_wait3A_202 = tpu.memref_slice %arg4[%dma_wait3A_200, %dma_wait3A_201] : memref<1000000x64xf32, #tpu.memory_space<hbm>> -> memref<1000000x64xf32, #tpu.memory_space<hbm>>
      tpu.wait_indirect_dma semaphore(%arg13 : memref<!tpu.dma_semaphore, #tpu.memory_space<semaphore_mem>>) src(%dma_wait3A_202 : memref<1000000x64xf32, #tpu.memory_space<hbm>>) dst(%dma_wait3A_196 : memref<104x64xf32, #tpu.memory_space<vmem>>)
      %ge3A_203 = arith.constant 2 : i32
      %ge3A_204 = arith.cmpi sge, %add3A_143, %ge3A_203 : i32
      %convert_element_type3A_205 = arith.extui %ge3A_204 : i1 to i32
      %cond3A_206 = arith.constant 0 : i32
      %cond3A_207 = arith.cmpi ne, %convert_element_type3A_205, %cond3A_206 : i32
      scf.if %cond3A_207 {
        %dma_wait3A_223 = arith.constant 0 : i32
        %dma_wait3A_224 = arith.constant 0 : i32
        %dma_wait3A_225 = tpu.memref_slice %arg5[%dma_wait3A_223, %dma_wait3A_224] : memref<51200x80xf32, #tpu.memory_space<hbm>> -> memref<16x80xf32, #tpu.memory_space<hbm>>
        %dma_wait3A_226 = arith.constant 0 : i32
        %dma_wait3A_227 = arith.constant 0 : i32
        %dma_wait3A_228 = tpu.memref_slice %arg5[%dma_wait3A_226, %dma_wait3A_227] : memref<51200x80xf32, #tpu.memory_space<hbm>> -> memref<16x80xf32, #tpu.memory_space<hbm>>
        tpu.wait_dma2 semaphore(%arg15 : memref<!tpu.dma_semaphore, #tpu.memory_space<semaphore_mem>>) src(%arg11 : memref<16x80xf32, #tpu.memory_space<vmem>>) dst(%dma_wait3A_228 : memref<16x80xf32, #tpu.memory_space<hbm>>)
      } else {
      }
      %scan3A_208 = arith.constant 0 : i32
      %scan3A_209 = arith.constant 0 : i32
      %scan3A_210 = arith.constant 16 : i32
      %scan3A_211 = arith.addi %scan3A_209, %scan3A_210 : i32
      %scan3A_212 = arith.constant 2 : i32
      scf.for %scan3A_223 = %scan3A_209 to %scan3A_211 step %scan3A_212  : i32 {
        %mul3A_224 = arith.constant 26 : i32
        %mul3A_225 = arith.muli %scan3A_223, %mul3A_224 : i32
        %get3A = arith.index_cast %mul3A_225 : i32 to index
        %get3A_226 = arith.constant 0 : index
        %get3A_227 = tpu.vector_load %arg9[%get3A, %get3A_226] {strides = array<i32>} : memref<416x64xf32, #tpu.memory_space<vmem>>, vector<1x16xf32>,
        %get3A_228 = vector.shape_cast %get3A_227 : vector<1x16xf32> to vector<16xf32>
        %add3A_229 = arith.constant 1 : i32
        %add3A_230 = arith.addi %mul3A_225, %add3A_229 : i32
        %get3A_231 = arith.index_cast %add3A_230 : i32 to index
        %get3A_232 = arith.constant 0 : index
        %get3A_233 = tpu.vector_load %arg9[%get3A_231, %get3A_232] {strides = array<i32>} : memref<416x64xf32, #tpu.memory_space<vmem>>, vector<1x16xf32>,
        %get3A_234 = vector.shape_cast %get3A_233 : vector<1x16xf32> to vector<16xf32>
        %add3A_235 = arith.addf %get3A_228, %get3A_234 : vector<16xf32>
        %add3A_236 = arith.constant 2 : i32
        %add3A_237 = arith.addi %mul3A_225, %add3A_236 : i32
        %get3A_238 = arith.index_cast %add3A_237 : i32 to index
        %get3A_239 = arith.constant 0 : index
        %get3A_240 = tpu.vector_load %arg9[%get3A_238, %get3A_239] {strides = array<i32>} : memref<416x64xf32, #tpu.memory_space<vmem>>, vector<1x16xf32>,
        %get3A_241 = vector.shape_cast %get3A_240 : vector<1x16xf32> to vector<16xf32>
        %add3A_242 = arith.addf %add3A_235, %get3A_241 : vector<16xf32>
        %add3A_243 = arith.constant 3 : i32
        %add3A_244 = arith.addi %mul3A_225, %add3A_243 : i32
        %get3A_245 = arith.index_cast %add3A_244 : i32 to index
        %get3A_246 = arith.constant 0 : index
        %get3A_247 = tpu.vector_load %arg9[%get3A_245, %get3A_246] {strides = array<i32>} : memref<416x64xf32, #tpu.memory_space<vmem>>, vector<1x16xf32>,
        %get3A_248 = vector.shape_cast %get3A_247 : vector<1x16xf32> to vector<16xf32>
        %add3A_249 = arith.addf %add3A_242, %get3A_248 : vector<16xf32>
        %add3A_250 = arith.constant 4 : i32
        %add3A_251 = arith.addi %mul3A_225, %add3A_250 : i32
        %get3A_252 = arith.index_cast %add3A_251 : i32 to index
        %get3A_253 = arith.constant 0 : index
        %get3A_254 = tpu.vector_load %arg9[%get3A_252, %get3A_253] {strides = array<i32>} : memref<416x64xf32, #tpu.memory_space<vmem>>, vector<1x16xf32>,
        %get3A_255 = vector.shape_cast %get3A_254 : vector<1x16xf32> to vector<16xf32>
        %add3A_256 = arith.addf %add3A_249, %get3A_255 : vector<16xf32>
        %add3A_257 = arith.constant 5 : i32
        %add3A_258 = arith.addi %mul3A_225, %add3A_257 : i32
        %get3A_259 = arith.index_cast %add3A_258 : i32 to index
        %get3A_260 = arith.constant 0 : index
        %get3A_261 = tpu.vector_load %arg9[%get3A_259, %get3A_260] {strides = array<i32>} : memref<416x64xf32, #tpu.memory_space<vmem>>, vector<1x16xf32>,
        %get3A_262 = vector.shape_cast %get3A_261 : vector<1x16xf32> to vector<16xf32>
        %add3A_263 = arith.addf %add3A_256, %get3A_262 : vector<16xf32>
        %add3A_264 = arith.constant 6 : i32
        %add3A_265 = arith.addi %mul3A_225, %add3A_264 : i32
        %get3A_266 = arith.index_cast %add3A_265 : i32 to index
        %get3A_267 = arith.constant 0 : index
        %get3A_268 = tpu.vector_load %arg9[%get3A_266, %get3A_267] {strides = array<i32>} : memref<416x64xf32, #tpu.memory_space<vmem>>, vector<1x16xf32>,
        %get3A_269 = vector.shape_cast %get3A_268 : vector<1x16xf32> to vector<16xf32>
        %add3A_270 = arith.addf %add3A_263, %get3A_269 : vector<16xf32>
        %add3A_271 = arith.constant 7 : i32
        %add3A_272 = arith.addi %mul3A_225, %add3A_271 : i32
        %get3A_273 = arith.index_cast %add3A_272 : i32 to index
        %get3A_274 = arith.constant 0 : index
        %get3A_275 = tpu.vector_load %arg9[%get3A_273, %get3A_274] {strides = array<i32>} : memref<416x64xf32, #tpu.memory_space<vmem>>, vector<1x16xf32>,
        %get3A_276 = vector.shape_cast %get3A_275 : vector<1x16xf32> to vector<16xf32>
        %add3A_277 = arith.addf %add3A_270, %get3A_276 : vector<16xf32>
        %add3A_278 = arith.constant 8 : i32
        %add3A_279 = arith.addi %mul3A_225, %add3A_278 : i32
        %get3A_280 = arith.index_cast %add3A_279 : i32 to index
        %get3A_281 = arith.constant 0 : index
        %get3A_282 = tpu.vector_load %arg9[%get3A_280, %get3A_281] {strides = array<i32>} : memref<416x64xf32, #tpu.memory_space<vmem>>, vector<1x16xf32>,
        %get3A_283 = vector.shape_cast %get3A_282 : vector<1x16xf32> to vector<16xf32>
        %add3A_284 = arith.addf %add3A_277, %get3A_283 : vector<16xf32>
        %add3A_285 = arith.constant 9 : i32
        %add3A_286 = arith.addi %mul3A_225, %add3A_285 : i32
        %get3A_287 = arith.index_cast %add3A_286 : i32 to index
        %get3A_288 = arith.constant 0 : index
        %get3A_289 = tpu.vector_load %arg9[%get3A_287, %get3A_288] {strides = array<i32>} : memref<416x64xf32, #tpu.memory_space<vmem>>, vector<1x16xf32>,
        %get3A_290 = vector.shape_cast %get3A_289 : vector<1x16xf32> to vector<16xf32>
        %add3A_291 = arith.addf %add3A_284, %get3A_290 : vector<16xf32>
        %add3A_292 = arith.constant 10 : i32
        %add3A_293 = arith.addi %mul3A_225, %add3A_292 : i32
        %get3A_294 = arith.index_cast %add3A_293 : i32 to index
        %get3A_295 = arith.constant 0 : index
        %get3A_296 = tpu.vector_load %arg9[%get3A_294, %get3A_295] {strides = array<i32>} : memref<416x64xf32, #tpu.memory_space<vmem>>, vector<1x16xf32>,
        %get3A_297 = vector.shape_cast %get3A_296 : vector<1x16xf32> to vector<16xf32>
        %add3A_298 = arith.addf %add3A_291, %get3A_297 : vector<16xf32>
        %add3A_299 = arith.constant 11 : i32
        %add3A_300 = arith.addi %mul3A_225, %add3A_299 : i32
        %get3A_301 = arith.index_cast %add3A_300 : i32 to index
        %get3A_302 = arith.constant 0 : index
        %get3A_303 = tpu.vector_load %arg9[%get3A_301, %get3A_302] {strides = array<i32>} : memref<416x64xf32, #tpu.memory_space<vmem>>, vector<1x16xf32>,
        %get3A_304 = vector.shape_cast %get3A_303 : vector<1x16xf32> to vector<16xf32>
        %add3A_305 = arith.addf %add3A_298, %get3A_304 : vector<16xf32>
        %add3A_306 = arith.constant 12 : i32
        %add3A_307 = arith.addi %mul3A_225, %add3A_306 : i32
        %get3A_308 = arith.index_cast %add3A_307 : i32 to index
        %get3A_309 = arith.constant 0 : index
        %get3A_310 = tpu.vector_load %arg9[%get3A_308, %get3A_309] {strides = array<i32>} : memref<416x64xf32, #tpu.memory_space<vmem>>, vector<1x16xf32>,
        %get3A_311 = vector.shape_cast %get3A_310 : vector<1x16xf32> to vector<16xf32>
        %add3A_312 = arith.addf %add3A_305, %get3A_311 : vector<16xf32>
        %add3A_313 = arith.constant 13 : i32
        %add3A_314 = arith.addi %mul3A_225, %add3A_313 : i32
        %get3A_315 = arith.index_cast %add3A_314 : i32 to index
        %get3A_316 = arith.constant 0 : index
        %get3A_317 = tpu.vector_load %arg9[%get3A_315, %get3A_316] {strides = array<i32>} : memref<416x64xf32, #tpu.memory_space<vmem>>, vector<1x16xf32>,
        %get3A_318 = vector.shape_cast %get3A_317 : vector<1x16xf32> to vector<16xf32>
        %add3A_319 = arith.addf %add3A_312, %get3A_318 : vector<16xf32>
        %add3A_320 = arith.constant 14 : i32
        %add3A_321 = arith.addi %mul3A_225, %add3A_320 : i32
        %get3A_322 = arith.index_cast %add3A_321 : i32 to index
        %get3A_323 = arith.constant 0 : index
        %get3A_324 = tpu.vector_load %arg9[%get3A_322, %get3A_323] {strides = array<i32>} : memref<416x64xf32, #tpu.memory_space<vmem>>, vector<1x16xf32>,
        %get3A_325 = vector.shape_cast %get3A_324 : vector<1x16xf32> to vector<16xf32>
        %add3A_326 = arith.addf %add3A_319, %get3A_325 : vector<16xf32>
        %add3A_327 = arith.constant 15 : i32
        %add3A_328 = arith.addi %mul3A_225, %add3A_327 : i32
        %get3A_329 = arith.index_cast %add3A_328 : i32 to index
        %get3A_330 = arith.constant 0 : index
        %get3A_331 = tpu.vector_load %arg9[%get3A_329, %get3A_330] {strides = array<i32>} : memref<416x64xf32, #tpu.memory_space<vmem>>, vector<1x16xf32>,
        %get3A_332 = vector.shape_cast %get3A_331 : vector<1x16xf32> to vector<16xf32>
        %add3A_333 = arith.addf %add3A_326, %get3A_332 : vector<16xf32>
        %add3A_334 = arith.constant 16 : i32
        %add3A_335 = arith.addi %mul3A_225, %add3A_334 : i32
        %get3A_336 = arith.index_cast %add3A_335 : i32 to index
        %get3A_337 = arith.constant 0 : index
        %get3A_338 = tpu.vector_load %arg9[%get3A_336, %get3A_337] {strides = array<i32>} : memref<416x64xf32, #tpu.memory_space<vmem>>, vector<1x16xf32>,
        %get3A_339 = vector.shape_cast %get3A_338 : vector<1x16xf32> to vector<16xf32>
        %add3A_340 = arith.addf %add3A_333, %get3A_339 : vector<16xf32>
        %add3A_341 = arith.constant 17 : i32
        %add3A_342 = arith.addi %mul3A_225, %add3A_341 : i32
        %get3A_343 = arith.index_cast %add3A_342 : i32 to index
        %get3A_344 = arith.constant 0 : index
        %get3A_345 = tpu.vector_load %arg9[%get3A_343, %get3A_344] {strides = array<i32>} : memref<416x64xf32, #tpu.memory_space<vmem>>, vector<1x16xf32>,
        %get3A_346 = vector.shape_cast %get3A_345 : vector<1x16xf32> to vector<16xf32>
        %add3A_347 = arith.addf %add3A_340, %get3A_346 : vector<16xf32>
        %add3A_348 = arith.constant 18 : i32
        %add3A_349 = arith.addi %mul3A_225, %add3A_348 : i32
        %get3A_350 = arith.index_cast %add3A_349 : i32 to index
        %get3A_351 = arith.constant 0 : index
        %get3A_352 = tpu.vector_load %arg9[%get3A_350, %get3A_351] {strides = array<i32>} : memref<416x64xf32, #tpu.memory_space<vmem>>, vector<1x16xf32>,
        %get3A_353 = vector.shape_cast %get3A_352 : vector<1x16xf32> to vector<16xf32>
        %add3A_354 = arith.addf %add3A_347, %get3A_353 : vector<16xf32>
        %add3A_355 = arith.constant 19 : i32
        %add3A_356 = arith.addi %mul3A_225, %add3A_355 : i32
        %get3A_357 = arith.index_cast %add3A_356 : i32 to index
        %get3A_358 = arith.constant 0 : index
        %get3A_359 = tpu.vector_load %arg9[%get3A_357, %get3A_358] {strides = array<i32>} : memref<416x64xf32, #tpu.memory_space<vmem>>, vector<1x16xf32>,
        %get3A_360 = vector.shape_cast %get3A_359 : vector<1x16xf32> to vector<16xf32>
        %add3A_361 = arith.addf %add3A_354, %get3A_360 : vector<16xf32>
        %add3A_362 = arith.constant 20 : i32
        %add3A_363 = arith.addi %mul3A_225, %add3A_362 : i32
        %get3A_364 = arith.index_cast %add3A_363 : i32 to index
        %get3A_365 = arith.constant 0 : index
        %get3A_366 = tpu.vector_load %arg9[%get3A_364, %get3A_365] {strides = array<i32>} : memref<416x64xf32, #tpu.memory_space<vmem>>, vector<1x16xf32>,
        %get3A_367 = vector.shape_cast %get3A_366 : vector<1x16xf32> to vector<16xf32>
        %add3A_368 = arith.addf %add3A_361, %get3A_367 : vector<16xf32>
        %add3A_369 = arith.constant 21 : i32
        %add3A_370 = arith.addi %mul3A_225, %add3A_369 : i32
        %get3A_371 = arith.index_cast %add3A_370 : i32 to index
        %get3A_372 = arith.constant 0 : index
        %get3A_373 = tpu.vector_load %arg9[%get3A_371, %get3A_372] {strides = array<i32>} : memref<416x64xf32, #tpu.memory_space<vmem>>, vector<1x16xf32>,
        %get3A_374 = vector.shape_cast %get3A_373 : vector<1x16xf32> to vector<16xf32>
        %add3A_375 = arith.addf %add3A_368, %get3A_374 : vector<16xf32>
        %add3A_376 = arith.constant 22 : i32
        %add3A_377 = arith.addi %mul3A_225, %add3A_376 : i32
        %get3A_378 = arith.index_cast %add3A_377 : i32 to index
        %get3A_379 = arith.constant 0 : index
        %get3A_380 = tpu.vector_load %arg9[%get3A_378, %get3A_379] {strides = array<i32>} : memref<416x64xf32, #tpu.memory_space<vmem>>, vector<1x16xf32>,
        %get3A_381 = vector.shape_cast %get3A_380 : vector<1x16xf32> to vector<16xf32>
        %add3A_382 = arith.addf %add3A_375, %get3A_381 : vector<16xf32>
        %add3A_383 = arith.constant 23 : i32
        %add3A_384 = arith.addi %mul3A_225, %add3A_383 : i32
        %get3A_385 = arith.index_cast %add3A_384 : i32 to index
        %get3A_386 = arith.constant 0 : index
        %get3A_387 = tpu.vector_load %arg9[%get3A_385, %get3A_386] {strides = array<i32>} : memref<416x64xf32, #tpu.memory_space<vmem>>, vector<1x16xf32>,
        %get3A_388 = vector.shape_cast %get3A_387 : vector<1x16xf32> to vector<16xf32>
        %add3A_389 = arith.addf %add3A_382, %get3A_388 : vector<16xf32>
        %add3A_390 = arith.constant 24 : i32
        %add3A_391 = arith.addi %mul3A_225, %add3A_390 : i32
        %get3A_392 = arith.index_cast %add3A_391 : i32 to index
        %get3A_393 = arith.constant 0 : index
        %get3A_394 = tpu.vector_load %arg9[%get3A_392, %get3A_393] {strides = array<i32>} : memref<416x64xf32, #tpu.memory_space<vmem>>, vector<1x16xf32>,
        %get3A_395 = vector.shape_cast %get3A_394 : vector<1x16xf32> to vector<16xf32>
        %add3A_396 = arith.addf %add3A_389, %get3A_395 : vector<16xf32>
        %add3A_397 = arith.constant 25 : i32
        %add3A_398 = arith.addi %mul3A_225, %add3A_397 : i32
        %get3A_399 = arith.index_cast %add3A_398 : i32 to index
        %get3A_400 = arith.constant 0 : index
        %get3A_401 = tpu.vector_load %arg9[%get3A_399, %get3A_400] {strides = array<i32>} : memref<416x64xf32, #tpu.memory_space<vmem>>, vector<1x16xf32>,
        %get3A_402 = vector.shape_cast %get3A_401 : vector<1x16xf32> to vector<16xf32>
        %add3A_403 = arith.addf %add3A_396, %get3A_402 : vector<16xf32>
        %swap3A = arith.index_cast %scan3A_223 : i32 to index
        %swap3A_404 = arith.constant 0 : index
        %swap3A_405 = tpu.vector_load %arg11[%swap3A, %swap3A_404] {strides = array<i32>} : memref<16x80xf32, #tpu.memory_space<vmem>>, vector<1x16xf32>,
        %swap3A_406 = vector.shape_cast %swap3A_405 : vector<1x16xf32> to vector<16xf32>
        %swap3A_407 = vector.shape_cast %add3A_403 : vector<16xf32> to vector<1x16xf32>
        tpu.vector_store %arg11[%swap3A, %swap3A_404], %swap3A_407 {strides = array<i32>} : memref<16x80xf32, #tpu.memory_space<vmem>>, vector<1x16xf32>,
        %get3A_408 = arith.index_cast %mul3A_225 : i32 to index
        %get3A_409 = arith.constant 16 : index
        %get3A_410 = tpu.vector_load %arg9[%get3A_408, %get3A_409] {strides = array<i32>} : memref<416x64xf32, #tpu.memory_space<vmem>>, vector<1x16xf32>,
        %get3A_411 = vector.shape_cast %get3A_410 : vector<1x16xf32> to vector<16xf32>
        %add3A_412 = arith.constant 1 : i32
        %add3A_413 = arith.addi %mul3A_225, %add3A_412 : i32
        %get3A_414 = arith.index_cast %add3A_413 : i32 to index
        %get3A_415 = arith.constant 16 : index
        %get3A_416 = tpu.vector_load %arg9[%get3A_414, %get3A_415] {strides = array<i32>} : memref<416x64xf32, #tpu.memory_space<vmem>>, vector<1x16xf32>,
        %get3A_417 = vector.shape_cast %get3A_416 : vector<1x16xf32> to vector<16xf32>
        %add3A_418 = arith.addf %get3A_411, %get3A_417 : vector<16xf32>
        %add3A_419 = arith.constant 2 : i32
        %add3A_420 = arith.addi %mul3A_225, %add3A_419 : i32
        %get3A_421 = arith.index_cast %add3A_420 : i32 to index
        %get3A_422 = arith.constant 16 : index
        %get3A_423 = tpu.vector_load %arg9[%get3A_421, %get3A_422] {strides = array<i32>} : memref<416x64xf32, #tpu.memory_space<vmem>>, vector<1x16xf32>,
        %get3A_424 = vector.shape_cast %get3A_423 : vector<1x16xf32> to vector<16xf32>
        %add3A_425 = arith.addf %add3A_418, %get3A_424 : vector<16xf32>
        %add3A_426 = arith.constant 3 : i32
        %add3A_427 = arith.addi %mul3A_225, %add3A_426 : i32
        %get3A_428 = arith.index_cast %add3A_427 : i32 to index
        %get3A_429 = arith.constant 16 : index
        %get3A_430 = tpu.vector_load %arg9[%get3A_428, %get3A_429] {strides = array<i32>} : memref<416x64xf32, #tpu.memory_space<vmem>>, vector<1x16xf32>,
        %get3A_431 = vector.shape_cast %get3A_430 : vector<1x16xf32> to vector<16xf32>
        %add3A_432 = arith.addf %add3A_425, %get3A_431 : vector<16xf32>
        %add3A_433 = arith.constant 4 : i32
        %add3A_434 = arith.addi %mul3A_225, %add3A_433 : i32
        %get3A_435 = arith.index_cast %add3A_434 : i32 to index
        %get3A_436 = arith.constant 16 : index
        %get3A_437 = tpu.vector_load %arg9[%get3A_435, %get3A_436] {strides = array<i32>} : memref<416x64xf32, #tpu.memory_space<vmem>>, vector<1x16xf32>,
        %get3A_438 = vector.shape_cast %get3A_437 : vector<1x16xf32> to vector<16xf32>
        %add3A_439 = arith.addf %add3A_432, %get3A_438 : vector<16xf32>
        %add3A_440 = arith.constant 5 : i32
        %add3A_441 = arith.addi %mul3A_225, %add3A_440 : i32
        %get3A_442 = arith.index_cast %add3A_441 : i32 to index
        %get3A_443 = arith.constant 16 : index
        %get3A_444 = tpu.vector_load %arg9[%get3A_442, %get3A_443] {strides = array<i32>} : memref<416x64xf32, #tpu.memory_space<vmem>>, vector<1x16xf32>,
        %get3A_445 = vector.shape_cast %get3A_444 : vector<1x16xf32> to vector<16xf32>
        %add3A_446 = arith.addf %add3A_439, %get3A_445 : vector<16xf32>
        %add3A_447 = arith.constant 6 : i32
        %add3A_448 = arith.addi %mul3A_225, %add3A_447 : i32
        %get3A_449 = arith.index_cast %add3A_448 : i32 to index
        %get3A_450 = arith.constant 16 : index
        %get3A_451 = tpu.vector_load %arg9[%get3A_449, %get3A_450] {strides = array<i32>} : memref<416x64xf32, #tpu.memory_space<vmem>>, vector<1x16xf32>,
        %get3A_452 = vector.shape_cast %get3A_451 : vector<1x16xf32> to vector<16xf32>
        %add3A_453 = arith.addf %add3A_446, %get3A_452 : vector<16xf32>
        %add3A_454 = arith.constant 7 : i32
        %add3A_455 = arith.addi %mul3A_225, %add3A_454 : i32
        %get3A_456 = arith.index_cast %add3A_455 : i32 to index
        %get3A_457 = arith.constant 16 : index
        %get3A_458 = tpu.vector_load %arg9[%get3A_456, %get3A_457] {strides = array<i32>} : memref<416x64xf32, #tpu.memory_space<vmem>>, vector<1x16xf32>,
        %get3A_459 = vector.shape_cast %get3A_458 : vector<1x16xf32> to vector<16xf32>
        %add3A_460 = arith.addf %add3A_453, %get3A_459 : vector<16xf32>
        %add3A_461 = arith.constant 8 : i32
        %add3A_462 = arith.addi %mul3A_225, %add3A_461 : i32
        %get3A_463 = arith.index_cast %add3A_462 : i32 to index
        %get3A_464 = arith.constant 16 : index
        %get3A_465 = tpu.vector_load %arg9[%get3A_463, %get3A_464] {strides = array<i32>} : memref<416x64xf32, #tpu.memory_space<vmem>>, vector<1x16xf32>,
        %get3A_466 = vector.shape_cast %get3A_465 : vector<1x16xf32> to vector<16xf32>
        %add3A_467 = arith.addf %add3A_460, %get3A_466 : vector<16xf32>
        %add3A_468 = arith.constant 9 : i32
        %add3A_469 = arith.addi %mul3A_225, %add3A_468 : i32
        %get3A_470 = arith.index_cast %add3A_469 : i32 to index
        %get3A_471 = arith.constant 16 : index
        %get3A_472 = tpu.vector_load %arg9[%get3A_470, %get3A_471] {strides = array<i32>} : memref<416x64xf32, #tpu.memory_space<vmem>>, vector<1x16xf32>,
        %get3A_473 = vector.shape_cast %get3A_472 : vector<1x16xf32> to vector<16xf32>
        %add3A_474 = arith.addf %add3A_467, %get3A_473 : vector<16xf32>
        %add3A_475 = arith.constant 10 : i32
        %add3A_476 = arith.addi %mul3A_225, %add3A_475 : i32
        %get3A_477 = arith.index_cast %add3A_476 : i32 to index
        %get3A_478 = arith.constant 16 : index
        %get3A_479 = tpu.vector_load %arg9[%get3A_477, %get3A_478] {strides = array<i32>} : memref<416x64xf32, #tpu.memory_space<vmem>>, vector<1x16xf32>,
        %get3A_480 = vector.shape_cast %get3A_479 : vector<1x16xf32> to vector<16xf32>
        %add3A_481 = arith.addf %add3A_474, %get3A_480 : vector<16xf32>
        %add3A_482 = arith.constant 11 : i32
        %add3A_483 = arith.addi %mul3A_225, %add3A_482 : i32
        %get3A_484 = arith.index_cast %add3A_483 : i32 to index
        %get3A_485 = arith.constant 16 : index
        %get3A_486 = tpu.vector_load %arg9[%get3A_484, %get3A_485] {strides = array<i32>} : memref<416x64xf32, #tpu.memory_space<vmem>>, vector<1x16xf32>,
        %get3A_487 = vector.shape_cast %get3A_486 : vector<1x16xf32> to vector<16xf32>
        %add3A_488 = arith.addf %add3A_481, %get3A_487 : vector<16xf32>
        %add3A_489 = arith.constant 12 : i32
        %add3A_490 = arith.addi %mul3A_225, %add3A_489 : i32
        %get3A_491 = arith.index_cast %add3A_490 : i32 to index
        %get3A_492 = arith.constant 16 : index
        %get3A_493 = tpu.vector_load %arg9[%get3A_491, %get3A_492] {strides = array<i32>} : memref<416x64xf32, #tpu.memory_space<vmem>>, vector<1x16xf32>,
        %get3A_494 = vector.shape_cast %get3A_493 : vector<1x16xf32> to vector<16xf32>
        %add3A_495 = arith.addf %add3A_488, %get3A_494 : vector<16xf32>
        %add3A_496 = arith.constant 13 : i32
        %add3A_497 = arith.addi %mul3A_225, %add3A_496 : i32
        %get3A_498 = arith.index_cast %add3A_497 : i32 to index
        %get3A_499 = arith.constant 16 : index
        %get3A_500 = tpu.vector_load %arg9[%get3A_498, %get3A_499] {strides = array<i32>} : memref<416x64xf32, #tpu.memory_space<vmem>>, vector<1x16xf32>,
        %get3A_501 = vector.shape_cast %get3A_500 : vector<1x16xf32> to vector<16xf32>
        %add3A_502 = arith.addf %add3A_495, %get3A_501 : vector<16xf32>
        %add3A_503 = arith.constant 14 : i32
        %add3A_504 = arith.addi %mul3A_225, %add3A_503 : i32
        %get3A_505 = arith.index_cast %add3A_504 : i32 to index
        %get3A_506 = arith.constant 16 : index
        %get3A_507 = tpu.vector_load %arg9[%get3A_505, %get3A_506] {strides = array<i32>} : memref<416x64xf32, #tpu.memory_space<vmem>>, vector<1x16xf32>,
        %get3A_508 = vector.shape_cast %get3A_507 : vector<1x16xf32> to vector<16xf32>
        %add3A_509 = arith.addf %add3A_502, %get3A_508 : vector<16xf32>
        %add3A_510 = arith.constant 15 : i32
        %add3A_511 = arith.addi %mul3A_225, %add3A_510 : i32
        %get3A_512 = arith.index_cast %add3A_511 : i32 to index
        %get3A_513 = arith.constant 16 : index
        %get3A_514 = tpu.vector_load %arg9[%get3A_512, %get3A_513] {strides = array<i32>} : memref<416x64xf32, #tpu.memory_space<vmem>>, vector<1x16xf32>,
        %get3A_515 = vector.shape_cast %get3A_514 : vector<1x16xf32> to vector<16xf32>
        %add3A_516 = arith.addf %add3A_509, %get3A_515 : vector<16xf32>
        %add3A_517 = arith.constant 16 : i32
        %add3A_518 = arith.addi %mul3A_225, %add3A_517 : i32
        %get3A_519 = arith.index_cast %add3A_518 : i32 to index
        %get3A_520 = arith.constant 16 : index
        %get3A_521 = tpu.vector_load %arg9[%get3A_519, %get3A_520] {strides = array<i32>} : memref<416x64xf32, #tpu.memory_space<vmem>>, vector<1x16xf32>,
        %get3A_522 = vector.shape_cast %get3A_521 : vector<1x16xf32> to vector<16xf32>
        %add3A_523 = arith.addf %add3A_516, %get3A_522 : vector<16xf32>
        %add3A_524 = arith.constant 17 : i32
        %add3A_525 = arith.addi %mul3A_225, %add3A_524 : i32
        %get3A_526 = arith.index_cast %add3A_525 : i32 to index
        %get3A_527 = arith.constant 16 : index
        %get3A_528 = tpu.vector_load %arg9[%get3A_526, %get3A_527] {strides = array<i32>} : memref<416x64xf32, #tpu.memory_space<vmem>>, vector<1x16xf32>,
        %get3A_529 = vector.shape_cast %get3A_528 : vector<1x16xf32> to vector<16xf32>
        %add3A_530 = arith.addf %add3A_523, %get3A_529 : vector<16xf32>
        %add3A_531 = arith.constant 18 : i32
        %add3A_532 = arith.addi %mul3A_225, %add3A_531 : i32
        %get3A_533 = arith.index_cast %add3A_532 : i32 to index
        %get3A_534 = arith.constant 16 : index
        %get3A_535 = tpu.vector_load %arg9[%get3A_533, %get3A_534] {strides = array<i32>} : memref<416x64xf32, #tpu.memory_space<vmem>>, vector<1x16xf32>,
        %get3A_536 = vector.shape_cast %get3A_535 : vector<1x16xf32> to vector<16xf32>
        %add3A_537 = arith.addf %add3A_530, %get3A_536 : vector<16xf32>
        %add3A_538 = arith.constant 19 : i32
        %add3A_539 = arith.addi %mul3A_225, %add3A_538 : i32
        %get3A_540 = arith.index_cast %add3A_539 : i32 to index
        %get3A_541 = arith.constant 16 : index
        %get3A_542 = tpu.vector_load %arg9[%get3A_540, %get3A_541] {strides = array<i32>} : memref<416x64xf32, #tpu.memory_space<vmem>>, vector<1x16xf32>,
        %get3A_543 = vector.shape_cast %get3A_542 : vector<1x16xf32> to vector<16xf32>
        %add3A_544 = arith.addf %add3A_537, %get3A_543 : vector<16xf32>
        %add3A_545 = arith.constant 20 : i32
        %add3A_546 = arith.addi %mul3A_225, %add3A_545 : i32
        %get3A_547 = arith.index_cast %add3A_546 : i32 to index
        %get3A_548 = arith.constant 16 : index
        %get3A_549 = tpu.vector_load %arg9[%get3A_547, %get3A_548] {strides = array<i32>} : memref<416x64xf32, #tpu.memory_space<vmem>>, vector<1x16xf32>,
        %get3A_550 = vector.shape_cast %get3A_549 : vector<1x16xf32> to vector<16xf32>
        %add3A_551 = arith.addf %add3A_544, %get3A_550 : vector<16xf32>
        %add3A_552 = arith.constant 21 : i32
        %add3A_553 = arith.addi %mul3A_225, %add3A_552 : i32
        %get3A_554 = arith.index_cast %add3A_553 : i32 to index
        %get3A_555 = arith.constant 16 : index
        %get3A_556 = tpu.vector_load %arg9[%get3A_554, %get3A_555] {strides = array<i32>} : memref<416x64xf32, #tpu.memory_space<vmem>>, vector<1x16xf32>,
        %get3A_557 = vector.shape_cast %get3A_556 : vector<1x16xf32> to vector<16xf32>
        %add3A_558 = arith.addf %add3A_551, %get3A_557 : vector<16xf32>
        %add3A_559 = arith.constant 22 : i32
        %add3A_560 = arith.addi %mul3A_225, %add3A_559 : i32
        %get3A_561 = arith.index_cast %add3A_560 : i32 to index
        %get3A_562 = arith.constant 16 : index
        %get3A_563 = tpu.vector_load %arg9[%get3A_561, %get3A_562] {strides = array<i32>} : memref<416x64xf32, #tpu.memory_space<vmem>>, vector<1x16xf32>,
        %get3A_564 = vector.shape_cast %get3A_563 : vector<1x16xf32> to vector<16xf32>
        %add3A_565 = arith.addf %add3A_558, %get3A_564 : vector<16xf32>
        %add3A_566 = arith.constant 23 : i32
        %add3A_567 = arith.addi %mul3A_225, %add3A_566 : i32
        %get3A_568 = arith.index_cast %add3A_567 : i32 to index
        %get3A_569 = arith.constant 16 : index
        %get3A_570 = tpu.vector_load %arg9[%get3A_568, %get3A_569] {strides = array<i32>} : memref<416x64xf32, #tpu.memory_space<vmem>>, vector<1x16xf32>,
        %get3A_571 = vector.shape_cast %get3A_570 : vector<1x16xf32> to vector<16xf32>
        %add3A_572 = arith.addf %add3A_565, %get3A_571 : vector<16xf32>
        %add3A_573 = arith.constant 24 : i32
        %add3A_574 = arith.addi %mul3A_225, %add3A_573 : i32
        %get3A_575 = arith.index_cast %add3A_574 : i32 to index
        %get3A_576 = arith.constant 16 : index
        %get3A_577 = tpu.vector_load %arg9[%get3A_575, %get3A_576] {strides = array<i32>} : memref<416x64xf32, #tpu.memory_space<vmem>>, vector<1x16xf32>,
        %get3A_578 = vector.shape_cast %get3A_577 : vector<1x16xf32> to vector<16xf32>
        %add3A_579 = arith.addf %add3A_572, %get3A_578 : vector<16xf32>
        %add3A_580 = arith.constant 25 : i32
        %add3A_581 = arith.addi %mul3A_225, %add3A_580 : i32
        %get3A_582 = arith.index_cast %add3A_581 : i32 to index
        %get3A_583 = arith.constant 16 : index
        %get3A_584 = tpu.vector_load %arg9[%get3A_582, %get3A_583] {strides = array<i32>} : memref<416x64xf32, #tpu.memory_space<vmem>>, vector<1x16xf32>,
        %get3A_585 = vector.shape_cast %get3A_584 : vector<1x16xf32> to vector<16xf32>
        %add3A_586 = arith.addf %add3A_579, %get3A_585 : vector<16xf32>
        %swap3A_587 = arith.index_cast %scan3A_223 : i32 to index
        %swap3A_588 = arith.constant 16 : index
        %swap3A_589 = tpu.vector_load %arg11[%swap3A_587, %swap3A_588] {strides = array<i32>} : memref<16x80xf32, #tpu.memory_space<vmem>>, vector<1x16xf32>,
        %swap3A_590 = vector.shape_cast %swap3A_589 : vector<1x16xf32> to vector<16xf32>
        %swap3A_591 = vector.shape_cast %add3A_586 : vector<16xf32> to vector<1x16xf32>
        tpu.vector_store %arg11[%swap3A_587, %swap3A_588], %swap3A_591 {strides = array<i32>} : memref<16x80xf32, #tpu.memory_space<vmem>>, vector<1x16xf32>,
        %get3A_592 = arith.index_cast %mul3A_225 : i32 to index
        %get3A_593 = arith.constant 32 : index
        %get3A_594 = tpu.vector_load %arg9[%get3A_592, %get3A_593] {strides = array<i32>} : memref<416x64xf32, #tpu.memory_space<vmem>>, vector<1x16xf32>,
        %get3A_595 = vector.shape_cast %get3A_594 : vector<1x16xf32> to vector<16xf32>
        %add3A_596 = arith.constant 1 : i32
        %add3A_597 = arith.addi %mul3A_225, %add3A_596 : i32
        %get3A_598 = arith.index_cast %add3A_597 : i32 to index
        %get3A_599 = arith.constant 32 : index
        %get3A_600 = tpu.vector_load %arg9[%get3A_598, %get3A_599] {strides = array<i32>} : memref<416x64xf32, #tpu.memory_space<vmem>>, vector<1x16xf32>,
        %get3A_601 = vector.shape_cast %get3A_600 : vector<1x16xf32> to vector<16xf32>
        %add3A_602 = arith.addf %get3A_595, %get3A_601 : vector<16xf32>
        %add3A_603 = arith.constant 2 : i32
        %add3A_604 = arith.addi %mul3A_225, %add3A_603 : i32
        %get3A_605 = arith.index_cast %add3A_604 : i32 to index
        %get3A_606 = arith.constant 32 : index
        %get3A_607 = tpu.vector_load %arg9[%get3A_605, %get3A_606] {strides = array<i32>} : memref<416x64xf32, #tpu.memory_space<vmem>>, vector<1x16xf32>,
        %get3A_608 = vector.shape_cast %get3A_607 : vector<1x16xf32> to vector<16xf32>
        %add3A_609 = arith.addf %add3A_602, %get3A_608 : vector<16xf32>
        %add3A_610 = arith.constant 3 : i32
        %add3A_611 = arith.addi %mul3A_225, %add3A_610 : i32
        %get3A_612 = arith.index_cast %add3A_611 : i32 to index
        %get3A_613 = arith.constant 32 : index
        %get3A_614 = tpu.vector_load %arg9[%get3A_612, %get3A_613] {strides = array<i32>} : memref<416x64xf32, #tpu.memory_space<vmem>>, vector<1x16xf32>,
        %get3A_615 = vector.shape_cast %get3A_614 : vector<1x16xf32> to vector<16xf32>
        %add3A_616 = arith.addf %add3A_609, %get3A_615 : vector<16xf32>
        %add3A_617 = arith.constant 4 : i32
        %add3A_618 = arith.addi %mul3A_225, %add3A_617 : i32
        %get3A_619 = arith.index_cast %add3A_618 : i32 to index
        %get3A_620 = arith.constant 32 : index
        %get3A_621 = tpu.vector_load %arg9[%get3A_619, %get3A_620] {strides = array<i32>} : memref<416x64xf32, #tpu.memory_space<vmem>>, vector<1x16xf32>,
        %get3A_622 = vector.shape_cast %get3A_621 : vector<1x16xf32> to vector<16xf32>
        %add3A_623 = arith.addf %add3A_616, %get3A_622 : vector<16xf32>
        %add3A_624 = arith.constant 5 : i32
        %add3A_625 = arith.addi %mul3A_225, %add3A_624 : i32
        %get3A_626 = arith.index_cast %add3A_625 : i32 to index
        %get3A_627 = arith.constant 32 : index
        %get3A_628 = tpu.vector_load %arg9[%get3A_626, %get3A_627] {strides = array<i32>} : memref<416x64xf32, #tpu.memory_space<vmem>>, vector<1x16xf32>,
        %get3A_629 = vector.shape_cast %get3A_628 : vector<1x16xf32> to vector<16xf32>
        %add3A_630 = arith.addf %add3A_623, %get3A_629 : vector<16xf32>
        %add3A_631 = arith.constant 6 : i32
        %add3A_632 = arith.addi %mul3A_225, %add3A_631 : i32
        %get3A_633 = arith.index_cast %add3A_632 : i32 to index
        %get3A_634 = arith.constant 32 : index
        %get3A_635 = tpu.vector_load %arg9[%get3A_633, %get3A_634] {strides = array<i32>} : memref<416x64xf32, #tpu.memory_space<vmem>>, vector<1x16xf32>,
        %get3A_636 = vector.shape_cast %get3A_635 : vector<1x16xf32> to vector<16xf32>
        %add3A_637 = arith.addf %add3A_630, %get3A_636 : vector<16xf32>
        %add3A_638 = arith.constant 7 : i32
        %add3A_639 = arith.addi %mul3A_225, %add3A_638 : i32
        %get3A_640 = arith.index_cast %add3A_639 : i32 to index
        %get3A_641 = arith.constant 32 : index
        %get3A_642 = tpu.vector_load %arg9[%get3A_640, %get3A_641] {strides = array<i32>} : memref<416x64xf32, #tpu.memory_space<vmem>>, vector<1x16xf32>,
        %get3A_643 = vector.shape_cast %get3A_642 : vector<1x16xf32> to vector<16xf32>
        %add3A_644 = arith.addf %add3A_637, %get3A_643 : vector<16xf32>
        %add3A_645 = arith.constant 8 : i32
        %add3A_646 = arith.addi %mul3A_225, %add3A_645 : i32
        %get3A_647 = arith.index_cast %add3A_646 : i32 to index
        %get3A_648 = arith.constant 32 : index
        %get3A_649 = tpu.vector_load %arg9[%get3A_647, %get3A_648] {strides = array<i32>} : memref<416x64xf32, #tpu.memory_space<vmem>>, vector<1x16xf32>,
        %get3A_650 = vector.shape_cast %get3A_649 : vector<1x16xf32> to vector<16xf32>
        %add3A_651 = arith.addf %add3A_644, %get3A_650 : vector<16xf32>
        %add3A_652 = arith.constant 9 : i32
        %add3A_653 = arith.addi %mul3A_225, %add3A_652 : i32
        %get3A_654 = arith.index_cast %add3A_653 : i32 to index
        %get3A_655 = arith.constant 32 : index
        %get3A_656 = tpu.vector_load %arg9[%get3A_654, %get3A_655] {strides = array<i32>} : memref<416x64xf32, #tpu.memory_space<vmem>>, vector<1x16xf32>,
        %get3A_657 = vector.shape_cast %get3A_656 : vector<1x16xf32> to vector<16xf32>
        %add3A_658 = arith.addf %add3A_651, %get3A_657 : vector<16xf32>
        %add3A_659 = arith.constant 10 : i32
        %add3A_660 = arith.addi %mul3A_225, %add3A_659 : i32
        %get3A_661 = arith.index_cast %add3A_660 : i32 to index
        %get3A_662 = arith.constant 32 : index
        %get3A_663 = tpu.vector_load %arg9[%get3A_661, %get3A_662] {strides = array<i32>} : memref<416x64xf32, #tpu.memory_space<vmem>>, vector<1x16xf32>,
        %get3A_664 = vector.shape_cast %get3A_663 : vector<1x16xf32> to vector<16xf32>
        %add3A_665 = arith.addf %add3A_658, %get3A_664 : vector<16xf32>
        %add3A_666 = arith.constant 11 : i32
        %add3A_667 = arith.addi %mul3A_225, %add3A_666 : i32
        %get3A_668 = arith.index_cast %add3A_667 : i32 to index
        %get3A_669 = arith.constant 32 : index
        %get3A_670 = tpu.vector_load %arg9[%get3A_668, %get3A_669] {strides = array<i32>} : memref<416x64xf32, #tpu.memory_space<vmem>>, vector<1x16xf32>,
        %get3A_671 = vector.shape_cast %get3A_670 : vector<1x16xf32> to vector<16xf32>
        %add3A_672 = arith.addf %add3A_665, %get3A_671 : vector<16xf32>
        %add3A_673 = arith.constant 12 : i32
        %add3A_674 = arith.addi %mul3A_225, %add3A_673 : i32
        %get3A_675 = arith.index_cast %add3A_674 : i32 to index
        %get3A_676 = arith.constant 32 : index
        %get3A_677 = tpu.vector_load %arg9[%get3A_675, %get3A_676] {strides = array<i32>} : memref<416x64xf32, #tpu.memory_space<vmem>>, vector<1x16xf32>,
        %get3A_678 = vector.shape_cast %get3A_677 : vector<1x16xf32> to vector<16xf32>
        %add3A_679 = arith.addf %add3A_672, %get3A_678 : vector<16xf32>
        %add3A_680 = arith.constant 13 : i32
        %add3A_681 = arith.addi %mul3A_225, %add3A_680 : i32
        %get3A_682 = arith.index_cast %add3A_681 : i32 to index
        %get3A_683 = arith.constant 32 : index
        %get3A_684 = tpu.vector_load %arg9[%get3A_682, %get3A_683] {strides = array<i32>} : memref<416x64xf32, #tpu.memory_space<vmem>>, vector<1x16xf32>,
        %get3A_685 = vector.shape_cast %get3A_684 : vector<1x16xf32> to vector<16xf32>
        %add3A_686 = arith.addf %add3A_679, %get3A_685 : vector<16xf32>
        %add3A_687 = arith.constant 14 : i32
        %add3A_688 = arith.addi %mul3A_225, %add3A_687 : i32
        %get3A_689 = arith.index_cast %add3A_688 : i32 to index
        %get3A_690 = arith.constant 32 : index
        %get3A_691 = tpu.vector_load %arg9[%get3A_689, %get3A_690] {strides = array<i32>} : memref<416x64xf32, #tpu.memory_space<vmem>>, vector<1x16xf32>,
        %get3A_692 = vector.shape_cast %get3A_691 : vector<1x16xf32> to vector<16xf32>
        %add3A_693 = arith.addf %add3A_686, %get3A_692 : vector<16xf32>
        %add3A_694 = arith.constant 15 : i32
        %add3A_695 = arith.addi %mul3A_225, %add3A_694 : i32
        %get3A_696 = arith.index_cast %add3A_695 : i32 to index
        %get3A_697 = arith.constant 32 : index
        %get3A_698 = tpu.vector_load %arg9[%get3A_696, %get3A_697] {strides = array<i32>} : memref<416x64xf32, #tpu.memory_space<vmem>>, vector<1x16xf32>,
        %get3A_699 = vector.shape_cast %get3A_698 : vector<1x16xf32> to vector<16xf32>
        %add3A_700 = arith.addf %add3A_693, %get3A_699 : vector<16xf32>
        %add3A_701 = arith.constant 16 : i32
        %add3A_702 = arith.addi %mul3A_225, %add3A_701 : i32
        %get3A_703 = arith.index_cast %add3A_702 : i32 to index
        %get3A_704 = arith.constant 32 : index
        %get3A_705 = tpu.vector_load %arg9[%get3A_703, %get3A_704] {strides = array<i32>} : memref<416x64xf32, #tpu.memory_space<vmem>>, vector<1x16xf32>,
        %get3A_706 = vector.shape_cast %get3A_705 : vector<1x16xf32> to vector<16xf32>
        %add3A_707 = arith.addf %add3A_700, %get3A_706 : vector<16xf32>
        %add3A_708 = arith.constant 17 : i32
        %add3A_709 = arith.addi %mul3A_225, %add3A_708 : i32
        %get3A_710 = arith.index_cast %add3A_709 : i32 to index
        %get3A_711 = arith.constant 32 : index
        %get3A_712 = tpu.vector_load %arg9[%get3A_710, %get3A_711] {strides = array<i32>} : memref<416x64xf32, #tpu.memory_space<vmem>>, vector<1x16xf32>,
        %get3A_713 = vector.shape_cast %get3A_712 : vector<1x16xf32> to vector<16xf32>
        %add3A_714 = arith.addf %add3A_707, %get3A_713 : vector<16xf32>
        %add3A_715 = arith.constant 18 : i32
        %add3A_716 = arith.addi %mul3A_225, %add3A_715 : i32
        %get3A_717 = arith.index_cast %add3A_716 : i32 to index
        %get3A_718 = arith.constant 32 : index
        %get3A_719 = tpu.vector_load %arg9[%get3A_717, %get3A_718] {strides = array<i32>} : memref<416x64xf32, #tpu.memory_space<vmem>>, vector<1x16xf32>,
        %get3A_720 = vector.shape_cast %get3A_719 : vector<1x16xf32> to vector<16xf32>
        %add3A_721 = arith.addf %add3A_714, %get3A_720 : vector<16xf32>
        %add3A_722 = arith.constant 19 : i32
        %add3A_723 = arith.addi %mul3A_225, %add3A_722 : i32
        %get3A_724 = arith.index_cast %add3A_723 : i32 to index
        %get3A_725 = arith.constant 32 : index
        %get3A_726 = tpu.vector_load %arg9[%get3A_724, %get3A_725] {strides = array<i32>} : memref<416x64xf32, #tpu.memory_space<vmem>>, vector<1x16xf32>,
        %get3A_727 = vector.shape_cast %get3A_726 : vector<1x16xf32> to vector<16xf32>
        %add3A_728 = arith.addf %add3A_721, %get3A_727 : vector<16xf32>
        %add3A_729 = arith.constant 20 : i32
        %add3A_730 = arith.addi %mul3A_225, %add3A_729 : i32
        %get3A_731 = arith.index_cast %add3A_730 : i32 to index
        %get3A_732 = arith.constant 32 : index
        %get3A_733 = tpu.vector_load %arg9[%get3A_731, %get3A_732] {strides = array<i32>} : memref<416x64xf32, #tpu.memory_space<vmem>>, vector<1x16xf32>,
        %get3A_734 = vector.shape_cast %get3A_733 : vector<1x16xf32> to vector<16xf32>
        %add3A_735 = arith.addf %add3A_728, %get3A_734 : vector<16xf32>
        %add3A_736 = arith.constant 21 : i32
        %add3A_737 = arith.addi %mul3A_225, %add3A_736 : i32
        %get3A_738 = arith.index_cast %add3A_737 : i32 to index
        %get3A_739 = arith.constant 32 : index
        %get3A_740 = tpu.vector_load %arg9[%get3A_738, %get3A_739] {strides = array<i32>} : memref<416x64xf32, #tpu.memory_space<vmem>>, vector<1x16xf32>,
        %get3A_741 = vector.shape_cast %get3A_740 : vector<1x16xf32> to vector<16xf32>
        %add3A_742 = arith.addf %add3A_735, %get3A_741 : vector<16xf32>
        %add3A_743 = arith.constant 22 : i32
        %add3A_744 = arith.addi %mul3A_225, %add3A_743 : i32
        %get3A_745 = arith.index_cast %add3A_744 : i32 to index
        %get3A_746 = arith.constant 32 : index
        %get3A_747 = tpu.vector_load %arg9[%get3A_745, %get3A_746] {strides = array<i32>} : memref<416x64xf32, #tpu.memory_space<vmem>>, vector<1x16xf32>,
        %get3A_748 = vector.shape_cast %get3A_747 : vector<1x16xf32> to vector<16xf32>
        %add3A_749 = arith.addf %add3A_742, %get3A_748 : vector<16xf32>
        %add3A_750 = arith.constant 23 : i32
        %add3A_751 = arith.addi %mul3A_225, %add3A_750 : i32
        %get3A_752 = arith.index_cast %add3A_751 : i32 to index
        %get3A_753 = arith.constant 32 : index
        %get3A_754 = tpu.vector_load %arg9[%get3A_752, %get3A_753] {strides = array<i32>} : memref<416x64xf32, #tpu.memory_space<vmem>>, vector<1x16xf32>,
        %get3A_755 = vector.shape_cast %get3A_754 : vector<1x16xf32> to vector<16xf32>
        %add3A_756 = arith.addf %add3A_749, %get3A_755 : vector<16xf32>
        %add3A_757 = arith.constant 24 : i32
        %add3A_758 = arith.addi %mul3A_225, %add3A_757 : i32
        %get3A_759 = arith.index_cast %add3A_758 : i32 to index
        %get3A_760 = arith.constant 32 : index
        %get3A_761 = tpu.vector_load %arg9[%get3A_759, %get3A_760] {strides = array<i32>} : memref<416x64xf32, #tpu.memory_space<vmem>>, vector<1x16xf32>,
        %get3A_762 = vector.shape_cast %get3A_761 : vector<1x16xf32> to vector<16xf32>
        %add3A_763 = arith.addf %add3A_756, %get3A_762 : vector<16xf32>
        %add3A_764 = arith.constant 25 : i32
        %add3A_765 = arith.addi %mul3A_225, %add3A_764 : i32
        %get3A_766 = arith.index_cast %add3A_765 : i32 to index
        %get3A_767 = arith.constant 32 : index
        %get3A_768 = tpu.vector_load %arg9[%get3A_766, %get3A_767] {strides = array<i32>} : memref<416x64xf32, #tpu.memory_space<vmem>>, vector<1x16xf32>,
        %get3A_769 = vector.shape_cast %get3A_768 : vector<1x16xf32> to vector<16xf32>
        %add3A_770 = arith.addf %add3A_763, %get3A_769 : vector<16xf32>
        %swap3A_771 = arith.index_cast %scan3A_223 : i32 to index
        %swap3A_772 = arith.constant 32 : index
        %swap3A_773 = tpu.vector_load %arg11[%swap3A_771, %swap3A_772] {strides = array<i32>} : memref<16x80xf32, #tpu.memory_space<vmem>>, vector<1x16xf32>,
        %swap3A_774 = vector.shape_cast %swap3A_773 : vector<1x16xf32> to vector<16xf32>
        %swap3A_775 = vector.shape_cast %add3A_770 : vector<16xf32> to vector<1x16xf32>
        tpu.vector_store %arg11[%swap3A_771, %swap3A_772], %swap3A_775 {strides = array<i32>} : memref<16x80xf32, #tpu.memory_space<vmem>>, vector<1x16xf32>,
        %get3A_776 = arith.index_cast %mul3A_225 : i32 to index
        %get3A_777 = arith.constant 48 : index
        %get3A_778 = tpu.vector_load %arg9[%get3A_776, %get3A_777] {strides = array<i32>} : memref<416x64xf32, #tpu.memory_space<vmem>>, vector<1x16xf32>,
        %get3A_779 = vector.shape_cast %get3A_778 : vector<1x16xf32> to vector<16xf32>
        %add3A_780 = arith.constant 1 : i32
        %add3A_781 = arith.addi %mul3A_225, %add3A_780 : i32
        %get3A_782 = arith.index_cast %add3A_781 : i32 to index
        %get3A_783 = arith.constant 48 : index
        %get3A_784 = tpu.vector_load %arg9[%get3A_782, %get3A_783] {strides = array<i32>} : memref<416x64xf32, #tpu.memory_space<vmem>>, vector<1x16xf32>,
        %get3A_785 = vector.shape_cast %get3A_784 : vector<1x16xf32> to vector<16xf32>
        %add3A_786 = arith.addf %get3A_779, %get3A_785 : vector<16xf32>
        %add3A_787 = arith.constant 2 : i32
        %add3A_788 = arith.addi %mul3A_225, %add3A_787 : i32
        %get3A_789 = arith.index_cast %add3A_788 : i32 to index
        %get3A_790 = arith.constant 48 : index
        %get3A_791 = tpu.vector_load %arg9[%get3A_789, %get3A_790] {strides = array<i32>} : memref<416x64xf32, #tpu.memory_space<vmem>>, vector<1x16xf32>,
        %get3A_792 = vector.shape_cast %get3A_791 : vector<1x16xf32> to vector<16xf32>
        %add3A_793 = arith.addf %add3A_786, %get3A_792 : vector<16xf32>
        %add3A_794 = arith.constant 3 : i32
        %add3A_795 = arith.addi %mul3A_225, %add3A_794 : i32
        %get3A_796 = arith.index_cast %add3A_795 : i32 to index
        %get3A_797 = arith.constant 48 : index
        %get3A_798 = tpu.vector_load %arg9[%get3A_796, %get3A_797] {strides = array<i32>} : memref<416x64xf32, #tpu.memory_space<vmem>>, vector<1x16xf32>,
        %get3A_799 = vector.shape_cast %get3A_798 : vector<1x16xf32> to vector<16xf32>
        %add3A_800 = arith.addf %add3A_793, %get3A_799 : vector<16xf32>
        %add3A_801 = arith.constant 4 : i32
        %add3A_802 = arith.addi %mul3A_225, %add3A_801 : i32
        %get3A_803 = arith.index_cast %add3A_802 : i32 to index
        %get3A_804 = arith.constant 48 : index
        %get3A_805 = tpu.vector_load %arg9[%get3A_803, %get3A_804] {strides = array<i32>} : memref<416x64xf32, #tpu.memory_space<vmem>>, vector<1x16xf32>,
        %get3A_806 = vector.shape_cast %get3A_805 : vector<1x16xf32> to vector<16xf32>
        %add3A_807 = arith.addf %add3A_800, %get3A_806 : vector<16xf32>
        %add3A_808 = arith.constant 5 : i32
        %add3A_809 = arith.addi %mul3A_225, %add3A_808 : i32
        %get3A_810 = arith.index_cast %add3A_809 : i32 to index
        %get3A_811 = arith.constant 48 : index
        %get3A_812 = tpu.vector_load %arg9[%get3A_810, %get3A_811] {strides = array<i32>} : memref<416x64xf32, #tpu.memory_space<vmem>>, vector<1x16xf32>,
        %get3A_813 = vector.shape_cast %get3A_812 : vector<1x16xf32> to vector<16xf32>
        %add3A_814 = arith.addf %add3A_807, %get3A_813 : vector<16xf32>
        %add3A_815 = arith.constant 6 : i32
        %add3A_816 = arith.addi %mul3A_225, %add3A_815 : i32
        %get3A_817 = arith.index_cast %add3A_816 : i32 to index
        %get3A_818 = arith.constant 48 : index
        %get3A_819 = tpu.vector_load %arg9[%get3A_817, %get3A_818] {strides = array<i32>} : memref<416x64xf32, #tpu.memory_space<vmem>>, vector<1x16xf32>,
        %get3A_820 = vector.shape_cast %get3A_819 : vector<1x16xf32> to vector<16xf32>
        %add3A_821 = arith.addf %add3A_814, %get3A_820 : vector<16xf32>
        %add3A_822 = arith.constant 7 : i32
        %add3A_823 = arith.addi %mul3A_225, %add3A_822 : i32
        %get3A_824 = arith.index_cast %add3A_823 : i32 to index
        %get3A_825 = arith.constant 48 : index
        %get3A_826 = tpu.vector_load %arg9[%get3A_824, %get3A_825] {strides = array<i32>} : memref<416x64xf32, #tpu.memory_space<vmem>>, vector<1x16xf32>,
        %get3A_827 = vector.shape_cast %get3A_826 : vector<1x16xf32> to vector<16xf32>
        %add3A_828 = arith.addf %add3A_821, %get3A_827 : vector<16xf32>
        %add3A_829 = arith.constant 8 : i32
        %add3A_830 = arith.addi %mul3A_225, %add3A_829 : i32
        %get3A_831 = arith.index_cast %add3A_830 : i32 to index
        %get3A_832 = arith.constant 48 : index
        %get3A_833 = tpu.vector_load %arg9[%get3A_831, %get3A_832] {strides = array<i32>} : memref<416x64xf32, #tpu.memory_space<vmem>>, vector<1x16xf32>,
        %get3A_834 = vector.shape_cast %get3A_833 : vector<1x16xf32> to vector<16xf32>
        %add3A_835 = arith.addf %add3A_828, %get3A_834 : vector<16xf32>
        %add3A_836 = arith.constant 9 : i32
        %add3A_837 = arith.addi %mul3A_225, %add3A_836 : i32
        %get3A_838 = arith.index_cast %add3A_837 : i32 to index
        %get3A_839 = arith.constant 48 : index
        %get3A_840 = tpu.vector_load %arg9[%get3A_838, %get3A_839] {strides = array<i32>} : memref<416x64xf32, #tpu.memory_space<vmem>>, vector<1x16xf32>,
        %get3A_841 = vector.shape_cast %get3A_840 : vector<1x16xf32> to vector<16xf32>
        %add3A_842 = arith.addf %add3A_835, %get3A_841 : vector<16xf32>
        %add3A_843 = arith.constant 10 : i32
        %add3A_844 = arith.addi %mul3A_225, %add3A_843 : i32
        %get3A_845 = arith.index_cast %add3A_844 : i32 to index
        %get3A_846 = arith.constant 48 : index
        %get3A_847 = tpu.vector_load %arg9[%get3A_845, %get3A_846] {strides = array<i32>} : memref<416x64xf32, #tpu.memory_space<vmem>>, vector<1x16xf32>,
        %get3A_848 = vector.shape_cast %get3A_847 : vector<1x16xf32> to vector<16xf32>
        %add3A_849 = arith.addf %add3A_842, %get3A_848 : vector<16xf32>
        %add3A_850 = arith.constant 11 : i32
        %add3A_851 = arith.addi %mul3A_225, %add3A_850 : i32
        %get3A_852 = arith.index_cast %add3A_851 : i32 to index
        %get3A_853 = arith.constant 48 : index
        %get3A_854 = tpu.vector_load %arg9[%get3A_852, %get3A_853] {strides = array<i32>} : memref<416x64xf32, #tpu.memory_space<vmem>>, vector<1x16xf32>,
        %get3A_855 = vector.shape_cast %get3A_854 : vector<1x16xf32> to vector<16xf32>
        %add3A_856 = arith.addf %add3A_849, %get3A_855 : vector<16xf32>
        %add3A_857 = arith.constant 12 : i32
        %add3A_858 = arith.addi %mul3A_225, %add3A_857 : i32
        %get3A_859 = arith.index_cast %add3A_858 : i32 to index
        %get3A_860 = arith.constant 48 : index
        %get3A_861 = tpu.vector_load %arg9[%get3A_859, %get3A_860] {strides = array<i32>} : memref<416x64xf32, #tpu.memory_space<vmem>>, vector<1x16xf32>,
        %get3A_862 = vector.shape_cast %get3A_861 : vector<1x16xf32> to vector<16xf32>
        %add3A_863 = arith.addf %add3A_856, %get3A_862 : vector<16xf32>
        %add3A_864 = arith.constant 13 : i32
        %add3A_865 = arith.addi %mul3A_225, %add3A_864 : i32
        %get3A_866 = arith.index_cast %add3A_865 : i32 to index
        %get3A_867 = arith.constant 48 : index
        %get3A_868 = tpu.vector_load %arg9[%get3A_866, %get3A_867] {strides = array<i32>} : memref<416x64xf32, #tpu.memory_space<vmem>>, vector<1x16xf32>,
        %get3A_869 = vector.shape_cast %get3A_868 : vector<1x16xf32> to vector<16xf32>
        %add3A_870 = arith.addf %add3A_863, %get3A_869 : vector<16xf32>
        %add3A_871 = arith.constant 14 : i32
        %add3A_872 = arith.addi %mul3A_225, %add3A_871 : i32
        %get3A_873 = arith.index_cast %add3A_872 : i32 to index
        %get3A_874 = arith.constant 48 : index
        %get3A_875 = tpu.vector_load %arg9[%get3A_873, %get3A_874] {strides = array<i32>} : memref<416x64xf32, #tpu.memory_space<vmem>>, vector<1x16xf32>,
        %get3A_876 = vector.shape_cast %get3A_875 : vector<1x16xf32> to vector<16xf32>
        %add3A_877 = arith.addf %add3A_870, %get3A_876 : vector<16xf32>
        %add3A_878 = arith.constant 15 : i32
        %add3A_879 = arith.addi %mul3A_225, %add3A_878 : i32
        %get3A_880 = arith.index_cast %add3A_879 : i32 to index
        %get3A_881 = arith.constant 48 : index
        %get3A_882 = tpu.vector_load %arg9[%get3A_880, %get3A_881] {strides = array<i32>} : memref<416x64xf32, #tpu.memory_space<vmem>>, vector<1x16xf32>,
        %get3A_883 = vector.shape_cast %get3A_882 : vector<1x16xf32> to vector<16xf32>
        %add3A_884 = arith.addf %add3A_877, %get3A_883 : vector<16xf32>
        %add3A_885 = arith.constant 16 : i32
        %add3A_886 = arith.addi %mul3A_225, %add3A_885 : i32
        %get3A_887 = arith.index_cast %add3A_886 : i32 to index
        %get3A_888 = arith.constant 48 : index
        %get3A_889 = tpu.vector_load %arg9[%get3A_887, %get3A_888] {strides = array<i32>} : memref<416x64xf32, #tpu.memory_space<vmem>>, vector<1x16xf32>,
        %get3A_890 = vector.shape_cast %get3A_889 : vector<1x16xf32> to vector<16xf32>
        %add3A_891 = arith.addf %add3A_884, %get3A_890 : vector<16xf32>
        %add3A_892 = arith.constant 17 : i32
        %add3A_893 = arith.addi %mul3A_225, %add3A_892 : i32
        %get3A_894 = arith.index_cast %add3A_893 : i32 to index
        %get3A_895 = arith.constant 48 : index
        %get3A_896 = tpu.vector_load %arg9[%get3A_894, %get3A_895] {strides = array<i32>} : memref<416x64xf32, #tpu.memory_space<vmem>>, vector<1x16xf32>,
        %get3A_897 = vector.shape_cast %get3A_896 : vector<1x16xf32> to vector<16xf32>
        %add3A_898 = arith.addf %add3A_891, %get3A_897 : vector<16xf32>
        %add3A_899 = arith.constant 18 : i32
        %add3A_900 = arith.addi %mul3A_225, %add3A_899 : i32
        %get3A_901 = arith.index_cast %add3A_900 : i32 to index
        %get3A_902 = arith.constant 48 : index
        %get3A_903 = tpu.vector_load %arg9[%get3A_901, %get3A_902] {strides = array<i32>} : memref<416x64xf32, #tpu.memory_space<vmem>>, vector<1x16xf32>,
        %get3A_904 = vector.shape_cast %get3A_903 : vector<1x16xf32> to vector<16xf32>
        %add3A_905 = arith.addf %add3A_898, %get3A_904 : vector<16xf32>
        %add3A_906 = arith.constant 19 : i32
        %add3A_907 = arith.addi %mul3A_225, %add3A_906 : i32
        %get3A_908 = arith.index_cast %add3A_907 : i32 to index
        %get3A_909 = arith.constant 48 : index
        %get3A_910 = tpu.vector_load %arg9[%get3A_908, %get3A_909] {strides = array<i32>} : memref<416x64xf32, #tpu.memory_space<vmem>>, vector<1x16xf32>,
        %get3A_911 = vector.shape_cast %get3A_910 : vector<1x16xf32> to vector<16xf32>
        %add3A_912 = arith.addf %add3A_905, %get3A_911 : vector<16xf32>
        %add3A_913 = arith.constant 20 : i32
        %add3A_914 = arith.addi %mul3A_225, %add3A_913 : i32
        %get3A_915 = arith.index_cast %add3A_914 : i32 to index
        %get3A_916 = arith.constant 48 : index
        %get3A_917 = tpu.vector_load %arg9[%get3A_915, %get3A_916] {strides = array<i32>} : memref<416x64xf32, #tpu.memory_space<vmem>>, vector<1x16xf32>,
        %get3A_918 = vector.shape_cast %get3A_917 : vector<1x16xf32> to vector<16xf32>
        %add3A_919 = arith.addf %add3A_912, %get3A_918 : vector<16xf32>
        %add3A_920 = arith.constant 21 : i32
        %add3A_921 = arith.addi %mul3A_225, %add3A_920 : i32
        %get3A_922 = arith.index_cast %add3A_921 : i32 to index
        %get3A_923 = arith.constant 48 : index
        %get3A_924 = tpu.vector_load %arg9[%get3A_922, %get3A_923] {strides = array<i32>} : memref<416x64xf32, #tpu.memory_space<vmem>>, vector<1x16xf32>,
        %get3A_925 = vector.shape_cast %get3A_924 : vector<1x16xf32> to vector<16xf32>
        %add3A_926 = arith.addf %add3A_919, %get3A_925 : vector<16xf32>
        %add3A_927 = arith.constant 22 : i32
        %add3A_928 = arith.addi %mul3A_225, %add3A_927 : i32
        %get3A_929 = arith.index_cast %add3A_928 : i32 to index
        %get3A_930 = arith.constant 48 : index
        %get3A_931 = tpu.vector_load %arg9[%get3A_929, %get3A_930] {strides = array<i32>} : memref<416x64xf32, #tpu.memory_space<vmem>>, vector<1x16xf32>,
        %get3A_932 = vector.shape_cast %get3A_931 : vector<1x16xf32> to vector<16xf32>
        %add3A_933 = arith.addf %add3A_926, %get3A_932 : vector<16xf32>
        %add3A_934 = arith.constant 23 : i32
        %add3A_935 = arith.addi %mul3A_225, %add3A_934 : i32
        %get3A_936 = arith.index_cast %add3A_935 : i32 to index
        %get3A_937 = arith.constant 48 : index
        %get3A_938 = tpu.vector_load %arg9[%get3A_936, %get3A_937] {strides = array<i32>} : memref<416x64xf32, #tpu.memory_space<vmem>>, vector<1x16xf32>,
        %get3A_939 = vector.shape_cast %get3A_938 : vector<1x16xf32> to vector<16xf32>
        %add3A_940 = arith.addf %add3A_933, %get3A_939 : vector<16xf32>
        %add3A_941 = arith.constant 24 : i32
        %add3A_942 = arith.addi %mul3A_225, %add3A_941 : i32
        %get3A_943 = arith.index_cast %add3A_942 : i32 to index
        %get3A_944 = arith.constant 48 : index
        %get3A_945 = tpu.vector_load %arg9[%get3A_943, %get3A_944] {strides = array<i32>} : memref<416x64xf32, #tpu.memory_space<vmem>>, vector<1x16xf32>,
        %get3A_946 = vector.shape_cast %get3A_945 : vector<1x16xf32> to vector<16xf32>
        %add3A_947 = arith.addf %add3A_940, %get3A_946 : vector<16xf32>
        %add3A_948 = arith.constant 25 : i32
        %add3A_949 = arith.addi %mul3A_225, %add3A_948 : i32
        %get3A_950 = arith.index_cast %add3A_949 : i32 to index
        %get3A_951 = arith.constant 48 : index
        %get3A_952 = tpu.vector_load %arg9[%get3A_950, %get3A_951] {strides = array<i32>} : memref<416x64xf32, #tpu.memory_space<vmem>>, vector<1x16xf32>,
        %get3A_953 = vector.shape_cast %get3A_952 : vector<1x16xf32> to vector<16xf32>
        %add3A_954 = arith.addf %add3A_947, %get3A_953 : vector<16xf32>
        %swap3A_955 = arith.index_cast %scan3A_223 : i32 to index
        %swap3A_956 = arith.constant 48 : index
        %swap3A_957 = tpu.vector_load %arg11[%swap3A_955, %swap3A_956] {strides = array<i32>} : memref<16x80xf32, #tpu.memory_space<vmem>>, vector<1x16xf32>,
        %swap3A_958 = vector.shape_cast %swap3A_957 : vector<1x16xf32> to vector<16xf32>
        %swap3A_959 = vector.shape_cast %add3A_954 : vector<16xf32> to vector<1x16xf32>
        tpu.vector_store %arg11[%swap3A_955, %swap3A_956], %swap3A_959 {strides = array<i32>} : memref<16x80xf32, #tpu.memory_space<vmem>>, vector<1x16xf32>,
        %mul3A_960 = arith.constant 16 : i32
        %mul3A_961 = arith.muli %add3A_143, %mul3A_960 : i32
        %add3A_962 = arith.addi %mul3A_961, %scan3A_223 : i32
        %get3A_963 = arith.index_cast %add3A_962 : i32 to index
        %get3A_964 = arith.constant 0 : index
        %get3A_965 = tpu.vector_load %arg7[%get3A_963, %get3A_964] {strides = array<i32>} : memref<1600x16xf32, #tpu.memory_space<vmem>>, vector<1x16xf32>,
        %get3A_966 = vector.shape_cast %get3A_965 : vector<1x16xf32> to vector<16xf32>
        %swap3A_967 = arith.index_cast %scan3A_223 : i32 to index
        %swap3A_968 = arith.constant 64 : index
        %swap3A_969 = tpu.vector_load %arg11[%swap3A_967, %swap3A_968] {strides = array<i32>} : memref<16x80xf32, #tpu.memory_space<vmem>>, vector<1x16xf32>,
        %swap3A_970 = vector.shape_cast %swap3A_969 : vector<1x16xf32> to vector<16xf32>
        %swap3A_971 = vector.shape_cast %get3A_966 : vector<16xf32> to vector<1x16xf32>
        tpu.vector_store %arg11[%swap3A_967, %swap3A_968], %swap3A_971 {strides = array<i32>} : memref<16x80xf32, #tpu.memory_space<vmem>>, vector<1x16xf32>,
        %scan3A_972 = arith.constant 1 : i32
        %scan3A_973 = arith.addi %scan3A_223, %scan3A_972 : i32
        %mul3A_974 = arith.constant 26 : i32
        %mul3A_975 = arith.muli %scan3A_973, %mul3A_974 : i32
        %get3A_976 = arith.index_cast %mul3A_975 : i32 to index
        %get3A_977 = arith.constant 0 : index
        %get3A_978 = tpu.vector_load %arg9[%get3A_976, %get3A_977] {strides = array<i32>} : memref<416x64xf32, #tpu.memory_space<vmem>>, vector<1x16xf32>,
        %get3A_979 = vector.shape_cast %get3A_978 : vector<1x16xf32> to vector<16xf32>
        %add3A_980 = arith.constant 1 : i32
        %add3A_981 = arith.addi %mul3A_975, %add3A_980 : i32
        %get3A_982 = arith.index_cast %add3A_981 : i32 to index
        %get3A_983 = arith.constant 0 : index
        %get3A_984 = tpu.vector_load %arg9[%get3A_982, %get3A_983] {strides = array<i32>} : memref<416x64xf32, #tpu.memory_space<vmem>>, vector<1x16xf32>,
        %get3A_985 = vector.shape_cast %get3A_984 : vector<1x16xf32> to vector<16xf32>
        %add3A_986 = arith.addf %get3A_979, %get3A_985 : vector<16xf32>
        %add3A_987 = arith.constant 2 : i32
        %add3A_988 = arith.addi %mul3A_975, %add3A_987 : i32
        %get3A_989 = arith.index_cast %add3A_988 : i32 to index
        %get3A_990 = arith.constant 0 : index
        %get3A_991 = tpu.vector_load %arg9[%get3A_989, %get3A_990] {strides = array<i32>} : memref<416x64xf32, #tpu.memory_space<vmem>>, vector<1x16xf32>,
        %get3A_992 = vector.shape_cast %get3A_991 : vector<1x16xf32> to vector<16xf32>
        %add3A_993 = arith.addf %add3A_986, %get3A_992 : vector<16xf32>
        %add3A_994 = arith.constant 3 : i32
        %add3A_995 = arith.addi %mul3A_975, %add3A_994 : i32
        %get3A_996 = arith.index_cast %add3A_995 : i32 to index
        %get3A_997 = arith.constant 0 : index
        %get3A_998 = tpu.vector_load %arg9[%get3A_996, %get3A_997] {strides = array<i32>} : memref<416x64xf32, #tpu.memory_space<vmem>>, vector<1x16xf32>,
        %get3A_999 = vector.shape_cast %get3A_998 : vector<1x16xf32> to vector<16xf32>
        %add3A_1000 = arith.addf %add3A_993, %get3A_999 : vector<16xf32>
        %add3A_1001 = arith.constant 4 : i32
        %add3A_1002 = arith.addi %mul3A_975, %add3A_1001 : i32
        %get3A_1003 = arith.index_cast %add3A_1002 : i32 to index
        %get3A_1004 = arith.constant 0 : index
        %get3A_1005 = tpu.vector_load %arg9[%get3A_1003, %get3A_1004] {strides = array<i32>} : memref<416x64xf32, #tpu.memory_space<vmem>>, vector<1x16xf32>,
        %get3A_1006 = vector.shape_cast %get3A_1005 : vector<1x16xf32> to vector<16xf32>
        %add3A_1007 = arith.addf %add3A_1000, %get3A_1006 : vector<16xf32>
        %add3A_1008 = arith.constant 5 : i32
        %add3A_1009 = arith.addi %mul3A_975, %add3A_1008 : i32
        %get3A_1010 = arith.index_cast %add3A_1009 : i32 to index
        %get3A_1011 = arith.constant 0 : index
        %get3A_1012 = tpu.vector_load %arg9[%get3A_1010, %get3A_1011] {strides = array<i32>} : memref<416x64xf32, #tpu.memory_space<vmem>>, vector<1x16xf32>,
        %get3A_1013 = vector.shape_cast %get3A_1012 : vector<1x16xf32> to vector<16xf32>
        %add3A_1014 = arith.addf %add3A_1007, %get3A_1013 : vector<16xf32>
        %add3A_1015 = arith.constant 6 : i32
        %add3A_1016 = arith.addi %mul3A_975, %add3A_1015 : i32
        %get3A_1017 = arith.index_cast %add3A_1016 : i32 to index
        %get3A_1018 = arith.constant 0 : index
        %get3A_1019 = tpu.vector_load %arg9[%get3A_1017, %get3A_1018] {strides = array<i32>} : memref<416x64xf32, #tpu.memory_space<vmem>>, vector<1x16xf32>,
        %get3A_1020 = vector.shape_cast %get3A_1019 : vector<1x16xf32> to vector<16xf32>
        %add3A_1021 = arith.addf %add3A_1014, %get3A_1020 : vector<16xf32>
        %add3A_1022 = arith.constant 7 : i32
        %add3A_1023 = arith.addi %mul3A_975, %add3A_1022 : i32
        %get3A_1024 = arith.index_cast %add3A_1023 : i32 to index
        %get3A_1025 = arith.constant 0 : index
        %get3A_1026 = tpu.vector_load %arg9[%get3A_1024, %get3A_1025] {strides = array<i32>} : memref<416x64xf32, #tpu.memory_space<vmem>>, vector<1x16xf32>,
        %get3A_1027 = vector.shape_cast %get3A_1026 : vector<1x16xf32> to vector<16xf32>
        %add3A_1028 = arith.addf %add3A_1021, %get3A_1027 : vector<16xf32>
        %add3A_1029 = arith.constant 8 : i32
        %add3A_1030 = arith.addi %mul3A_975, %add3A_1029 : i32
        %get3A_1031 = arith.index_cast %add3A_1030 : i32 to index
        %get3A_1032 = arith.constant 0 : index
        %get3A_1033 = tpu.vector_load %arg9[%get3A_1031, %get3A_1032] {strides = array<i32>} : memref<416x64xf32, #tpu.memory_space<vmem>>, vector<1x16xf32>,
        %get3A_1034 = vector.shape_cast %get3A_1033 : vector<1x16xf32> to vector<16xf32>
        %add3A_1035 = arith.addf %add3A_1028, %get3A_1034 : vector<16xf32>
        %add3A_1036 = arith.constant 9 : i32
        %add3A_1037 = arith.addi %mul3A_975, %add3A_1036 : i32
        %get3A_1038 = arith.index_cast %add3A_1037 : i32 to index
        %get3A_1039 = arith.constant 0 : index
        %get3A_1040 = tpu.vector_load %arg9[%get3A_1038, %get3A_1039] {strides = array<i32>} : memref<416x64xf32, #tpu.memory_space<vmem>>, vector<1x16xf32>,
        %get3A_1041 = vector.shape_cast %get3A_1040 : vector<1x16xf32> to vector<16xf32>
        %add3A_1042 = arith.addf %add3A_1035, %get3A_1041 : vector<16xf32>
        %add3A_1043 = arith.constant 10 : i32
        %add3A_1044 = arith.addi %mul3A_975, %add3A_1043 : i32
        %get3A_1045 = arith.index_cast %add3A_1044 : i32 to index
        %get3A_1046 = arith.constant 0 : index
        %get3A_1047 = tpu.vector_load %arg9[%get3A_1045, %get3A_1046] {strides = array<i32>} : memref<416x64xf32, #tpu.memory_space<vmem>>, vector<1x16xf32>,
        %get3A_1048 = vector.shape_cast %get3A_1047 : vector<1x16xf32> to vector<16xf32>
        %add3A_1049 = arith.addf %add3A_1042, %get3A_1048 : vector<16xf32>
        %add3A_1050 = arith.constant 11 : i32
        %add3A_1051 = arith.addi %mul3A_975, %add3A_1050 : i32
        %get3A_1052 = arith.index_cast %add3A_1051 : i32 to index
        %get3A_1053 = arith.constant 0 : index
        %get3A_1054 = tpu.vector_load %arg9[%get3A_1052, %get3A_1053] {strides = array<i32>} : memref<416x64xf32, #tpu.memory_space<vmem>>, vector<1x16xf32>,
        %get3A_1055 = vector.shape_cast %get3A_1054 : vector<1x16xf32> to vector<16xf32>
        %add3A_1056 = arith.addf %add3A_1049, %get3A_1055 : vector<16xf32>
        %add3A_1057 = arith.constant 12 : i32
        %add3A_1058 = arith.addi %mul3A_975, %add3A_1057 : i32
        %get3A_1059 = arith.index_cast %add3A_1058 : i32 to index
        %get3A_1060 = arith.constant 0 : index
        %get3A_1061 = tpu.vector_load %arg9[%get3A_1059, %get3A_1060] {strides = array<i32>} : memref<416x64xf32, #tpu.memory_space<vmem>>, vector<1x16xf32>,
        %get3A_1062 = vector.shape_cast %get3A_1061 : vector<1x16xf32> to vector<16xf32>
        %add3A_1063 = arith.addf %add3A_1056, %get3A_1062 : vector<16xf32>
        %add3A_1064 = arith.constant 13 : i32
        %add3A_1065 = arith.addi %mul3A_975, %add3A_1064 : i32
        %get3A_1066 = arith.index_cast %add3A_1065 : i32 to index
        %get3A_1067 = arith.constant 0 : index
        %get3A_1068 = tpu.vector_load %arg9[%get3A_1066, %get3A_1067] {strides = array<i32>} : memref<416x64xf32, #tpu.memory_space<vmem>>, vector<1x16xf32>,
        %get3A_1069 = vector.shape_cast %get3A_1068 : vector<1x16xf32> to vector<16xf32>
        %add3A_1070 = arith.addf %add3A_1063, %get3A_1069 : vector<16xf32>
        %add3A_1071 = arith.constant 14 : i32
        %add3A_1072 = arith.addi %mul3A_975, %add3A_1071 : i32
        %get3A_1073 = arith.index_cast %add3A_1072 : i32 to index
        %get3A_1074 = arith.constant 0 : index
        %get3A_1075 = tpu.vector_load %arg9[%get3A_1073, %get3A_1074] {strides = array<i32>} : memref<416x64xf32, #tpu.memory_space<vmem>>, vector<1x16xf32>,
        %get3A_1076 = vector.shape_cast %get3A_1075 : vector<1x16xf32> to vector<16xf32>
        %add3A_1077 = arith.addf %add3A_1070, %get3A_1076 : vector<16xf32>
        %add3A_1078 = arith.constant 15 : i32
        %add3A_1079 = arith.addi %mul3A_975, %add3A_1078 : i32
        %get3A_1080 = arith.index_cast %add3A_1079 : i32 to index
        %get3A_1081 = arith.constant 0 : index
        %get3A_1082 = tpu.vector_load %arg9[%get3A_1080, %get3A_1081] {strides = array<i32>} : memref<416x64xf32, #tpu.memory_space<vmem>>, vector<1x16xf32>,
        %get3A_1083 = vector.shape_cast %get3A_1082 : vector<1x16xf32> to vector<16xf32>
        %add3A_1084 = arith.addf %add3A_1077, %get3A_1083 : vector<16xf32>
        %add3A_1085 = arith.constant 16 : i32
        %add3A_1086 = arith.addi %mul3A_975, %add3A_1085 : i32
        %get3A_1087 = arith.index_cast %add3A_1086 : i32 to index
        %get3A_1088 = arith.constant 0 : index
        %get3A_1089 = tpu.vector_load %arg9[%get3A_1087, %get3A_1088] {strides = array<i32>} : memref<416x64xf32, #tpu.memory_space<vmem>>, vector<1x16xf32>,
        %get3A_1090 = vector.shape_cast %get3A_1089 : vector<1x16xf32> to vector<16xf32>
        %add3A_1091 = arith.addf %add3A_1084, %get3A_1090 : vector<16xf32>
        %add3A_1092 = arith.constant 17 : i32
        %add3A_1093 = arith.addi %mul3A_975, %add3A_1092 : i32
        %get3A_1094 = arith.index_cast %add3A_1093 : i32 to index
        %get3A_1095 = arith.constant 0 : index
        %get3A_1096 = tpu.vector_load %arg9[%get3A_1094, %get3A_1095] {strides = array<i32>} : memref<416x64xf32, #tpu.memory_space<vmem>>, vector<1x16xf32>,
        %get3A_1097 = vector.shape_cast %get3A_1096 : vector<1x16xf32> to vector<16xf32>
        %add3A_1098 = arith.addf %add3A_1091, %get3A_1097 : vector<16xf32>
        %add3A_1099 = arith.constant 18 : i32
        %add3A_1100 = arith.addi %mul3A_975, %add3A_1099 : i32
        %get3A_1101 = arith.index_cast %add3A_1100 : i32 to index
        %get3A_1102 = arith.constant 0 : index
        %get3A_1103 = tpu.vector_load %arg9[%get3A_1101, %get3A_1102] {strides = array<i32>} : memref<416x64xf32, #tpu.memory_space<vmem>>, vector<1x16xf32>,
        %get3A_1104 = vector.shape_cast %get3A_1103 : vector<1x16xf32> to vector<16xf32>
        %add3A_1105 = arith.addf %add3A_1098, %get3A_1104 : vector<16xf32>
        %add3A_1106 = arith.constant 19 : i32
        %add3A_1107 = arith.addi %mul3A_975, %add3A_1106 : i32
        %get3A_1108 = arith.index_cast %add3A_1107 : i32 to index
        %get3A_1109 = arith.constant 0 : index
        %get3A_1110 = tpu.vector_load %arg9[%get3A_1108, %get3A_1109] {strides = array<i32>} : memref<416x64xf32, #tpu.memory_space<vmem>>, vector<1x16xf32>,
        %get3A_1111 = vector.shape_cast %get3A_1110 : vector<1x16xf32> to vector<16xf32>
        %add3A_1112 = arith.addf %add3A_1105, %get3A_1111 : vector<16xf32>
        %add3A_1113 = arith.constant 20 : i32
        %add3A_1114 = arith.addi %mul3A_975, %add3A_1113 : i32
        %get3A_1115 = arith.index_cast %add3A_1114 : i32 to index
        %get3A_1116 = arith.constant 0 : index
        %get3A_1117 = tpu.vector_load %arg9[%get3A_1115, %get3A_1116] {strides = array<i32>} : memref<416x64xf32, #tpu.memory_space<vmem>>, vector<1x16xf32>,
        %get3A_1118 = vector.shape_cast %get3A_1117 : vector<1x16xf32> to vector<16xf32>
        %add3A_1119 = arith.addf %add3A_1112, %get3A_1118 : vector<16xf32>
        %add3A_1120 = arith.constant 21 : i32
        %add3A_1121 = arith.addi %mul3A_975, %add3A_1120 : i32
        %get3A_1122 = arith.index_cast %add3A_1121 : i32 to index
        %get3A_1123 = arith.constant 0 : index
        %get3A_1124 = tpu.vector_load %arg9[%get3A_1122, %get3A_1123] {strides = array<i32>} : memref<416x64xf32, #tpu.memory_space<vmem>>, vector<1x16xf32>,
        %get3A_1125 = vector.shape_cast %get3A_1124 : vector<1x16xf32> to vector<16xf32>
        %add3A_1126 = arith.addf %add3A_1119, %get3A_1125 : vector<16xf32>
        %add3A_1127 = arith.constant 22 : i32
        %add3A_1128 = arith.addi %mul3A_975, %add3A_1127 : i32
        %get3A_1129 = arith.index_cast %add3A_1128 : i32 to index
        %get3A_1130 = arith.constant 0 : index
        %get3A_1131 = tpu.vector_load %arg9[%get3A_1129, %get3A_1130] {strides = array<i32>} : memref<416x64xf32, #tpu.memory_space<vmem>>, vector<1x16xf32>,
        %get3A_1132 = vector.shape_cast %get3A_1131 : vector<1x16xf32> to vector<16xf32>
        %add3A_1133 = arith.addf %add3A_1126, %get3A_1132 : vector<16xf32>
        %add3A_1134 = arith.constant 23 : i32
        %add3A_1135 = arith.addi %mul3A_975, %add3A_1134 : i32
        %get3A_1136 = arith.index_cast %add3A_1135 : i32 to index
        %get3A_1137 = arith.constant 0 : index
        %get3A_1138 = tpu.vector_load %arg9[%get3A_1136, %get3A_1137] {strides = array<i32>} : memref<416x64xf32, #tpu.memory_space<vmem>>, vector<1x16xf32>,
        %get3A_1139 = vector.shape_cast %get3A_1138 : vector<1x16xf32> to vector<16xf32>
        %add3A_1140 = arith.addf %add3A_1133, %get3A_1139 : vector<16xf32>
        %add3A_1141 = arith.constant 24 : i32
        %add3A_1142 = arith.addi %mul3A_975, %add3A_1141 : i32
        %get3A_1143 = arith.index_cast %add3A_1142 : i32 to index
        %get3A_1144 = arith.constant 0 : index
        %get3A_1145 = tpu.vector_load %arg9[%get3A_1143, %get3A_1144] {strides = array<i32>} : memref<416x64xf32, #tpu.memory_space<vmem>>, vector<1x16xf32>,
        %get3A_1146 = vector.shape_cast %get3A_1145 : vector<1x16xf32> to vector<16xf32>
        %add3A_1147 = arith.addf %add3A_1140, %get3A_1146 : vector<16xf32>
        %add3A_1148 = arith.constant 25 : i32
        %add3A_1149 = arith.addi %mul3A_975, %add3A_1148 : i32
        %get3A_1150 = arith.index_cast %add3A_1149 : i32 to index
        %get3A_1151 = arith.constant 0 : index
        %get3A_1152 = tpu.vector_load %arg9[%get3A_1150, %get3A_1151] {strides = array<i32>} : memref<416x64xf32, #tpu.memory_space<vmem>>, vector<1x16xf32>,
        %get3A_1153 = vector.shape_cast %get3A_1152 : vector<1x16xf32> to vector<16xf32>
        %add3A_1154 = arith.addf %add3A_1147, %get3A_1153 : vector<16xf32>
        %swap3A_1155 = arith.index_cast %scan3A_973 : i32 to index
        %swap3A_1156 = arith.constant 0 : index
        %swap3A_1157 = tpu.vector_load %arg11[%swap3A_1155, %swap3A_1156] {strides = array<i32>} : memref<16x80xf32, #tpu.memory_space<vmem>>, vector<1x16xf32>,
        %swap3A_1158 = vector.shape_cast %swap3A_1157 : vector<1x16xf32> to vector<16xf32>
        %swap3A_1159 = vector.shape_cast %add3A_1154 : vector<16xf32> to vector<1x16xf32>
        tpu.vector_store %arg11[%swap3A_1155, %swap3A_1156], %swap3A_1159 {strides = array<i32>} : memref<16x80xf32, #tpu.memory_space<vmem>>, vector<1x16xf32>,
        %get3A_1160 = arith.index_cast %mul3A_975 : i32 to index
        %get3A_1161 = arith.constant 16 : index
        %get3A_1162 = tpu.vector_load %arg9[%get3A_1160, %get3A_1161] {strides = array<i32>} : memref<416x64xf32, #tpu.memory_space<vmem>>, vector<1x16xf32>,
        %get3A_1163 = vector.shape_cast %get3A_1162 : vector<1x16xf32> to vector<16xf32>
        %add3A_1164 = arith.constant 1 : i32
        %add3A_1165 = arith.addi %mul3A_975, %add3A_1164 : i32
        %get3A_1166 = arith.index_cast %add3A_1165 : i32 to index
        %get3A_1167 = arith.constant 16 : index
        %get3A_1168 = tpu.vector_load %arg9[%get3A_1166, %get3A_1167] {strides = array<i32>} : memref<416x64xf32, #tpu.memory_space<vmem>>, vector<1x16xf32>,
        %get3A_1169 = vector.shape_cast %get3A_1168 : vector<1x16xf32> to vector<16xf32>
        %add3A_1170 = arith.addf %get3A_1163, %get3A_1169 : vector<16xf32>
        %add3A_1171 = arith.constant 2 : i32
        %add3A_1172 = arith.addi %mul3A_975, %add3A_1171 : i32
        %get3A_1173 = arith.index_cast %add3A_1172 : i32 to index
        %get3A_1174 = arith.constant 16 : index
        %get3A_1175 = tpu.vector_load %arg9[%get3A_1173, %get3A_1174] {strides = array<i32>} : memref<416x64xf32, #tpu.memory_space<vmem>>, vector<1x16xf32>,
        %get3A_1176 = vector.shape_cast %get3A_1175 : vector<1x16xf32> to vector<16xf32>
        %add3A_1177 = arith.addf %add3A_1170, %get3A_1176 : vector<16xf32>
        %add3A_1178 = arith.constant 3 : i32
        %add3A_1179 = arith.addi %mul3A_975, %add3A_1178 : i32
        %get3A_1180 = arith.index_cast %add3A_1179 : i32 to index
        %get3A_1181 = arith.constant 16 : index
        %get3A_1182 = tpu.vector_load %arg9[%get3A_1180, %get3A_1181] {strides = array<i32>} : memref<416x64xf32, #tpu.memory_space<vmem>>, vector<1x16xf32>,
        %get3A_1183 = vector.shape_cast %get3A_1182 : vector<1x16xf32> to vector<16xf32>
        %add3A_1184 = arith.addf %add3A_1177, %get3A_1183 : vector<16xf32>
        %add3A_1185 = arith.constant 4 : i32
        %add3A_1186 = arith.addi %mul3A_975, %add3A_1185 : i32
        %get3A_1187 = arith.index_cast %add3A_1186 : i32 to index
        %get3A_1188 = arith.constant 16 : index
        %get3A_1189 = tpu.vector_load %arg9[%get3A_1187, %get3A_1188] {strides = array<i32>} : memref<416x64xf32, #tpu.memory_space<vmem>>, vector<1x16xf32>,
        %get3A_1190 = vector.shape_cast %get3A_1189 : vector<1x16xf32> to vector<16xf32>
        %add3A_1191 = arith.addf %add3A_1184, %get3A_1190 : vector<16xf32>
        %add3A_1192 = arith.constant 5 : i32
        %add3A_1193 = arith.addi %mul3A_975, %add3A_1192 : i32
        %get3A_1194 = arith.index_cast %add3A_1193 : i32 to index
        %get3A_1195 = arith.constant 16 : index
        %get3A_1196 = tpu.vector_load %arg9[%get3A_1194, %get3A_1195] {strides = array<i32>} : memref<416x64xf32, #tpu.memory_space<vmem>>, vector<1x16xf32>,
        %get3A_1197 = vector.shape_cast %get3A_1196 : vector<1x16xf32> to vector<16xf32>
        %add3A_1198 = arith.addf %add3A_1191, %get3A_1197 : vector<16xf32>
        %add3A_1199 = arith.constant 6 : i32
        %add3A_1200 = arith.addi %mul3A_975, %add3A_1199 : i32
        %get3A_1201 = arith.index_cast %add3A_1200 : i32 to index
        %get3A_1202 = arith.constant 16 : index
        %get3A_1203 = tpu.vector_load %arg9[%get3A_1201, %get3A_1202] {strides = array<i32>} : memref<416x64xf32, #tpu.memory_space<vmem>>, vector<1x16xf32>,
        %get3A_1204 = vector.shape_cast %get3A_1203 : vector<1x16xf32> to vector<16xf32>
        %add3A_1205 = arith.addf %add3A_1198, %get3A_1204 : vector<16xf32>
        %add3A_1206 = arith.constant 7 : i32
        %add3A_1207 = arith.addi %mul3A_975, %add3A_1206 : i32
        %get3A_1208 = arith.index_cast %add3A_1207 : i32 to index
        %get3A_1209 = arith.constant 16 : index
        %get3A_1210 = tpu.vector_load %arg9[%get3A_1208, %get3A_1209] {strides = array<i32>} : memref<416x64xf32, #tpu.memory_space<vmem>>, vector<1x16xf32>,
        %get3A_1211 = vector.shape_cast %get3A_1210 : vector<1x16xf32> to vector<16xf32>
        %add3A_1212 = arith.addf %add3A_1205, %get3A_1211 : vector<16xf32>
        %add3A_1213 = arith.constant 8 : i32
        %add3A_1214 = arith.addi %mul3A_975, %add3A_1213 : i32
        %get3A_1215 = arith.index_cast %add3A_1214 : i32 to index
        %get3A_1216 = arith.constant 16 : index
        %get3A_1217 = tpu.vector_load %arg9[%get3A_1215, %get3A_1216] {strides = array<i32>} : memref<416x64xf32, #tpu.memory_space<vmem>>, vector<1x16xf32>,
        %get3A_1218 = vector.shape_cast %get3A_1217 : vector<1x16xf32> to vector<16xf32>
        %add3A_1219 = arith.addf %add3A_1212, %get3A_1218 : vector<16xf32>
        %add3A_1220 = arith.constant 9 : i32
        %add3A_1221 = arith.addi %mul3A_975, %add3A_1220 : i32
        %get3A_1222 = arith.index_cast %add3A_1221 : i32 to index
        %get3A_1223 = arith.constant 16 : index
        %get3A_1224 = tpu.vector_load %arg9[%get3A_1222, %get3A_1223] {strides = array<i32>} : memref<416x64xf32, #tpu.memory_space<vmem>>, vector<1x16xf32>,
        %get3A_1225 = vector.shape_cast %get3A_1224 : vector<1x16xf32> to vector<16xf32>
        %add3A_1226 = arith.addf %add3A_1219, %get3A_1225 : vector<16xf32>
        %add3A_1227 = arith.constant 10 : i32
        %add3A_1228 = arith.addi %mul3A_975, %add3A_1227 : i32
        %get3A_1229 = arith.index_cast %add3A_1228 : i32 to index
        %get3A_1230 = arith.constant 16 : index
        %get3A_1231 = tpu.vector_load %arg9[%get3A_1229, %get3A_1230] {strides = array<i32>} : memref<416x64xf32, #tpu.memory_space<vmem>>, vector<1x16xf32>,
        %get3A_1232 = vector.shape_cast %get3A_1231 : vector<1x16xf32> to vector<16xf32>
        %add3A_1233 = arith.addf %add3A_1226, %get3A_1232 : vector<16xf32>
        %add3A_1234 = arith.constant 11 : i32
        %add3A_1235 = arith.addi %mul3A_975, %add3A_1234 : i32
        %get3A_1236 = arith.index_cast %add3A_1235 : i32 to index
        %get3A_1237 = arith.constant 16 : index
        %get3A_1238 = tpu.vector_load %arg9[%get3A_1236, %get3A_1237] {strides = array<i32>} : memref<416x64xf32, #tpu.memory_space<vmem>>, vector<1x16xf32>,
        %get3A_1239 = vector.shape_cast %get3A_1238 : vector<1x16xf32> to vector<16xf32>
        %add3A_1240 = arith.addf %add3A_1233, %get3A_1239 : vector<16xf32>
        %add3A_1241 = arith.constant 12 : i32
        %add3A_1242 = arith.addi %mul3A_975, %add3A_1241 : i32
        %get3A_1243 = arith.index_cast %add3A_1242 : i32 to index
        %get3A_1244 = arith.constant 16 : index
        %get3A_1245 = tpu.vector_load %arg9[%get3A_1243, %get3A_1244] {strides = array<i32>} : memref<416x64xf32, #tpu.memory_space<vmem>>, vector<1x16xf32>,
        %get3A_1246 = vector.shape_cast %get3A_1245 : vector<1x16xf32> to vector<16xf32>
        %add3A_1247 = arith.addf %add3A_1240, %get3A_1246 : vector<16xf32>
        %add3A_1248 = arith.constant 13 : i32
        %add3A_1249 = arith.addi %mul3A_975, %add3A_1248 : i32
        %get3A_1250 = arith.index_cast %add3A_1249 : i32 to index
        %get3A_1251 = arith.constant 16 : index
        %get3A_1252 = tpu.vector_load %arg9[%get3A_1250, %get3A_1251] {strides = array<i32>} : memref<416x64xf32, #tpu.memory_space<vmem>>, vector<1x16xf32>,
        %get3A_1253 = vector.shape_cast %get3A_1252 : vector<1x16xf32> to vector<16xf32>
        %add3A_1254 = arith.addf %add3A_1247, %get3A_1253 : vector<16xf32>
        %add3A_1255 = arith.constant 14 : i32
        %add3A_1256 = arith.addi %mul3A_975, %add3A_1255 : i32
        %get3A_1257 = arith.index_cast %add3A_1256 : i32 to index
        %get3A_1258 = arith.constant 16 : index
        %get3A_1259 = tpu.vector_load %arg9[%get3A_1257, %get3A_1258] {strides = array<i32>} : memref<416x64xf32, #tpu.memory_space<vmem>>, vector<1x16xf32>,
        %get3A_1260 = vector.shape_cast %get3A_1259 : vector<1x16xf32> to vector<16xf32>
        %add3A_1261 = arith.addf %add3A_1254, %get3A_1260 : vector<16xf32>
        %add3A_1262 = arith.constant 15 : i32
        %add3A_1263 = arith.addi %mul3A_975, %add3A_1262 : i32
        %get3A_1264 = arith.index_cast %add3A_1263 : i32 to index
        %get3A_1265 = arith.constant 16 : index
        %get3A_1266 = tpu.vector_load %arg9[%get3A_1264, %get3A_1265] {strides = array<i32>} : memref<416x64xf32, #tpu.memory_space<vmem>>, vector<1x16xf32>,
        %get3A_1267 = vector.shape_cast %get3A_1266 : vector<1x16xf32> to vector<16xf32>
        %add3A_1268 = arith.addf %add3A_1261, %get3A_1267 : vector<16xf32>
        %add3A_1269 = arith.constant 16 : i32
        %add3A_1270 = arith.addi %mul3A_975, %add3A_1269 : i32
        %get3A_1271 = arith.index_cast %add3A_1270 : i32 to index
        %get3A_1272 = arith.constant 16 : index
        %get3A_1273 = tpu.vector_load %arg9[%get3A_1271, %get3A_1272] {strides = array<i32>} : memref<416x64xf32, #tpu.memory_space<vmem>>, vector<1x16xf32>,
        %get3A_1274 = vector.shape_cast %get3A_1273 : vector<1x16xf32> to vector<16xf32>
        %add3A_1275 = arith.addf %add3A_1268, %get3A_1274 : vector<16xf32>
        %add3A_1276 = arith.constant 17 : i32
        %add3A_1277 = arith.addi %mul3A_975, %add3A_1276 : i32
        %get3A_1278 = arith.index_cast %add3A_1277 : i32 to index
        %get3A_1279 = arith.constant 16 : index
        %get3A_1280 = tpu.vector_load %arg9[%get3A_1278, %get3A_1279] {strides = array<i32>} : memref<416x64xf32, #tpu.memory_space<vmem>>, vector<1x16xf32>,
        %get3A_1281 = vector.shape_cast %get3A_1280 : vector<1x16xf32> to vector<16xf32>
        %add3A_1282 = arith.addf %add3A_1275, %get3A_1281 : vector<16xf32>
        %add3A_1283 = arith.constant 18 : i32
        %add3A_1284 = arith.addi %mul3A_975, %add3A_1283 : i32
        %get3A_1285 = arith.index_cast %add3A_1284 : i32 to index
        %get3A_1286 = arith.constant 16 : index
        %get3A_1287 = tpu.vector_load %arg9[%get3A_1285, %get3A_1286] {strides = array<i32>} : memref<416x64xf32, #tpu.memory_space<vmem>>, vector<1x16xf32>,
        %get3A_1288 = vector.shape_cast %get3A_1287 : vector<1x16xf32> to vector<16xf32>
        %add3A_1289 = arith.addf %add3A_1282, %get3A_1288 : vector<16xf32>
        %add3A_1290 = arith.constant 19 : i32
        %add3A_1291 = arith.addi %mul3A_975, %add3A_1290 : i32
        %get3A_1292 = arith.index_cast %add3A_1291 : i32 to index
        %get3A_1293 = arith.constant 16 : index
        %get3A_1294 = tpu.vector_load %arg9[%get3A_1292, %get3A_1293] {strides = array<i32>} : memref<416x64xf32, #tpu.memory_space<vmem>>, vector<1x16xf32>,
        %get3A_1295 = vector.shape_cast %get3A_1294 : vector<1x16xf32> to vector<16xf32>
        %add3A_1296 = arith.addf %add3A_1289, %get3A_1295 : vector<16xf32>
        %add3A_1297 = arith.constant 20 : i32
        %add3A_1298 = arith.addi %mul3A_975, %add3A_1297 : i32
        %get3A_1299 = arith.index_cast %add3A_1298 : i32 to index
        %get3A_1300 = arith.constant 16 : index
        %get3A_1301 = tpu.vector_load %arg9[%get3A_1299, %get3A_1300] {strides = array<i32>} : memref<416x64xf32, #tpu.memory_space<vmem>>, vector<1x16xf32>,
        %get3A_1302 = vector.shape_cast %get3A_1301 : vector<1x16xf32> to vector<16xf32>
        %add3A_1303 = arith.addf %add3A_1296, %get3A_1302 : vector<16xf32>
        %add3A_1304 = arith.constant 21 : i32
        %add3A_1305 = arith.addi %mul3A_975, %add3A_1304 : i32
        %get3A_1306 = arith.index_cast %add3A_1305 : i32 to index
        %get3A_1307 = arith.constant 16 : index
        %get3A_1308 = tpu.vector_load %arg9[%get3A_1306, %get3A_1307] {strides = array<i32>} : memref<416x64xf32, #tpu.memory_space<vmem>>, vector<1x16xf32>,
        %get3A_1309 = vector.shape_cast %get3A_1308 : vector<1x16xf32> to vector<16xf32>
        %add3A_1310 = arith.addf %add3A_1303, %get3A_1309 : vector<16xf32>
        %add3A_1311 = arith.constant 22 : i32
        %add3A_1312 = arith.addi %mul3A_975, %add3A_1311 : i32
        %get3A_1313 = arith.index_cast %add3A_1312 : i32 to index
        %get3A_1314 = arith.constant 16 : index
        %get3A_1315 = tpu.vector_load %arg9[%get3A_1313, %get3A_1314] {strides = array<i32>} : memref<416x64xf32, #tpu.memory_space<vmem>>, vector<1x16xf32>,
        %get3A_1316 = vector.shape_cast %get3A_1315 : vector<1x16xf32> to vector<16xf32>
        %add3A_1317 = arith.addf %add3A_1310, %get3A_1316 : vector<16xf32>
        %add3A_1318 = arith.constant 23 : i32
        %add3A_1319 = arith.addi %mul3A_975, %add3A_1318 : i32
        %get3A_1320 = arith.index_cast %add3A_1319 : i32 to index
        %get3A_1321 = arith.constant 16 : index
        %get3A_1322 = tpu.vector_load %arg9[%get3A_1320, %get3A_1321] {strides = array<i32>} : memref<416x64xf32, #tpu.memory_space<vmem>>, vector<1x16xf32>,
        %get3A_1323 = vector.shape_cast %get3A_1322 : vector<1x16xf32> to vector<16xf32>
        %add3A_1324 = arith.addf %add3A_1317, %get3A_1323 : vector<16xf32>
        %add3A_1325 = arith.constant 24 : i32
        %add3A_1326 = arith.addi %mul3A_975, %add3A_1325 : i32
        %get3A_1327 = arith.index_cast %add3A_1326 : i32 to index
        %get3A_1328 = arith.constant 16 : index
        %get3A_1329 = tpu.vector_load %arg9[%get3A_1327, %get3A_1328] {strides = array<i32>} : memref<416x64xf32, #tpu.memory_space<vmem>>, vector<1x16xf32>,
        %get3A_1330 = vector.shape_cast %get3A_1329 : vector<1x16xf32> to vector<16xf32>
        %add3A_1331 = arith.addf %add3A_1324, %get3A_1330 : vector<16xf32>
        %add3A_1332 = arith.constant 25 : i32
        %add3A_1333 = arith.addi %mul3A_975, %add3A_1332 : i32
        %get3A_1334 = arith.index_cast %add3A_1333 : i32 to index
        %get3A_1335 = arith.constant 16 : index
        %get3A_1336 = tpu.vector_load %arg9[%get3A_1334, %get3A_1335] {strides = array<i32>} : memref<416x64xf32, #tpu.memory_space<vmem>>, vector<1x16xf32>,
        %get3A_1337 = vector.shape_cast %get3A_1336 : vector<1x16xf32> to vector<16xf32>
        %add3A_1338 = arith.addf %add3A_1331, %get3A_1337 : vector<16xf32>
        %swap3A_1339 = arith.index_cast %scan3A_973 : i32 to index
        %swap3A_1340 = arith.constant 16 : index
        %swap3A_1341 = tpu.vector_load %arg11[%swap3A_1339, %swap3A_1340] {strides = array<i32>} : memref<16x80xf32, #tpu.memory_space<vmem>>, vector<1x16xf32>,
        %swap3A_1342 = vector.shape_cast %swap3A_1341 : vector<1x16xf32> to vector<16xf32>
        %swap3A_1343 = vector.shape_cast %add3A_1338 : vector<16xf32> to vector<1x16xf32>
        tpu.vector_store %arg11[%swap3A_1339, %swap3A_1340], %swap3A_1343 {strides = array<i32>} : memref<16x80xf32, #tpu.memory_space<vmem>>, vector<1x16xf32>,
        %get3A_1344 = arith.index_cast %mul3A_975 : i32 to index
        %get3A_1345 = arith.constant 32 : index
        %get3A_1346 = tpu.vector_load %arg9[%get3A_1344, %get3A_1345] {strides = array<i32>} : memref<416x64xf32, #tpu.memory_space<vmem>>, vector<1x16xf32>,
        %get3A_1347 = vector.shape_cast %get3A_1346 : vector<1x16xf32> to vector<16xf32>
        %add3A_1348 = arith.constant 1 : i32
        %add3A_1349 = arith.addi %mul3A_975, %add3A_1348 : i32
        %get3A_1350 = arith.index_cast %add3A_1349 : i32 to index
        %get3A_1351 = arith.constant 32 : index
        %get3A_1352 = tpu.vector_load %arg9[%get3A_1350, %get3A_1351] {strides = array<i32>} : memref<416x64xf32, #tpu.memory_space<vmem>>, vector<1x16xf32>,
        %get3A_1353 = vector.shape_cast %get3A_1352 : vector<1x16xf32> to vector<16xf32>
        %add3A_1354 = arith.addf %get3A_1347, %get3A_1353 : vector<16xf32>
        %add3A_1355 = arith.constant 2 : i32
        %add3A_1356 = arith.addi %mul3A_975, %add3A_1355 : i32
        %get3A_1357 = arith.index_cast %add3A_1356 : i32 to index
        %get3A_1358 = arith.constant 32 : index
        %get3A_1359 = tpu.vector_load %arg9[%get3A_1357, %get3A_1358] {strides = array<i32>} : memref<416x64xf32, #tpu.memory_space<vmem>>, vector<1x16xf32>,
        %get3A_1360 = vector.shape_cast %get3A_1359 : vector<1x16xf32> to vector<16xf32>
        %add3A_1361 = arith.addf %add3A_1354, %get3A_1360 : vector<16xf32>
        %add3A_1362 = arith.constant 3 : i32
        %add3A_1363 = arith.addi %mul3A_975, %add3A_1362 : i32
        %get3A_1364 = arith.index_cast %add3A_1363 : i32 to index
        %get3A_1365 = arith.constant 32 : index
        %get3A_1366 = tpu.vector_load %arg9[%get3A_1364, %get3A_1365] {strides = array<i32>} : memref<416x64xf32, #tpu.memory_space<vmem>>, vector<1x16xf32>,
        %get3A_1367 = vector.shape_cast %get3A_1366 : vector<1x16xf32> to vector<16xf32>
        %add3A_1368 = arith.addf %add3A_1361, %get3A_1367 : vector<16xf32>
        %add3A_1369 = arith.constant 4 : i32
        %add3A_1370 = arith.addi %mul3A_975, %add3A_1369 : i32
        %get3A_1371 = arith.index_cast %add3A_1370 : i32 to index
        %get3A_1372 = arith.constant 32 : index
        %get3A_1373 = tpu.vector_load %arg9[%get3A_1371, %get3A_1372] {strides = array<i32>} : memref<416x64xf32, #tpu.memory_space<vmem>>, vector<1x16xf32>,
        %get3A_1374 = vector.shape_cast %get3A_1373 : vector<1x16xf32> to vector<16xf32>
        %add3A_1375 = arith.addf %add3A_1368, %get3A_1374 : vector<16xf32>
        %add3A_1376 = arith.constant 5 : i32
        %add3A_1377 = arith.addi %mul3A_975, %add3A_1376 : i32
        %get3A_1378 = arith.index_cast %add3A_1377 : i32 to index
        %get3A_1379 = arith.constant 32 : index
        %get3A_1380 = tpu.vector_load %arg9[%get3A_1378, %get3A_1379] {strides = array<i32>} : memref<416x64xf32, #tpu.memory_space<vmem>>, vector<1x16xf32>,
        %get3A_1381 = vector.shape_cast %get3A_1380 : vector<1x16xf32> to vector<16xf32>
        %add3A_1382 = arith.addf %add3A_1375, %get3A_1381 : vector<16xf32>
        %add3A_1383 = arith.constant 6 : i32
        %add3A_1384 = arith.addi %mul3A_975, %add3A_1383 : i32
        %get3A_1385 = arith.index_cast %add3A_1384 : i32 to index
        %get3A_1386 = arith.constant 32 : index
        %get3A_1387 = tpu.vector_load %arg9[%get3A_1385, %get3A_1386] {strides = array<i32>} : memref<416x64xf32, #tpu.memory_space<vmem>>, vector<1x16xf32>,
        %get3A_1388 = vector.shape_cast %get3A_1387 : vector<1x16xf32> to vector<16xf32>
        %add3A_1389 = arith.addf %add3A_1382, %get3A_1388 : vector<16xf32>
        %add3A_1390 = arith.constant 7 : i32
        %add3A_1391 = arith.addi %mul3A_975, %add3A_1390 : i32
        %get3A_1392 = arith.index_cast %add3A_1391 : i32 to index
        %get3A_1393 = arith.constant 32 : index
        %get3A_1394 = tpu.vector_load %arg9[%get3A_1392, %get3A_1393] {strides = array<i32>} : memref<416x64xf32, #tpu.memory_space<vmem>>, vector<1x16xf32>,
        %get3A_1395 = vector.shape_cast %get3A_1394 : vector<1x16xf32> to vector<16xf32>
        %add3A_1396 = arith.addf %add3A_1389, %get3A_1395 : vector<16xf32>
        %add3A_1397 = arith.constant 8 : i32
        %add3A_1398 = arith.addi %mul3A_975, %add3A_1397 : i32
        %get3A_1399 = arith.index_cast %add3A_1398 : i32 to index
        %get3A_1400 = arith.constant 32 : index
        %get3A_1401 = tpu.vector_load %arg9[%get3A_1399, %get3A_1400] {strides = array<i32>} : memref<416x64xf32, #tpu.memory_space<vmem>>, vector<1x16xf32>,
        %get3A_1402 = vector.shape_cast %get3A_1401 : vector<1x16xf32> to vector<16xf32>
        %add3A_1403 = arith.addf %add3A_1396, %get3A_1402 : vector<16xf32>
        %add3A_1404 = arith.constant 9 : i32
        %add3A_1405 = arith.addi %mul3A_975, %add3A_1404 : i32
        %get3A_1406 = arith.index_cast %add3A_1405 : i32 to index
        %get3A_1407 = arith.constant 32 : index
        %get3A_1408 = tpu.vector_load %arg9[%get3A_1406, %get3A_1407] {strides = array<i32>} : memref<416x64xf32, #tpu.memory_space<vmem>>, vector<1x16xf32>,
        %get3A_1409 = vector.shape_cast %get3A_1408 : vector<1x16xf32> to vector<16xf32>
        %add3A_1410 = arith.addf %add3A_1403, %get3A_1409 : vector<16xf32>
        %add3A_1411 = arith.constant 10 : i32
        %add3A_1412 = arith.addi %mul3A_975, %add3A_1411 : i32
        %get3A_1413 = arith.index_cast %add3A_1412 : i32 to index
        %get3A_1414 = arith.constant 32 : index
        %get3A_1415 = tpu.vector_load %arg9[%get3A_1413, %get3A_1414] {strides = array<i32>} : memref<416x64xf32, #tpu.memory_space<vmem>>, vector<1x16xf32>,
        %get3A_1416 = vector.shape_cast %get3A_1415 : vector<1x16xf32> to vector<16xf32>
        %add3A_1417 = arith.addf %add3A_1410, %get3A_1416 : vector<16xf32>
        %add3A_1418 = arith.constant 11 : i32
        %add3A_1419 = arith.addi %mul3A_975, %add3A_1418 : i32
        %get3A_1420 = arith.index_cast %add3A_1419 : i32 to index
        %get3A_1421 = arith.constant 32 : index
        %get3A_1422 = tpu.vector_load %arg9[%get3A_1420, %get3A_1421] {strides = array<i32>} : memref<416x64xf32, #tpu.memory_space<vmem>>, vector<1x16xf32>,
        %get3A_1423 = vector.shape_cast %get3A_1422 : vector<1x16xf32> to vector<16xf32>
        %add3A_1424 = arith.addf %add3A_1417, %get3A_1423 : vector<16xf32>
        %add3A_1425 = arith.constant 12 : i32
        %add3A_1426 = arith.addi %mul3A_975, %add3A_1425 : i32
        %get3A_1427 = arith.index_cast %add3A_1426 : i32 to index
        %get3A_1428 = arith.constant 32 : index
        %get3A_1429 = tpu.vector_load %arg9[%get3A_1427, %get3A_1428] {strides = array<i32>} : memref<416x64xf32, #tpu.memory_space<vmem>>, vector<1x16xf32>,
        %get3A_1430 = vector.shape_cast %get3A_1429 : vector<1x16xf32> to vector<16xf32>
        %add3A_1431 = arith.addf %add3A_1424, %get3A_1430 : vector<16xf32>
        %add3A_1432 = arith.constant 13 : i32
        %add3A_1433 = arith.addi %mul3A_975, %add3A_1432 : i32
        %get3A_1434 = arith.index_cast %add3A_1433 : i32 to index
        %get3A_1435 = arith.constant 32 : index
        %get3A_1436 = tpu.vector_load %arg9[%get3A_1434, %get3A_1435] {strides = array<i32>} : memref<416x64xf32, #tpu.memory_space<vmem>>, vector<1x16xf32>,
        %get3A_1437 = vector.shape_cast %get3A_1436 : vector<1x16xf32> to vector<16xf32>
        %add3A_1438 = arith.addf %add3A_1431, %get3A_1437 : vector<16xf32>
        %add3A_1439 = arith.constant 14 : i32
        %add3A_1440 = arith.addi %mul3A_975, %add3A_1439 : i32
        %get3A_1441 = arith.index_cast %add3A_1440 : i32 to index
        %get3A_1442 = arith.constant 32 : index
        %get3A_1443 = tpu.vector_load %arg9[%get3A_1441, %get3A_1442] {strides = array<i32>} : memref<416x64xf32, #tpu.memory_space<vmem>>, vector<1x16xf32>,
        %get3A_1444 = vector.shape_cast %get3A_1443 : vector<1x16xf32> to vector<16xf32>
        %add3A_1445 = arith.addf %add3A_1438, %get3A_1444 : vector<16xf32>
        %add3A_1446 = arith.constant 15 : i32
        %add3A_1447 = arith.addi %mul3A_975, %add3A_1446 : i32
        %get3A_1448 = arith.index_cast %add3A_1447 : i32 to index
        %get3A_1449 = arith.constant 32 : index
        %get3A_1450 = tpu.vector_load %arg9[%get3A_1448, %get3A_1449] {strides = array<i32>} : memref<416x64xf32, #tpu.memory_space<vmem>>, vector<1x16xf32>,
        %get3A_1451 = vector.shape_cast %get3A_1450 : vector<1x16xf32> to vector<16xf32>
        %add3A_1452 = arith.addf %add3A_1445, %get3A_1451 : vector<16xf32>
        %add3A_1453 = arith.constant 16 : i32
        %add3A_1454 = arith.addi %mul3A_975, %add3A_1453 : i32
        %get3A_1455 = arith.index_cast %add3A_1454 : i32 to index
        %get3A_1456 = arith.constant 32 : index
        %get3A_1457 = tpu.vector_load %arg9[%get3A_1455, %get3A_1456] {strides = array<i32>} : memref<416x64xf32, #tpu.memory_space<vmem>>, vector<1x16xf32>,
        %get3A_1458 = vector.shape_cast %get3A_1457 : vector<1x16xf32> to vector<16xf32>
        %add3A_1459 = arith.addf %add3A_1452, %get3A_1458 : vector<16xf32>
        %add3A_1460 = arith.constant 17 : i32
        %add3A_1461 = arith.addi %mul3A_975, %add3A_1460 : i32
        %get3A_1462 = arith.index_cast %add3A_1461 : i32 to index
        %get3A_1463 = arith.constant 32 : index
        %get3A_1464 = tpu.vector_load %arg9[%get3A_1462, %get3A_1463] {strides = array<i32>} : memref<416x64xf32, #tpu.memory_space<vmem>>, vector<1x16xf32>,
        %get3A_1465 = vector.shape_cast %get3A_1464 : vector<1x16xf32> to vector<16xf32>
        %add3A_1466 = arith.addf %add3A_1459, %get3A_1465 : vector<16xf32>
        %add3A_1467 = arith.constant 18 : i32
        %add3A_1468 = arith.addi %mul3A_975, %add3A_1467 : i32
        %get3A_1469 = arith.index_cast %add3A_1468 : i32 to index
        %get3A_1470 = arith.constant 32 : index
        %get3A_1471 = tpu.vector_load %arg9[%get3A_1469, %get3A_1470] {strides = array<i32>} : memref<416x64xf32, #tpu.memory_space<vmem>>, vector<1x16xf32>,
        %get3A_1472 = vector.shape_cast %get3A_1471 : vector<1x16xf32> to vector<16xf32>
        %add3A_1473 = arith.addf %add3A_1466, %get3A_1472 : vector<16xf32>
        %add3A_1474 = arith.constant 19 : i32
        %add3A_1475 = arith.addi %mul3A_975, %add3A_1474 : i32
        %get3A_1476 = arith.index_cast %add3A_1475 : i32 to index
        %get3A_1477 = arith.constant 32 : index
        %get3A_1478 = tpu.vector_load %arg9[%get3A_1476, %get3A_1477] {strides = array<i32>} : memref<416x64xf32, #tpu.memory_space<vmem>>, vector<1x16xf32>,
        %get3A_1479 = vector.shape_cast %get3A_1478 : vector<1x16xf32> to vector<16xf32>
        %add3A_1480 = arith.addf %add3A_1473, %get3A_1479 : vector<16xf32>
        %add3A_1481 = arith.constant 20 : i32
        %add3A_1482 = arith.addi %mul3A_975, %add3A_1481 : i32
        %get3A_1483 = arith.index_cast %add3A_1482 : i32 to index
        %get3A_1484 = arith.constant 32 : index
        %get3A_1485 = tpu.vector_load %arg9[%get3A_1483, %get3A_1484] {strides = array<i32>} : memref<416x64xf32, #tpu.memory_space<vmem>>, vector<1x16xf32>,
        %get3A_1486 = vector.shape_cast %get3A_1485 : vector<1x16xf32> to vector<16xf32>
        %add3A_1487 = arith.addf %add3A_1480, %get3A_1486 : vector<16xf32>
        %add3A_1488 = arith.constant 21 : i32
        %add3A_1489 = arith.addi %mul3A_975, %add3A_1488 : i32
        %get3A_1490 = arith.index_cast %add3A_1489 : i32 to index
        %get3A_1491 = arith.constant 32 : index
        %get3A_1492 = tpu.vector_load %arg9[%get3A_1490, %get3A_1491] {strides = array<i32>} : memref<416x64xf32, #tpu.memory_space<vmem>>, vector<1x16xf32>,
        %get3A_1493 = vector.shape_cast %get3A_1492 : vector<1x16xf32> to vector<16xf32>
        %add3A_1494 = arith.addf %add3A_1487, %get3A_1493 : vector<16xf32>
        %add3A_1495 = arith.constant 22 : i32
        %add3A_1496 = arith.addi %mul3A_975, %add3A_1495 : i32
        %get3A_1497 = arith.index_cast %add3A_1496 : i32 to index
        %get3A_1498 = arith.constant 32 : index
        %get3A_1499 = tpu.vector_load %arg9[%get3A_1497, %get3A_1498] {strides = array<i32>} : memref<416x64xf32, #tpu.memory_space<vmem>>, vector<1x16xf32>,
        %get3A_1500 = vector.shape_cast %get3A_1499 : vector<1x16xf32> to vector<16xf32>
        %add3A_1501 = arith.addf %add3A_1494, %get3A_1500 : vector<16xf32>
        %add3A_1502 = arith.constant 23 : i32
        %add3A_1503 = arith.addi %mul3A_975, %add3A_1502 : i32
        %get3A_1504 = arith.index_cast %add3A_1503 : i32 to index
        %get3A_1505 = arith.constant 32 : index
        %get3A_1506 = tpu.vector_load %arg9[%get3A_1504, %get3A_1505] {strides = array<i32>} : memref<416x64xf32, #tpu.memory_space<vmem>>, vector<1x16xf32>,
        %get3A_1507 = vector.shape_cast %get3A_1506 : vector<1x16xf32> to vector<16xf32>
        %add3A_1508 = arith.addf %add3A_1501, %get3A_1507 : vector<16xf32>
        %add3A_1509 = arith.constant 24 : i32
        %add3A_1510 = arith.addi %mul3A_975, %add3A_1509 : i32
        %get3A_1511 = arith.index_cast %add3A_1510 : i32 to index
        %get3A_1512 = arith.constant 32 : index
        %get3A_1513 = tpu.vector_load %arg9[%get3A_1511, %get3A_1512] {strides = array<i32>} : memref<416x64xf32, #tpu.memory_space<vmem>>, vector<1x16xf32>,
        %get3A_1514 = vector.shape_cast %get3A_1513 : vector<1x16xf32> to vector<16xf32>
        %add3A_1515 = arith.addf %add3A_1508, %get3A_1514 : vector<16xf32>
        %add3A_1516 = arith.constant 25 : i32
        %add3A_1517 = arith.addi %mul3A_975, %add3A_1516 : i32
        %get3A_1518 = arith.index_cast %add3A_1517 : i32 to index
        %get3A_1519 = arith.constant 32 : index
        %get3A_1520 = tpu.vector_load %arg9[%get3A_1518, %get3A_1519] {strides = array<i32>} : memref<416x64xf32, #tpu.memory_space<vmem>>, vector<1x16xf32>,
        %get3A_1521 = vector.shape_cast %get3A_1520 : vector<1x16xf32> to vector<16xf32>
        %add3A_1522 = arith.addf %add3A_1515, %get3A_1521 : vector<16xf32>
        %swap3A_1523 = arith.index_cast %scan3A_973 : i32 to index
        %swap3A_1524 = arith.constant 32 : index
        %swap3A_1525 = tpu.vector_load %arg11[%swap3A_1523, %swap3A_1524] {strides = array<i32>} : memref<16x80xf32, #tpu.memory_space<vmem>>, vector<1x16xf32>,
        %swap3A_1526 = vector.shape_cast %swap3A_1525 : vector<1x16xf32> to vector<16xf32>
        %swap3A_1527 = vector.shape_cast %add3A_1522 : vector<16xf32> to vector<1x16xf32>
        tpu.vector_store %arg11[%swap3A_1523, %swap3A_1524], %swap3A_1527 {strides = array<i32>} : memref<16x80xf32, #tpu.memory_space<vmem>>, vector<1x16xf32>,
        %get3A_1528 = arith.index_cast %mul3A_975 : i32 to index
        %get3A_1529 = arith.constant 48 : index
        %get3A_1530 = tpu.vector_load %arg9[%get3A_1528, %get3A_1529] {strides = array<i32>} : memref<416x64xf32, #tpu.memory_space<vmem>>, vector<1x16xf32>,
        %get3A_1531 = vector.shape_cast %get3A_1530 : vector<1x16xf32> to vector<16xf32>
        %add3A_1532 = arith.constant 1 : i32
        %add3A_1533 = arith.addi %mul3A_975, %add3A_1532 : i32
        %get3A_1534 = arith.index_cast %add3A_1533 : i32 to index
        %get3A_1535 = arith.constant 48 : index
        %get3A_1536 = tpu.vector_load %arg9[%get3A_1534, %get3A_1535] {strides = array<i32>} : memref<416x64xf32, #tpu.memory_space<vmem>>, vector<1x16xf32>,
        %get3A_1537 = vector.shape_cast %get3A_1536 : vector<1x16xf32> to vector<16xf32>
        %add3A_1538 = arith.addf %get3A_1531, %get3A_1537 : vector<16xf32>
        %add3A_1539 = arith.constant 2 : i32
        %add3A_1540 = arith.addi %mul3A_975, %add3A_1539 : i32
        %get3A_1541 = arith.index_cast %add3A_1540 : i32 to index
        %get3A_1542 = arith.constant 48 : index
        %get3A_1543 = tpu.vector_load %arg9[%get3A_1541, %get3A_1542] {strides = array<i32>} : memref<416x64xf32, #tpu.memory_space<vmem>>, vector<1x16xf32>,
        %get3A_1544 = vector.shape_cast %get3A_1543 : vector<1x16xf32> to vector<16xf32>
        %add3A_1545 = arith.addf %add3A_1538, %get3A_1544 : vector<16xf32>
        %add3A_1546 = arith.constant 3 : i32
        %add3A_1547 = arith.addi %mul3A_975, %add3A_1546 : i32
        %get3A_1548 = arith.index_cast %add3A_1547 : i32 to index
        %get3A_1549 = arith.constant 48 : index
        %get3A_1550 = tpu.vector_load %arg9[%get3A_1548, %get3A_1549] {strides = array<i32>} : memref<416x64xf32, #tpu.memory_space<vmem>>, vector<1x16xf32>,
        %get3A_1551 = vector.shape_cast %get3A_1550 : vector<1x16xf32> to vector<16xf32>
        %add3A_1552 = arith.addf %add3A_1545, %get3A_1551 : vector<16xf32>
        %add3A_1553 = arith.constant 4 : i32
        %add3A_1554 = arith.addi %mul3A_975, %add3A_1553 : i32
        %get3A_1555 = arith.index_cast %add3A_1554 : i32 to index
        %get3A_1556 = arith.constant 48 : index
        %get3A_1557 = tpu.vector_load %arg9[%get3A_1555, %get3A_1556] {strides = array<i32>} : memref<416x64xf32, #tpu.memory_space<vmem>>, vector<1x16xf32>,
        %get3A_1558 = vector.shape_cast %get3A_1557 : vector<1x16xf32> to vector<16xf32>
        %add3A_1559 = arith.addf %add3A_1552, %get3A_1558 : vector<16xf32>
        %add3A_1560 = arith.constant 5 : i32
        %add3A_1561 = arith.addi %mul3A_975, %add3A_1560 : i32
        %get3A_1562 = arith.index_cast %add3A_1561 : i32 to index
        %get3A_1563 = arith.constant 48 : index
        %get3A_1564 = tpu.vector_load %arg9[%get3A_1562, %get3A_1563] {strides = array<i32>} : memref<416x64xf32, #tpu.memory_space<vmem>>, vector<1x16xf32>,
        %get3A_1565 = vector.shape_cast %get3A_1564 : vector<1x16xf32> to vector<16xf32>
        %add3A_1566 = arith.addf %add3A_1559, %get3A_1565 : vector<16xf32>
        %add3A_1567 = arith.constant 6 : i32
        %add3A_1568 = arith.addi %mul3A_975, %add3A_1567 : i32
        %get3A_1569 = arith.index_cast %add3A_1568 : i32 to index
        %get3A_1570 = arith.constant 48 : index
        %get3A_1571 = tpu.vector_load %arg9[%get3A_1569, %get3A_1570] {strides = array<i32>} : memref<416x64xf32, #tpu.memory_space<vmem>>, vector<1x16xf32>,
        %get3A_1572 = vector.shape_cast %get3A_1571 : vector<1x16xf32> to vector<16xf32>
        %add3A_1573 = arith.addf %add3A_1566, %get3A_1572 : vector<16xf32>
        %add3A_1574 = arith.constant 7 : i32
        %add3A_1575 = arith.addi %mul3A_975, %add3A_1574 : i32
        %get3A_1576 = arith.index_cast %add3A_1575 : i32 to index
        %get3A_1577 = arith.constant 48 : index
        %get3A_1578 = tpu.vector_load %arg9[%get3A_1576, %get3A_1577] {strides = array<i32>} : memref<416x64xf32, #tpu.memory_space<vmem>>, vector<1x16xf32>,
        %get3A_1579 = vector.shape_cast %get3A_1578 : vector<1x16xf32> to vector<16xf32>
        %add3A_1580 = arith.addf %add3A_1573, %get3A_1579 : vector<16xf32>
        %add3A_1581 = arith.constant 8 : i32
        %add3A_1582 = arith.addi %mul3A_975, %add3A_1581 : i32
        %get3A_1583 = arith.index_cast %add3A_1582 : i32 to index
        %get3A_1584 = arith.constant 48 : index
        %get3A_1585 = tpu.vector_load %arg9[%get3A_1583, %get3A_1584] {strides = array<i32>} : memref<416x64xf32, #tpu.memory_space<vmem>>, vector<1x16xf32>,
        %get3A_1586 = vector.shape_cast %get3A_1585 : vector<1x16xf32> to vector<16xf32>
        %add3A_1587 = arith.addf %add3A_1580, %get3A_1586 : vector<16xf32>
        %add3A_1588 = arith.constant 9 : i32
        %add3A_1589 = arith.addi %mul3A_975, %add3A_1588 : i32
        %get3A_1590 = arith.index_cast %add3A_1589 : i32 to index
        %get3A_1591 = arith.constant 48 : index
        %get3A_1592 = tpu.vector_load %arg9[%get3A_1590, %get3A_1591] {strides = array<i32>} : memref<416x64xf32, #tpu.memory_space<vmem>>, vector<1x16xf32>,
        %get3A_1593 = vector.shape_cast %get3A_1592 : vector<1x16xf32> to vector<16xf32>
        %add3A_1594 = arith.addf %add3A_1587, %get3A_1593 : vector<16xf32>
        %add3A_1595 = arith.constant 10 : i32
        %add3A_1596 = arith.addi %mul3A_975, %add3A_1595 : i32
        %get3A_1597 = arith.index_cast %add3A_1596 : i32 to index
        %get3A_1598 = arith.constant 48 : index
        %get3A_1599 = tpu.vector_load %arg9[%get3A_1597, %get3A_1598] {strides = array<i32>} : memref<416x64xf32, #tpu.memory_space<vmem>>, vector<1x16xf32>,
        %get3A_1600 = vector.shape_cast %get3A_1599 : vector<1x16xf32> to vector<16xf32>
        %add3A_1601 = arith.addf %add3A_1594, %get3A_1600 : vector<16xf32>
        %add3A_1602 = arith.constant 11 : i32
        %add3A_1603 = arith.addi %mul3A_975, %add3A_1602 : i32
        %get3A_1604 = arith.index_cast %add3A_1603 : i32 to index
        %get3A_1605 = arith.constant 48 : index
        %get3A_1606 = tpu.vector_load %arg9[%get3A_1604, %get3A_1605] {strides = array<i32>} : memref<416x64xf32, #tpu.memory_space<vmem>>, vector<1x16xf32>,
        %get3A_1607 = vector.shape_cast %get3A_1606 : vector<1x16xf32> to vector<16xf32>
        %add3A_1608 = arith.addf %add3A_1601, %get3A_1607 : vector<16xf32>
        %add3A_1609 = arith.constant 12 : i32
        %add3A_1610 = arith.addi %mul3A_975, %add3A_1609 : i32
        %get3A_1611 = arith.index_cast %add3A_1610 : i32 to index
        %get3A_1612 = arith.constant 48 : index
        %get3A_1613 = tpu.vector_load %arg9[%get3A_1611, %get3A_1612] {strides = array<i32>} : memref<416x64xf32, #tpu.memory_space<vmem>>, vector<1x16xf32>,
        %get3A_1614 = vector.shape_cast %get3A_1613 : vector<1x16xf32> to vector<16xf32>
        %add3A_1615 = arith.addf %add3A_1608, %get3A_1614 : vector<16xf32>
        %add3A_1616 = arith.constant 13 : i32
        %add3A_1617 = arith.addi %mul3A_975, %add3A_1616 : i32
        %get3A_1618 = arith.index_cast %add3A_1617 : i32 to index
        %get3A_1619 = arith.constant 48 : index
        %get3A_1620 = tpu.vector_load %arg9[%get3A_1618, %get3A_1619] {strides = array<i32>} : memref<416x64xf32, #tpu.memory_space<vmem>>, vector<1x16xf32>,
        %get3A_1621 = vector.shape_cast %get3A_1620 : vector<1x16xf32> to vector<16xf32>
        %add3A_1622 = arith.addf %add3A_1615, %get3A_1621 : vector<16xf32>
        %add3A_1623 = arith.constant 14 : i32
        %add3A_1624 = arith.addi %mul3A_975, %add3A_1623 : i32
        %get3A_1625 = arith.index_cast %add3A_1624 : i32 to index
        %get3A_1626 = arith.constant 48 : index
        %get3A_1627 = tpu.vector_load %arg9[%get3A_1625, %get3A_1626] {strides = array<i32>} : memref<416x64xf32, #tpu.memory_space<vmem>>, vector<1x16xf32>,
        %get3A_1628 = vector.shape_cast %get3A_1627 : vector<1x16xf32> to vector<16xf32>
        %add3A_1629 = arith.addf %add3A_1622, %get3A_1628 : vector<16xf32>
        %add3A_1630 = arith.constant 15 : i32
        %add3A_1631 = arith.addi %mul3A_975, %add3A_1630 : i32
        %get3A_1632 = arith.index_cast %add3A_1631 : i32 to index
        %get3A_1633 = arith.constant 48 : index
        %get3A_1634 = tpu.vector_load %arg9[%get3A_1632, %get3A_1633] {strides = array<i32>} : memref<416x64xf32, #tpu.memory_space<vmem>>, vector<1x16xf32>,
        %get3A_1635 = vector.shape_cast %get3A_1634 : vector<1x16xf32> to vector<16xf32>
        %add3A_1636 = arith.addf %add3A_1629, %get3A_1635 : vector<16xf32>
        %add3A_1637 = arith.constant 16 : i32
        %add3A_1638 = arith.addi %mul3A_975, %add3A_1637 : i32
        %get3A_1639 = arith.index_cast %add3A_1638 : i32 to index
        %get3A_1640 = arith.constant 48 : index
        %get3A_1641 = tpu.vector_load %arg9[%get3A_1639, %get3A_1640] {strides = array<i32>} : memref<416x64xf32, #tpu.memory_space<vmem>>, vector<1x16xf32>,
        %get3A_1642 = vector.shape_cast %get3A_1641 : vector<1x16xf32> to vector<16xf32>
        %add3A_1643 = arith.addf %add3A_1636, %get3A_1642 : vector<16xf32>
        %add3A_1644 = arith.constant 17 : i32
        %add3A_1645 = arith.addi %mul3A_975, %add3A_1644 : i32
        %get3A_1646 = arith.index_cast %add3A_1645 : i32 to index
        %get3A_1647 = arith.constant 48 : index
        %get3A_1648 = tpu.vector_load %arg9[%get3A_1646, %get3A_1647] {strides = array<i32>} : memref<416x64xf32, #tpu.memory_space<vmem>>, vector<1x16xf32>,
        %get3A_1649 = vector.shape_cast %get3A_1648 : vector<1x16xf32> to vector<16xf32>
        %add3A_1650 = arith.addf %add3A_1643, %get3A_1649 : vector<16xf32>
        %add3A_1651 = arith.constant 18 : i32
        %add3A_1652 = arith.addi %mul3A_975, %add3A_1651 : i32
        %get3A_1653 = arith.index_cast %add3A_1652 : i32 to index
        %get3A_1654 = arith.constant 48 : index
        %get3A_1655 = tpu.vector_load %arg9[%get3A_1653, %get3A_1654] {strides = array<i32>} : memref<416x64xf32, #tpu.memory_space<vmem>>, vector<1x16xf32>,
        %get3A_1656 = vector.shape_cast %get3A_1655 : vector<1x16xf32> to vector<16xf32>
        %add3A_1657 = arith.addf %add3A_1650, %get3A_1656 : vector<16xf32>
        %add3A_1658 = arith.constant 19 : i32
        %add3A_1659 = arith.addi %mul3A_975, %add3A_1658 : i32
        %get3A_1660 = arith.index_cast %add3A_1659 : i32 to index
        %get3A_1661 = arith.constant 48 : index
        %get3A_1662 = tpu.vector_load %arg9[%get3A_1660, %get3A_1661] {strides = array<i32>} : memref<416x64xf32, #tpu.memory_space<vmem>>, vector<1x16xf32>,
        %get3A_1663 = vector.shape_cast %get3A_1662 : vector<1x16xf32> to vector<16xf32>
        %add3A_1664 = arith.addf %add3A_1657, %get3A_1663 : vector<16xf32>
        %add3A_1665 = arith.constant 20 : i32
        %add3A_1666 = arith.addi %mul3A_975, %add3A_1665 : i32
        %get3A_1667 = arith.index_cast %add3A_1666 : i32 to index
        %get3A_1668 = arith.constant 48 : index
        %get3A_1669 = tpu.vector_load %arg9[%get3A_1667, %get3A_1668] {strides = array<i32>} : memref<416x64xf32, #tpu.memory_space<vmem>>, vector<1x16xf32>,
        %get3A_1670 = vector.shape_cast %get3A_1669 : vector<1x16xf32> to vector<16xf32>
        %add3A_1671 = arith.addf %add3A_1664, %get3A_1670 : vector<16xf32>
        %add3A_1672 = arith.constant 21 : i32
        %add3A_1673 = arith.addi %mul3A_975, %add3A_1672 : i32
        %get3A_1674 = arith.index_cast %add3A_1673 : i32 to index
        %get3A_1675 = arith.constant 48 : index
        %get3A_1676 = tpu.vector_load %arg9[%get3A_1674, %get3A_1675] {strides = array<i32>} : memref<416x64xf32, #tpu.memory_space<vmem>>, vector<1x16xf32>,
        %get3A_1677 = vector.shape_cast %get3A_1676 : vector<1x16xf32> to vector<16xf32>
        %add3A_1678 = arith.addf %add3A_1671, %get3A_1677 : vector<16xf32>
        %add3A_1679 = arith.constant 22 : i32
        %add3A_1680 = arith.addi %mul3A_975, %add3A_1679 : i32
        %get3A_1681 = arith.index_cast %add3A_1680 : i32 to index
        %get3A_1682 = arith.constant 48 : index
        %get3A_1683 = tpu.vector_load %arg9[%get3A_1681, %get3A_1682] {strides = array<i32>} : memref<416x64xf32, #tpu.memory_space<vmem>>, vector<1x16xf32>,
        %get3A_1684 = vector.shape_cast %get3A_1683 : vector<1x16xf32> to vector<16xf32>
        %add3A_1685 = arith.addf %add3A_1678, %get3A_1684 : vector<16xf32>
        %add3A_1686 = arith.constant 23 : i32
        %add3A_1687 = arith.addi %mul3A_975, %add3A_1686 : i32
        %get3A_1688 = arith.index_cast %add3A_1687 : i32 to index
        %get3A_1689 = arith.constant 48 : index
        %get3A_1690 = tpu.vector_load %arg9[%get3A_1688, %get3A_1689] {strides = array<i32>} : memref<416x64xf32, #tpu.memory_space<vmem>>, vector<1x16xf32>,
        %get3A_1691 = vector.shape_cast %get3A_1690 : vector<1x16xf32> to vector<16xf32>
        %add3A_1692 = arith.addf %add3A_1685, %get3A_1691 : vector<16xf32>
        %add3A_1693 = arith.constant 24 : i32
        %add3A_1694 = arith.addi %mul3A_975, %add3A_1693 : i32
        %get3A_1695 = arith.index_cast %add3A_1694 : i32 to index
        %get3A_1696 = arith.constant 48 : index
        %get3A_1697 = tpu.vector_load %arg9[%get3A_1695, %get3A_1696] {strides = array<i32>} : memref<416x64xf32, #tpu.memory_space<vmem>>, vector<1x16xf32>,
        %get3A_1698 = vector.shape_cast %get3A_1697 : vector<1x16xf32> to vector<16xf32>
        %add3A_1699 = arith.addf %add3A_1692, %get3A_1698 : vector<16xf32>
        %add3A_1700 = arith.constant 25 : i32
        %add3A_1701 = arith.addi %mul3A_975, %add3A_1700 : i32
        %get3A_1702 = arith.index_cast %add3A_1701 : i32 to index
        %get3A_1703 = arith.constant 48 : index
        %get3A_1704 = tpu.vector_load %arg9[%get3A_1702, %get3A_1703] {strides = array<i32>} : memref<416x64xf32, #tpu.memory_space<vmem>>, vector<1x16xf32>,
        %get3A_1705 = vector.shape_cast %get3A_1704 : vector<1x16xf32> to vector<16xf32>
        %add3A_1706 = arith.addf %add3A_1699, %get3A_1705 : vector<16xf32>
        %swap3A_1707 = arith.index_cast %scan3A_973 : i32 to index
        %swap3A_1708 = arith.constant 48 : index
        %swap3A_1709 = tpu.vector_load %arg11[%swap3A_1707, %swap3A_1708] {strides = array<i32>} : memref<16x80xf32, #tpu.memory_space<vmem>>, vector<1x16xf32>,
        %swap3A_1710 = vector.shape_cast %swap3A_1709 : vector<1x16xf32> to vector<16xf32>
        %swap3A_1711 = vector.shape_cast %add3A_1706 : vector<16xf32> to vector<1x16xf32>
        tpu.vector_store %arg11[%swap3A_1707, %swap3A_1708], %swap3A_1711 {strides = array<i32>} : memref<16x80xf32, #tpu.memory_space<vmem>>, vector<1x16xf32>,
        %mul3A_1712 = arith.constant 16 : i32
        %mul3A_1713 = arith.muli %add3A_143, %mul3A_1712 : i32
        %add3A_1714 = arith.addi %mul3A_1713, %scan3A_973 : i32
        %get3A_1715 = arith.index_cast %add3A_1714 : i32 to index
        %get3A_1716 = arith.constant 0 : index
        %get3A_1717 = tpu.vector_load %arg7[%get3A_1715, %get3A_1716] {strides = array<i32>} : memref<1600x16xf32, #tpu.memory_space<vmem>>, vector<1x16xf32>,
        %get3A_1718 = vector.shape_cast %get3A_1717 : vector<1x16xf32> to vector<16xf32>
        %swap3A_1719 = arith.index_cast %scan3A_973 : i32 to index
        %swap3A_1720 = arith.constant 64 : index
        %swap3A_1721 = tpu.vector_load %arg11[%swap3A_1719, %swap3A_1720] {strides = array<i32>} : memref<16x80xf32, #tpu.memory_space<vmem>>, vector<1x16xf32>,
        %swap3A_1722 = vector.shape_cast %swap3A_1721 : vector<1x16xf32> to vector<16xf32>
        %swap3A_1723 = vector.shape_cast %get3A_1718 : vector<16xf32> to vector<1x16xf32>
        tpu.vector_store %arg11[%swap3A_1719, %swap3A_1720], %swap3A_1723 {strides = array<i32>} : memref<16x80xf32, #tpu.memory_space<vmem>>, vector<1x16xf32>,
      }
      %scan3A_213 = arith.constant 16 : i32
      %mul3A_214 = arith.constant 1600 : i32
      %mul3A_215 = arith.muli %add3A, %mul3A_214 : i32
      %mul3A_216 = arith.constant 16 : i32
      %mul3A_217 = arith.muli %add3A_143, %mul3A_216 : i32
      %add3A_218 = arith.addi %mul3A_215, %mul3A_217 : i32
      %dma_start3A_219 = arith.constant 0 : i32
      %dma_start3A_220 = tpu.memref_slice %arg5[%add3A_218, %dma_start3A_219] : memref<51200x80xf32, #tpu.memory_space<hbm>> -> memref<16x80xf32, #tpu.memory_space<hbm>>
      %dma_start3A_221 = arith.constant 0 : i32
      %dma_start3A_222 = tpu.memref_slice %arg5[%add3A_218, %dma_start3A_221] : memref<51200x80xf32, #tpu.memory_space<hbm>> -> memref<16x80xf32, #tpu.memory_space<hbm>>
      tpu.enqueue_dma source(%arg11 : memref<16x80xf32, #tpu.memory_space<vmem>>) target(%dma_start3A_222 : memref<16x80xf32, #tpu.memory_space<hbm>>) target_semaphore(%arg15 : memref<!tpu.dma_semaphore, #tpu.memory_space<semaphore_mem>>)
    }
    %scan3A_48 = arith.constant 50 : i32
    %dma_wait3A = arith.constant 0 : i32
    %dma_wait3A_49 = arith.constant 0 : i32
    %dma_wait3A_50 = tpu.memref_slice %arg5[%dma_wait3A, %dma_wait3A_49] : memref<51200x80xf32, #tpu.memory_space<hbm>> -> memref<16x80xf32, #tpu.memory_space<hbm>>
    %dma_wait3A_51 = arith.constant 0 : i32
    %dma_wait3A_52 = arith.constant 0 : i32
    %dma_wait3A_53 = tpu.memref_slice %arg5[%dma_wait3A_51, %dma_wait3A_52] : memref<51200x80xf32, #tpu.memory_space<hbm>> -> memref<16x80xf32, #tpu.memory_space<hbm>>
    tpu.wait_dma2 semaphore(%arg14 : memref<!tpu.dma_semaphore, #tpu.memory_space<semaphore_mem>>) src(%arg10 : memref<16x80xf32, #tpu.memory_space<vmem>>) dst(%dma_wait3A_53 : memref<16x80xf32, #tpu.memory_space<hbm>>)
    %dma_wait3A_54 = arith.constant 0 : i32
    %dma_wait3A_55 = arith.constant 0 : i32
    %dma_wait3A_56 = tpu.memref_slice %arg5[%dma_wait3A_54, %dma_wait3A_55] : memref<51200x80xf32, #tpu.memory_space<hbm>> -> memref<16x80xf32, #tpu.memory_space<hbm>>
    %dma_wait3A_57 = arith.constant 0 : i32
    %dma_wait3A_58 = arith.constant 0 : i32
    %dma_wait3A_59 = tpu.memref_slice %arg5[%dma_wait3A_57, %dma_wait3A_58] : memref<51200x80xf32, #tpu.memory_space<hbm>> -> memref<16x80xf32, #tpu.memory_space<hbm>>
    tpu.wait_dma2 semaphore(%arg15 : memref<!tpu.dma_semaphore, #tpu.memory_space<semaphore_mem>>) src(%arg11 : memref<16x80xf32, #tpu.memory_space<vmem>>) dst(%dma_wait3A_59 : memref<16x80xf32, #tpu.memory_space<hbm>>)
    return
  }
}

</mosaic_0001>

<sc_bundles>
// kernel: _emb_sum_concat.3.cloned.1.call-start
scs
__scs_entry_jumppad:
0x0: {  	(pc) =	sbr.rel $0x88, $3  }
0x1: {  	(tag) =	ssettag $0x0;
	lr =	simm.s32 $0x1  }
0x2: {  	[smem:$0x3F9E] =	sst lr;
	_ =	strace $0xD0000000  }
0x3: {  	_ = 	snop  }
0x4: {  	_ = 	snop  }
0x5: {  	_ = 	snop  }
0x6: {  	_ = 	snop  }
0x7: {  	_ = 	snop  }
__scs_overlays_trampoline_lowered:
0x8: {  	[smem:$0x3FAD] =	sst s0  }
0x9: {  	[smem:$0x3FAE] =	sst s1  }
0xa: {  	[smem:$0x3FAF] =	sst s2  }
0xb: {  	[smem:$0x3FB0] =	sst s3  }
0xc: {  	[smem:$0x3FB1] =	sst s4  }
0xd: {  	[smem:$0x3FB2] =	sst s5  }
0xe: {  	[smem:$0x3FB3] =	sst s6  }
0xf: {  	[smem:$0x3FB4] =	sst s7  }
0x10: {  	[smem:$0x3FB5] =	sst s8  }
0x11: {  	[smem:$0x3FB6] =	sst s9;
	s0 =	simm.s32 @!p0 $0x0  }
0x12: {  	s1 =	sld [smem:$0x3F9C];
	s0 =	simm.s32 @p0 $0x1  }
0x13: {  	[smem:$0x3FB7] =	sst s0;
	s0 =	simm.s32 @!p1 $0x0  }
0x14: {  	s2 =	sld [smem:$0x3F9B];
	s0 =	simm.s32 @p1 $0x1  }
0x15: {  	[smem:$0x3FB8] =	sst s0;
	s0 =	simm.s32 @!p2 $0x0  }
0x16: {  	s3 =	sld [smem:$0x3FDB];
	s0 =	simm.s32 @p2 $0x1  }
0x17: {  	s4 =	simm.s32 $0x1BF5;
	[smem:$0x3FBA] =	sst s0  }
0x18: {  	s0 =	sld [smem:$0x3F9D];
	_ =	swait.ge [sflag:s4], $0x0  }
0x19: {  	s7 =	sld [smem:$0x3F9E]  }
0x1a: {  	s8 =	sadd.s32 $0xFFFFE003, lr  }
0x1b: {  	s9 =	sadd.s32 $0xFFFFFEF7, lr;
	s5 =	simm.s32 $0xFFFFFFFF;
	p2 =	slt.u32 s8, $0xFFFFF086  }
0x1c: {  	p1 =	slt.u32 s9, $0xF7A;
	s5 =	simm.s32 @!p2 $0x0  }
0x1d: {  	s5 =	simm.s32 @p1 $0x1;
	p0 =	seq.s32 s7, s2  }
0x1e: {  	s7 =	smul.u32 @!p0 $0xF7A, s2;
	p2 =	seq.s32 @!p0 s5, $0x0  }
0x1f: {  	s9 =	smul.u32 $0xF7A, s1;
	s8 =	simm.s32 @!p0 $0x1BF5;
	p2 =	por !p2, p0  }
0x20: {  	[sflag:s8] =	ssyncset.s32 @!p0 $0xFFFFF086;
	s6 =	sadd.s32 @!p0 s3, s7;
	s7 =	simm.s32 @!p0 $0x108  }
0x21: {  	s3 =	sadd.s32 s3, s9;
	s6 =	sadd.s32 @!p0 $0x88, s6;
	s7 =	simm.s32 @p2 $0x1082  }
0x22: {  	[simem:s7], [sflag:s8] =	dma.local @!p0 [hbm:s6], $0xF7A  }
0x23: {  	s9 =	sor.u32 $0xD0000000, s2;
	s6 =	simm.s32 $0x108;
	_ =	swait.ge @!p0 [sflag:s8], $0x0  }
0x24: {  	s3 =	sadd.s32 $0x88, s3;
	s6 =	simm.s32 @!p1 $0x1082;
	[sflag:s4] =	ssyncset.s32 $0xFFFFF086  }
0x25: {  	[simem:s6], [sflag:s4] =	dma.local [hbm:s3], $0xF7A  }
0x26: {  	[smem:$0x3F9E] =	sst s1;
	(tag) =	ssettag s2;
	_ =	strace s9  }
0x27: {  	s1 =	sld [smem:$0x3FAE]  }
0x28: {  	s2 =	sld [smem:$0x3FAF]  }
0x29: {  	s4 =	sld [smem:$0x3FB1]  }
0x2a: {  	p0 =	seq.s32 s5, $0x0;
	s5 =	sld [smem:$0x3FB2]  }
0x2b: {  	s6 =	sld [smem:$0x3FB3]  }
0x2c: {  	s7 =	sld [smem:$0x3FB4]  }
0x2d: {  	s3 =	simm.s32 $0x108;
	s8 =	sld [smem:$0x3FB5]  }
0x2e: {  	s3 =	simm.s32 @!p0 $0x1082;
	s9 =	sld [smem:$0x3FB6]  }
0x2f: {  	lr =	sadd.s32 s0, s3;
	s0 =	sld [smem:$0x3FAD]  }
0x30: {  	s3 =	sld [smem:$0x3FB0]  }
0x31: {  	[smem:$0x3FB9] =	sst s10  }
0x32: {  	s10 =	sld [smem:$0x3FB7];
	_ =	sdelay $0x3  }
0x33: {  	p0 =	seq.s32 s10, $0x1;
	s10 =	sld [smem:$0x3FB9];
	_ =	sdelay $0x3  }
0x34: {  	[smem:$0x3FB9] =	sst s10  }
0x35: {  	s10 =	sld [smem:$0x3FB8];
	_ =	sdelay $0x3  }
0x36: {  	p1 =	seq.s32 s10, $0x1;
	s10 =	sld [smem:$0x3FB9];
	_ =	sdelay $0x3  }
0x37: {  	[smem:$0x3FB9] =	sst s10  }
0x38: {  	s10 =	sld [smem:$0x3FBA]  }
0x39: {  	_ = 	snop;
	(pc) =	sbr.ind lr, $3  }
0x3a: {  	_ = 	snop  }
0x3b: {  	_ = 	snop  }
0x3c: {  	p2 =	seq.s32 s10, $0x1;
	s10 =	sld [smem:$0x3FB9]  }
0x3d: {  	_ =	shalt  }
0x3e: {  	_ =	shalt  }
0x3f: {  	_ =	shalt  }
0x40: {  	_ =	shalt  }
0x41: {  	_ =	shalt  }
0x42: {  	_ =	shalt  }
0x43: {  	_ =	shalt  }
0x44: {  	_ =	shalt  }
0x45: {  	_ =	shalt  }
0x46: {  	_ =	shalt  }
0x47: {  	_ =	shalt  }
0x48: {  	_ =	shalt  }
0x49: {  	_ =	shalt  }
0x4a: {  	_ =	shalt  }
0x4b: {  	_ =	shalt  }
0x4c: {  	_ =	shalt  }
0x4d: {  	_ =	shalt  }
0x4e: {  	_ =	shalt  }
0x4f: {  	_ =	shalt  }
0x50: {  	_ =	shalt  }
0x51: {  	_ =	shalt  }
0x52: {  	_ =	shalt  }
0x53: {  	_ =	shalt  }
0x54: {  	_ =	shalt  }
0x55: {  	_ =	shalt  }
0x56: {  	_ =	shalt  }
0x57: {  	_ =	shalt  }
0x58: {  	_ =	shalt  }
0x59: {  	_ =	shalt  }
0x5a: {  	_ =	shalt  }
0x5b: {  	_ =	shalt  }
0x5c: {  	_ =	shalt  }
0x5d: {  	_ =	shalt  }
0x5e: {  	_ =	shalt  }
0x5f: {  	_ =	shalt  }
0x60: {  	_ =	shalt  }
0x61: {  	_ =	shalt  }
0x62: {  	_ =	shalt  }
0x63: {  	_ =	shalt  }
0x64: {  	_ =	shalt  }
0x65: {  	_ =	shalt  }
0x66: {  	_ =	shalt  }
0x67: {  	_ =	shalt  }
0x68: {  	_ =	shalt  }
0x69: {  	_ =	shalt  }
0x6a: {  	_ =	shalt  }
0x6b: {  	_ =	shalt  }
0x6c: {  	_ =	shalt  }
0x6d: {  	_ =	shalt  }
0x6e: {  	_ =	shalt  }
0x6f: {  	_ =	shalt  }
0x70: {  	_ =	shalt  }
0x71: {  	_ =	shalt  }
0x72: {  	_ =	shalt  }
0x73: {  	_ =	shalt  }
0x74: {  	_ =	shalt  }
0x75: {  	_ =	shalt  }
0x76: {  	_ =	shalt  }
0x77: {  	_ =	shalt  }
0x78: {  	_ =	shalt  }
0x79: {  	_ =	shalt  }
0x7a: {  	_ =	shalt  }
0x7b: {  	_ =	shalt  }
0x7c: {  	_ =	shalt  }
0x7d: {  	_ =	shalt  }
0x7e: {  	_ =	shalt  }
0x7f: {  	_ =	shalt  }
0x80: {  	_ =	shalt  }
0x81: {  	_ =	shalt  }
0x82: {  	_ =	shalt  }
0x83: {  	_ =	shalt  }
0x84: {  	_ =	shalt  }
0x85: {  	_ =	shalt  }
0x86: {  	_ =	shalt  }
0x87: {  	_ =	shalt  }
.Lfunc_end0:
.L_simem_size_0:
called_computation_lowered:
.L_overlay_start_0:
0x88: {  	s2 =	sld [smem:$0x3FD9]  }
0x89: {  	s3 =	sld [smem:$0x3FFE];
	_ =	sdelay $0x1  }
0x8a: {  	s1 =	srdreg.scid  }
0x8b: {  	s0 =	sand.u32 $0x1, s1  }
0x8c: {  	s17 =	sshll.u32 s0, $0xA;
	s2 =	sadd.s32 s3, s2  }
0x8d: {  	s2 =	sadd.s32 s2, s17  }
0x8e: {  	[smem:$0x3FC5] =	sst s2  }
0x8f: {  	_ = 	snop  }
0x90: {  	s2 =	sld [smem:$0x3FD0];
	(tm) =	ssettm $0x1  }
0x91: {  	s18 =	sld [smem:$0x3FFB];
	_ =	sdelay $0x3  }
0x92: {  	_ =	strace s18  }
0x93: {  	s3 =	sld [smem:$0x3FFC];
	_ =	sdelay $0x3  }
0x94: {  	_ =	strace s3  }
0x95: {  	s3 =	sld [smem:$0x3FFD];
	_ =	sdelay $0x3  }
0x96: {  	_ =	strace s3  }
0x97: {  	_ =	strace $0x8FFFFFFF  }
0x98: {  	s19 =	sld [smem:$0x3FDB];
	_ =	sdelay $0x1  }
0x99: {  	s4 =	simm.s32 $_scs_section_size  }
0x9a: {  	s5 =	simm.s32 $_size__tile_overlayer_lowered;
	s6 =	simm.s32 $_tile_overlayer_lowered  }
0x9b: {  	s22 =	simm.s32 $0x1BFF;
	s21 =	sshll.u32 s6, $0x1;
	s3 =	sadd.s32 s4, s19  }
0x9c: {  	s7 =	simm.s32 $0x0;
	s20 =	sshll.u32 s5, $0x1;
	s5 =	sadd.s32 s21, s3  }
0x9d: {  	[timem:s7], [sflag:s22] =	dma.local [hbm:s5], s20  }
0x9e: {  	_ =	swait.ge [sflag:s22], s20  }
0x9f: {  	s4 =	ssub.s32 $0x0, s20;
	[sflag:s22] =	ssyncset.done $0x0  }
0xa0: {  	[sflag:s22] =	ssyncadd.s32 s4;
	_ =	sdelay $0x1  }
0xa1: {  	s23 =	simm.s32 $0x1B8B  }
0xa2: {  	_ =	swait.ge [sflag:s23], $0x1  }
0xa3: {  	[sflag:s23] =	ssyncset.done $0x0  }
0xa4: {  	s25 =	simm.s32 $0x1B8E;
	s24 =	sld [smem:$0x3FFE];
	[sflag:s23] =	ssyncadd.s32 $0xFFFFFFFF  }
0xa5: {  	s26 =	simm.s32 $execute0_lowered;
	[smem:$0x3FD2] =	sst s25  }
0xa6: {  	s5 =	sshll.u32 s26, $0x1;
	_ =	strace $0x80000046;
	[dreg:$0x1] =	wrdreg $0xFFFFFFFF  }
0xa7: {  	s28 =	simm.s32 $_size_execute0_lowered;
	s3 =	sadd.s32 s3, s5;
	[dreg:$0x0] =	wrdreg $0x0  }
0xa8: {  	s5 =	sshll.u32 s28, $0x1;
	[dreg:$0x2] =	wrdreg s3  }
0xa9: {  	[dreg:$0x3] =	wrdreg s5  }
0xaa: {  	[dreg:$0x4] =	wrdreg $0xC0  }
0xab: {  	_ =	task [dreg:s7], $0x5FFFF  }
0xac: {  	[dreg:$0x1] =	wrdreg $0xFFFFFFFF  }
0xad: {  	[dreg:$0x0] =	wrdreg $0x60  }
0xae: {  	[dreg:$0x2] =	wrdreg s24  }
0xaf: {  	[dreg:$0x3] =	wrdreg s2  }
0xb0: {  	[dreg:$0x4] =	wrdreg $0x9  }
0xb1: {  	_ =	task.clear_ibuf [dreg:s7], $0x5FFFF;
	_ =	strace $0x90000046  }
0xb2: {  	s29 =	simm.s32 $0x9;
	_ =	strace $0x80000048  }
0xb3: {  	_ =	swait.ge [sflag:s29], $0x1  }
0xb4: {  	[sflag:s29] =	ssyncadd.s32 $0xFFFFFFFF  }
0xb5: {  	_ =	strace $0x90000048  }
0xb6: {  	_ =	sfence  }
0xb7: {  	s30 =	sld [smem:$0x0];
	_ =	sdelay $0x2  }
0xb8: {  	s31 =	sshll.u32 s1, $0xD;
	s1 =	sshrl.u32 s1, $0x2  }
0xb9: {  	s3 =	sand.u32 $0x4000, s31;
	s1 =	sadd.s32 s1, s30  }
0xba: {  	s0 =	sor.u32 s3, s0;
	s1 =	sshll.u32 s1, $0x11  }
0xbb: {  	s0 =	sor.u32 s1, s0  }
0xbc: {  	s0 =	sadd.s32 $0x8F2B, s0  }
0xbd: {  	[sflag:s0] =	ssyncadd.remote.s32 $0x1  }
0xbe: {  	_ =	sfence.sel $0xFFFF  }
0xbf: {  	[dreg:$0x0] =	wrdreg $0xFFFFFFFF;
	(pc) =	sbr.abs _section_cstart, $3  }
0xc0: {  	[dreg:$0x1] =	wrdreg $0xFFFFFFFF  }
0xc1: {  	_ =	task.clear_ibuf [dreg:s7], $0x2FFFF;
	_ =	strace $0x9FFFFFFF  }
0xc2: {  	(tm) =	ssettm $0x7FFFFFFF  }
0xc3: {  	_ =	shalt  }
tec
execute0_lowered:
.L_overlay_start_1:
0x0: {  	(tag) =	ssettag $0x1  }
0x1: {  	s0 =	srdreg.scid  }
0x2: {  	s2 =	stileid.u32;
	s1 =	rddreg [dreg:$0x0]  }
0x3: {  	s11 =	simm.s32 $0x68;
	s14 =	simm.s32 $0xD0;
	s15 =	simm.s32 $0x13A80  }
0x4: {  	s16 =	simm.s32 $0x138;
	s17 =	simm.s32 $0x15480;
	s18 =	simm.s32 $0x16E80  }
0x5: {  	s19 =	simm.s32 $0x18880;
	s20 =	simm.s32 $0x1A280;
	s21 =	simm.s32 $0x1BC80  }
0x6: {  	s22 =	simm.s32 $0x1;
	s23 =	simm.s32 $0x1D680;
	s24 =	simm.s32 $0x2  }
0x7: {  	s25 =	simm.s32 $0x1DB80;
	s0 =	sand.u32 $0x1, s0;
	s3 =	sshll.u32 s2, $0x1  }
0x8: {  	s26 =	simm.s32 $0x3;
	s28 =	simm.s32 $0x4;
	s6 =	sor.u32 s0, s3  }
0x9: {  	s29 =	simm.s32 $0x0;
	s2 =	rddreg [dreg:$0x1];
	s4 =	smul.u32 $0x1450, s6  }
0xa: {  	s3 =	simm.s32 $0x0;
	s0 =	ssub.s32 $0x2, s0;
	s5 =	smul.u32 $0xC80, s6  }
0xb: {  	[smem:$0x7FF] =	sst s3;
	s8 =	sshrl.u32 s0, $0x1;
	s6 =	smul.u32 $0x640, s6  }
0xc: {  	_ =	strace $0x80000047;
	s0 =	ssub.s32 s0, s8;
	s7 =	sadd.s32 s4, s1  }
0xd: {  	s9 =	sadd.s32 s5, s1;
	s4 =	sadd.s32 $0xF43000, s1;
	s8 =	smax.u32 s0, $0x1  }
0xe: {  	s5 =	sadd.s32 $0x19C00, s7;
	s7 =	sadd.s32 $0xC00, s9;
	s9 =	simm.s32 $0x5  }
.LBB2_1:
0xf: {  	[tilespmem:s3], [sflag:$0x5] =	stream.linear.gather [hbm4b:s5+s3], $0xA280, $0x38;
	[tilespmem:$0x1E080] =	vst v63  }
0x10: {  	_ =	swait.ge [sflag:s9], $0xA280  }
0x11: {  	[sflag:s9] =	ssyncset.done $0x0  }
0x12: {  	s0 =	simm.s32 $0xA280;
	[sflag:s9] =	ssyncadd.s32 $0xFFFF5D80  }
0x13: {  	[tilespmem:s0], [sflag:$0x5] =	stream.linear.gather [hbm4b:s7+s3], $0x6400, $0x38;
	[tilespmem:$0x1E080] =	vst v63  }
0x14: {  	_ =	swait.ge [sflag:s9], $0x6400  }
0x15: {  	[sflag:s9] =	ssyncset.done $0x0  }
0x16: {  	s13 =	simm.s32 $0x10680;
	[sflag:s9] =	ssyncadd.s32 $0xFFFF9C00  }
0x17: {  	[tilespmem:s13], [sflag:$0x1] =	stream.indirect.gather [hbm4b:s4+s11], $0x40, s3, s11, $0xb8;
	[tilespmem:$0x1E080] =	vst v63  }
0x18: {  	s31 =	simm.s32 $0x12080  }
0x19: {  	[tilespmem:s31], [sflag:$0x1] =	stream.indirect.gather [hbm4b:s4+s11], $0x40, s11, s11, $0xb8;
	[tilespmem:$0x1E080] =	vst v63  }
0x1a: {  	_ = 	snop  }
0x1b: {  	[tilespmem:s15], [sflag:$0x1] =	stream.indirect.gather [hbm4b:s4+s11], $0x40, s14, s11, $0xb8;
	[tilespmem:$0x1E080] =	vst v63  }
0x1c: {  	s30 =	simm.s32 $0x0  }
0x1d: {  	[tilespmem:s17], [sflag:$0x1] =	stream.indirect.gather [hbm4b:s4+s11], $0x40, s16, s11, $0xb8;
	[tilespmem:$0x1E080] =	vst v63  }
.LBB2_2:
0x1e: {  	s31 =	sshllo.u32 s30, $0x1  }
0x1f: {  	s0 =	smul.u32 $0x680, s31;
	_ =	sdelay $0x1  }
0x20: {  	s0 =	sshra.s32 s0, $0x2  }
0x21: {  	[tilespmem:s18], [sflag:$0x2] =	stream.indirect.gather [hbm4b:s4+s11], $0x40, s0, s11, $0xb8;
	[tilespmem:$0x1E080] =	vst v63  }
0x22: {  	s1 =	sadd.s32 $0x68, s0  }
0x23: {  	[tilespmem:s19], [sflag:$0x2] =	stream.indirect.gather [hbm4b:s4+s11], $0x40, s1, s11, $0xb8;
	[tilespmem:$0x1E080] =	vst v63  }
0x24: {  	s13 =	sadd.s32 $0xD0, s0  }
0x25: {  	[tilespmem:s20], [sflag:$0x2] =	stream.indirect.gather [hbm4b:s4+s11], $0x40, s13, s11, $0xb8;
	[tilespmem:$0x1E080] =	vst v63  }
0x26: {  	s0 =	sadd.s32 $0x138, s0  }
0x27: {  	[tilespmem:s21], [sflag:$0x2] =	stream.indirect.gather [hbm4b:s4+s11], $0x40, s0, s11, $0xb8;
	[tilespmem:$0x1E080] =	vst v63  }
0x28: {  	_ =	swait.ge [sflag:s22], $0x1A00  }
0x29: {  	[sflag:s22] =	ssyncset.done $0x0  }
0x2a: {  	[sflag:s22] =	ssyncadd.s32 $0xFFFFE600  }
0x2b: {  	_ =	swait.ge [sflag:s22], $0x1A00  }
0x2c: {  	[sflag:s22] =	ssyncset.done $0x0  }
0x2d: {  	[sflag:s22] =	ssyncadd.s32 $0xFFFFE600  }
0x2e: {  	_ =	swait.ge [sflag:s22], $0x1A00  }
0x2f: {  	[sflag:s22] =	ssyncset.done $0x0  }
0x30: {  	[sflag:s22] =	ssyncadd.s32 $0xFFFFE600  }
0x31: {  	_ =	swait.ge [sflag:s22], $0x1A00  }
0x32: {  	p0 =	seq.s32 s30, $0x0;
	[sflag:s22] =	ssyncset.done $0x0  }
0x33: {  	s0 =	simm.s32 @!p0 $0x3;
	[sflag:s22] =	ssyncadd.s32 $0xFFFFE600  }
0x34: {  	_ =	swait.ge @!p0 [sflag:s0], $0x500  }
0x35: {  	[sflag:s0] =	ssyncset.done @!p0 $0x0  }
0x36: {  	s1 =	sshll.u32 s30, $0x5;
	[sflag:s0] =	ssyncadd.s32 @!p0 $0xFFFFFB00;
	s0 =	simm.s32 $0x0  }
.LBB2_3:
0x37: {  	s10 =	smul.u32 $0x1A00, s0;
	_ =	sdelay $0x1  }
0x38: {  	s10 =	sshra.s32 s10, $0x2  }
0x39: {  	v0 =	vld [tilespmem:s10+$0x10680]  }
0x3a: {  	v1 =	vld [tilespmem:s10+$0x106C0];
	_ =	sdelay $0x1  }
0x3b: {  	v2 =	vld [tilespmem:s10+$0x10700];
	_ =	sdelay $0x1  }
0x3c: {  	v3 =	vld [tilespmem:s10+$0x10740]  }
0x3d: {  	v0 =	vadd.f32 v1, v0  }
0x3e: {  	v41 =	vld [tilespmem:s10+$0x10780]  }
0x3f: {  	v0 =	vadd.f32 v2, v0  }
0x40: {  	v42 =	vld [tilespmem:s10+$0x107C0]  }
0x41: {  	v0 =	vadd.f32 v3, v0  }
0x42: {  	v43 =	vld [tilespmem:s10+$0x10800]  }
0x43: {  	v0 =	vadd.f32 v41, v0  }
0x44: {  	v44 =	vld [tilespmem:s10+$0x10840]  }
0x45: {  	v0 =	vadd.f32 v42, v0  }
0x46: {  	v45 =	vld [tilespmem:s10+$0x10880]  }
0x47: {  	v0 =	vadd.f32 v43, v0  }
0x48: {  	v46 =	vld [tilespmem:s10+$0x108C0]  }
0x49: {  	v0 =	vadd.f32 v44, v0  }
0x4a: {  	v47 =	vld [tilespmem:s10+$0x10900]  }
0x4b: {  	v0 =	vadd.f32 v45, v0  }
0x4c: {  	v48 =	vld [tilespmem:s10+$0x10940]  }
0x4d: {  	v0 =	vadd.f32 v46, v0  }
0x4e: {  	v49 =	vld [tilespmem:s10+$0x10980]  }
0x4f: {  	v0 =	vadd.f32 v47, v0  }
0x50: {  	v50 =	vld [tilespmem:s10+$0x109C0]  }
0x51: {  	v0 =	vadd.f32 v48, v0  }
0x52: {  	v51 =	vld [tilespmem:s10+$0x10A00]  }
0x53: {  	v0 =	vadd.f32 v49, v0  }
0x54: {  	v52 =	vld [tilespmem:s10+$0x10A40]  }
0x55: {  	v0 =	vadd.f32 v50, v0  }
0x56: {  	v53 =	vld [tilespmem:s10+$0x10A80]  }
0x57: {  	v0 =	vadd.f32 v51, v0  }
0x58: {  	v54 =	vld [tilespmem:s10+$0x10AC0]  }
0x59: {  	v0 =	vadd.f32 v52, v0  }
0x5a: {  	v55 =	vld [tilespmem:s10+$0x10B00]  }
0x5b: {  	v0 =	vadd.f32 v53, v0  }
0x5c: {  	v56 =	vld [tilespmem:s10+$0x10B40]  }
0x5d: {  	v0 =	vadd.f32 v54, v0  }
0x5e: {  	v57 =	vld [tilespmem:s10+$0x10B80]  }
0x5f: {  	v0 =	vadd.f32 v55, v0  }
0x60: {  	v58 =	vld [tilespmem:s10+$0x10BC0]  }
0x61: {  	v0 =	vadd.f32 v56, v0  }
0x62: {  	v59 =	vld [tilespmem:s10+$0x10C00]  }
0x63: {  	v0 =	vadd.f32 v57, v0  }
0x64: {  	v60 =	vld [tilespmem:s10+$0x10C40]  }
0x65: {  	v0 =	vadd.f32 v58, v0  }
0x66: {  	v61 =	vld [tilespmem:s10+$0x10C80]  }
0x67: {  	v0 =	vadd.f32 v59, v0  }
0x68: {  	v62 =	vld [tilespmem:s10+$0x10CC0]  }
0x69: {  	v0 =	vadd.f32 v60, v0;
	_ =	sdelay $0x1  }
0x6a: {  	v0 =	vadd.f32 v61, v0  }
0x6b: {  	s12 =	smul.u32 $0x140, s0  }
0x6c: {  	v0 =	vadd.f32 v62, v0  }
0x6d: {  	s12 =	sshra.s32 s12, $0x2  }
0x6e: {  	[tilespmem:s12+$0x1D680] =	vst v0  }
0x6f: {  	v0 =	vld [tilespmem:s10+$0x10690]  }
0x70: {  	v63 =	vld [tilespmem:s10+$0x106D0];
	_ =	sdelay $0x1  }
0x71: {  	v6 =	vld [tilespmem:s10+$0x10710];
	_ =	sdelay $0x1  }
0x72: {  	v7 =	vld [tilespmem:s10+$0x10750]  }
0x73: {  	v0 =	vadd.f32 v63, v0  }
0x74: {  	v8 =	vld [tilespmem:s10+$0x10790]  }
0x75: {  	v0 =	vadd.f32 v6, v0  }
0x76: {  	v9 =	vld [tilespmem:s10+$0x107D0]  }
0x77: {  	v0 =	vadd.f32 v7, v0  }
0x78: {  	v10 =	vld [tilespmem:s10+$0x10810]  }
0x79: {  	v0 =	vadd.f32 v8, v0  }
0x7a: {  	v11 =	vld [tilespmem:s10+$0x10850]  }
0x7b: {  	v0 =	vadd.f32 v9, v0  }
0x7c: {  	v12 =	vld [tilespmem:s10+$0x10890]  }
0x7d: {  	v0 =	vadd.f32 v10, v0  }
0x7e: {  	v13 =	vld [tilespmem:s10+$0x108D0]  }
0x7f: {  	v0 =	vadd.f32 v11, v0  }
0x80: {  	v14 =	vld [tilespmem:s10+$0x10910]  }
0x81: {  	v0 =	vadd.f32 v12, v0  }
0x82: {  	v15 =	vld [tilespmem:s10+$0x10950]  }
0x83: {  	v0 =	vadd.f32 v13, v0  }
0x84: {  	v16 =	vld [tilespmem:s10+$0x10990]  }
0x85: {  	v0 =	vadd.f32 v14, v0  }
0x86: {  	v17 =	vld [tilespmem:s10+$0x109D0]  }
0x87: {  	v0 =	vadd.f32 v15, v0  }
0x88: {  	v18 =	vld [tilespmem:s10+$0x10A10]  }
0x89: {  	v0 =	vadd.f32 v16, v0  }
0x8a: {  	v19 =	vld [tilespmem:s10+$0x10A50]  }
0x8b: {  	v0 =	vadd.f32 v17, v0  }
0x8c: {  	v20 =	vld [tilespmem:s10+$0x10A90]  }
0x8d: {  	v0 =	vadd.f32 v18, v0  }
0x8e: {  	v21 =	vld [tilespmem:s10+$0x10AD0]  }
0x8f: {  	v0 =	vadd.f32 v19, v0  }
0x90: {  	v22 =	vld [tilespmem:s10+$0x10B10]  }
0x91: {  	v0 =	vadd.f32 v20, v0  }
0x92: {  	v23 =	vld [tilespmem:s10+$0x10B50]  }
0x93: {  	v0 =	vadd.f32 v21, v0  }
0x94: {  	v24 =	vld [tilespmem:s10+$0x10B90]  }
0x95: {  	v0 =	vadd.f32 v22, v0  }
0x96: {  	v25 =	vld [tilespmem:s10+$0x10BD0]  }
0x97: {  	v0 =	vadd.f32 v23, v0  }
0x98: {  	v26 =	vld [tilespmem:s10+$0x10C10]  }
0x99: {  	v0 =	vadd.f32 v24, v0  }
0x9a: {  	v27 =	vld [tilespmem:s10+$0x10C50]  }
0x9b: {  	v0 =	vadd.f32 v25, v0  }
0x9c: {  	v28 =	vld [tilespmem:s10+$0x10C90]  }
0x9d: {  	v0 =	vadd.f32 v26, v0  }
0x9e: {  	v29 =	vld [tilespmem:s10+$0x10CD0]  }
0x9f: {  	v0 =	vadd.f32 v27, v0;
	_ =	sdelay $0x1  }
0xa0: {  	v0 =	vadd.f32 v28, v0;
	_ =	sdelay $0x1  }
0xa1: {  	v0 =	vadd.f32 v29, v0;
	_ =	sdelay $0x1  }
0xa2: {  	[tilespmem:s12+$0x1D690] =	vst v0  }
0xa3: {  	v0 =	vld [tilespmem:s10+$0x106A0]  }
0xa4: {  	v30 =	vld [tilespmem:s10+$0x106E0];
	_ =	sdelay $0x1  }
0xa5: {  	v31 =	vld [tilespmem:s10+$0x10720];
	_ =	sdelay $0x1  }
0xa6: {  	v32 =	vld [tilespmem:s10+$0x10760]  }
0xa7: {  	v0 =	vadd.f32 v30, v0  }
0xa8: {  	v33 =	vld [tilespmem:s10+$0x107A0]  }
0xa9: {  	v0 =	vadd.f32 v31, v0  }
0xaa: {  	v34 =	vld [tilespmem:s10+$0x107E0]  }
0xab: {  	v0 =	vadd.f32 v32, v0  }
0xac: {  	v35 =	vld [tilespmem:s10+$0x10820]  }
0xad: {  	v0 =	vadd.f32 v33, v0  }
0xae: {  	v36 =	vld [tilespmem:s10+$0x10860]  }
0xaf: {  	v0 =	vadd.f32 v34, v0  }
0xb0: {  	v37 =	vld [tilespmem:s10+$0x108A0]  }
0xb1: {  	v0 =	vadd.f32 v35, v0  }
0xb2: {  	v38 =	vld [tilespmem:s10+$0x108E0]  }
0xb3: {  	v0 =	vadd.f32 v36, v0  }
0xb4: {  	v39 =	vld [tilespmem:s10+$0x10920]  }
0xb5: {  	v0 =	vadd.f32 v37, v0  }
0xb6: {  	v40 =	vld [tilespmem:s10+$0x10960]  }
0xb7: {  	v0 =	vadd.f32 v38, v0  }
0xb8: {  	v41 =	vld [tilespmem:s10+$0x109A0]  }
0xb9: {  	v0 =	vadd.f32 v39, v0  }
0xba: {  	v42 =	vld [tilespmem:s10+$0x109E0]  }
0xbb: {  	v0 =	vadd.f32 v40, v0  }
0xbc: {  	v43 =	vld [tilespmem:s10+$0x10A20]  }
0xbd: {  	v0 =	vadd.f32 v41, v0  }
0xbe: {  	v44 =	vld [tilespmem:s10+$0x10A60]  }
0xbf: {  	v0 =	vadd.f32 v42, v0  }
0xc0: {  	v45 =	vld [tilespmem:s10+$0x10AA0]  }
0xc1: {  	v0 =	vadd.f32 v43, v0  }
0xc2: {  	v46 =	vld [tilespmem:s10+$0x10AE0]  }
0xc3: {  	v0 =	vadd.f32 v44, v0  }
0xc4: {  	v47 =	vld [tilespmem:s10+$0x10B20]  }
0xc5: {  	v0 =	vadd.f32 v45, v0  }
0xc6: {  	v48 =	vld [tilespmem:s10+$0x10B60]  }
0xc7: {  	v0 =	vadd.f32 v46, v0  }
0xc8: {  	v49 =	vld [tilespmem:s10+$0x10BA0]  }
0xc9: {  	v0 =	vadd.f32 v47, v0  }
0xca: {  	v50 =	vld [tilespmem:s10+$0x10BE0]  }
0xcb: {  	v0 =	vadd.f32 v48, v0  }
0xcc: {  	v51 =	vld [tilespmem:s10+$0x10C20]  }
0xcd: {  	v0 =	vadd.f32 v49, v0  }
0xce: {  	v52 =	vld [tilespmem:s10+$0x10C60]  }
0xcf: {  	v0 =	vadd.f32 v50, v0  }
0xd0: {  	v53 =	vld [tilespmem:s10+$0x10CA0]  }
0xd1: {  	v0 =	vadd.f32 v51, v0  }
0xd2: {  	v54 =	vld [tilespmem:s10+$0x10CE0]  }
0xd3: {  	v0 =	vadd.f32 v52, v0;
	_ =	sdelay $0x1  }
0xd4: {  	v0 =	vadd.f32 v53, v0;
	_ =	sdelay $0x1  }
0xd5: {  	v0 =	vadd.f32 v54, v0;
	_ =	sdelay $0x1  }
0xd6: {  	[tilespmem:s12+$0x1D6A0] =	vst v0  }
0xd7: {  	v0 =	vld [tilespmem:s10+$0x106B0]  }
0xd8: {  	v55 =	vld [tilespmem:s10+$0x106F0];
	_ =	sdelay $0x1  }
0xd9: {  	v56 =	vld [tilespmem:s10+$0x10730];
	_ =	sdelay $0x1  }
0xda: {  	v57 =	vld [tilespmem:s10+$0x10770]  }
0xdb: {  	v0 =	vadd.f32 v55, v0  }
0xdc: {  	v58 =	vld [tilespmem:s10+$0x107B0]  }
0xdd: {  	v0 =	vadd.f32 v56, v0  }
0xde: {  	v59 =	vld [tilespmem:s10+$0x107F0]  }
0xdf: {  	v0 =	vadd.f32 v57, v0  }
0xe0: {  	v60 =	vld [tilespmem:s10+$0x10830]  }
0xe1: {  	v0 =	vadd.f32 v58, v0  }
0xe2: {  	v61 =	vld [tilespmem:s10+$0x10870]  }
0xe3: {  	v0 =	vadd.f32 v59, v0  }
0xe4: {  	v62 =	vld [tilespmem:s10+$0x108B0]  }
0xe5: {  	v0 =	vadd.f32 v60, v0  }
0xe6: {  	v63 =	vld [tilespmem:s10+$0x108F0]  }
0xe7: {  	v0 =	vadd.f32 v61, v0  }
0xe8: {  	v6 =	vld [tilespmem:s10+$0x10930]  }
0xe9: {  	v0 =	vadd.f32 v62, v0  }
0xea: {  	v7 =	vld [tilespmem:s10+$0x10970]  }
0xeb: {  	v0 =	vadd.f32 v63, v0  }
0xec: {  	v8 =	vld [tilespmem:s10+$0x109B0]  }
0xed: {  	v0 =	vadd.f32 v6, v0  }
0xee: {  	v9 =	vld [tilespmem:s10+$0x109F0]  }
0xef: {  	v0 =	vadd.f32 v7, v0  }
0xf0: {  	v10 =	vld [tilespmem:s10+$0x10A30]  }
0xf1: {  	v0 =	vadd.f32 v8, v0  }
0xf2: {  	v11 =	vld [tilespmem:s10+$0x10A70]  }
0xf3: {  	v0 =	vadd.f32 v9, v0  }
0xf4: {  	v12 =	vld [tilespmem:s10+$0x10AB0]  }
0xf5: {  	v0 =	vadd.f32 v10, v0  }
0xf6: {  	v13 =	vld [tilespmem:s10+$0x10AF0]  }
0xf7: {  	v0 =	vadd.f32 v11, v0  }
0xf8: {  	v14 =	vld [tilespmem:s10+$0x10B30]  }
0xf9: {  	v0 =	vadd.f32 v12, v0  }
0xfa: {  	v15 =	vld [tilespmem:s10+$0x10B70]  }
0xfb: {  	v0 =	vadd.f32 v13, v0  }
0xfc: {  	v16 =	vld [tilespmem:s10+$0x10BB0]  }
0xfd: {  	v0 =	vadd.f32 v14, v0  }
0xfe: {  	v17 =	vld [tilespmem:s10+$0x10BF0]  }
0xff: {  	v0 =	vadd.f32 v15, v0  }
0x100: {  	v18 =	vld [tilespmem:s10+$0x10C30]  }
0x101: {  	v0 =	vadd.f32 v16, v0  }
0x102: {  	v19 =	vld [tilespmem:s10+$0x10C70]  }
0x103: {  	v0 =	vadd.f32 v17, v0  }
0x104: {  	v20 =	vld [tilespmem:s10+$0x10CB0]  }
0x105: {  	v0 =	vadd.f32 v18, v0  }
0x106: {  	v21 =	vld [tilespmem:s10+$0x10CF0]  }
0x107: {  	v0 =	vadd.f32 v19, v0;
	_ =	sdelay $0x1  }
0x108: {  	v0 =	vadd.f32 v20, v0;
	_ =	sdelay $0x1  }
0x109: {  	s13 =	sadd.s32 s1, s0;
	v0 =	vadd.f32 v21, v0  }
0x10a: {  	s10 =	sshll.u32 s13, $0x4  }
0x10b: {  	s10 =	sand.u32 $0x3FFFFFF0, s10;
	[tilespmem:s12+$0x1D6B0] =	vst v0  }
0x10c: {  	v0 =	vld [tilespmem:s10+$0xA280];
	_ =	sdelay $0x1  }
0x10d: {  	s10 =	sor.u32 $0x1, s0  }
0x10e: {  	s13 =	smul.u32 $0x1A00, s10;
	_ =	sdelay $0x1  }
0x10f: {  	[tilespmem:s12+$0x1D6C0] =	vst v0;
	s12 =	sshra.s32 s13, $0x2  }
0x110: {  	v0 =	vld [tilespmem:s12+$0x10680]  }
0x111: {  	v22 =	vld [tilespmem:s12+$0x106C0];
	_ =	sdelay $0x1  }
0x112: {  	v23 =	vld [tilespmem:s12+$0x10700];
	_ =	sdelay $0x1  }
0x113: {  	v24 =	vld [tilespmem:s12+$0x10740]  }
0x114: {  	v0 =	vadd.f32 v22, v0  }
0x115: {  	v25 =	vld [tilespmem:s12+$0x10780]  }
0x116: {  	v0 =	vadd.f32 v23, v0  }
0x117: {  	v26 =	vld [tilespmem:s12+$0x107C0]  }
0x118: {  	v0 =	vadd.f32 v24, v0  }
0x119: {  	v27 =	vld [tilespmem:s12+$0x10800]  }
0x11a: {  	v0 =	vadd.f32 v25, v0  }
0x11b: {  	v28 =	vld [tilespmem:s12+$0x10840]  }
0x11c: {  	v0 =	vadd.f32 v26, v0  }
0x11d: {  	v29 =	vld [tilespmem:s12+$0x10880]  }
0x11e: {  	v0 =	vadd.f32 v27, v0  }
0x11f: {  	v30 =	vld [tilespmem:s12+$0x108C0]  }
0x120: {  	v0 =	vadd.f32 v28, v0  }
0x121: {  	v31 =	vld [tilespmem:s12+$0x10900]  }
0x122: {  	v0 =	vadd.f32 v29, v0  }
0x123: {  	v32 =	vld [tilespmem:s12+$0x10940]  }
0x124: {  	v0 =	vadd.f32 v30, v0  }
0x125: {  	v33 =	vld [tilespmem:s12+$0x10980]  }
0x126: {  	v0 =	vadd.f32 v31, v0  }
0x127: {  	v34 =	vld [tilespmem:s12+$0x109C0]  }
0x128: {  	v0 =	vadd.f32 v32, v0  }
0x129: {  	v35 =	vld [tilespmem:s12+$0x10A00]  }
0x12a: {  	v0 =	vadd.f32 v33, v0  }
0x12b: {  	v36 =	vld [tilespmem:s12+$0x10A40]  }
0x12c: {  	v0 =	vadd.f32 v34, v0  }
0x12d: {  	v37 =	vld [tilespmem:s12+$0x10A80]  }
0x12e: {  	v0 =	vadd.f32 v35, v0  }
0x12f: {  	v38 =	vld [tilespmem:s12+$0x10AC0]  }
0x130: {  	v0 =	vadd.f32 v36, v0  }
0x131: {  	v39 =	vld [tilespmem:s12+$0x10B00]  }
0x132: {  	v0 =	vadd.f32 v37, v0  }
0x133: {  	v40 =	vld [tilespmem:s12+$0x10B40]  }
0x134: {  	v0 =	vadd.f32 v38, v0  }
0x135: {  	v41 =	vld [tilespmem:s12+$0x10B80]  }
0x136: {  	v0 =	vadd.f32 v39, v0  }
0x137: {  	v42 =	vld [tilespmem:s12+$0x10BC0]  }
0x138: {  	v0 =	vadd.f32 v40, v0  }
0x139: {  	v43 =	vld [tilespmem:s12+$0x10C00]  }
0x13a: {  	v0 =	vadd.f32 v41, v0  }
0x13b: {  	v44 =	vld [tilespmem:s12+$0x10C40]  }
0x13c: {  	v0 =	vadd.f32 v42, v0  }
0x13d: {  	v45 =	vld [tilespmem:s12+$0x10C80]  }
0x13e: {  	v0 =	vadd.f32 v43, v0  }
0x13f: {  	v46 =	vld [tilespmem:s12+$0x10CC0]  }
0x140: {  	v0 =	vadd.f32 v44, v0;
	_ =	sdelay $0x1  }
0x141: {  	v0 =	vadd.f32 v45, v0  }
0x142: {  	s13 =	smul.u32 $0x140, s10  }
0x143: {  	v0 =	vadd.f32 v46, v0  }
0x144: {  	s13 =	sshra.s32 s13, $0x2  }
0x145: {  	[tilespmem:s13+$0x1D680] =	vst v0  }
0x146: {  	v0 =	vld [tilespmem:s12+$0x10690]  }
0x147: {  	v47 =	vld [tilespmem:s12+$0x106D0];
	_ =	sdelay $0x1  }
0x148: {  	v48 =	vld [tilespmem:s12+$0x10710];
	_ =	sdelay $0x1  }
0x149: {  	v49 =	vld [tilespmem:s12+$0x10750]  }
0x14a: {  	v0 =	vadd.f32 v47, v0  }
0x14b: {  	v50 =	vld [tilespmem:s12+$0x10790]  }
0x14c: {  	v0 =	vadd.f32 v48, v0  }
0x14d: {  	v51 =	vld [tilespmem:s12+$0x107D0]  }
0x14e: {  	v0 =	vadd.f32 v49, v0  }
0x14f: {  	v52 =	vld [tilespmem:s12+$0x10810]  }
0x150: {  	v0 =	vadd.f32 v50, v0  }
0x151: {  	v53 =	vld [tilespmem:s12+$0x10850]  }
0x152: {  	v0 =	vadd.f32 v51, v0  }
0x153: {  	v54 =	vld [tilespmem:s12+$0x10890]  }
0x154: {  	v0 =	vadd.f32 v52, v0  }
0x155: {  	v55 =	vld [tilespmem:s12+$0x108D0]  }
0x156: {  	v0 =	vadd.f32 v53, v0  }
0x157: {  	v56 =	vld [tilespmem:s12+$0x10910]  }
0x158: {  	v0 =	vadd.f32 v54, v0  }
0x159: {  	v57 =	vld [tilespmem:s12+$0x10950]  }
0x15a: {  	v0 =	vadd.f32 v55, v0  }
0x15b: {  	v58 =	vld [tilespmem:s12+$0x10990]  }
0x15c: {  	v0 =	vadd.f32 v56, v0  }
0x15d: {  	v59 =	vld [tilespmem:s12+$0x109D0]  }
0x15e: {  	v0 =	vadd.f32 v57, v0  }
0x15f: {  	v60 =	vld [tilespmem:s12+$0x10A10]  }
0x160: {  	v0 =	vadd.f32 v58, v0  }
0x161: {  	v61 =	vld [tilespmem:s12+$0x10A50]  }
0x162: {  	v0 =	vadd.f32 v59, v0  }
0x163: {  	v62 =	vld [tilespmem:s12+$0x10A90]  }
0x164: {  	v0 =	vadd.f32 v60, v0  }
0x165: {  	v63 =	vld [tilespmem:s12+$0x10AD0]  }
0x166: {  	v0 =	vadd.f32 v61, v0  }
0x167: {  	v6 =	vld [tilespmem:s12+$0x10B10]  }
0x168: {  	v0 =	vadd.f32 v62, v0  }
0x169: {  	v7 =	vld [tilespmem:s12+$0x10B50]  }
0x16a: {  	v0 =	vadd.f32 v63, v0  }
0x16b: {  	v8 =	vld [tilespmem:s12+$0x10B90]  }
0x16c: {  	v0 =	vadd.f32 v6, v0  }
0x16d: {  	v9 =	vld [tilespmem:s12+$0x10BD0]  }
0x16e: {  	v0 =	vadd.f32 v7, v0  }
0x16f: {  	v10 =	vld [tilespmem:s12+$0x10C10]  }
0x170: {  	v0 =	vadd.f32 v8, v0  }
0x171: {  	v11 =	vld [tilespmem:s12+$0x10C50]  }
0x172: {  	v0 =	vadd.f32 v9, v0  }
0x173: {  	v12 =	vld [tilespmem:s12+$0x10C90]  }
0x174: {  	v0 =	vadd.f32 v10, v0  }
0x175: {  	v13 =	vld [tilespmem:s12+$0x10CD0]  }
0x176: {  	v0 =	vadd.f32 v11, v0;
	_ =	sdelay $0x1  }
0x177: {  	v0 =	vadd.f32 v12, v0;
	_ =	sdelay $0x1  }
0x178: {  	v0 =	vadd.f32 v13, v0;
	_ =	sdelay $0x1  }
0x179: {  	[tilespmem:s13+$0x1D690] =	vst v0  }
0x17a: {  	v0 =	vld [tilespmem:s12+$0x106A0]  }
0x17b: {  	v14 =	vld [tilespmem:s12+$0x106E0];
	_ =	sdelay $0x1  }
0x17c: {  	v15 =	vld [tilespmem:s12+$0x10720];
	_ =	sdelay $0x1  }
0x17d: {  	v16 =	vld [tilespmem:s12+$0x10760]  }
0x17e: {  	v0 =	vadd.f32 v14, v0  }
0x17f: {  	v17 =	vld [tilespmem:s12+$0x107A0]  }
0x180: {  	v0 =	vadd.f32 v15, v0  }
0x181: {  	v18 =	vld [tilespmem:s12+$0x107E0]  }
0x182: {  	v0 =	vadd.f32 v16, v0  }
0x183: {  	v19 =	vld [tilespmem:s12+$0x10820]  }
0x184: {  	v0 =	vadd.f32 v17, v0  }
0x185: {  	v20 =	vld [tilespmem:s12+$0x10860]  }
0x186: {  	v0 =	vadd.f32 v18, v0  }
0x187: {  	v21 =	vld [tilespmem:s12+$0x108A0]  }
0x188: {  	v0 =	vadd.f32 v19, v0  }
0x189: {  	v22 =	vld [tilespmem:s12+$0x108E0]  }
0x18a: {  	v0 =	vadd.f32 v20, v0  }
0x18b: {  	v23 =	vld [tilespmem:s12+$0x10920]  }
0x18c: {  	v0 =	vadd.f32 v21, v0  }
0x18d: {  	v24 =	vld [tilespmem:s12+$0x10960]  }
0x18e: {  	v0 =	vadd.f32 v22, v0  }
0x18f: {  	v25 =	vld [tilespmem:s12+$0x109A0]  }
0x190: {  	v0 =	vadd.f32 v23, v0  }
0x191: {  	v26 =	vld [tilespmem:s12+$0x109E0]  }
0x192: {  	v0 =	vadd.f32 v24, v0  }
0x193: {  	v27 =	vld [tilespmem:s12+$0x10A20]  }
0x194: {  	v0 =	vadd.f32 v25, v0  }
0x195: {  	v28 =	vld [tilespmem:s12+$0x10A60]  }
0x196: {  	v0 =	vadd.f32 v26, v0  }
0x197: {  	v29 =	vld [tilespmem:s12+$0x10AA0]  }
0x198: {  	v0 =	vadd.f32 v27, v0  }
0x199: {  	v30 =	vld [tilespmem:s12+$0x10AE0]  }
0x19a: {  	v0 =	vadd.f32 v28, v0  }
0x19b: {  	v31 =	vld [tilespmem:s12+$0x10B20]  }
0x19c: {  	v0 =	vadd.f32 v29, v0  }
0x19d: {  	v32 =	vld [tilespmem:s12+$0x10B60]  }
0x19e: {  	v0 =	vadd.f32 v30, v0  }
0x19f: {  	v33 =	vld [tilespmem:s12+$0x10BA0]  }
0x1a0: {  	v0 =	vadd.f32 v31, v0  }
0x1a1: {  	v34 =	vld [tilespmem:s12+$0x10BE0]  }
0x1a2: {  	v0 =	vadd.f32 v32, v0  }
0x1a3: {  	v35 =	vld [tilespmem:s12+$0x10C20]  }
0x1a4: {  	v0 =	vadd.f32 v33, v0  }
0x1a5: {  	v36 =	vld [tilespmem:s12+$0x10C60]  }
0x1a6: {  	v0 =	vadd.f32 v34, v0  }
0x1a7: {  	v37 =	vld [tilespmem:s12+$0x10CA0]  }
0x1a8: {  	v0 =	vadd.f32 v35, v0  }
0x1a9: {  	v38 =	vld [tilespmem:s12+$0x10CE0]  }
0x1aa: {  	v0 =	vadd.f32 v36, v0;
	_ =	sdelay $0x1  }
0x1ab: {  	v0 =	vadd.f32 v37, v0;
	_ =	sdelay $0x1  }
0x1ac: {  	v0 =	vadd.f32 v38, v0;
	_ =	sdelay $0x1  }
0x1ad: {  	[tilespmem:s13+$0x1D6A0] =	vst v0  }
0x1ae: {  	v0 =	vld [tilespmem:s12+$0x106B0]  }
0x1af: {  	v39 =	vld [tilespmem:s12+$0x106F0];
	_ =	sdelay $0x1  }
0x1b0: {  	v40 =	vld [tilespmem:s12+$0x10730];
	_ =	sdelay $0x1  }
0x1b1: {  	v41 =	vld [tilespmem:s12+$0x10770]  }
0x1b2: {  	v0 =	vadd.f32 v39, v0  }
0x1b3: {  	v42 =	vld [tilespmem:s12+$0x107B0]  }
0x1b4: {  	v0 =	vadd.f32 v40, v0  }
0x1b5: {  	v43 =	vld [tilespmem:s12+$0x107F0]  }
0x1b6: {  	v0 =	vadd.f32 v41, v0  }
0x1b7: {  	v44 =	vld [tilespmem:s12+$0x10830]  }
0x1b8: {  	v0 =	vadd.f32 v42, v0  }
0x1b9: {  	v45 =	vld [tilespmem:s12+$0x10870]  }
0x1ba: {  	v0 =	vadd.f32 v43, v0  }
0x1bb: {  	v46 =	vld [tilespmem:s12+$0x108B0]  }
0x1bc: {  	v0 =	vadd.f32 v44, v0  }
0x1bd: {  	v47 =	vld [tilespmem:s12+$0x108F0]  }
0x1be: {  	v0 =	vadd.f32 v45, v0  }
0x1bf: {  	v48 =	vld [tilespmem:s12+$0x10930]  }
0x1c0: {  	v0 =	vadd.f32 v46, v0  }
0x1c1: {  	v49 =	vld [tilespmem:s12+$0x10970]  }
0x1c2: {  	v0 =	vadd.f32 v47, v0  }
0x1c3: {  	v50 =	vld [tilespmem:s12+$0x109B0]  }
0x1c4: {  	v0 =	vadd.f32 v48, v0  }
0x1c5: {  	v51 =	vld [tilespmem:s12+$0x109F0]  }
0x1c6: {  	v0 =	vadd.f32 v49, v0  }
0x1c7: {  	v52 =	vld [tilespmem:s12+$0x10A30]  }
0x1c8: {  	v0 =	vadd.f32 v50, v0  }
0x1c9: {  	v53 =	vld [tilespmem:s12+$0x10A70]  }
0x1ca: {  	v0 =	vadd.f32 v51, v0  }
0x1cb: {  	v54 =	vld [tilespmem:s12+$0x10AB0]  }
0x1cc: {  	v0 =	vadd.f32 v52, v0  }
0x1cd: {  	v55 =	vld [tilespmem:s12+$0x10AF0]  }
0x1ce: {  	v0 =	vadd.f32 v53, v0  }
0x1cf: {  	v56 =	vld [tilespmem:s12+$0x10B30]  }
0x1d0: {  	v0 =	vadd.f32 v54, v0  }
0x1d1: {  	v57 =	vld [tilespmem:s12+$0x10B70]  }
0x1d2: {  	v0 =	vadd.f32 v55, v0  }
0x1d3: {  	v58 =	vld [tilespmem:s12+$0x10BB0]  }
0x1d4: {  	v0 =	vadd.f32 v56, v0  }
0x1d5: {  	v59 =	vld [tilespmem:s12+$0x10BF0]  }
0x1d6: {  	v0 =	vadd.f32 v57, v0  }
0x1d7: {  	v60 =	vld [tilespmem:s12+$0x10C30]  }
0x1d8: {  	v0 =	vadd.f32 v58, v0  }
0x1d9: {  	v61 =	vld [tilespmem:s12+$0x10C70]  }
0x1da: {  	v0 =	vadd.f32 v59, v0  }
0x1db: {  	v62 =	vld [tilespmem:s12+$0x10CB0]  }
0x1dc: {  	v0 =	vadd.f32 v60, v0  }
0x1dd: {  	v63 =	vld [tilespmem:s12+$0x10CF0]  }
0x1de: {  	v0 =	vadd.f32 v61, v0;
	_ =	sdelay $0x1  }
0x1df: {  	v0 =	vadd.f32 v62, v0;
	_ =	sdelay $0x1  }
0x1e0: {  	s10 =	sadd.s32 s1, s10;
	v0 =	vadd.f32 v63, v0  }
0x1e1: {  	s10 =	sshll.u32 s10, $0x4  }
0x1e2: {  	s10 =	sand.u32 $0x3FFFFFF0, s10;
	[tilespmem:s13+$0x1D6B0] =	vst v0  }
0x1e3: {  	p1 =	slt.u32 s0, $0xE;
	v0 =	vld [tilespmem:s10+$0xA280]  }
.Ltmp0:
0x1e4: {  	_ = 	snop;
	(pc) =	sbr.rel @p1 .LBB2_3-.Ltmp0, $3  }
0x1e5: {  	_ =	sdelay $0x1  }
0x1e6: {  	s12 =	sadd.s32 $0x2, s0  }
0x1e7: {  	s0 =	smov.u32 s12;
	[tilespmem:s13+$0x1D6C0] =	vst v0  }
0x1e8: {  	s0 =	sadd.s32 s6, s1  }
0x1e9: {  	s0 =	smul.u32 $0xA, s0  }
0x1ea: {  	p1 =	seq.s32 s30, $0x31  }
0x1eb: {  	s1 =	smul.u32 @!p1 $0xD00, s30;
	s0 =	sadd.s32 s2, s0  }
0x1ec: {  	[hbm4b:s0+s3] =	stream.linear.scatter [tilespmem:s23], [sflag:$0x3], $0x500, $0x38;
	[tilespmem:$0x1E080] =	vst v63  }
0x1ed: {  	s0 =	sshra.s32 @!p1 s1, $0x2  }
0x1ee: {  	s10 =	simm.s32 @!p1 $0x68;
	s12 =	simm.s32 @!p1 $0x10680;
	s1 =	sadd.s32 @!p1 $0x340, s0  }
0x1ef: {  	[tilespmem:s12], [sflag:$0x1] =	stream.indirect.gather @!p1 [hbm4b:s4+s10], $0x40, s1, s10, $0xb8;
	[tilespmem:$0x1E080] =	vst v63  }
0x1f0: {  	s1 =	sadd.s32 @!p1 $0x3A8, s0;
	s12 =	simm.s32 @!p1 $0x12080  }
0x1f1: {  	[tilespmem:s12], [sflag:$0x1] =	stream.indirect.gather @!p1 [hbm4b:s4+s10], $0x40, s1, s10, $0xb8;
	[tilespmem:$0x1E080] =	vst v63  }
0x1f2: {  	s1 =	sadd.s32 @!p1 $0x410, s0;
	s12 =	simm.s32 @!p1 $0x13A80  }
0x1f3: {  	[tilespmem:s12], [sflag:$0x1] =	stream.indirect.gather @!p1 [hbm4b:s4+s10], $0x40, s1, s10, $0xb8;
	[tilespmem:$0x1E080] =	vst v63  }
0x1f4: {  	s0 =	sadd.s32 @!p1 $0x478, s0;
	s1 =	simm.s32 @!p1 $0x15480  }
0x1f5: {  	[tilespmem:s1], [sflag:$0x1] =	stream.indirect.gather @!p1 [hbm4b:s4+s10], $0x40, s0, s10, $0xb8;
	[tilespmem:$0x1E080] =	vst v63  }
0x1f6: {  	_ =	swait.ge [sflag:s24], $0x1A00  }
0x1f7: {  	[sflag:s24] =	ssyncset.done $0x0  }
0x1f8: {  	[sflag:s24] =	ssyncadd.s32 $0xFFFFE600  }
0x1f9: {  	_ =	swait.ge [sflag:s24], $0x1A00  }
0x1fa: {  	[sflag:s24] =	ssyncset.done $0x0  }
0x1fb: {  	[sflag:s24] =	ssyncadd.s32 $0xFFFFE600  }
0x1fc: {  	_ =	swait.ge [sflag:s24], $0x1A00  }
0x1fd: {  	[sflag:s24] =	ssyncset.done $0x0  }
0x1fe: {  	[sflag:s24] =	ssyncadd.s32 $0xFFFFE600  }
0x1ff: {  	_ =	swait.ge [sflag:s24], $0x1A00  }
0x200: {  	[sflag:s24] =	ssyncset.done $0x0  }
0x201: {  	s0 =	simm.s32 @!p0 $0x4;
	[sflag:s24] =	ssyncadd.s32 $0xFFFFE600  }
0x202: {  	_ =	swait.ge @!p0 [sflag:s0], $0x500  }
0x203: {  	[sflag:s0] =	ssyncset.done @!p0 $0x0  }
0x204: {  	s1 =	sshll.u32 s31, $0x4;
	[sflag:s0] =	ssyncadd.s32 @!p0 $0xFFFFFB00;
	s0 =	simm.s32 $0x0  }
.LBB2_5:
0x205: {  	s10 =	smul.u32 $0x1A00, s0;
	_ =	sdelay $0x1  }
0x206: {  	s10 =	sshra.s32 s10, $0x2  }
0x207: {  	v0 =	vld [tilespmem:s10+$0x16E80]  }
0x208: {  	v1 =	vld [tilespmem:s10+$0x16EC0];
	_ =	sdelay $0x1  }
0x209: {  	v2 =	vld [tilespmem:s10+$0x16F00];
	_ =	sdelay $0x1  }
0x20a: {  	v3 =	vld [tilespmem:s10+$0x16F40]  }
0x20b: {  	v0 =	vadd.f32 v1, v0  }
0x20c: {  	v41 =	vld [tilespmem:s10+$0x16F80]  }
0x20d: {  	v0 =	vadd.f32 v2, v0  }
0x20e: {  	v42 =	vld [tilespmem:s10+$0x16FC0]  }
0x20f: {  	v0 =	vadd.f32 v3, v0  }
0x210: {  	v43 =	vld [tilespmem:s10+$0x17000]  }
0x211: {  	v0 =	vadd.f32 v41, v0  }
0x212: {  	v44 =	vld [tilespmem:s10+$0x17040]  }
0x213: {  	v0 =	vadd.f32 v42, v0  }
0x214: {  	v45 =	vld [tilespmem:s10+$0x17080]  }
0x215: {  	v0 =	vadd.f32 v43, v0  }
0x216: {  	v46 =	vld [tilespmem:s10+$0x170C0]  }
0x217: {  	v0 =	vadd.f32 v44, v0  }
0x218: {  	v47 =	vld [tilespmem:s10+$0x17100]  }
0x219: {  	v0 =	vadd.f32 v45, v0  }
0x21a: {  	v48 =	vld [tilespmem:s10+$0x17140]  }
0x21b: {  	v0 =	vadd.f32 v46, v0  }
0x21c: {  	v49 =	vld [tilespmem:s10+$0x17180]  }
0x21d: {  	v0 =	vadd.f32 v47, v0  }
0x21e: {  	v50 =	vld [tilespmem:s10+$0x171C0]  }
0x21f: {  	v0 =	vadd.f32 v48, v0  }
0x220: {  	v51 =	vld [tilespmem:s10+$0x17200]  }
0x221: {  	v0 =	vadd.f32 v49, v0  }
0x222: {  	v52 =	vld [tilespmem:s10+$0x17240]  }
0x223: {  	v0 =	vadd.f32 v50, v0  }
0x224: {  	v53 =	vld [tilespmem:s10+$0x17280]  }
0x225: {  	v0 =	vadd.f32 v51, v0  }
0x226: {  	v54 =	vld [tilespmem:s10+$0x172C0]  }
0x227: {  	v0 =	vadd.f32 v52, v0  }
0x228: {  	v55 =	vld [tilespmem:s10+$0x17300]  }
0x229: {  	v0 =	vadd.f32 v53, v0  }
0x22a: {  	v56 =	vld [tilespmem:s10+$0x17340]  }
0x22b: {  	v0 =	vadd.f32 v54, v0  }
0x22c: {  	v57 =	vld [tilespmem:s10+$0x17380]  }
0x22d: {  	v0 =	vadd.f32 v55, v0  }
0x22e: {  	v58 =	vld [tilespmem:s10+$0x173C0]  }
0x22f: {  	v0 =	vadd.f32 v56, v0  }
0x230: {  	v59 =	vld [tilespmem:s10+$0x17400]  }
0x231: {  	v0 =	vadd.f32 v57, v0  }
0x232: {  	v60 =	vld [tilespmem:s10+$0x17440]  }
0x233: {  	v0 =	vadd.f32 v58, v0  }
0x234: {  	v61 =	vld [tilespmem:s10+$0x17480]  }
0x235: {  	v0 =	vadd.f32 v59, v0  }
0x236: {  	v62 =	vld [tilespmem:s10+$0x174C0]  }
0x237: {  	v0 =	vadd.f32 v60, v0;
	_ =	sdelay $0x1  }
0x238: {  	v0 =	vadd.f32 v61, v0  }
0x239: {  	s12 =	smul.u32 $0x140, s0  }
0x23a: {  	v0 =	vadd.f32 v62, v0  }
0x23b: {  	s12 =	sshra.s32 s12, $0x2  }
0x23c: {  	[tilespmem:s12+$0x1DB80] =	vst v0  }
0x23d: {  	v0 =	vld [tilespmem:s10+$0x16E90]  }
0x23e: {  	v63 =	vld [tilespmem:s10+$0x16ED0];
	_ =	sdelay $0x1  }
0x23f: {  	v6 =	vld [tilespmem:s10+$0x16F10];
	_ =	sdelay $0x1  }
0x240: {  	v7 =	vld [tilespmem:s10+$0x16F50]  }
0x241: {  	v0 =	vadd.f32 v63, v0  }
0x242: {  	v8 =	vld [tilespmem:s10+$0x16F90]  }
0x243: {  	v0 =	vadd.f32 v6, v0  }
0x244: {  	v9 =	vld [tilespmem:s10+$0x16FD0]  }
0x245: {  	v0 =	vadd.f32 v7, v0  }
0x246: {  	v10 =	vld [tilespmem:s10+$0x17010]  }
0x247: {  	v0 =	vadd.f32 v8, v0  }
0x248: {  	v11 =	vld [tilespmem:s10+$0x17050]  }
0x249: {  	v0 =	vadd.f32 v9, v0  }
0x24a: {  	v12 =	vld [tilespmem:s10+$0x17090]  }
0x24b: {  	v0 =	vadd.f32 v10, v0  }
0x24c: {  	v13 =	vld [tilespmem:s10+$0x170D0]  }
0x24d: {  	v0 =	vadd.f32 v11, v0  }
0x24e: {  	v14 =	vld [tilespmem:s10+$0x17110]  }
0x24f: {  	v0 =	vadd.f32 v12, v0  }
0x250: {  	v15 =	vld [tilespmem:s10+$0x17150]  }
0x251: {  	v0 =	vadd.f32 v13, v0  }
0x252: {  	v16 =	vld [tilespmem:s10+$0x17190]  }
0x253: {  	v0 =	vadd.f32 v14, v0  }
0x254: {  	v17 =	vld [tilespmem:s10+$0x171D0]  }
0x255: {  	v0 =	vadd.f32 v15, v0  }
0x256: {  	v18 =	vld [tilespmem:s10+$0x17210]  }
0x257: {  	v0 =	vadd.f32 v16, v0  }
0x258: {  	v19 =	vld [tilespmem:s10+$0x17250]  }
0x259: {  	v0 =	vadd.f32 v17, v0  }
0x25a: {  	v20 =	vld [tilespmem:s10+$0x17290]  }
0x25b: {  	v0 =	vadd.f32 v18, v0  }
0x25c: {  	v21 =	vld [tilespmem:s10+$0x172D0]  }
0x25d: {  	v0 =	vadd.f32 v19, v0  }
0x25e: {  	v22 =	vld [tilespmem:s10+$0x17310]  }
0x25f: {  	v0 =	vadd.f32 v20, v0  }
0x260: {  	v23 =	vld [tilespmem:s10+$0x17350]  }
0x261: {  	v0 =	vadd.f32 v21, v0  }
0x262: {  	v24 =	vld [tilespmem:s10+$0x17390]  }
0x263: {  	v0 =	vadd.f32 v22, v0  }
0x264: {  	v25 =	vld [tilespmem:s10+$0x173D0]  }
0x265: {  	v0 =	vadd.f32 v23, v0  }
0x266: {  	v26 =	vld [tilespmem:s10+$0x17410]  }
0x267: {  	v0 =	vadd.f32 v24, v0  }
0x268: {  	v27 =	vld [tilespmem:s10+$0x17450]  }
0x269: {  	v0 =	vadd.f32 v25, v0  }
0x26a: {  	v28 =	vld [tilespmem:s10+$0x17490]  }
0x26b: {  	v0 =	vadd.f32 v26, v0  }
0x26c: {  	v29 =	vld [tilespmem:s10+$0x174D0]  }
0x26d: {  	v0 =	vadd.f32 v27, v0;
	_ =	sdelay $0x1  }
0x26e: {  	v0 =	vadd.f32 v28, v0;
	_ =	sdelay $0x1  }
0x26f: {  	v0 =	vadd.f32 v29, v0;
	_ =	sdelay $0x1  }
0x270: {  	[tilespmem:s12+$0x1DB90] =	vst v0  }
0x271: {  	v0 =	vld [tilespmem:s10+$0x16EA0]  }
0x272: {  	v30 =	vld [tilespmem:s10+$0x16EE0];
	_ =	sdelay $0x1  }
0x273: {  	v31 =	vld [tilespmem:s10+$0x16F20];
	_ =	sdelay $0x1  }
0x274: {  	v32 =	vld [tilespmem:s10+$0x16F60]  }
0x275: {  	v0 =	vadd.f32 v30, v0  }
0x276: {  	v33 =	vld [tilespmem:s10+$0x16FA0]  }
0x277: {  	v0 =	vadd.f32 v31, v0  }
0x278: {  	v34 =	vld [tilespmem:s10+$0x16FE0]  }
0x279: {  	v0 =	vadd.f32 v32, v0  }
0x27a: {  	v35 =	vld [tilespmem:s10+$0x17020]  }
0x27b: {  	v0 =	vadd.f32 v33, v0  }
0x27c: {  	v36 =	vld [tilespmem:s10+$0x17060]  }
0x27d: {  	v0 =	vadd.f32 v34, v0  }
0x27e: {  	v37 =	vld [tilespmem:s10+$0x170A0]  }
0x27f: {  	v0 =	vadd.f32 v35, v0  }
0x280: {  	v38 =	vld [tilespmem:s10+$0x170E0]  }
0x281: {  	v0 =	vadd.f32 v36, v0  }
0x282: {  	v39 =	vld [tilespmem:s10+$0x17120]  }
0x283: {  	v0 =	vadd.f32 v37, v0  }
0x284: {  	v40 =	vld [tilespmem:s10+$0x17160]  }
0x285: {  	v0 =	vadd.f32 v38, v0  }
0x286: {  	v41 =	vld [tilespmem:s10+$0x171A0]  }
0x287: {  	v0 =	vadd.f32 v39, v0  }
0x288: {  	v42 =	vld [tilespmem:s10+$0x171E0]  }
0x289: {  	v0 =	vadd.f32 v40, v0  }
0x28a: {  	v43 =	vld [tilespmem:s10+$0x17220]  }
0x28b: {  	v0 =	vadd.f32 v41, v0  }
0x28c: {  	v44 =	vld [tilespmem:s10+$0x17260]  }
0x28d: {  	v0 =	vadd.f32 v42, v0  }
0x28e: {  	v45 =	vld [tilespmem:s10+$0x172A0]  }
0x28f: {  	v0 =	vadd.f32 v43, v0  }
0x290: {  	v46 =	vld [tilespmem:s10+$0x172E0]  }
0x291: {  	v0 =	vadd.f32 v44, v0  }
0x292: {  	v47 =	vld [tilespmem:s10+$0x17320]  }
0x293: {  	v0 =	vadd.f32 v45, v0  }
0x294: {  	v48 =	vld [tilespmem:s10+$0x17360]  }
0x295: {  	v0 =	vadd.f32 v46, v0  }
0x296: {  	v49 =	vld [tilespmem:s10+$0x173A0]  }
0x297: {  	v0 =	vadd.f32 v47, v0  }
0x298: {  	v50 =	vld [tilespmem:s10+$0x173E0]  }
0x299: {  	v0 =	vadd.f32 v48, v0  }
0x29a: {  	v51 =	vld [tilespmem:s10+$0x17420]  }
0x29b: {  	v0 =	vadd.f32 v49, v0  }
0x29c: {  	v52 =	vld [tilespmem:s10+$0x17460]  }
0x29d: {  	v0 =	vadd.f32 v50, v0  }
0x29e: {  	v53 =	vld [tilespmem:s10+$0x174A0]  }
0x29f: {  	v0 =	vadd.f32 v51, v0  }
0x2a0: {  	v54 =	vld [tilespmem:s10+$0x174E0]  }
0x2a1: {  	v0 =	vadd.f32 v52, v0;
	_ =	sdelay $0x1  }
0x2a2: {  	v0 =	vadd.f32 v53, v0;
	_ =	sdelay $0x1  }
0x2a3: {  	v0 =	vadd.f32 v54, v0;
	_ =	sdelay $0x1  }
0x2a4: {  	[tilespmem:s12+$0x1DBA0] =	vst v0  }
0x2a5: {  	v0 =	vld [tilespmem:s10+$0x16EB0]  }
0x2a6: {  	v55 =	vld [tilespmem:s10+$0x16EF0];
	_ =	sdelay $0x1  }
0x2a7: {  	v56 =	vld [tilespmem:s10+$0x16F30];
	_ =	sdelay $0x1  }
0x2a8: {  	v57 =	vld [tilespmem:s10+$0x16F70]  }
0x2a9: {  	v0 =	vadd.f32 v55, v0  }
0x2aa: {  	v58 =	vld [tilespmem:s10+$0x16FB0]  }
0x2ab: {  	v0 =	vadd.f32 v56, v0  }
0x2ac: {  	v59 =	vld [tilespmem:s10+$0x16FF0]  }
0x2ad: {  	v0 =	vadd.f32 v57, v0  }
0x2ae: {  	v60 =	vld [tilespmem:s10+$0x17030]  }
0x2af: {  	v0 =	vadd.f32 v58, v0  }
0x2b0: {  	v61 =	vld [tilespmem:s10+$0x17070]  }
0x2b1: {  	v0 =	vadd.f32 v59, v0  }
0x2b2: {  	v62 =	vld [tilespmem:s10+$0x170B0]  }
0x2b3: {  	v0 =	vadd.f32 v60, v0  }
0x2b4: {  	v63 =	vld [tilespmem:s10+$0x170F0]  }
0x2b5: {  	v0 =	vadd.f32 v61, v0  }
0x2b6: {  	v6 =	vld [tilespmem:s10+$0x17130]  }
0x2b7: {  	v0 =	vadd.f32 v62, v0  }
0x2b8: {  	v7 =	vld [tilespmem:s10+$0x17170]  }
0x2b9: {  	v0 =	vadd.f32 v63, v0  }
0x2ba: {  	v8 =	vld [tilespmem:s10+$0x171B0]  }
0x2bb: {  	v0 =	vadd.f32 v6, v0  }
0x2bc: {  	v9 =	vld [tilespmem:s10+$0x171F0]  }
0x2bd: {  	v0 =	vadd.f32 v7, v0  }
0x2be: {  	v10 =	vld [tilespmem:s10+$0x17230]  }
0x2bf: {  	v0 =	vadd.f32 v8, v0  }
0x2c0: {  	v11 =	vld [tilespmem:s10+$0x17270]  }
0x2c1: {  	v0 =	vadd.f32 v9, v0  }
0x2c2: {  	v12 =	vld [tilespmem:s10+$0x172B0]  }
0x2c3: {  	v0 =	vadd.f32 v10, v0  }
0x2c4: {  	v13 =	vld [tilespmem:s10+$0x172F0]  }
0x2c5: {  	v0 =	vadd.f32 v11, v0  }
0x2c6: {  	v14 =	vld [tilespmem:s10+$0x17330]  }
0x2c7: {  	v0 =	vadd.f32 v12, v0  }
0x2c8: {  	v15 =	vld [tilespmem:s10+$0x17370]  }
0x2c9: {  	v0 =	vadd.f32 v13, v0  }
0x2ca: {  	v16 =	vld [tilespmem:s10+$0x173B0]  }
0x2cb: {  	v0 =	vadd.f32 v14, v0  }
0x2cc: {  	v17 =	vld [tilespmem:s10+$0x173F0]  }
0x2cd: {  	v0 =	vadd.f32 v15, v0  }
0x2ce: {  	v18 =	vld [tilespmem:s10+$0x17430]  }
0x2cf: {  	v0 =	vadd.f32 v16, v0  }
0x2d0: {  	v19 =	vld [tilespmem:s10+$0x17470]  }
0x2d1: {  	v0 =	vadd.f32 v17, v0  }
0x2d2: {  	v20 =	vld [tilespmem:s10+$0x174B0]  }
0x2d3: {  	v0 =	vadd.f32 v18, v0  }
0x2d4: {  	v21 =	vld [tilespmem:s10+$0x174F0]  }
0x2d5: {  	v0 =	vadd.f32 v19, v0;
	_ =	sdelay $0x1  }
0x2d6: {  	v0 =	vadd.f32 v20, v0;
	_ =	sdelay $0x1  }
0x2d7: {  	s13 =	sadd.s32 s1, s0;
	v0 =	vadd.f32 v21, v0  }
0x2d8: {  	s10 =	sshll.u32 s13, $0x4  }
0x2d9: {  	s10 =	sand.u32 $0x3FFFFFF0, s10;
	[tilespmem:s12+$0x1DBB0] =	vst v0  }
0x2da: {  	v0 =	vld [tilespmem:s10+$0xA280];
	_ =	sdelay $0x1  }
0x2db: {  	s10 =	sor.u32 $0x1, s0  }
0x2dc: {  	s13 =	smul.u32 $0x1A00, s10;
	_ =	sdelay $0x1  }
0x2dd: {  	[tilespmem:s12+$0x1DBC0] =	vst v0;
	s12 =	sshra.s32 s13, $0x2  }
0x2de: {  	v0 =	vld [tilespmem:s12+$0x16E80]  }
0x2df: {  	v22 =	vld [tilespmem:s12+$0x16EC0];
	_ =	sdelay $0x1  }
0x2e0: {  	v23 =	vld [tilespmem:s12+$0x16F00];
	_ =	sdelay $0x1  }
0x2e1: {  	v24 =	vld [tilespmem:s12+$0x16F40]  }
0x2e2: {  	v0 =	vadd.f32 v22, v0  }
0x2e3: {  	v25 =	vld [tilespmem:s12+$0x16F80]  }
0x2e4: {  	v0 =	vadd.f32 v23, v0  }
0x2e5: {  	v26 =	vld [tilespmem:s12+$0x16FC0]  }
0x2e6: {  	v0 =	vadd.f32 v24, v0  }
0x2e7: {  	v27 =	vld [tilespmem:s12+$0x17000]  }
0x2e8: {  	v0 =	vadd.f32 v25, v0  }
0x2e9: {  	v28 =	vld [tilespmem:s12+$0x17040]  }
0x2ea: {  	v0 =	vadd.f32 v26, v0  }
0x2eb: {  	v29 =	vld [tilespmem:s12+$0x17080]  }
0x2ec: {  	v0 =	vadd.f32 v27, v0  }
0x2ed: {  	v30 =	vld [tilespmem:s12+$0x170C0]  }
0x2ee: {  	v0 =	vadd.f32 v28, v0  }
0x2ef: {  	v31 =	vld [tilespmem:s12+$0x17100]  }
0x2f0: {  	v0 =	vadd.f32 v29, v0  }
0x2f1: {  	v32 =	vld [tilespmem:s12+$0x17140]  }
0x2f2: {  	v0 =	vadd.f32 v30, v0  }
0x2f3: {  	v33 =	vld [tilespmem:s12+$0x17180]  }
0x2f4: {  	v0 =	vadd.f32 v31, v0  }
0x2f5: {  	v34 =	vld [tilespmem:s12+$0x171C0]  }
0x2f6: {  	v0 =	vadd.f32 v32, v0  }
0x2f7: {  	v35 =	vld [tilespmem:s12+$0x17200]  }
0x2f8: {  	v0 =	vadd.f32 v33, v0  }
0x2f9: {  	v36 =	vld [tilespmem:s12+$0x17240]  }
0x2fa: {  	v0 =	vadd.f32 v34, v0  }
0x2fb: {  	v37 =	vld [tilespmem:s12+$0x17280]  }
0x2fc: {  	v0 =	vadd.f32 v35, v0  }
0x2fd: {  	v38 =	vld [tilespmem:s12+$0x172C0]  }
0x2fe: {  	v0 =	vadd.f32 v36, v0  }
0x2ff: {  	v39 =	vld [tilespmem:s12+$0x17300]  }
0x300: {  	v0 =	vadd.f32 v37, v0  }
0x301: {  	v40 =	vld [tilespmem:s12+$0x17340]  }
0x302: {  	v0 =	vadd.f32 v38, v0  }
0x303: {  	v41 =	vld [tilespmem:s12+$0x17380]  }
0x304: {  	v0 =	vadd.f32 v39, v0  }
0x305: {  	v42 =	vld [tilespmem:s12+$0x173C0]  }
0x306: {  	v0 =	vadd.f32 v40, v0  }
0x307: {  	v43 =	vld [tilespmem:s12+$0x17400]  }
0x308: {  	v0 =	vadd.f32 v41, v0  }
0x309: {  	v44 =	vld [tilespmem:s12+$0x17440]  }
0x30a: {  	v0 =	vadd.f32 v42, v0  }
0x30b: {  	v45 =	vld [tilespmem:s12+$0x17480]  }
0x30c: {  	v0 =	vadd.f32 v43, v0  }
0x30d: {  	v46 =	vld [tilespmem:s12+$0x174C0]  }
0x30e: {  	v0 =	vadd.f32 v44, v0;
	_ =	sdelay $0x1  }
0x30f: {  	v0 =	vadd.f32 v45, v0  }
0x310: {  	s31 =	smul.u32 $0x140, s10  }
0x311: {  	v0 =	vadd.f32 v46, v0  }
0x312: {  	s13 =	sshra.s32 s31, $0x2  }
0x313: {  	[tilespmem:s13+$0x1DB80] =	vst v0  }
0x314: {  	v0 =	vld [tilespmem:s12+$0x16E90]  }
0x315: {  	v47 =	vld [tilespmem:s12+$0x16ED0];
	_ =	sdelay $0x1  }
0x316: {  	v48 =	vld [tilespmem:s12+$0x16F10];
	_ =	sdelay $0x1  }
0x317: {  	v49 =	vld [tilespmem:s12+$0x16F50]  }
0x318: {  	v0 =	vadd.f32 v47, v0  }
0x319: {  	v50 =	vld [tilespmem:s12+$0x16F90]  }
0x31a: {  	v0 =	vadd.f32 v48, v0  }
0x31b: {  	v51 =	vld [tilespmem:s12+$0x16FD0]  }
0x31c: {  	v0 =	vadd.f32 v49, v0  }
0x31d: {  	v52 =	vld [tilespmem:s12+$0x17010]  }
0x31e: {  	v0 =	vadd.f32 v50, v0  }
0x31f: {  	v53 =	vld [tilespmem:s12+$0x17050]  }
0x320: {  	v0 =	vadd.f32 v51, v0  }
0x321: {  	v54 =	vld [tilespmem:s12+$0x17090]  }
0x322: {  	v0 =	vadd.f32 v52, v0  }
0x323: {  	v55 =	vld [tilespmem:s12+$0x170D0]  }
0x324: {  	v0 =	vadd.f32 v53, v0  }
0x325: {  	v56 =	vld [tilespmem:s12+$0x17110]  }
0x326: {  	v0 =	vadd.f32 v54, v0  }
0x327: {  	v57 =	vld [tilespmem:s12+$0x17150]  }
0x328: {  	v0 =	vadd.f32 v55, v0  }
0x329: {  	v58 =	vld [tilespmem:s12+$0x17190]  }
0x32a: {  	v0 =	vadd.f32 v56, v0  }
0x32b: {  	v59 =	vld [tilespmem:s12+$0x171D0]  }
0x32c: {  	v0 =	vadd.f32 v57, v0  }
0x32d: {  	v60 =	vld [tilespmem:s12+$0x17210]  }
0x32e: {  	v0 =	vadd.f32 v58, v0  }
0x32f: {  	v61 =	vld [tilespmem:s12+$0x17250]  }
0x330: {  	v0 =	vadd.f32 v59, v0  }
0x331: {  	v62 =	vld [tilespmem:s12+$0x17290]  }
0x332: {  	v0 =	vadd.f32 v60, v0  }
0x333: {  	v63 =	vld [tilespmem:s12+$0x172D0]  }
0x334: {  	v0 =	vadd.f32 v61, v0  }
0x335: {  	v6 =	vld [tilespmem:s12+$0x17310]  }
0x336: {  	v0 =	vadd.f32 v62, v0  }
0x337: {  	v7 =	vld [tilespmem:s12+$0x17350]  }
0x338: {  	v0 =	vadd.f32 v63, v0  }
0x339: {  	v8 =	vld [tilespmem:s12+$0x17390]  }
0x33a: {  	v0 =	vadd.f32 v6, v0  }
0x33b: {  	v9 =	vld [tilespmem:s12+$0x173D0]  }
0x33c: {  	v0 =	vadd.f32 v7, v0  }
0x33d: {  	v10 =	vld [tilespmem:s12+$0x17410]  }
0x33e: {  	v0 =	vadd.f32 v8, v0  }
0x33f: {  	v11 =	vld [tilespmem:s12+$0x17450]  }
0x340: {  	v0 =	vadd.f32 v9, v0  }
0x341: {  	v12 =	vld [tilespmem:s12+$0x17490]  }
0x342: {  	v0 =	vadd.f32 v10, v0  }
0x343: {  	v13 =	vld [tilespmem:s12+$0x174D0]  }
0x344: {  	v0 =	vadd.f32 v11, v0;
	_ =	sdelay $0x1  }
0x345: {  	v0 =	vadd.f32 v12, v0;
	_ =	sdelay $0x1  }
0x346: {  	v0 =	vadd.f32 v13, v0;
	_ =	sdelay $0x1  }
0x347: {  	[tilespmem:s13+$0x1DB90] =	vst v0  }
0x348: {  	v0 =	vld [tilespmem:s12+$0x16EA0]  }
0x349: {  	v14 =	vld [tilespmem:s12+$0x16EE0];
	_ =	sdelay $0x1  }
0x34a: {  	v15 =	vld [tilespmem:s12+$0x16F20];
	_ =	sdelay $0x1  }
0x34b: {  	v16 =	vld [tilespmem:s12+$0x16F60]  }
0x34c: {  	v0 =	vadd.f32 v14, v0  }
0x34d: {  	v17 =	vld [tilespmem:s12+$0x16FA0]  }
0x34e: {  	v0 =	vadd.f32 v15, v0  }
0x34f: {  	v18 =	vld [tilespmem:s12+$0x16FE0]  }
0x350: {  	v0 =	vadd.f32 v16, v0  }
0x351: {  	v19 =	vld [tilespmem:s12+$0x17020]  }
0x352: {  	v0 =	vadd.f32 v17, v0  }
0x353: {  	v20 =	vld [tilespmem:s12+$0x17060]  }
0x354: {  	v0 =	vadd.f32 v18, v0  }
0x355: {  	v21 =	vld [tilespmem:s12+$0x170A0]  }
0x356: {  	v0 =	vadd.f32 v19, v0  }
0x357: {  	v22 =	vld [tilespmem:s12+$0x170E0]  }
0x358: {  	v0 =	vadd.f32 v20, v0  }
0x359: {  	v23 =	vld [tilespmem:s12+$0x17120]  }
0x35a: {  	v0 =	vadd.f32 v21, v0  }
0x35b: {  	v24 =	vld [tilespmem:s12+$0x17160]  }
0x35c: {  	v0 =	vadd.f32 v22, v0  }
0x35d: {  	v25 =	vld [tilespmem:s12+$0x171A0]  }
0x35e: {  	v0 =	vadd.f32 v23, v0  }
0x35f: {  	v26 =	vld [tilespmem:s12+$0x171E0]  }
0x360: {  	v0 =	vadd.f32 v24, v0  }
0x361: {  	v27 =	vld [tilespmem:s12+$0x17220]  }
0x362: {  	v0 =	vadd.f32 v25, v0  }
0x363: {  	v28 =	vld [tilespmem:s12+$0x17260]  }
0x364: {  	v0 =	vadd.f32 v26, v0  }
0x365: {  	v29 =	vld [tilespmem:s12+$0x172A0]  }
0x366: {  	v0 =	vadd.f32 v27, v0  }
0x367: {  	v30 =	vld [tilespmem:s12+$0x172E0]  }
0x368: {  	v0 =	vadd.f32 v28, v0  }
0x369: {  	v31 =	vld [tilespmem:s12+$0x17320]  }
0x36a: {  	v0 =	vadd.f32 v29, v0  }
0x36b: {  	v32 =	vld [tilespmem:s12+$0x17360]  }
0x36c: {  	v0 =	vadd.f32 v30, v0  }
0x36d: {  	v33 =	vld [tilespmem:s12+$0x173A0]  }
0x36e: {  	v0 =	vadd.f32 v31, v0  }
0x36f: {  	v34 =	vld [tilespmem:s12+$0x173E0]  }
0x370: {  	v0 =	vadd.f32 v32, v0  }
0x371: {  	v35 =	vld [tilespmem:s12+$0x17420]  }
0x372: {  	v0 =	vadd.f32 v33, v0  }
0x373: {  	v36 =	vld [tilespmem:s12+$0x17460]  }
0x374: {  	v0 =	vadd.f32 v34, v0  }
0x375: {  	v37 =	vld [tilespmem:s12+$0x174A0]  }
0x376: {  	v0 =	vadd.f32 v35, v0  }
0x377: {  	v38 =	vld [tilespmem:s12+$0x174E0]  }
0x378: {  	v0 =	vadd.f32 v36, v0;
	_ =	sdelay $0x1  }
0x379: {  	v0 =	vadd.f32 v37, v0;
	_ =	sdelay $0x1  }
0x37a: {  	v0 =	vadd.f32 v38, v0;
	_ =	sdelay $0x1  }
0x37b: {  	[tilespmem:s13+$0x1DBA0] =	vst v0  }
0x37c: {  	v0 =	vld [tilespmem:s12+$0x16EB0]  }
0x37d: {  	v39 =	vld [tilespmem:s12+$0x16EF0];
	_ =	sdelay $0x1  }
0x37e: {  	v40 =	vld [tilespmem:s12+$0x16F30];
	_ =	sdelay $0x1  }
0x37f: {  	v41 =	vld [tilespmem:s12+$0x16F70]  }
0x380: {  	v0 =	vadd.f32 v39, v0  }
0x381: {  	v42 =	vld [tilespmem:s12+$0x16FB0]  }
0x382: {  	v0 =	vadd.f32 v40, v0  }
0x383: {  	v43 =	vld [tilespmem:s12+$0x16FF0]  }
0x384: {  	v0 =	vadd.f32 v41, v0  }
0x385: {  	v44 =	vld [tilespmem:s12+$0x17030]  }
0x386: {  	v0 =	vadd.f32 v42, v0  }
0x387: {  	v45 =	vld [tilespmem:s12+$0x17070]  }
0x388: {  	v0 =	vadd.f32 v43, v0  }
0x389: {  	v46 =	vld [tilespmem:s12+$0x170B0]  }
0x38a: {  	v0 =	vadd.f32 v44, v0  }
0x38b: {  	v47 =	vld [tilespmem:s12+$0x170F0]  }
0x38c: {  	v0 =	vadd.f32 v45, v0  }
0x38d: {  	v48 =	vld [tilespmem:s12+$0x17130]  }
0x38e: {  	v0 =	vadd.f32 v46, v0  }
0x38f: {  	v49 =	vld [tilespmem:s12+$0x17170]  }
0x390: {  	v0 =	vadd.f32 v47, v0  }
0x391: {  	v50 =	vld [tilespmem:s12+$0x171B0]  }
0x392: {  	v0 =	vadd.f32 v48, v0  }
0x393: {  	v51 =	vld [tilespmem:s12+$0x171F0]  }
0x394: {  	v0 =	vadd.f32 v49, v0  }
0x395: {  	v52 =	vld [tilespmem:s12+$0x17230]  }
0x396: {  	v0 =	vadd.f32 v50, v0  }
0x397: {  	v53 =	vld [tilespmem:s12+$0x17270]  }
0x398: {  	v0 =	vadd.f32 v51, v0  }
0x399: {  	v54 =	vld [tilespmem:s12+$0x172B0]  }
0x39a: {  	v0 =	vadd.f32 v52, v0  }
0x39b: {  	v55 =	vld [tilespmem:s12+$0x172F0]  }
0x39c: {  	v0 =	vadd.f32 v53, v0  }
0x39d: {  	v56 =	vld [tilespmem:s12+$0x17330]  }
0x39e: {  	v0 =	vadd.f32 v54, v0  }
0x39f: {  	v57 =	vld [tilespmem:s12+$0x17370]  }
0x3a0: {  	v0 =	vadd.f32 v55, v0  }
0x3a1: {  	v58 =	vld [tilespmem:s12+$0x173B0]  }
0x3a2: {  	v0 =	vadd.f32 v56, v0  }
0x3a3: {  	v59 =	vld [tilespmem:s12+$0x173F0]  }
0x3a4: {  	v0 =	vadd.f32 v57, v0  }
0x3a5: {  	v60 =	vld [tilespmem:s12+$0x17430]  }
0x3a6: {  	v0 =	vadd.f32 v58, v0  }
0x3a7: {  	v61 =	vld [tilespmem:s12+$0x17470]  }
0x3a8: {  	v0 =	vadd.f32 v59, v0  }
0x3a9: {  	v62 =	vld [tilespmem:s12+$0x174B0]  }
0x3aa: {  	v0 =	vadd.f32 v60, v0  }
0x3ab: {  	v63 =	vld [tilespmem:s12+$0x174F0]  }
0x3ac: {  	v0 =	vadd.f32 v61, v0;
	_ =	sdelay $0x1  }
0x3ad: {  	v0 =	vadd.f32 v62, v0;
	_ =	sdelay $0x1  }
0x3ae: {  	s10 =	sadd.s32 s1, s10;
	v0 =	vadd.f32 v63, v0  }
0x3af: {  	s10 =	sshll.u32 s10, $0x4  }
0x3b0: {  	s10 =	sand.u32 $0x3FFFFFF0, s10;
	[tilespmem:s13+$0x1DBB0] =	vst v0  }
0x3b1: {  	p0 =	slt.u32 s0, $0xE;
	v0 =	vld [tilespmem:s10+$0xA280]  }
.Ltmp1:
0x3b2: {  	_ = 	snop;
	(pc) =	sbr.rel @p0 .LBB2_5-.Ltmp1, $3  }
0x3b3: {  	_ =	sdelay $0x1  }
0x3b4: {  	s31 =	sadd.s32 $0x2, s0  }
0x3b5: {  	s0 =	smov.u32 s31;
	[tilespmem:s13+$0x1DBC0] =	vst v0  }
0x3b6: {  	s30 =	sadd.s32 $0x1, s30  }
0x3b7: {  	p0 =	sne.s32 s30, $0x32  }
.Ltmp2:
0x3b8: {  	s0 =	sadd.s32 s6, s1;
	(pc) =	sbr.rel @p0 .LBB2_2-.Ltmp2, $3  }
0x3b9: {  	s0 =	smul.u32 $0xA, s0;
	_ =	sdelay $0x1  }
0x3ba: {  	s0 =	sadd.s32 s2, s0  }
0x3bb: {  	[hbm4b:s0+s3] =	stream.linear.scatter [tilespmem:s25], [sflag:$0x4], $0x500, $0x38;
	[tilespmem:$0x1E080] =	vst v63  }
0x3bc: {  	s29 =	sadd.s32 $0x1, s29  }
0x3bd: {  	_ =	swait.ge [sflag:s26], $0x500;
	p0 =	sne.s32 s29, s8  }
.Ltmp3:
0x3be: {  	[sflag:s26] =	ssyncset.done $0x0;
	(pc) =	sbr.rel @p0 .LBB2_1-.Ltmp3, $4  }
0x3bf: {  	[sflag:s26] =	ssyncadd.s32 $0xFFFFFB00  }
0x3c0: {  	_ =	swait.ge [sflag:s28], $0x500  }
0x3c1: {  	[sflag:s28] =	ssyncset.done $0x0  }
0x3c2: {  	[sflag:s28] =	ssyncadd.s32 $0xFFFFFB00  }
0x3c3: {  	_ =	sfence.sel $0x180000  }
0x3c4: {  	[bflag:$0x0] =	sbarrier.arrive $0xFFFF  }
0x3c5: {  	_ =	strace $0x90000047  }
0x3c6: {  	s0 =	stileid.u32;
	[bflag:$0x2] =	sbarrier.arrive $0xFFFF  }
0x3c7: {  	p0 =	sne.s32 s0, $0x0;
	s0 =	rddreg [dreg:$0x2]  }
0x3c8: {  	s0 =	sadd.s32 @!p0 $0x100000, s0  }
0x3c9: {  	[sflag:s0] =	ssyncadd.tile.s32 @!p0 $0x1;
	_ =	shalt  }
.Lfunc_end2:
_tile_overlayer_lowered:
.L_overlay_start_2:
0x3ca: {  	(tag) =	ssettag $0x2  }
0x3cb: {  	s0 =	rddreg [dreg:$0x0];
	s2 =	stileid.u32  }
0x3cc: {  	s1 =	rddreg [dreg:$0x1];
	p0 =	sne.s32 s2, $0x0  }
0x3cd: {  	s3 =	rddreg [dreg:$0x2];
	[bflag:$0x3] =	sbarrier.arrive $0xFFFF;
	s2 =	simm.s32 @!p0 $0x1C05  }
0x3ce: {  	[timem:s3], [sflag:s2] =	dma.local @!p0 [hbm:s0], s1  }
0x3cf: {  	s0 =	simm.s32 @!p0 $0x5  }
0x3d0: {  	_ =	swait.ge @!p0 [sflag:s0], s1  }
0x3d1: {  	s1 =	ssub.s32 @!p0 $0x0, s1;
	[sflag:s0] =	ssyncset.done @!p0 $0x0  }
0x3d2: {  	[sflag:s0] =	ssyncadd.s32 @!p0 s1  }
0x3d3: {  	[bflag:$0x3] =	sbarrier.arrive $0xFFFF  }
0x3d4: {  	_ =	shalt  }

</sc_bundles>
